<compile_context>
chip_gen: v7x
topology: tpu7x:2x2x1
jax: 0.10.2.dev20260603
libtpu: 0.0.44.dev20260713+nightly
codegen_flags: <defaults>
</compile_context>

<pallas_src>
import dataclasses
import functools

import jax
import jax.numpy as jnp
from jax import lax
from jax.experimental import pallas as pl
from jax.experimental.pallas import tpu as pltpu
from jax.experimental.pallas import tpu_sc as plsc

D = 128
NUM_CHUNKS = 4
N_SC = 2
N_TILES = 16
G = 128


def _matmul(xp, W, b):
    rows = xp.shape[0]

    def body(x_ref, w_ref, b_ref, o_ref):
        o_ref[...] = (
            jnp.dot(x_ref[...], w_ref[...], preferred_element_type=jnp.float32)
            + b_ref[...]
        )

    return pl.pallas_call(
        body,
        grid=(rows // 256,),
        in_specs=[
            pl.BlockSpec((256, D), lambda i: (i, 0)),
            pl.BlockSpec((D, D), lambda i: (0, 0)),
            pl.BlockSpec((1, D), lambda i: (0, 0)),
        ],
        out_specs=pl.BlockSpec((256, D), lambda i: (i, 0)),
        out_shape=jax.ShapeDtypeStruct((rows, D), jnp.float32),
    )(xp, W, b.reshape(1, D))


def _combine(c0, c1, c2, hb):
    rows = c0.shape[0]

    def body(a_ref, b_ref, c_ref, hb_ref, o_ref):
        h = jnp.maximum(a_ref[...], 0.0)
        h = jnp.maximum(h + b_ref[...], 0.0)
        h = jnp.maximum(h + c_ref[...], 0.0)
        o_ref[...] = h + hb_ref[...]

    return pl.pallas_call(
        body,
        grid=(rows // 512,),
        in_specs=[
            pl.BlockSpec((512, D), lambda i: (i, 0)),
            pl.BlockSpec((512, D), lambda i: (i, 0)),
            pl.BlockSpec((512, D), lambda i: (i, 0)),
            pl.BlockSpec((1, D), lambda i: (0, 0)),
        ],
        out_specs=pl.BlockSpec((512, D), lambda i: (i, 0)),
        out_shape=jax.ShapeDtypeStruct((rows, D), jnp.float32),
    )(c0, c1, c2, hb.reshape(1, D))


def _sc_segment_sum(m, src, dst, ch):
    rows = m.shape[0]
    pe = src.shape[0]
    ept = pe // N_TILES
    ew = 1792
    nw = ept // ew
    nbuf = ew // G + 1
    rpt = ch // N_TILES
    zr = rpt // 8
    trash = ch
    assert ept % ew == 0 and rpt % 8 == 0 and zr <= G

    mesh = plsc.VectorSubcoreMesh(core_axis_name="c", subcore_axis_name="s")
    cp = pltpu.CompilerParams()
    if "needs_layout_passes" in pltpu.CompilerParams.__dataclass_fields__:
        cp = dataclasses.replace(cp, needs_layout_passes=False)

    @functools.partial(
        pl.kernel,
        out_type=jax.ShapeDtypeStruct((rows, D), jnp.float32),
        mesh=mesh,
        compiler_params=cp,
        scratch_types=[
            pltpu.VMEM((ew,), jnp.int32),
            pltpu.VMEM((ew,), jnp.int32),
            pltpu.VMEM((nbuf, G), jnp.int32),
            pltpu.VMEM((nbuf, G), jnp.int32),
            pltpu.VMEM((G, D), jnp.float32),
            pltpu.VMEM_SHARED((ch + 8, D), jnp.float32),
            pltpu.SemaphoreType.DMA,
        ],
    )
    def k(m_hbm, src_hbm, dst_hbm, out_hbm, draw, sraw, srcc, dstc, rows_v,
          acc, sem):
        core = lax.axis_index("c")
        tid = lax.axis_index("s")
        zer = jnp.zeros((16,), jnp.int32)
        trv = jnp.full((16,), trash, jnp.int32)

        def gs_body(g, carry):
            pltpu.async_copy(m_hbm.at[srcc.at[g]], rows_v, sem).wait()
            pltpu.sync_copy(rows_v, acc.at[dstc.at[g]], add=True)
            return carry

        for ci in range(NUM_CHUNKS // N_SC):
            base = (N_SC * core + ci) * ch

            @pl.loop(0, G)
            def _(r):
                for c in range(D // 16):
                    rows_v[r, pl.ds(c * 16, 16)] = jnp.zeros((16,),
                                                             jnp.float32)

            @pl.loop(0, 8)
            def _(z):
                pltpu.sync_copy(rows_v.at[pl.ds(0, zr)],
                                acc.at[pl.ds(tid * rpt + z * zr, zr)])

            plsc.subcore_barrier()

            def win_body(w, cnt):
                e0 = tid * ept + w * ew
                pltpu.sync_copy(dst_hbm.at[pl.ds(e0, ew)], draw)
                pltpu.sync_copy(src_hbm.at[pl.ds(e0, ew)], sraw)

                def scan_body(j, cnt):
                    dstv = draw[pl.ds(j * 16, 16)]
                    srcv = sraw[pl.ds(j * 16, 16)]
                    mask = jnp.logical_and(dstv >= base, dstv < base + ch)
                    mi = mask.astype(jnp.int32)
                    pos = cnt + plsc.cumsum(mi) - 1
                    r = lax.shift_right_logical(pos, 7)
                    cc = lax.bitwise_and(pos, G - 1)
                    plsc.store_scatter(srcc, [r, cc], srcv, mask=mask)
                    plsc.store_scatter(dstc, [r, cc], dstv - base, mask=mask)
                    return cnt + jnp.sum(mi)

                cnt = lax.fori_loop(0, ew // 16, scan_body, cnt, unroll=False)

                nfull = lax.shift_right_logical(cnt, 7)
                lax.fori_loop(0, nfull, gs_body, jnp.int32(0), unroll=False)

                nfv = jnp.full((16,), nfull, jnp.int32)
                for c in range(G // 16):
                    lanes = c * 16 + lax.iota(jnp.int32, 16)
                    sv = plsc.load_gather(srcc, [nfv, lanes])
                    dv = plsc.load_gather(dstc, [nfv, lanes])
                    srcc[0, pl.ds(c * 16, 16)] = sv
                    dstc[0, pl.ds(c * 16, 16)] = dv
                return lax.bitwise_and(cnt, G - 1)

            cnt = lax.fori_loop(0, nw, win_body, jnp.int32(0), unroll=False)

            for c in range(G // 16):
                lanes = c * 16 + lax.iota(jnp.int32, 16)
                pm = lanes >= cnt
                plsc.store_scatter(srcc, [zer, lanes], zer, mask=pm)
                plsc.store_scatter(dstc, [zer, lanes], trv, mask=pm)
            nb = lax.shift_right_logical(cnt + (G - 1), 7)
            lax.fori_loop(0, nb, gs_body, jnp.int32(0), unroll=False)

            plsc.subcore_barrier()
            pltpu.sync_copy(
                acc.at[pl.ds(tid * rpt, rpt)],
                out_hbm.at[pl.ds(base + tid * rpt, rpt)],
            )

    return k(m, src, dst)


def _pad_edges(ei, pe):
    pad = pe - ei.shape[1]
    src = jnp.concatenate([ei[0], jnp.zeros((pad,), jnp.int32)])
    dst = jnp.concatenate([ei[1], jnp.full((pad,), -1, jnp.int32)])
    return src, dst


def kernel(x, edge_index_r0, edge_index_r1, edge_index_r2,
           W0, b0, W1, b1, W2, b2, h_bias):
    n = x.shape[0]
    e = edge_index_r0.shape[1]

    ch = -(-n // (NUM_CHUNKS * N_TILES * 8)) * (N_TILES * 8)
    rows = NUM_CHUNKS * ch
    assert rows % 512 == 0 and ch * (D * 4) <= 8 * 2**20 - 8 * D * 4
    ept = -(-e // (N_TILES * G)) * G
    pe = ept * N_TILES

    xp = jnp.concatenate([x, jnp.zeros((rows - n, D), x.dtype)])

    contribs = []
    for ei, W, b in ((edge_index_r0, W0, b0),
                     (edge_index_r1, W1, b1),
                     (edge_index_r2, W2, b2)):
        m = _matmul(xp, W, b)
        src, dst = _pad_edges(ei, pe)
        contribs.append(_sc_segment_sum(m, src, dst, ch))

    hs = _combine(contribs[0], contribs[1], contribs[2], h_bias)
    return hs[:n]

# --- scband reference (transcript-rebuilt; emitter-appended) ---
"""Pipeline reference for scband-hete-rgconv-layer-80255758893309 (READ-ONLY COPY).

The authoritative reference and input builder live on the scoring server;
editing this copy changes nothing except your own understanding.
"""

import jax, jax.numpy as jnp
import numpy as np

N_NODES = 50000
D_IN = 128
D_OUT = 128
N_EDGES = 200000


def setup_inputs(seed: int = 0) -> dict:
    key = jax.random.key(seed)
    ks = jax.random.split(key, 12)
    x = jax.random.normal(ks[0], (N_NODES, D_IN), dtype=jnp.float32)
    edge_index_r0 = jax.random.randint(ks[1], (2, N_EDGES), 0, N_NODES, dtype=jnp.int32)
    edge_index_r1 = jax.random.randint(ks[2], (2, N_EDGES), 0, N_NODES, dtype=jnp.int32)
    edge_index_r2 = jax.random.randint(ks[3], (2, N_EDGES), 0, N_NODES, dtype=jnp.int32)
    # Per-relation linear (nn.Linear) weights/biases, stored transposed for x @ W
    W0 = jax.random.normal(ks[4], (D_IN, D_OUT), dtype=jnp.float32) * 0.05
    b0 = jax.random.normal(ks[5], (D_OUT,), dtype=jnp.float32) * 0.05
    W1 = jax.random.normal(ks[6], (D_IN, D_OUT), dtype=jnp.float32) * 0.05
    b1 = jax.random.normal(ks[7], (D_OUT,), dtype=jnp.float32) * 0.05
    W2 = jax.random.normal(ks[8], (D_IN, D_OUT), dtype=jnp.float32) * 0.05
    b2 = jax.random.normal(ks[9], (D_OUT,), dtype=jnp.float32) * 0.05
    h_bias = jnp.zeros((D_OUT,), dtype=jnp.float32)
    return {
        "x": x,
        "edge_index_r0": edge_index_r0,
        "edge_index_r1": edge_index_r1,
        "edge_index_r2": edge_index_r2,
        "W0": W0, "b0": b0,
        "W1": W1, "b1": b1,
        "W2": W2, "b2": b2,
        "h_bias": h_bias,
    }


def reference(x, edge_index_r0, edge_index_r1, edge_index_r2, W0, b0, W1, b1, W2, b2, h_bias):
    # Homogeneous node type "node" with 3 relations r0, r1, r2.
    # For each relation: hs = relu(hs + A^T @ Linear_rel(x)), where A has
    # indices (u, v); A^T @ m scatter-adds m[u] into row v (edge-wise gather +
    # segment-sum by destination node).
    n = x.shape[0]
    hs = jnp.zeros((n, W0.shape[1]), dtype=x.dtype)
    rels = [
        (edge_index_r0, W0, b0),
        (edge_index_r1, W1, b1),
        (edge_index_r2, W2, b2),
    ]
    for ei, W, b in rels:
        m = x @ W + b                      # conv[rel](inputs[src])
        src = ei[0]
        dst = ei[1]
        gathered = jnp.take(m, src, axis=0)  # gather messages at source nodes
        contrib = jax.ops.segment_sum(gathered, dst, num_segments=n)  # A^T @ m
        hs = jax.nn.relu(hs + contrib)     # relu applied after each relation
    # _apply: self_loop=False, bias=True, activation=None, dropout=0.0 (eval)
    hs = hs + h_bias
    return hs


if False:  # reference __main__ guard neutralized (emitter)
    inp = setup_inputs()
    out = reference(**inp)
    print(out.shape, out.dtype)

if __name__ == "__main__":
    import jax
    _d = setup_inputs()
    print(jax.jit(kernel)(*tuple(_d.values())))

</pallas_src>

<mosaic_0001>
#map = affine_map<(d0, d1) -> (0, 0)>
#map1 = affine_map<(d0, d1) -> (0)>
module attributes {stable_mosaic.version = 14 : i64} {
  func.func @k(%arg0: i32, %arg1: i32, %arg2: memref<50176x128xf32, #tpu.memory_space<hbm>>, %arg3: memref<200704xi32, #tpu.memory_space<hbm>>, %arg4: memref<200704xi32, #tpu.memory_space<hbm>>, %arg5: memref<50176x128xf32, #tpu.memory_space<hbm>>, %arg6: memref<1792xi32, #tpu.memory_space<vmem>>, %arg7: memref<1792xi32, #tpu.memory_space<vmem>>, %arg8: memref<15x128xi32, #tpu.memory_space<vmem>>, %arg9: memref<15x128xi32, #tpu.memory_space<vmem>>, %arg10: memref<128x128xf32, #tpu.memory_space<vmem>>, %arg11: memref<12552x128xf32, #tpu.memory_space<vmem_shared>>, %arg12: memref<!tpu.dma_semaphore, #tpu.memory_space<semaphore_mem>>) attributes {dimension_semantics = [#tpu.dimension_semantics<core_parallel>, #tpu.dimension_semantics<subcore_parallel>], iteration_bounds = array<i64: 2, 16>, scalar_prefetch = 0 : i64, scratch_operands = 7 : i64, tpu.core_type = #tpu.core_type<sc_vector_subcore>, window_params = [{transform_indices = #map}, {transform_indices = #map1}, {transform_indices = #map1}, {transform_indices = #map}]} {
    %broadcast_in_dim3A = arith.constant 0 : i32
    %broadcast_in_dim3A_0 = vector.broadcast %broadcast_in_dim3A : i32 to vector<16xi32>
    %broadcast_in_dim3A_1 = arith.constant 12544 : i32
    %broadcast_in_dim3A_2 = vector.broadcast %broadcast_in_dim3A_1 : i32 to vector<16xi32>
    %mul3A = arith.constant 2 : i32
    %mul3A_3 = arith.muli %mul3A, %arg0 : i32
    %add3A = arith.constant 0 : i32
    %add3A_4 = arith.addi %mul3A_3, %add3A : i32
    %mul3A_5 = arith.constant 12544 : i32
    %mul3A_6 = arith.muli %add3A_4, %mul3A_5 : i32
    %scan3A = arith.constant 0 : i32
    %scan3A_7 = arith.constant 128 : i32
    %scan3A_8 = arith.addi %scan3A, %scan3A_7 : i32
    %scan3A_9 = arith.constant 1 : i32
    scf.for %scan3A_179 = %scan3A to %scan3A_8 step %scan3A_9  : i32 {
      %mul3A_180 = arith.constant 1 : i32
      %mul3A_181 = arith.muli %scan3A_179, %mul3A_180 : i32
      %add3A_182 = arith.constant 0 : i32
      %add3A_183 = arith.addi %add3A_182, %mul3A_181 : i32
      %broadcast_in_dim3A_184 = arith.constant 0.000000e+00 : f32
      %broadcast_in_dim3A_185 = vector.broadcast %broadcast_in_dim3A_184 : f32 to vector<16xf32>
      %swap3A = arith.index_cast %add3A_183 : i32 to index
      %swap3A_186 = arith.constant 0 : index
      %swap3A_187 = tpu.vector_load %arg10[%swap3A, %swap3A_186] {strides = array<i32>} : memref<128x128xf32, #tpu.memory_space<vmem>>, vector<16xf32>,
      tpu.vector_store %arg10[%swap3A, %swap3A_186], %broadcast_in_dim3A_185 {strides = array<i32>} : memref<128x128xf32, #tpu.memory_space<vmem>>, vector<16xf32>,
      %broadcast_in_dim3A_188 = arith.constant 0.000000e+00 : f32
      %broadcast_in_dim3A_189 = vector.broadcast %broadcast_in_dim3A_188 : f32 to vector<16xf32>
      %swap3A_190 = arith.index_cast %add3A_183 : i32 to index
      %swap3A_191 = arith.constant 16 : index
      %swap3A_192 = tpu.vector_load %arg10[%swap3A_190, %swap3A_191] {strides = array<i32>} : memref<128x128xf32, #tpu.memory_space<vmem>>, vector<16xf32>,
      tpu.vector_store %arg10[%swap3A_190, %swap3A_191], %broadcast_in_dim3A_189 {strides = array<i32>} : memref<128x128xf32, #tpu.memory_space<vmem>>, vector<16xf32>,
      %broadcast_in_dim3A_193 = arith.constant 0.000000e+00 : f32
      %broadcast_in_dim3A_194 = vector.broadcast %broadcast_in_dim3A_193 : f32 to vector<16xf32>
      %swap3A_195 = arith.index_cast %add3A_183 : i32 to index
      %swap3A_196 = arith.constant 32 : index
      %swap3A_197 = tpu.vector_load %arg10[%swap3A_195, %swap3A_196] {strides = array<i32>} : memref<128x128xf32, #tpu.memory_space<vmem>>, vector<16xf32>,
      tpu.vector_store %arg10[%swap3A_195, %swap3A_196], %broadcast_in_dim3A_194 {strides = array<i32>} : memref<128x128xf32, #tpu.memory_space<vmem>>, vector<16xf32>,
      %broadcast_in_dim3A_198 = arith.constant 0.000000e+00 : f32
      %broadcast_in_dim3A_199 = vector.broadcast %broadcast_in_dim3A_198 : f32 to vector<16xf32>
      %swap3A_200 = arith.index_cast %add3A_183 : i32 to index
      %swap3A_201 = arith.constant 48 : index
      %swap3A_202 = tpu.vector_load %arg10[%swap3A_200, %swap3A_201] {strides = array<i32>} : memref<128x128xf32, #tpu.memory_space<vmem>>, vector<16xf32>,
      tpu.vector_store %arg10[%swap3A_200, %swap3A_201], %broadcast_in_dim3A_199 {strides = array<i32>} : memref<128x128xf32, #tpu.memory_space<vmem>>, vector<16xf32>,
      %broadcast_in_dim3A_203 = arith.constant 0.000000e+00 : f32
      %broadcast_in_dim3A_204 = vector.broadcast %broadcast_in_dim3A_203 : f32 to vector<16xf32>
      %swap3A_205 = arith.index_cast %add3A_183 : i32 to index
      %swap3A_206 = arith.constant 64 : index
      %swap3A_207 = tpu.vector_load %arg10[%swap3A_205, %swap3A_206] {strides = array<i32>} : memref<128x128xf32, #tpu.memory_space<vmem>>, vector<16xf32>,
      tpu.vector_store %arg10[%swap3A_205, %swap3A_206], %broadcast_in_dim3A_204 {strides = array<i32>} : memref<128x128xf32, #tpu.memory_space<vmem>>, vector<16xf32>,
      %broadcast_in_dim3A_208 = arith.constant 0.000000e+00 : f32
      %broadcast_in_dim3A_209 = vector.broadcast %broadcast_in_dim3A_208 : f32 to vector<16xf32>
      %swap3A_210 = arith.index_cast %add3A_183 : i32 to index
      %swap3A_211 = arith.constant 80 : index
      %swap3A_212 = tpu.vector_load %arg10[%swap3A_210, %swap3A_211] {strides = array<i32>} : memref<128x128xf32, #tpu.memory_space<vmem>>, vector<16xf32>,
      tpu.vector_store %arg10[%swap3A_210, %swap3A_211], %broadcast_in_dim3A_209 {strides = array<i32>} : memref<128x128xf32, #tpu.memory_space<vmem>>, vector<16xf32>,
      %broadcast_in_dim3A_213 = arith.constant 0.000000e+00 : f32
      %broadcast_in_dim3A_214 = vector.broadcast %broadcast_in_dim3A_213 : f32 to vector<16xf32>
      %swap3A_215 = arith.index_cast %add3A_183 : i32 to index
      %swap3A_216 = arith.constant 96 : index
      %swap3A_217 = tpu.vector_load %arg10[%swap3A_215, %swap3A_216] {strides = array<i32>} : memref<128x128xf32, #tpu.memory_space<vmem>>, vector<16xf32>,
      tpu.vector_store %arg10[%swap3A_215, %swap3A_216], %broadcast_in_dim3A_214 {strides = array<i32>} : memref<128x128xf32, #tpu.memory_space<vmem>>, vector<16xf32>,
      %broadcast_in_dim3A_218 = arith.constant 0.000000e+00 : f32
      %broadcast_in_dim3A_219 = vector.broadcast %broadcast_in_dim3A_218 : f32 to vector<16xf32>
      %swap3A_220 = arith.index_cast %add3A_183 : i32 to index
      %swap3A_221 = arith.constant 112 : index
      %swap3A_222 = tpu.vector_load %arg10[%swap3A_220, %swap3A_221] {strides = array<i32>} : memref<128x128xf32, #tpu.memory_space<vmem>>, vector<16xf32>,
      tpu.vector_store %arg10[%swap3A_220, %swap3A_221], %broadcast_in_dim3A_219 {strides = array<i32>} : memref<128x128xf32, #tpu.memory_space<vmem>>, vector<16xf32>,
    }
    %scan3A_10 = arith.constant 128 : i32
    %scan3A_11 = arith.constant 0 : i32
    %scan3A_12 = arith.constant 8 : i32
    %scan3A_13 = arith.addi %scan3A_11, %scan3A_12 : i32
    %scan3A_14 = arith.constant 1 : i32
    scf.for %scan3A_179 = %scan3A_11 to %scan3A_13 step %scan3A_14  : i32 {
      %mul3A_180 = arith.constant 1 : i32
      %mul3A_181 = arith.muli %scan3A_179, %mul3A_180 : i32
      %add3A_182 = arith.constant 0 : i32
      %add3A_183 = arith.addi %add3A_182, %mul3A_181 : i32
      %mul3A_184 = arith.constant 784 : i32
      %mul3A_185 = arith.muli %arg1, %mul3A_184 : i32
      %mul3A_186 = arith.constant 98 : i32
      %mul3A_187 = arith.muli %add3A_183, %mul3A_186 : i32
      %add3A_188 = arith.addi %mul3A_185, %mul3A_187 : i32
      "tpu.region"() ({
        %run_scoped3A = tpu.sem_alloc : memref<!tpu.dma_semaphore, #tpu.memory_space<semaphore_mem>>
        %dma_start3A = arith.constant 0 : i32
        %dma_start3A_189 = arith.constant 0 : i32
        %dma_start3A_190 = tpu.memref_slice %arg10[%dma_start3A, %dma_start3A_189] : memref<128x128xf32, #tpu.memory_space<vmem>> -> memref<98x128xf32, #tpu.memory_space<vmem>>
        %dma_start3A_191 = arith.constant 0 : i32
        %dma_start3A_192 = tpu.memref_slice %arg11[%add3A_188, %dma_start3A_191] : memref<12552x128xf32, #tpu.memory_space<vmem_shared>> -> memref<98x128xf32, #tpu.memory_space<vmem_shared>>
        %dma_start3A_193 = arith.constant 0 : i32
        %dma_start3A_194 = tpu.memref_slice %arg11[%add3A_188, %dma_start3A_193] : memref<12552x128xf32, #tpu.memory_space<vmem_shared>> -> memref<98x128xf32, #tpu.memory_space<vmem_shared>>
        %dma_start3A_195 = arith.constant 0 : i32
        %dma_start3A_196 = arith.constant 0 : i32
        %dma_start3A_197 = tpu.memref_slice %arg10[%dma_start3A_195, %dma_start3A_196] : memref<128x128xf32, #tpu.memory_space<vmem>> -> memref<98x128xf32, #tpu.memory_space<vmem>>
        tpu.enqueue_dma source(%dma_start3A_197 : memref<98x128xf32, #tpu.memory_space<vmem>>) target(%dma_start3A_194 : memref<98x128xf32, #tpu.memory_space<vmem_shared>>) target_semaphore(%run_scoped3A : memref<!tpu.dma_semaphore, #tpu.memory_space<semaphore_mem>>)
        %dma_wait3A = arith.constant 0 : i32
        %dma_wait3A_198 = arith.constant 0 : i32
        %dma_wait3A_199 = tpu.memref_slice %arg10[%dma_wait3A, %dma_wait3A_198] : memref<128x128xf32, #tpu.memory_space<vmem>> -> memref<98x128xf32, #tpu.memory_space<vmem>>
        %dma_wait3A_200 = arith.constant 0 : i32
        %dma_wait3A_201 = tpu.memref_slice %arg11[%add3A_188, %dma_wait3A_200] : memref<12552x128xf32, #tpu.memory_space<vmem_shared>> -> memref<98x128xf32, #tpu.memory_space<vmem_shared>>
        %dma_wait3A_202 = arith.constant 0 : i32
        %dma_wait3A_203 = tpu.memref_slice %arg11[%add3A_188, %dma_wait3A_202] : memref<12552x128xf32, #tpu.memory_space<vmem_shared>> -> memref<98x128xf32, #tpu.memory_space<vmem_shared>>
        %dma_wait3A_204 = arith.constant 0 : i32
        %dma_wait3A_205 = arith.constant 0 : i32
        %dma_wait3A_206 = tpu.memref_slice %arg10[%dma_wait3A_204, %dma_wait3A_205] : memref<128x128xf32, #tpu.memory_space<vmem>> -> memref<98x128xf32, #tpu.memory_space<vmem>>
        tpu.wait_dma2 semaphore(%run_scoped3A : memref<!tpu.dma_semaphore, #tpu.memory_space<semaphore_mem>>) src(%dma_wait3A_206 : memref<98x128xf32, #tpu.memory_space<vmem>>) dst(%dma_wait3A_203 : memref<98x128xf32, #tpu.memory_space<vmem_shared>>)
        tpu.yield
      }) : () -> ()
    }
    %scan3A_15 = arith.constant 8 : i32
    %barrier3A = arith.constant 0 : index
    tpu.barrier barrier_id(%barrier3A)
    %scan3A_16 = arith.constant 0 : i32
    %scan3A_17 = arith.constant 0 : i32
    %scan3A_18 = arith.constant 7 : i32
    %scan3A_19 = arith.addi %scan3A_17, %scan3A_18 : i32
    %scan3A_20 = arith.constant 1 : i32
    %scan3A_21 = scf.for %scan3A_179 = %scan3A_17 to %scan3A_19 step %scan3A_20 iter_args(%scan3A_180 = %scan3A_16) -> (i32)  : i32 {
      %mul3A_181 = arith.constant 12544 : i32
      %mul3A_182 = arith.muli %arg1, %mul3A_181 : i32
      %mul3A_183 = arith.constant 1792 : i32
      %mul3A_184 = arith.muli %scan3A_179, %mul3A_183 : i32
      %add3A_185 = arith.addi %mul3A_182, %mul3A_184 : i32
      "tpu.region"() ({
        %run_scoped3A = tpu.sem_alloc : memref<!tpu.dma_semaphore, #tpu.memory_space<semaphore_mem>>
        %dma_start3A = tpu.memref_slice %arg4[%add3A_185] : memref<200704xi32, #tpu.memory_space<hbm>> -> memref<1792xi32, #tpu.memory_space<hbm>>
        %dma_start3A_316 = tpu.memref_slice %arg4[%add3A_185] : memref<200704xi32, #tpu.memory_space<hbm>> -> memref<1792xi32, #tpu.memory_space<hbm>>
        tpu.enqueue_dma source(%dma_start3A_316 : memref<1792xi32, #tpu.memory_space<hbm>>) target(%arg6 : memref<1792xi32, #tpu.memory_space<vmem>>) target_semaphore(%run_scoped3A : memref<!tpu.dma_semaphore, #tpu.memory_space<semaphore_mem>>)
        %dma_wait3A = tpu.memref_slice %arg4[%add3A_185] : memref<200704xi32, #tpu.memory_space<hbm>> -> memref<1792xi32, #tpu.memory_space<hbm>>
        %dma_wait3A_317 = tpu.memref_slice %arg4[%add3A_185] : memref<200704xi32, #tpu.memory_space<hbm>> -> memref<1792xi32, #tpu.memory_space<hbm>>
        tpu.wait_dma2 semaphore(%run_scoped3A : memref<!tpu.dma_semaphore, #tpu.memory_space<semaphore_mem>>) src(%dma_wait3A_317 : memref<1792xi32, #tpu.memory_space<hbm>>) dst(%arg6 : memref<1792xi32, #tpu.memory_space<vmem>>)
        tpu.yield
      }) : () -> ()
      "tpu.region"() ({
        %run_scoped3A = tpu.sem_alloc : memref<!tpu.dma_semaphore, #tpu.memory_space<semaphore_mem>>
        %dma_start3A = tpu.memref_slice %arg3[%add3A_185] : memref<200704xi32, #tpu.memory_space<hbm>> -> memref<1792xi32, #tpu.memory_space<hbm>>
        %dma_start3A_316 = tpu.memref_slice %arg3[%add3A_185] : memref<200704xi32, #tpu.memory_space<hbm>> -> memref<1792xi32, #tpu.memory_space<hbm>>
        tpu.enqueue_dma source(%dma_start3A_316 : memref<1792xi32, #tpu.memory_space<hbm>>) target(%arg7 : memref<1792xi32, #tpu.memory_space<vmem>>) target_semaphore(%run_scoped3A : memref<!tpu.dma_semaphore, #tpu.memory_space<semaphore_mem>>)
        %dma_wait3A = tpu.memref_slice %arg3[%add3A_185] : memref<200704xi32, #tpu.memory_space<hbm>> -> memref<1792xi32, #tpu.memory_space<hbm>>
        %dma_wait3A_317 = tpu.memref_slice %arg3[%add3A_185] : memref<200704xi32, #tpu.memory_space<hbm>> -> memref<1792xi32, #tpu.memory_space<hbm>>
        tpu.wait_dma2 semaphore(%run_scoped3A : memref<!tpu.dma_semaphore, #tpu.memory_space<semaphore_mem>>) src(%dma_wait3A_317 : memref<1792xi32, #tpu.memory_space<hbm>>) dst(%arg7 : memref<1792xi32, #tpu.memory_space<vmem>>)
        tpu.yield
      }) : () -> ()
      %scan3A_186 = arith.constant 0 : i32
      %scan3A_187 = arith.constant 112 : i32
      %scan3A_188 = arith.addi %scan3A_186, %scan3A_187 : i32
      %scan3A_189 = arith.constant 1 : i32
      %scan3A_190 = scf.for %scan3A_316 = %scan3A_186 to %scan3A_188 step %scan3A_189 iter_args(%scan3A_317 = %scan3A_180) -> (i32)  : i32 {
        %mul3A_318 = arith.constant 16 : i32
        %mul3A_319 = arith.muli %scan3A_316, %mul3A_318 : i32
        %get3A = arith.index_cast %mul3A_319 : i32 to index
        %get3A_320 = tpu.vector_load %arg6[%get3A] {strides = array<i32>} : memref<1792xi32, #tpu.memory_space<vmem>>, vector<16xi32>,
        %mul3A_321 = arith.constant 16 : i32
        %mul3A_322 = arith.muli %scan3A_316, %mul3A_321 : i32
        %get3A_323 = arith.index_cast %mul3A_322 : i32 to index
        %get3A_324 = tpu.vector_load %arg7[%get3A_323] {strides = array<i32>} : memref<1792xi32, #tpu.memory_space<vmem>>, vector<16xi32>,
        %ge3A_325 = vector.broadcast %mul3A_6 : i32 to vector<16xi32>
        %ge3A_326 = arith.cmpi sge, %get3A_320, %ge3A_325 : vector<16xi32>
        %add3A_327 = arith.constant 12544 : i32
        %add3A_328 = arith.addi %mul3A_6, %add3A_327 : i32
        %lt3A = vector.broadcast %add3A_328 : i32 to vector<16xi32>
        %lt3A_329 = arith.cmpi slt, %get3A_320, %lt3A : vector<16xi32>
        %and3A_330 = arith.andi %ge3A_326, %lt3A_329 : vector<16xi1>
        %convert_element_type3A = arith.extui %and3A_330 : vector<16xi1> to vector<16xi32>
        %broadcast_in_dim3A_331 = arith.constant true
        %broadcast_in_dim3A_332 = vector.broadcast %broadcast_in_dim3A_331 : i1 to vector<16xi1>
        %masked_cumsum3A = tpu.scan <sum>, %convert_element_type3A masked %broadcast_in_dim3A_332 : vector<16xi32>, vector<16xi1> -> vector<16xi32>
        %add3A_333 = vector.broadcast %scan3A_317 : i32 to vector<16xi32>
        %add3A_334 = arith.addi %add3A_333, %masked_cumsum3A : vector<16xi32>
        %sub3A = arith.constant 1 : i32
        %sub3A_335 = vector.broadcast %sub3A : i32 to vector<16xi32>
        %sub3A_336 = arith.subi %add3A_334, %sub3A_335 : vector<16xi32>
        %shift_right_logical3A_337 = arith.constant 7 : i32
        %shift_right_logical3A_338 = vector.broadcast %shift_right_logical3A_337 : i32 to vector<16xi32>
        %shift_right_logical3A_339 = arith.shrui %sub3A_336, %shift_right_logical3A_338 : vector<16xi32>
        %and3A_340 = arith.constant 127 : i32
        %and3A_341 = vector.broadcast %and3A_340 : i32 to vector<16xi32>
        %and3A_342 = arith.andi %sub3A_336, %and3A_341 : vector<16xi32>
        tpu.vector_store_idx %arg8[%shift_right_logical3A_339, %and3A_342], %get3A_324 masked %and3A_330 : memref<15x128xi32, #tpu.memory_space<vmem>>[vector<16xi32>, vector<16xi32>], vector<16xi32>, vector<16xi1>
        %sub3A_343 = vector.broadcast %mul3A_6 : i32 to vector<16xi32>
        %sub3A_344 = arith.subi %get3A_320, %sub3A_343 : vector<16xi32>
        tpu.vector_store_idx %arg9[%shift_right_logical3A_339, %and3A_342], %sub3A_344 masked %and3A_330 : memref<15x128xi32, #tpu.memory_space<vmem>>[vector<16xi32>, vector<16xi32>], vector<16xi32>, vector<16xi1>
        %reduce_sum3A = arith.constant true
        %reduce_sum3A_345 = vector.broadcast %reduce_sum3A : i1 to vector<16xi1>
        %reduce_sum3A_346 = tpu.scan <sum>, %convert_element_type3A masked %reduce_sum3A_345 : vector<16xi32>, vector<16xi1> -> vector<16xi32>
        %reduce_sum3A_347 = vector.extract %reduce_sum3A_346[15] : i32 from vector<16xi32>
        %add3A_348 = arith.addi %scan3A_317, %reduce_sum3A_347 : i32
        scf.yield %add3A_348 : i32
      }
      %scan3A_191 = arith.constant 112 : i32
      %shift_right_logical3A_192 = arith.constant 7 : i32
      %shift_right_logical3A_193 = arith.shrui %scan3A_190, %shift_right_logical3A_192 : i32
      %while3A_194 = arith.constant 0 : i32
      %while3A_195 = arith.constant 0 : i32
      %while3A_196 = arith.subi %shift_right_logical3A_193, %while3A_195 : i32
      %while3A_197 = arith.addi %while3A_195, %while3A_196 : i32
      %while3A_198 = arith.constant 1 : i32
      %while3A_199 = arith.divsi %while3A_196, %while3A_198 : i32
      %while3A_200 = arith.muli %while3A_199, %while3A_198 : i32
      %while3A_201 = arith.addi %while3A_195, %while3A_200 : i32
      %while3A_202 = arith.constant 1 : i32
      scf.for %while3A_316 = %while3A_195 to %while3A_201 step %while3A_202  : i32 {
        %dma_start3A = arith.constant 0 : i32
        %dma_start3A_317 = tpu.memref_slice %arg8[%while3A_316, %dma_start3A] : memref<15x128xi32, #tpu.memory_space<vmem>> -> memref<1x128xi32, #tpu.memory_space<vmem>>
        %dma_start3A_318 = tpu.memref_squeeze %dma_start3A_317 : memref<1x128xi32, #tpu.memory_space<vmem>> -> memref<128xi32, #tpu.memory_space<vmem>>
        %dma_start3A_319 = arith.constant 0 : i32
        %dma_start3A_320 = arith.constant 0 : i32
        %dma_start3A_321 = tpu.memref_slice %arg2[%dma_start3A_319, %dma_start3A_320] : memref<50176x128xf32, #tpu.memory_space<hbm>> -> memref<50176x128xf32, #tpu.memory_space<hbm>>
        tpu.enqueue_indirect_dma source(%dma_start3A_321 : memref<50176x128xf32, #tpu.memory_space<hbm>>) target(%arg10 : memref<128x128xf32, #tpu.memory_space<vmem>>) offsets(%dma_start3A_318 : memref<128xi32, #tpu.memory_space<vmem>>) semaphore(%arg12 : memref<!tpu.dma_semaphore, #tpu.memory_space<semaphore_mem>>)
        %dma_wait3A = arith.constant 0 : i32
        %dma_wait3A_322 = tpu.memref_slice %arg8[%while3A_316, %dma_wait3A] : memref<15x128xi32, #tpu.memory_space<vmem>> -> memref<1x128xi32, #tpu.memory_space<vmem>>
        %dma_wait3A_323 = tpu.memref_squeeze %dma_wait3A_322 : memref<1x128xi32, #tpu.memory_space<vmem>> -> memref<128xi32, #tpu.memory_space<vmem>>
        %dma_wait3A_324 = arith.constant 0 : i32
        %dma_wait3A_325 = arith.constant 0 : i32
        %dma_wait3A_326 = tpu.memref_slice %arg2[%dma_wait3A_324, %dma_wait3A_325] : memref<50176x128xf32, #tpu.memory_space<hbm>> -> memref<50176x128xf32, #tpu.memory_space<hbm>>
        tpu.wait_indirect_dma semaphore(%arg12 : memref<!tpu.dma_semaphore, #tpu.memory_space<semaphore_mem>>) src(%dma_wait3A_326 : memref<50176x128xf32, #tpu.memory_space<hbm>>) dst(%arg10 : memref<128x128xf32, #tpu.memory_space<vmem>>)
        "tpu.region"() ({
          %run_scoped3A = tpu.sem_alloc : memref<!tpu.dma_semaphore, #tpu.memory_space<semaphore_mem>>
          %dma_start3A_327 = arith.constant 0 : i32
          %dma_start3A_328 = tpu.memref_slice %arg9[%while3A_316, %dma_start3A_327] : memref<15x128xi32, #tpu.memory_space<vmem>> -> memref<1x128xi32, #tpu.memory_space<vmem>>
          %dma_start3A_329 = tpu.memref_squeeze %dma_start3A_328 : memref<1x128xi32, #tpu.memory_space<vmem>> -> memref<128xi32, #tpu.memory_space<vmem>>
          %dma_start3A_330 = arith.constant 0 : i32
          %dma_start3A_331 = arith.constant 0 : i32
          %dma_start3A_332 = tpu.memref_slice %arg11[%dma_start3A_330, %dma_start3A_331] : memref<12552x128xf32, #tpu.memory_space<vmem_shared>> -> memref<12552x128xf32, #tpu.memory_space<vmem_shared>>
          tpu.enqueue_indirect_dma source(%arg10 : memref<128x128xf32, #tpu.memory_space<vmem>>) target(%dma_start3A_332 : memref<12552x128xf32, #tpu.memory_space<vmem_shared>>) offsets(%dma_start3A_329 : memref<128xi32, #tpu.memory_space<vmem>>) semaphore(%run_scoped3A : memref<!tpu.dma_semaphore, #tpu.memory_space<semaphore_mem>>) {add = true}
          %dma_wait3A_333 = arith.constant 0 : i32
          %dma_wait3A_334 = tpu.memref_slice %arg9[%while3A_316, %dma_wait3A_333] : memref<15x128xi32, #tpu.memory_space<vmem>> -> memref<1x128xi32, #tpu.memory_space<vmem>>
          %dma_wait3A_335 = tpu.memref_squeeze %dma_wait3A_334 : memref<1x128xi32, #tpu.memory_space<vmem>> -> memref<128xi32, #tpu.memory_space<vmem>>
          %dma_wait3A_336 = arith.constant 0 : i32
          %dma_wait3A_337 = arith.constant 0 : i32
          %dma_wait3A_338 = tpu.memref_slice %arg11[%dma_wait3A_336, %dma_wait3A_337] : memref<12552x128xf32, #tpu.memory_space<vmem_shared>> -> memref<12552x128xf32, #tpu.memory_space<vmem_shared>>
          tpu.wait_indirect_dma semaphore(%run_scoped3A : memref<!tpu.dma_semaphore, #tpu.memory_space<semaphore_mem>>) src(%arg10 : memref<128x128xf32, #tpu.memory_space<vmem>>) dst(%dma_wait3A_338 : memref<12552x128xf32, #tpu.memory_space<vmem_shared>>)
          tpu.yield
        }) : () -> ()
      }
      %while3A_203 = arith.constant 1 : i32
      scf.for %while3A_316 = %while3A_201 to %while3A_197 step %while3A_203  : i32 {
        %dma_start3A = arith.constant 0 : i32
        %dma_start3A_317 = tpu.memref_slice %arg8[%while3A_316, %dma_start3A] : memref<15x128xi32, #tpu.memory_space<vmem>> -> memref<1x128xi32, #tpu.memory_space<vmem>>
        %dma_start3A_318 = tpu.memref_squeeze %dma_start3A_317 : memref<1x128xi32, #tpu.memory_space<vmem>> -> memref<128xi32, #tpu.memory_space<vmem>>
        %dma_start3A_319 = arith.constant 0 : i32
        %dma_start3A_320 = arith.constant 0 : i32
        %dma_start3A_321 = tpu.memref_slice %arg2[%dma_start3A_319, %dma_start3A_320] : memref<50176x128xf32, #tpu.memory_space<hbm>> -> memref<50176x128xf32, #tpu.memory_space<hbm>>
        tpu.enqueue_indirect_dma source(%dma_start3A_321 : memref<50176x128xf32, #tpu.memory_space<hbm>>) target(%arg10 : memref<128x128xf32, #tpu.memory_space<vmem>>) offsets(%dma_start3A_318 : memref<128xi32, #tpu.memory_space<vmem>>) semaphore(%arg12 : memref<!tpu.dma_semaphore, #tpu.memory_space<semaphore_mem>>)
        %dma_wait3A = arith.constant 0 : i32
        %dma_wait3A_322 = tpu.memref_slice %arg8[%while3A_316, %dma_wait3A] : memref<15x128xi32, #tpu.memory_space<vmem>> -> memref<1x128xi32, #tpu.memory_space<vmem>>
        %dma_wait3A_323 = tpu.memref_squeeze %dma_wait3A_322 : memref<1x128xi32, #tpu.memory_space<vmem>> -> memref<128xi32, #tpu.memory_space<vmem>>
        %dma_wait3A_324 = arith.constant 0 : i32
        %dma_wait3A_325 = arith.constant 0 : i32
        %dma_wait3A_326 = tpu.memref_slice %arg2[%dma_wait3A_324, %dma_wait3A_325] : memref<50176x128xf32, #tpu.memory_space<hbm>> -> memref<50176x128xf32, #tpu.memory_space<hbm>>
        tpu.wait_indirect_dma semaphore(%arg12 : memref<!tpu.dma_semaphore, #tpu.memory_space<semaphore_mem>>) src(%dma_wait3A_326 : memref<50176x128xf32, #tpu.memory_space<hbm>>) dst(%arg10 : memref<128x128xf32, #tpu.memory_space<vmem>>)
        "tpu.region"() ({
          %run_scoped3A = tpu.sem_alloc : memref<!tpu.dma_semaphore, #tpu.memory_space<semaphore_mem>>
          %dma_start3A_327 = arith.constant 0 : i32
          %dma_start3A_328 = tpu.memref_slice %arg9[%while3A_316, %dma_start3A_327] : memref<15x128xi32, #tpu.memory_space<vmem>> -> memref<1x128xi32, #tpu.memory_space<vmem>>
          %dma_start3A_329 = tpu.memref_squeeze %dma_start3A_328 : memref<1x128xi32, #tpu.memory_space<vmem>> -> memref<128xi32, #tpu.memory_space<vmem>>
          %dma_start3A_330 = arith.constant 0 : i32
          %dma_start3A_331 = arith.constant 0 : i32
          %dma_start3A_332 = tpu.memref_slice %arg11[%dma_start3A_330, %dma_start3A_331] : memref<12552x128xf32, #tpu.memory_space<vmem_shared>> -> memref<12552x128xf32, #tpu.memory_space<vmem_shared>>
          tpu.enqueue_indirect_dma source(%arg10 : memref<128x128xf32, #tpu.memory_space<vmem>>) target(%dma_start3A_332 : memref<12552x128xf32, #tpu.memory_space<vmem_shared>>) offsets(%dma_start3A_329 : memref<128xi32, #tpu.memory_space<vmem>>) semaphore(%run_scoped3A : memref<!tpu.dma_semaphore, #tpu.memory_space<semaphore_mem>>) {add = true}
          %dma_wait3A_333 = arith.constant 0 : i32
          %dma_wait3A_334 = tpu.memref_slice %arg9[%while3A_316, %dma_wait3A_333] : memref<15x128xi32, #tpu.memory_space<vmem>> -> memref<1x128xi32, #tpu.memory_space<vmem>>
          %dma_wait3A_335 = tpu.memref_squeeze %dma_wait3A_334 : memref<1x128xi32, #tpu.memory_space<vmem>> -> memref<128xi32, #tpu.memory_space<vmem>>
          %dma_wait3A_336 = arith.constant 0 : i32
          %dma_wait3A_337 = arith.constant 0 : i32
          %dma_wait3A_338 = tpu.memref_slice %arg11[%dma_wait3A_336, %dma_wait3A_337] : memref<12552x128xf32, #tpu.memory_space<vmem_shared>> -> memref<12552x128xf32, #tpu.memory_space<vmem_shared>>
          tpu.wait_indirect_dma semaphore(%run_scoped3A : memref<!tpu.dma_semaphore, #tpu.memory_space<semaphore_mem>>) src(%arg10 : memref<128x128xf32, #tpu.memory_space<vmem>>) dst(%dma_wait3A_338 : memref<12552x128xf32, #tpu.memory_space<vmem_shared>>)
          tpu.yield
        }) : () -> ()
      }
      %broadcast_in_dim3A_204 = vector.broadcast %shift_right_logical3A_193 : i32 to vector<16xi32>
      %iota3A_205 = tpu.iota {dimensions = array<i32: 0>} : vector<16xi32>
      %add3A_206 = arith.constant 0 : i32
      %add3A_207 = vector.broadcast %add3A_206 : i32 to vector<16xi32>
      %add3A_208 = arith.addi %add3A_207, %iota3A_205 : vector<16xi32>
      %gather3A = tpu.vector_load_idx %arg8[%broadcast_in_dim3A_204, %add3A_208] : memref<15x128xi32, #tpu.memory_space<vmem>>[vector<16xi32>, vector<16xi32>], vector<16xi32>,
      %gather3A_209 = tpu.vector_load_idx %arg9[%broadcast_in_dim3A_204, %add3A_208] : memref<15x128xi32, #tpu.memory_space<vmem>>[vector<16xi32>, vector<16xi32>], vector<16xi32>,
      %swap3A = arith.constant 0 : i32
      %swap3A_210 = arith.index_cast %swap3A : i32 to index
      %swap3A_211 = arith.constant 0 : index
      %swap3A_212 = tpu.vector_load %arg8[%swap3A_210, %swap3A_211] {strides = array<i32>} : memref<15x128xi32, #tpu.memory_space<vmem>>, vector<16xi32>,
      tpu.vector_store %arg8[%swap3A_210, %swap3A_211], %gather3A {strides = array<i32>} : memref<15x128xi32, #tpu.memory_space<vmem>>, vector<16xi32>,
      %swap3A_213 = arith.constant 0 : i32
      %swap3A_214 = arith.index_cast %swap3A_213 : i32 to index
      %swap3A_215 = arith.constant 0 : index
      %swap3A_216 = tpu.vector_load %arg9[%swap3A_214, %swap3A_215] {strides = array<i32>} : memref<15x128xi32, #tpu.memory_space<vmem>>, vector<16xi32>,
      tpu.vector_store %arg9[%swap3A_214, %swap3A_215], %gather3A_209 {strides = array<i32>} : memref<15x128xi32, #tpu.memory_space<vmem>>, vector<16xi32>,
      %iota3A_217 = tpu.iota {dimensions = array<i32: 0>} : vector<16xi32>
      %add3A_218 = arith.constant 16 : i32
      %add3A_219 = vector.broadcast %add3A_218 : i32 to vector<16xi32>
      %add3A_220 = arith.addi %add3A_219, %iota3A_217 : vector<16xi32>
      %gather3A_221 = tpu.vector_load_idx %arg8[%broadcast_in_dim3A_204, %add3A_220] : memref<15x128xi32, #tpu.memory_space<vmem>>[vector<16xi32>, vector<16xi32>], vector<16xi32>,
      %gather3A_222 = tpu.vector_load_idx %arg9[%broadcast_in_dim3A_204, %add3A_220] : memref<15x128xi32, #tpu.memory_space<vmem>>[vector<16xi32>, vector<16xi32>], vector<16xi32>,
      %swap3A_223 = arith.constant 0 : i32
      %swap3A_224 = arith.index_cast %swap3A_223 : i32 to index
      %swap3A_225 = arith.constant 16 : index
      %swap3A_226 = tpu.vector_load %arg8[%swap3A_224, %swap3A_225] {strides = array<i32>} : memref<15x128xi32, #tpu.memory_space<vmem>>, vector<16xi32>,
      tpu.vector_store %arg8[%swap3A_224, %swap3A_225], %gather3A_221 {strides = array<i32>} : memref<15x128xi32, #tpu.memory_space<vmem>>, vector<16xi32>,
      %swap3A_227 = arith.constant 0 : i32
      %swap3A_228 = arith.index_cast %swap3A_227 : i32 to index
      %swap3A_229 = arith.constant 16 : index
      %swap3A_230 = tpu.vector_load %arg9[%swap3A_228, %swap3A_229] {strides = array<i32>} : memref<15x128xi32, #tpu.memory_space<vmem>>, vector<16xi32>,
      tpu.vector_store %arg9[%swap3A_228, %swap3A_229], %gather3A_222 {strides = array<i32>} : memref<15x128xi32, #tpu.memory_space<vmem>>, vector<16xi32>,
      %iota3A_231 = tpu.iota {dimensions = array<i32: 0>} : vector<16xi32>
      %add3A_232 = arith.constant 32 : i32
      %add3A_233 = vector.broadcast %add3A_232 : i32 to vector<16xi32>
      %add3A_234 = arith.addi %add3A_233, %iota3A_231 : vector<16xi32>
      %gather3A_235 = tpu.vector_load_idx %arg8[%broadcast_in_dim3A_204, %add3A_234] : memref<15x128xi32, #tpu.memory_space<vmem>>[vector<16xi32>, vector<16xi32>], vector<16xi32>,
      %gather3A_236 = tpu.vector_load_idx %arg9[%broadcast_in_dim3A_204, %add3A_234] : memref<15x128xi32, #tpu.memory_space<vmem>>[vector<16xi32>, vector<16xi32>], vector<16xi32>,
      %swap3A_237 = arith.constant 0 : i32
      %swap3A_238 = arith.index_cast %swap3A_237 : i32 to index
      %swap3A_239 = arith.constant 32 : index
      %swap3A_240 = tpu.vector_load %arg8[%swap3A_238, %swap3A_239] {strides = array<i32>} : memref<15x128xi32, #tpu.memory_space<vmem>>, vector<16xi32>,
      tpu.vector_store %arg8[%swap3A_238, %swap3A_239], %gather3A_235 {strides = array<i32>} : memref<15x128xi32, #tpu.memory_space<vmem>>, vector<16xi32>,
      %swap3A_241 = arith.constant 0 : i32
      %swap3A_242 = arith.index_cast %swap3A_241 : i32 to index
      %swap3A_243 = arith.constant 32 : index
      %swap3A_244 = tpu.vector_load %arg9[%swap3A_242, %swap3A_243] {strides = array<i32>} : memref<15x128xi32, #tpu.memory_space<vmem>>, vector<16xi32>,
      tpu.vector_store %arg9[%swap3A_242, %swap3A_243], %gather3A_236 {strides = array<i32>} : memref<15x128xi32, #tpu.memory_space<vmem>>, vector<16xi32>,
      %iota3A_245 = tpu.iota {dimensions = array<i32: 0>} : vector<16xi32>
      %add3A_246 = arith.constant 48 : i32
      %add3A_247 = vector.broadcast %add3A_246 : i32 to vector<16xi32>
      %add3A_248 = arith.addi %add3A_247, %iota3A_245 : vector<16xi32>
      %gather3A_249 = tpu.vector_load_idx %arg8[%broadcast_in_dim3A_204, %add3A_248] : memref<15x128xi32, #tpu.memory_space<vmem>>[vector<16xi32>, vector<16xi32>], vector<16xi32>,
      %gather3A_250 = tpu.vector_load_idx %arg9[%broadcast_in_dim3A_204, %add3A_248] : memref<15x128xi32, #tpu.memory_space<vmem>>[vector<16xi32>, vector<16xi32>], vector<16xi32>,
      %swap3A_251 = arith.constant 0 : i32
      %swap3A_252 = arith.index_cast %swap3A_251 : i32 to index
      %swap3A_253 = arith.constant 48 : index
      %swap3A_254 = tpu.vector_load %arg8[%swap3A_252, %swap3A_253] {strides = array<i32>} : memref<15x128xi32, #tpu.memory_space<vmem>>, vector<16xi32>,
      tpu.vector_store %arg8[%swap3A_252, %swap3A_253], %gather3A_249 {strides = array<i32>} : memref<15x128xi32, #tpu.memory_space<vmem>>, vector<16xi32>,
      %swap3A_255 = arith.constant 0 : i32
      %swap3A_256 = arith.index_cast %swap3A_255 : i32 to index
      %swap3A_257 = arith.constant 48 : index
      %swap3A_258 = tpu.vector_load %arg9[%swap3A_256, %swap3A_257] {strides = array<i32>} : memref<15x128xi32, #tpu.memory_space<vmem>>, vector<16xi32>,
      tpu.vector_store %arg9[%swap3A_256, %swap3A_257], %gather3A_250 {strides = array<i32>} : memref<15x128xi32, #tpu.memory_space<vmem>>, vector<16xi32>,
      %iota3A_259 = tpu.iota {dimensions = array<i32: 0>} : vector<16xi32>
      %add3A_260 = arith.constant 64 : i32
      %add3A_261 = vector.broadcast %add3A_260 : i32 to vector<16xi32>
      %add3A_262 = arith.addi %add3A_261, %iota3A_259 : vector<16xi32>
      %gather3A_263 = tpu.vector_load_idx %arg8[%broadcast_in_dim3A_204, %add3A_262] : memref<15x128xi32, #tpu.memory_space<vmem>>[vector<16xi32>, vector<16xi32>], vector<16xi32>,
      %gather3A_264 = tpu.vector_load_idx %arg9[%broadcast_in_dim3A_204, %add3A_262] : memref<15x128xi32, #tpu.memory_space<vmem>>[vector<16xi32>, vector<16xi32>], vector<16xi32>,
      %swap3A_265 = arith.constant 0 : i32
      %swap3A_266 = arith.index_cast %swap3A_265 : i32 to index
      %swap3A_267 = arith.constant 64 : index
      %swap3A_268 = tpu.vector_load %arg8[%swap3A_266, %swap3A_267] {strides = array<i32>} : memref<15x128xi32, #tpu.memory_space<vmem>>, vector<16xi32>,
      tpu.vector_store %arg8[%swap3A_266, %swap3A_267], %gather3A_263 {strides = array<i32>} : memref<15x128xi32, #tpu.memory_space<vmem>>, vector<16xi32>,
      %swap3A_269 = arith.constant 0 : i32
      %swap3A_270 = arith.index_cast %swap3A_269 : i32 to index
      %swap3A_271 = arith.constant 64 : index
      %swap3A_272 = tpu.vector_load %arg9[%swap3A_270, %swap3A_271] {strides = array<i32>} : memref<15x128xi32, #tpu.memory_space<vmem>>, vector<16xi32>,
      tpu.vector_store %arg9[%swap3A_270, %swap3A_271], %gather3A_264 {strides = array<i32>} : memref<15x128xi32, #tpu.memory_space<vmem>>, vector<16xi32>,
      %iota3A_273 = tpu.iota {dimensions = array<i32: 0>} : vector<16xi32>
      %add3A_274 = arith.constant 80 : i32
      %add3A_275 = vector.broadcast %add3A_274 : i32 to vector<16xi32>
      %add3A_276 = arith.addi %add3A_275, %iota3A_273 : vector<16xi32>
      %gather3A_277 = tpu.vector_load_idx %arg8[%broadcast_in_dim3A_204, %add3A_276] : memref<15x128xi32, #tpu.memory_space<vmem>>[vector<16xi32>, vector<16xi32>], vector<16xi32>,
      %gather3A_278 = tpu.vector_load_idx %arg9[%broadcast_in_dim3A_204, %add3A_276] : memref<15x128xi32, #tpu.memory_space<vmem>>[vector<16xi32>, vector<16xi32>], vector<16xi32>,
      %swap3A_279 = arith.constant 0 : i32
      %swap3A_280 = arith.index_cast %swap3A_279 : i32 to index
      %swap3A_281 = arith.constant 80 : index
      %swap3A_282 = tpu.vector_load %arg8[%swap3A_280, %swap3A_281] {strides = array<i32>} : memref<15x128xi32, #tpu.memory_space<vmem>>, vector<16xi32>,
      tpu.vector_store %arg8[%swap3A_280, %swap3A_281], %gather3A_277 {strides = array<i32>} : memref<15x128xi32, #tpu.memory_space<vmem>>, vector<16xi32>,
      %swap3A_283 = arith.constant 0 : i32
      %swap3A_284 = arith.index_cast %swap3A_283 : i32 to index
      %swap3A_285 = arith.constant 80 : index
      %swap3A_286 = tpu.vector_load %arg9[%swap3A_284, %swap3A_285] {strides = array<i32>} : memref<15x128xi32, #tpu.memory_space<vmem>>, vector<16xi32>,
      tpu.vector_store %arg9[%swap3A_284, %swap3A_285], %gather3A_278 {strides = array<i32>} : memref<15x128xi32, #tpu.memory_space<vmem>>, vector<16xi32>,
      %iota3A_287 = tpu.iota {dimensions = array<i32: 0>} : vector<16xi32>
      %add3A_288 = arith.constant 96 : i32
      %add3A_289 = vector.broadcast %add3A_288 : i32 to vector<16xi32>
      %add3A_290 = arith.addi %add3A_289, %iota3A_287 : vector<16xi32>
      %gather3A_291 = tpu.vector_load_idx %arg8[%broadcast_in_dim3A_204, %add3A_290] : memref<15x128xi32, #tpu.memory_space<vmem>>[vector<16xi32>, vector<16xi32>], vector<16xi32>,
      %gather3A_292 = tpu.vector_load_idx %arg9[%broadcast_in_dim3A_204, %add3A_290] : memref<15x128xi32, #tpu.memory_space<vmem>>[vector<16xi32>, vector<16xi32>], vector<16xi32>,
      %swap3A_293 = arith.constant 0 : i32
      %swap3A_294 = arith.index_cast %swap3A_293 : i32 to index
      %swap3A_295 = arith.constant 96 : index
      %swap3A_296 = tpu.vector_load %arg8[%swap3A_294, %swap3A_295] {strides = array<i32>} : memref<15x128xi32, #tpu.memory_space<vmem>>, vector<16xi32>,
      tpu.vector_store %arg8[%swap3A_294, %swap3A_295], %gather3A_291 {strides = array<i32>} : memref<15x128xi32, #tpu.memory_space<vmem>>, vector<16xi32>,
      %swap3A_297 = arith.constant 0 : i32
      %swap3A_298 = arith.index_cast %swap3A_297 : i32 to index
      %swap3A_299 = arith.constant 96 : index
      %swap3A_300 = tpu.vector_load %arg9[%swap3A_298, %swap3A_299] {strides = array<i32>} : memref<15x128xi32, #tpu.memory_space<vmem>>, vector<16xi32>,
      tpu.vector_store %arg9[%swap3A_298, %swap3A_299], %gather3A_292 {strides = array<i32>} : memref<15x128xi32, #tpu.memory_space<vmem>>, vector<16xi32>,
      %iota3A_301 = tpu.iota {dimensions = array<i32: 0>} : vector<16xi32>
      %add3A_302 = arith.constant 112 : i32
      %add3A_303 = vector.broadcast %add3A_302 : i32 to vector<16xi32>
      %add3A_304 = arith.addi %add3A_303, %iota3A_301 : vector<16xi32>
      %gather3A_305 = tpu.vector_load_idx %arg8[%broadcast_in_dim3A_204, %add3A_304] : memref<15x128xi32, #tpu.memory_space<vmem>>[vector<16xi32>, vector<16xi32>], vector<16xi32>,
      %gather3A_306 = tpu.vector_load_idx %arg9[%broadcast_in_dim3A_204, %add3A_304] : memref<15x128xi32, #tpu.memory_space<vmem>>[vector<16xi32>, vector<16xi32>], vector<16xi32>,
      %swap3A_307 = arith.constant 0 : i32
      %swap3A_308 = arith.index_cast %swap3A_307 : i32 to index
      %swap3A_309 = arith.constant 112 : index
      %swap3A_310 = tpu.vector_load %arg8[%swap3A_308, %swap3A_309] {strides = array<i32>} : memref<15x128xi32, #tpu.memory_space<vmem>>, vector<16xi32>,
      tpu.vector_store %arg8[%swap3A_308, %swap3A_309], %gather3A_305 {strides = array<i32>} : memref<15x128xi32, #tpu.memory_space<vmem>>, vector<16xi32>,
      %swap3A_311 = arith.constant 0 : i32
      %swap3A_312 = arith.index_cast %swap3A_311 : i32 to index
      %swap3A_313 = arith.constant 112 : index
      %swap3A_314 = tpu.vector_load %arg9[%swap3A_312, %swap3A_313] {strides = array<i32>} : memref<15x128xi32, #tpu.memory_space<vmem>>, vector<16xi32>,
      tpu.vector_store %arg9[%swap3A_312, %swap3A_313], %gather3A_306 {strides = array<i32>} : memref<15x128xi32, #tpu.memory_space<vmem>>, vector<16xi32>,
      %and3A = arith.constant 127 : i32
      %and3A_315 = arith.andi %scan3A_190, %and3A : i32
      scf.yield %and3A_315 : i32
    }
    %scan3A_22 = arith.constant 7 : i32
    %iota3A = tpu.iota {dimensions = array<i32: 0>} : vector<16xi32>
    %add3A_23 = arith.constant 0 : i32
    %add3A_24 = vector.broadcast %add3A_23 : i32 to vector<16xi32>
    %add3A_25 = arith.addi %add3A_24, %iota3A : vector<16xi32>
    %ge3A = vector.broadcast %scan3A_21 : i32 to vector<16xi32>
    %ge3A_26 = arith.cmpi sge, %add3A_25, %ge3A : vector<16xi32>
    tpu.vector_store_idx %arg8[%broadcast_in_dim3A_0, %add3A_25], %broadcast_in_dim3A_0 masked %ge3A_26 : memref<15x128xi32, #tpu.memory_space<vmem>>[vector<16xi32>, vector<16xi32>], vector<16xi32>, vector<16xi1>
    tpu.vector_store_idx %arg9[%broadcast_in_dim3A_0, %add3A_25], %broadcast_in_dim3A_2 masked %ge3A_26 : memref<15x128xi32, #tpu.memory_space<vmem>>[vector<16xi32>, vector<16xi32>], vector<16xi32>, vector<16xi1>
    %iota3A_27 = tpu.iota {dimensions = array<i32: 0>} : vector<16xi32>
    %add3A_28 = arith.constant 16 : i32
    %add3A_29 = vector.broadcast %add3A_28 : i32 to vector<16xi32>
    %add3A_30 = arith.addi %add3A_29, %iota3A_27 : vector<16xi32>
    %ge3A_31 = vector.broadcast %scan3A_21 : i32 to vector<16xi32>
    %ge3A_32 = arith.cmpi sge, %add3A_30, %ge3A_31 : vector<16xi32>
    tpu.vector_store_idx %arg8[%broadcast_in_dim3A_0, %add3A_30], %broadcast_in_dim3A_0 masked %ge3A_32 : memref<15x128xi32, #tpu.memory_space<vmem>>[vector<16xi32>, vector<16xi32>], vector<16xi32>, vector<16xi1>
    tpu.vector_store_idx %arg9[%broadcast_in_dim3A_0, %add3A_30], %broadcast_in_dim3A_2 masked %ge3A_32 : memref<15x128xi32, #tpu.memory_space<vmem>>[vector<16xi32>, vector<16xi32>], vector<16xi32>, vector<16xi1>
    %iota3A_33 = tpu.iota {dimensions = array<i32: 0>} : vector<16xi32>
    %add3A_34 = arith.constant 32 : i32
    %add3A_35 = vector.broadcast %add3A_34 : i32 to vector<16xi32>
    %add3A_36 = arith.addi %add3A_35, %iota3A_33 : vector<16xi32>
    %ge3A_37 = vector.broadcast %scan3A_21 : i32 to vector<16xi32>
    %ge3A_38 = arith.cmpi sge, %add3A_36, %ge3A_37 : vector<16xi32>
    tpu.vector_store_idx %arg8[%broadcast_in_dim3A_0, %add3A_36], %broadcast_in_dim3A_0 masked %ge3A_38 : memref<15x128xi32, #tpu.memory_space<vmem>>[vector<16xi32>, vector<16xi32>], vector<16xi32>, vector<16xi1>
    tpu.vector_store_idx %arg9[%broadcast_in_dim3A_0, %add3A_36], %broadcast_in_dim3A_2 masked %ge3A_38 : memref<15x128xi32, #tpu.memory_space<vmem>>[vector<16xi32>, vector<16xi32>], vector<16xi32>, vector<16xi1>
    %iota3A_39 = tpu.iota {dimensions = array<i32: 0>} : vector<16xi32>
    %add3A_40 = arith.constant 48 : i32
    %add3A_41 = vector.broadcast %add3A_40 : i32 to vector<16xi32>
    %add3A_42 = arith.addi %add3A_41, %iota3A_39 : vector<16xi32>
    %ge3A_43 = vector.broadcast %scan3A_21 : i32 to vector<16xi32>
    %ge3A_44 = arith.cmpi sge, %add3A_42, %ge3A_43 : vector<16xi32>
    tpu.vector_store_idx %arg8[%broadcast_in_dim3A_0, %add3A_42], %broadcast_in_dim3A_0 masked %ge3A_44 : memref<15x128xi32, #tpu.memory_space<vmem>>[vector<16xi32>, vector<16xi32>], vector<16xi32>, vector<16xi1>
    tpu.vector_store_idx %arg9[%broadcast_in_dim3A_0, %add3A_42], %broadcast_in_dim3A_2 masked %ge3A_44 : memref<15x128xi32, #tpu.memory_space<vmem>>[vector<16xi32>, vector<16xi32>], vector<16xi32>, vector<16xi1>
    %iota3A_45 = tpu.iota {dimensions = array<i32: 0>} : vector<16xi32>
    %add3A_46 = arith.constant 64 : i32
    %add3A_47 = vector.broadcast %add3A_46 : i32 to vector<16xi32>
    %add3A_48 = arith.addi %add3A_47, %iota3A_45 : vector<16xi32>
    %ge3A_49 = vector.broadcast %scan3A_21 : i32 to vector<16xi32>
    %ge3A_50 = arith.cmpi sge, %add3A_48, %ge3A_49 : vector<16xi32>
    tpu.vector_store_idx %arg8[%broadcast_in_dim3A_0, %add3A_48], %broadcast_in_dim3A_0 masked %ge3A_50 : memref<15x128xi32, #tpu.memory_space<vmem>>[vector<16xi32>, vector<16xi32>], vector<16xi32>, vector<16xi1>
    tpu.vector_store_idx %arg9[%broadcast_in_dim3A_0, %add3A_48], %broadcast_in_dim3A_2 masked %ge3A_50 : memref<15x128xi32, #tpu.memory_space<vmem>>[vector<16xi32>, vector<16xi32>], vector<16xi32>, vector<16xi1>
    %iota3A_51 = tpu.iota {dimensions = array<i32: 0>} : vector<16xi32>
    %add3A_52 = arith.constant 80 : i32
    %add3A_53 = vector.broadcast %add3A_52 : i32 to vector<16xi32>
    %add3A_54 = arith.addi %add3A_53, %iota3A_51 : vector<16xi32>
    %ge3A_55 = vector.broadcast %scan3A_21 : i32 to vector<16xi32>
    %ge3A_56 = arith.cmpi sge, %add3A_54, %ge3A_55 : vector<16xi32>
    tpu.vector_store_idx %arg8[%broadcast_in_dim3A_0, %add3A_54], %broadcast_in_dim3A_0 masked %ge3A_56 : memref<15x128xi32, #tpu.memory_space<vmem>>[vector<16xi32>, vector<16xi32>], vector<16xi32>, vector<16xi1>
    tpu.vector_store_idx %arg9[%broadcast_in_dim3A_0, %add3A_54], %broadcast_in_dim3A_2 masked %ge3A_56 : memref<15x128xi32, #tpu.memory_space<vmem>>[vector<16xi32>, vector<16xi32>], vector<16xi32>, vector<16xi1>
    %iota3A_57 = tpu.iota {dimensions = array<i32: 0>} : vector<16xi32>
    %add3A_58 = arith.constant 96 : i32
    %add3A_59 = vector.broadcast %add3A_58 : i32 to vector<16xi32>
    %add3A_60 = arith.addi %add3A_59, %iota3A_57 : vector<16xi32>
    %ge3A_61 = vector.broadcast %scan3A_21 : i32 to vector<16xi32>
    %ge3A_62 = arith.cmpi sge, %add3A_60, %ge3A_61 : vector<16xi32>
    tpu.vector_store_idx %arg8[%broadcast_in_dim3A_0, %add3A_60], %broadcast_in_dim3A_0 masked %ge3A_62 : memref<15x128xi32, #tpu.memory_space<vmem>>[vector<16xi32>, vector<16xi32>], vector<16xi32>, vector<16xi1>
    tpu.vector_store_idx %arg9[%broadcast_in_dim3A_0, %add3A_60], %broadcast_in_dim3A_2 masked %ge3A_62 : memref<15x128xi32, #tpu.memory_space<vmem>>[vector<16xi32>, vector<16xi32>], vector<16xi32>, vector<16xi1>
    %iota3A_63 = tpu.iota {dimensions = array<i32: 0>} : vector<16xi32>
    %add3A_64 = arith.constant 112 : i32
    %add3A_65 = vector.broadcast %add3A_64 : i32 to vector<16xi32>
    %add3A_66 = arith.addi %add3A_65, %iota3A_63 : vector<16xi32>
    %ge3A_67 = vector.broadcast %scan3A_21 : i32 to vector<16xi32>
    %ge3A_68 = arith.cmpi sge, %add3A_66, %ge3A_67 : vector<16xi32>
    tpu.vector_store_idx %arg8[%broadcast_in_dim3A_0, %add3A_66], %broadcast_in_dim3A_0 masked %ge3A_68 : memref<15x128xi32, #tpu.memory_space<vmem>>[vector<16xi32>, vector<16xi32>], vector<16xi32>, vector<16xi1>
    tpu.vector_store_idx %arg9[%broadcast_in_dim3A_0, %add3A_66], %broadcast_in_dim3A_2 masked %ge3A_68 : memref<15x128xi32, #tpu.memory_space<vmem>>[vector<16xi32>, vector<16xi32>], vector<16xi32>, vector<16xi1>
    %add3A_69 = arith.constant 127 : i32
    %add3A_70 = arith.addi %scan3A_21, %add3A_69 : i32
    %shift_right_logical3A = arith.constant 7 : i32
    %shift_right_logical3A_71 = arith.shrui %add3A_70, %shift_right_logical3A : i32
    %while3A = arith.constant 0 : i32
    %while3A_72 = arith.constant 0 : i32
    %while3A_73 = arith.subi %shift_right_logical3A_71, %while3A_72 : i32
    %while3A_74 = arith.addi %while3A_72, %while3A_73 : i32
    %while3A_75 = arith.constant 1 : i32
    %while3A_76 = arith.divsi %while3A_73, %while3A_75 : i32
    %while3A_77 = arith.muli %while3A_76, %while3A_75 : i32
    %while3A_78 = arith.addi %while3A_72, %while3A_77 : i32
    %while3A_79 = arith.constant 1 : i32
    scf.for %while3A_179 = %while3A_72 to %while3A_78 step %while3A_79  : i32 {
      %dma_start3A = arith.constant 0 : i32
      %dma_start3A_180 = tpu.memref_slice %arg8[%while3A_179, %dma_start3A] : memref<15x128xi32, #tpu.memory_space<vmem>> -> memref<1x128xi32, #tpu.memory_space<vmem>>
      %dma_start3A_181 = tpu.memref_squeeze %dma_start3A_180 : memref<1x128xi32, #tpu.memory_space<vmem>> -> memref<128xi32, #tpu.memory_space<vmem>>
      %dma_start3A_182 = arith.constant 0 : i32
      %dma_start3A_183 = arith.constant 0 : i32
      %dma_start3A_184 = tpu.memref_slice %arg2[%dma_start3A_182, %dma_start3A_183] : memref<50176x128xf32, #tpu.memory_space<hbm>> -> memref<50176x128xf32, #tpu.memory_space<hbm>>
      tpu.enqueue_indirect_dma source(%dma_start3A_184 : memref<50176x128xf32, #tpu.memory_space<hbm>>) target(%arg10 : memref<128x128xf32, #tpu.memory_space<vmem>>) offsets(%dma_start3A_181 : memref<128xi32, #tpu.memory_space<vmem>>) semaphore(%arg12 : memref<!tpu.dma_semaphore, #tpu.memory_space<semaphore_mem>>)
      %dma_wait3A = arith.constant 0 : i32
      %dma_wait3A_185 = tpu.memref_slice %arg8[%while3A_179, %dma_wait3A] : memref<15x128xi32, #tpu.memory_space<vmem>> -> memref<1x128xi32, #tpu.memory_space<vmem>>
      %dma_wait3A_186 = tpu.memref_squeeze %dma_wait3A_185 : memref<1x128xi32, #tpu.memory_space<vmem>> -> memref<128xi32, #tpu.memory_space<vmem>>
      %dma_wait3A_187 = arith.constant 0 : i32
      %dma_wait3A_188 = arith.constant 0 : i32
      %dma_wait3A_189 = tpu.memref_slice %arg2[%dma_wait3A_187, %dma_wait3A_188] : memref<50176x128xf32, #tpu.memory_space<hbm>> -> memref<50176x128xf32, #tpu.memory_space<hbm>>
      tpu.wait_indirect_dma semaphore(%arg12 : memref<!tpu.dma_semaphore, #tpu.memory_space<semaphore_mem>>) src(%dma_wait3A_189 : memref<50176x128xf32, #tpu.memory_space<hbm>>) dst(%arg10 : memref<128x128xf32, #tpu.memory_space<vmem>>)
      "tpu.region"() ({
        %run_scoped3A = tpu.sem_alloc : memref<!tpu.dma_semaphore, #tpu.memory_space<semaphore_mem>>
        %dma_start3A_190 = arith.constant 0 : i32
        %dma_start3A_191 = tpu.memref_slice %arg9[%while3A_179, %dma_start3A_190] : memref<15x128xi32, #tpu.memory_space<vmem>> -> memref<1x128xi32, #tpu.memory_space<vmem>>
        %dma_start3A_192 = tpu.memref_squeeze %dma_start3A_191 : memref<1x128xi32, #tpu.memory_space<vmem>> -> memref<128xi32, #tpu.memory_space<vmem>>
        %dma_start3A_193 = arith.constant 0 : i32
        %dma_start3A_194 = arith.constant 0 : i32
        %dma_start3A_195 = tpu.memref_slice %arg11[%dma_start3A_193, %dma_start3A_194] : memref<12552x128xf32, #tpu.memory_space<vmem_shared>> -> memref<12552x128xf32, #tpu.memory_space<vmem_shared>>
        tpu.enqueue_indirect_dma source(%arg10 : memref<128x128xf32, #tpu.memory_space<vmem>>) target(%dma_start3A_195 : memref<12552x128xf32, #tpu.memory_space<vmem_shared>>) offsets(%dma_start3A_192 : memref<128xi32, #tpu.memory_space<vmem>>) semaphore(%run_scoped3A : memref<!tpu.dma_semaphore, #tpu.memory_space<semaphore_mem>>) {add = true}
        %dma_wait3A_196 = arith.constant 0 : i32
        %dma_wait3A_197 = tpu.memref_slice %arg9[%while3A_179, %dma_wait3A_196] : memref<15x128xi32, #tpu.memory_space<vmem>> -> memref<1x128xi32, #tpu.memory_space<vmem>>
        %dma_wait3A_198 = tpu.memref_squeeze %dma_wait3A_197 : memref<1x128xi32, #tpu.memory_space<vmem>> -> memref<128xi32, #tpu.memory_space<vmem>>
        %dma_wait3A_199 = arith.constant 0 : i32
        %dma_wait3A_200 = arith.constant 0 : i32
        %dma_wait3A_201 = tpu.memref_slice %arg11[%dma_wait3A_199, %dma_wait3A_200] : memref<12552x128xf32, #tpu.memory_space<vmem_shared>> -> memref<12552x128xf32, #tpu.memory_space<vmem_shared>>
        tpu.wait_indirect_dma semaphore(%run_scoped3A : memref<!tpu.dma_semaphore, #tpu.memory_space<semaphore_mem>>) src(%arg10 : memref<128x128xf32, #tpu.memory_space<vmem>>) dst(%dma_wait3A_201 : memref<12552x128xf32, #tpu.memory_space<vmem_shared>>)
        tpu.yield
      }) : () -> ()
    }
    %while3A_80 = arith.constant 1 : i32
    scf.for %while3A_179 = %while3A_78 to %while3A_74 step %while3A_80  : i32 {
      %dma_start3A = arith.constant 0 : i32
      %dma_start3A_180 = tpu.memref_slice %arg8[%while3A_179, %dma_start3A] : memref<15x128xi32, #tpu.memory_space<vmem>> -> memref<1x128xi32, #tpu.memory_space<vmem>>
      %dma_start3A_181 = tpu.memref_squeeze %dma_start3A_180 : memref<1x128xi32, #tpu.memory_space<vmem>> -> memref<128xi32, #tpu.memory_space<vmem>>
      %dma_start3A_182 = arith.constant 0 : i32
      %dma_start3A_183 = arith.constant 0 : i32
      %dma_start3A_184 = tpu.memref_slice %arg2[%dma_start3A_182, %dma_start3A_183] : memref<50176x128xf32, #tpu.memory_space<hbm>> -> memref<50176x128xf32, #tpu.memory_space<hbm>>
      tpu.enqueue_indirect_dma source(%dma_start3A_184 : memref<50176x128xf32, #tpu.memory_space<hbm>>) target(%arg10 : memref<128x128xf32, #tpu.memory_space<vmem>>) offsets(%dma_start3A_181 : memref<128xi32, #tpu.memory_space<vmem>>) semaphore(%arg12 : memref<!tpu.dma_semaphore, #tpu.memory_space<semaphore_mem>>)
      %dma_wait3A = arith.constant 0 : i32
      %dma_wait3A_185 = tpu.memref_slice %arg8[%while3A_179, %dma_wait3A] : memref<15x128xi32, #tpu.memory_space<vmem>> -> memref<1x128xi32, #tpu.memory_space<vmem>>
      %dma_wait3A_186 = tpu.memref_squeeze %dma_wait3A_185 : memref<1x128xi32, #tpu.memory_space<vmem>> -> memref<128xi32, #tpu.memory_space<vmem>>
      %dma_wait3A_187 = arith.constant 0 : i32
      %dma_wait3A_188 = arith.constant 0 : i32
      %dma_wait3A_189 = tpu.memref_slice %arg2[%dma_wait3A_187, %dma_wait3A_188] : memref<50176x128xf32, #tpu.memory_space<hbm>> -> memref<50176x128xf32, #tpu.memory_space<hbm>>
      tpu.wait_indirect_dma semaphore(%arg12 : memref<!tpu.dma_semaphore, #tpu.memory_space<semaphore_mem>>) src(%dma_wait3A_189 : memref<50176x128xf32, #tpu.memory_space<hbm>>) dst(%arg10 : memref<128x128xf32, #tpu.memory_space<vmem>>)
      "tpu.region"() ({
        %run_scoped3A = tpu.sem_alloc : memref<!tpu.dma_semaphore, #tpu.memory_space<semaphore_mem>>
        %dma_start3A_190 = arith.constant 0 : i32
        %dma_start3A_191 = tpu.memref_slice %arg9[%while3A_179, %dma_start3A_190] : memref<15x128xi32, #tpu.memory_space<vmem>> -> memref<1x128xi32, #tpu.memory_space<vmem>>
        %dma_start3A_192 = tpu.memref_squeeze %dma_start3A_191 : memref<1x128xi32, #tpu.memory_space<vmem>> -> memref<128xi32, #tpu.memory_space<vmem>>
        %dma_start3A_193 = arith.constant 0 : i32
        %dma_start3A_194 = arith.constant 0 : i32
        %dma_start3A_195 = tpu.memref_slice %arg11[%dma_start3A_193, %dma_start3A_194] : memref<12552x128xf32, #tpu.memory_space<vmem_shared>> -> memref<12552x128xf32, #tpu.memory_space<vmem_shared>>
        tpu.enqueue_indirect_dma source(%arg10 : memref<128x128xf32, #tpu.memory_space<vmem>>) target(%dma_start3A_195 : memref<12552x128xf32, #tpu.memory_space<vmem_shared>>) offsets(%dma_start3A_192 : memref<128xi32, #tpu.memory_space<vmem>>) semaphore(%run_scoped3A : memref<!tpu.dma_semaphore, #tpu.memory_space<semaphore_mem>>) {add = true}
        %dma_wait3A_196 = arith.constant 0 : i32
        %dma_wait3A_197 = tpu.memref_slice %arg9[%while3A_179, %dma_wait3A_196] : memref<15x128xi32, #tpu.memory_space<vmem>> -> memref<1x128xi32, #tpu.memory_space<vmem>>
        %dma_wait3A_198 = tpu.memref_squeeze %dma_wait3A_197 : memref<1x128xi32, #tpu.memory_space<vmem>> -> memref<128xi32, #tpu.memory_space<vmem>>
        %dma_wait3A_199 = arith.constant 0 : i32
        %dma_wait3A_200 = arith.constant 0 : i32
        %dma_wait3A_201 = tpu.memref_slice %arg11[%dma_wait3A_199, %dma_wait3A_200] : memref<12552x128xf32, #tpu.memory_space<vmem_shared>> -> memref<12552x128xf32, #tpu.memory_space<vmem_shared>>
        tpu.wait_indirect_dma semaphore(%run_scoped3A : memref<!tpu.dma_semaphore, #tpu.memory_space<semaphore_mem>>) src(%arg10 : memref<128x128xf32, #tpu.memory_space<vmem>>) dst(%dma_wait3A_201 : memref<12552x128xf32, #tpu.memory_space<vmem_shared>>)
        tpu.yield
      }) : () -> ()
    }
    %barrier3A_81 = arith.constant 0 : index
    tpu.barrier barrier_id(%barrier3A_81)
    %mul3A_82 = arith.constant 784 : i32
    %mul3A_83 = arith.muli %arg1, %mul3A_82 : i32
    %mul3A_84 = arith.constant 784 : i32
    %mul3A_85 = arith.muli %arg1, %mul3A_84 : i32
    %add3A_86 = arith.addi %mul3A_6, %mul3A_85 : i32
    "tpu.region"() ({
      %run_scoped3A = tpu.sem_alloc : memref<!tpu.dma_semaphore, #tpu.memory_space<semaphore_mem>>
      %dma_start3A = arith.constant 0 : i32
      %dma_start3A_179 = tpu.memref_slice %arg5[%add3A_86, %dma_start3A] : memref<50176x128xf32, #tpu.memory_space<hbm>> -> memref<784x128xf32, #tpu.memory_space<hbm>>
      %dma_start3A_180 = arith.constant 0 : i32
      %dma_start3A_181 = tpu.memref_slice %arg11[%mul3A_83, %dma_start3A_180] : memref<12552x128xf32, #tpu.memory_space<vmem_shared>> -> memref<784x128xf32, #tpu.memory_space<vmem_shared>>
      tpu.enqueue_dma source(%dma_start3A_181 : memref<784x128xf32, #tpu.memory_space<vmem_shared>>) target(%dma_start3A_179 : memref<784x128xf32, #tpu.memory_space<hbm>>) target_semaphore(%run_scoped3A : memref<!tpu.dma_semaphore, #tpu.memory_space<semaphore_mem>>)
      %dma_wait3A = arith.constant 0 : i32
      %dma_wait3A_182 = tpu.memref_slice %arg5[%add3A_86, %dma_wait3A] : memref<50176x128xf32, #tpu.memory_space<hbm>> -> memref<784x128xf32, #tpu.memory_space<hbm>>
      %dma_wait3A_183 = arith.constant 0 : i32
      %dma_wait3A_184 = tpu.memref_slice %arg11[%mul3A_83, %dma_wait3A_183] : memref<12552x128xf32, #tpu.memory_space<vmem_shared>> -> memref<784x128xf32, #tpu.memory_space<vmem_shared>>
      tpu.wait_dma2 semaphore(%run_scoped3A : memref<!tpu.dma_semaphore, #tpu.memory_space<semaphore_mem>>) src(%dma_wait3A_184 : memref<784x128xf32, #tpu.memory_space<vmem_shared>>) dst(%dma_wait3A_182 : memref<784x128xf32, #tpu.memory_space<hbm>>)
      tpu.yield
    }) : () -> ()
    %mul3A_87 = arith.constant 2 : i32
    %mul3A_88 = arith.muli %mul3A_87, %arg0 : i32
    %add3A_89 = arith.constant 1 : i32
    %add3A_90 = arith.addi %mul3A_88, %add3A_89 : i32
    %mul3A_91 = arith.constant 12544 : i32
    %mul3A_92 = arith.muli %add3A_90, %mul3A_91 : i32
    %scan3A_93 = arith.constant 0 : i32
    %scan3A_94 = arith.constant 128 : i32
    %scan3A_95 = arith.addi %scan3A_93, %scan3A_94 : i32
    %scan3A_96 = arith.constant 1 : i32
    scf.for %scan3A_179 = %scan3A_93 to %scan3A_95 step %scan3A_96  : i32 {
      %mul3A_180 = arith.constant 1 : i32
      %mul3A_181 = arith.muli %scan3A_179, %mul3A_180 : i32
      %add3A_182 = arith.constant 0 : i32
      %add3A_183 = arith.addi %add3A_182, %mul3A_181 : i32
      %broadcast_in_dim3A_184 = arith.constant 0.000000e+00 : f32
      %broadcast_in_dim3A_185 = vector.broadcast %broadcast_in_dim3A_184 : f32 to vector<16xf32>
      %swap3A = arith.index_cast %add3A_183 : i32 to index
      %swap3A_186 = arith.constant 0 : index
      %swap3A_187 = tpu.vector_load %arg10[%swap3A, %swap3A_186] {strides = array<i32>} : memref<128x128xf32, #tpu.memory_space<vmem>>, vector<16xf32>,
      tpu.vector_store %arg10[%swap3A, %swap3A_186], %broadcast_in_dim3A_185 {strides = array<i32>} : memref<128x128xf32, #tpu.memory_space<vmem>>, vector<16xf32>,
      %broadcast_in_dim3A_188 = arith.constant 0.000000e+00 : f32
      %broadcast_in_dim3A_189 = vector.broadcast %broadcast_in_dim3A_188 : f32 to vector<16xf32>
      %swap3A_190 = arith.index_cast %add3A_183 : i32 to index
      %swap3A_191 = arith.constant 16 : index
      %swap3A_192 = tpu.vector_load %arg10[%swap3A_190, %swap3A_191] {strides = array<i32>} : memref<128x128xf32, #tpu.memory_space<vmem>>, vector<16xf32>,
      tpu.vector_store %arg10[%swap3A_190, %swap3A_191], %broadcast_in_dim3A_189 {strides = array<i32>} : memref<128x128xf32, #tpu.memory_space<vmem>>, vector<16xf32>,
      %broadcast_in_dim3A_193 = arith.constant 0.000000e+00 : f32
      %broadcast_in_dim3A_194 = vector.broadcast %broadcast_in_dim3A_193 : f32 to vector<16xf32>
      %swap3A_195 = arith.index_cast %add3A_183 : i32 to index
      %swap3A_196 = arith.constant 32 : index
      %swap3A_197 = tpu.vector_load %arg10[%swap3A_195, %swap3A_196] {strides = array<i32>} : memref<128x128xf32, #tpu.memory_space<vmem>>, vector<16xf32>,
      tpu.vector_store %arg10[%swap3A_195, %swap3A_196], %broadcast_in_dim3A_194 {strides = array<i32>} : memref<128x128xf32, #tpu.memory_space<vmem>>, vector<16xf32>,
      %broadcast_in_dim3A_198 = arith.constant 0.000000e+00 : f32
      %broadcast_in_dim3A_199 = vector.broadcast %broadcast_in_dim3A_198 : f32 to vector<16xf32>
      %swap3A_200 = arith.index_cast %add3A_183 : i32 to index
      %swap3A_201 = arith.constant 48 : index
      %swap3A_202 = tpu.vector_load %arg10[%swap3A_200, %swap3A_201] {strides = array<i32>} : memref<128x128xf32, #tpu.memory_space<vmem>>, vector<16xf32>,
      tpu.vector_store %arg10[%swap3A_200, %swap3A_201], %broadcast_in_dim3A_199 {strides = array<i32>} : memref<128x128xf32, #tpu.memory_space<vmem>>, vector<16xf32>,
      %broadcast_in_dim3A_203 = arith.constant 0.000000e+00 : f32
      %broadcast_in_dim3A_204 = vector.broadcast %broadcast_in_dim3A_203 : f32 to vector<16xf32>
      %swap3A_205 = arith.index_cast %add3A_183 : i32 to index
      %swap3A_206 = arith.constant 64 : index
      %swap3A_207 = tpu.vector_load %arg10[%swap3A_205, %swap3A_206] {strides = array<i32>} : memref<128x128xf32, #tpu.memory_space<vmem>>, vector<16xf32>,
      tpu.vector_store %arg10[%swap3A_205, %swap3A_206], %broadcast_in_dim3A_204 {strides = array<i32>} : memref<128x128xf32, #tpu.memory_space<vmem>>, vector<16xf32>,
      %broadcast_in_dim3A_208 = arith.constant 0.000000e+00 : f32
      %broadcast_in_dim3A_209 = vector.broadcast %broadcast_in_dim3A_208 : f32 to vector<16xf32>
      %swap3A_210 = arith.index_cast %add3A_183 : i32 to index
      %swap3A_211 = arith.constant 80 : index
      %swap3A_212 = tpu.vector_load %arg10[%swap3A_210, %swap3A_211] {strides = array<i32>} : memref<128x128xf32, #tpu.memory_space<vmem>>, vector<16xf32>,
      tpu.vector_store %arg10[%swap3A_210, %swap3A_211], %broadcast_in_dim3A_209 {strides = array<i32>} : memref<128x128xf32, #tpu.memory_space<vmem>>, vector<16xf32>,
      %broadcast_in_dim3A_213 = arith.constant 0.000000e+00 : f32
      %broadcast_in_dim3A_214 = vector.broadcast %broadcast_in_dim3A_213 : f32 to vector<16xf32>
      %swap3A_215 = arith.index_cast %add3A_183 : i32 to index
      %swap3A_216 = arith.constant 96 : index
      %swap3A_217 = tpu.vector_load %arg10[%swap3A_215, %swap3A_216] {strides = array<i32>} : memref<128x128xf32, #tpu.memory_space<vmem>>, vector<16xf32>,
      tpu.vector_store %arg10[%swap3A_215, %swap3A_216], %broadcast_in_dim3A_214 {strides = array<i32>} : memref<128x128xf32, #tpu.memory_space<vmem>>, vector<16xf32>,
      %broadcast_in_dim3A_218 = arith.constant 0.000000e+00 : f32
      %broadcast_in_dim3A_219 = vector.broadcast %broadcast_in_dim3A_218 : f32 to vector<16xf32>
      %swap3A_220 = arith.index_cast %add3A_183 : i32 to index
      %swap3A_221 = arith.constant 112 : index
      %swap3A_222 = tpu.vector_load %arg10[%swap3A_220, %swap3A_221] {strides = array<i32>} : memref<128x128xf32, #tpu.memory_space<vmem>>, vector<16xf32>,
      tpu.vector_store %arg10[%swap3A_220, %swap3A_221], %broadcast_in_dim3A_219 {strides = array<i32>} : memref<128x128xf32, #tpu.memory_space<vmem>>, vector<16xf32>,
    }
    %scan3A_97 = arith.constant 128 : i32
    %scan3A_98 = arith.constant 0 : i32
    %scan3A_99 = arith.constant 8 : i32
    %scan3A_100 = arith.addi %scan3A_98, %scan3A_99 : i32
    %scan3A_101 = arith.constant 1 : i32
    scf.for %scan3A_179 = %scan3A_98 to %scan3A_100 step %scan3A_101  : i32 {
      %mul3A_180 = arith.constant 1 : i32
      %mul3A_181 = arith.muli %scan3A_179, %mul3A_180 : i32
      %add3A_182 = arith.constant 0 : i32
      %add3A_183 = arith.addi %add3A_182, %mul3A_181 : i32
      %mul3A_184 = arith.constant 784 : i32
      %mul3A_185 = arith.muli %arg1, %mul3A_184 : i32
      %mul3A_186 = arith.constant 98 : i32
      %mul3A_187 = arith.muli %add3A_183, %mul3A_186 : i32
      %add3A_188 = arith.addi %mul3A_185, %mul3A_187 : i32
      "tpu.region"() ({
        %run_scoped3A = tpu.sem_alloc : memref<!tpu.dma_semaphore, #tpu.memory_space<semaphore_mem>>
        %dma_start3A = arith.constant 0 : i32
        %dma_start3A_189 = arith.constant 0 : i32
        %dma_start3A_190 = tpu.memref_slice %arg10[%dma_start3A, %dma_start3A_189] : memref<128x128xf32, #tpu.memory_space<vmem>> -> memref<98x128xf32, #tpu.memory_space<vmem>>
        %dma_start3A_191 = arith.constant 0 : i32
        %dma_start3A_192 = tpu.memref_slice %arg11[%add3A_188, %dma_start3A_191] : memref<12552x128xf32, #tpu.memory_space<vmem_shared>> -> memref<98x128xf32, #tpu.memory_space<vmem_shared>>
        %dma_start3A_193 = arith.constant 0 : i32
        %dma_start3A_194 = tpu.memref_slice %arg11[%add3A_188, %dma_start3A_193] : memref<12552x128xf32, #tpu.memory_space<vmem_shared>> -> memref<98x128xf32, #tpu.memory_space<vmem_shared>>
        %dma_start3A_195 = arith.constant 0 : i32
        %dma_start3A_196 = arith.constant 0 : i32
        %dma_start3A_197 = tpu.memref_slice %arg10[%dma_start3A_195, %dma_start3A_196] : memref<128x128xf32, #tpu.memory_space<vmem>> -> memref<98x128xf32, #tpu.memory_space<vmem>>
        tpu.enqueue_dma source(%dma_start3A_197 : memref<98x128xf32, #tpu.memory_space<vmem>>) target(%dma_start3A_194 : memref<98x128xf32, #tpu.memory_space<vmem_shared>>) target_semaphore(%run_scoped3A : memref<!tpu.dma_semaphore, #tpu.memory_space<semaphore_mem>>)
        %dma_wait3A = arith.constant 0 : i32
        %dma_wait3A_198 = arith.constant 0 : i32
        %dma_wait3A_199 = tpu.memref_slice %arg10[%dma_wait3A, %dma_wait3A_198] : memref<128x128xf32, #tpu.memory_space<vmem>> -> memref<98x128xf32, #tpu.memory_space<vmem>>
        %dma_wait3A_200 = arith.constant 0 : i32
        %dma_wait3A_201 = tpu.memref_slice %arg11[%add3A_188, %dma_wait3A_200] : memref<12552x128xf32, #tpu.memory_space<vmem_shared>> -> memref<98x128xf32, #tpu.memory_space<vmem_shared>>
        %dma_wait3A_202 = arith.constant 0 : i32
        %dma_wait3A_203 = tpu.memref_slice %arg11[%add3A_188, %dma_wait3A_202] : memref<12552x128xf32, #tpu.memory_space<vmem_shared>> -> memref<98x128xf32, #tpu.memory_space<vmem_shared>>
        %dma_wait3A_204 = arith.constant 0 : i32
        %dma_wait3A_205 = arith.constant 0 : i32
        %dma_wait3A_206 = tpu.memref_slice %arg10[%dma_wait3A_204, %dma_wait3A_205] : memref<128x128xf32, #tpu.memory_space<vmem>> -> memref<98x128xf32, #tpu.memory_space<vmem>>
        tpu.wait_dma2 semaphore(%run_scoped3A : memref<!tpu.dma_semaphore, #tpu.memory_space<semaphore_mem>>) src(%dma_wait3A_206 : memref<98x128xf32, #tpu.memory_space<vmem>>) dst(%dma_wait3A_203 : memref<98x128xf32, #tpu.memory_space<vmem_shared>>)
        tpu.yield
      }) : () -> ()
    }
    %scan3A_102 = arith.constant 8 : i32
    %barrier3A_103 = arith.constant 0 : index
    tpu.barrier barrier_id(%barrier3A_103)
    %scan3A_104 = arith.constant 0 : i32
    %scan3A_105 = arith.constant 0 : i32
    %scan3A_106 = arith.constant 7 : i32
    %scan3A_107 = arith.addi %scan3A_105, %scan3A_106 : i32
    %scan3A_108 = arith.constant 1 : i32
    %scan3A_109 = scf.for %scan3A_179 = %scan3A_105 to %scan3A_107 step %scan3A_108 iter_args(%scan3A_180 = %scan3A_104) -> (i32)  : i32 {
      %mul3A_181 = arith.constant 12544 : i32
      %mul3A_182 = arith.muli %arg1, %mul3A_181 : i32
      %mul3A_183 = arith.constant 1792 : i32
      %mul3A_184 = arith.muli %scan3A_179, %mul3A_183 : i32
      %add3A_185 = arith.addi %mul3A_182, %mul3A_184 : i32
      "tpu.region"() ({
        %run_scoped3A = tpu.sem_alloc : memref<!tpu.dma_semaphore, #tpu.memory_space<semaphore_mem>>
        %dma_start3A = tpu.memref_slice %arg4[%add3A_185] : memref<200704xi32, #tpu.memory_space<hbm>> -> memref<1792xi32, #tpu.memory_space<hbm>>
        %dma_start3A_316 = tpu.memref_slice %arg4[%add3A_185] : memref<200704xi32, #tpu.memory_space<hbm>> -> memref<1792xi32, #tpu.memory_space<hbm>>
        tpu.enqueue_dma source(%dma_start3A_316 : memref<1792xi32, #tpu.memory_space<hbm>>) target(%arg6 : memref<1792xi32, #tpu.memory_space<vmem>>) target_semaphore(%run_scoped3A : memref<!tpu.dma_semaphore, #tpu.memory_space<semaphore_mem>>)
        %dma_wait3A = tpu.memref_slice %arg4[%add3A_185] : memref<200704xi32, #tpu.memory_space<hbm>> -> memref<1792xi32, #tpu.memory_space<hbm>>
        %dma_wait3A_317 = tpu.memref_slice %arg4[%add3A_185] : memref<200704xi32, #tpu.memory_space<hbm>> -> memref<1792xi32, #tpu.memory_space<hbm>>
        tpu.wait_dma2 semaphore(%run_scoped3A : memref<!tpu.dma_semaphore, #tpu.memory_space<semaphore_mem>>) src(%dma_wait3A_317 : memref<1792xi32, #tpu.memory_space<hbm>>) dst(%arg6 : memref<1792xi32, #tpu.memory_space<vmem>>)
        tpu.yield
      }) : () -> ()
      "tpu.region"() ({
        %run_scoped3A = tpu.sem_alloc : memref<!tpu.dma_semaphore, #tpu.memory_space<semaphore_mem>>
        %dma_start3A = tpu.memref_slice %arg3[%add3A_185] : memref<200704xi32, #tpu.memory_space<hbm>> -> memref<1792xi32, #tpu.memory_space<hbm>>
        %dma_start3A_316 = tpu.memref_slice %arg3[%add3A_185] : memref<200704xi32, #tpu.memory_space<hbm>> -> memref<1792xi32, #tpu.memory_space<hbm>>
        tpu.enqueue_dma source(%dma_start3A_316 : memref<1792xi32, #tpu.memory_space<hbm>>) target(%arg7 : memref<1792xi32, #tpu.memory_space<vmem>>) target_semaphore(%run_scoped3A : memref<!tpu.dma_semaphore, #tpu.memory_space<semaphore_mem>>)
        %dma_wait3A = tpu.memref_slice %arg3[%add3A_185] : memref<200704xi32, #tpu.memory_space<hbm>> -> memref<1792xi32, #tpu.memory_space<hbm>>
        %dma_wait3A_317 = tpu.memref_slice %arg3[%add3A_185] : memref<200704xi32, #tpu.memory_space<hbm>> -> memref<1792xi32, #tpu.memory_space<hbm>>
        tpu.wait_dma2 semaphore(%run_scoped3A : memref<!tpu.dma_semaphore, #tpu.memory_space<semaphore_mem>>) src(%dma_wait3A_317 : memref<1792xi32, #tpu.memory_space<hbm>>) dst(%arg7 : memref<1792xi32, #tpu.memory_space<vmem>>)
        tpu.yield
      }) : () -> ()
      %scan3A_186 = arith.constant 0 : i32
      %scan3A_187 = arith.constant 112 : i32
      %scan3A_188 = arith.addi %scan3A_186, %scan3A_187 : i32
      %scan3A_189 = arith.constant 1 : i32
      %scan3A_190 = scf.for %scan3A_316 = %scan3A_186 to %scan3A_188 step %scan3A_189 iter_args(%scan3A_317 = %scan3A_180) -> (i32)  : i32 {
        %mul3A_318 = arith.constant 16 : i32
        %mul3A_319 = arith.muli %scan3A_316, %mul3A_318 : i32
        %get3A = arith.index_cast %mul3A_319 : i32 to index
        %get3A_320 = tpu.vector_load %arg6[%get3A] {strides = array<i32>} : memref<1792xi32, #tpu.memory_space<vmem>>, vector<16xi32>,
        %mul3A_321 = arith.constant 16 : i32
        %mul3A_322 = arith.muli %scan3A_316, %mul3A_321 : i32
        %get3A_323 = arith.index_cast %mul3A_322 : i32 to index
        %get3A_324 = tpu.vector_load %arg7[%get3A_323] {strides = array<i32>} : memref<1792xi32, #tpu.memory_space<vmem>>, vector<16xi32>,
        %ge3A_325 = vector.broadcast %mul3A_92 : i32 to vector<16xi32>
        %ge3A_326 = arith.cmpi sge, %get3A_320, %ge3A_325 : vector<16xi32>
        %add3A_327 = arith.constant 12544 : i32
        %add3A_328 = arith.addi %mul3A_92, %add3A_327 : i32
        %lt3A = vector.broadcast %add3A_328 : i32 to vector<16xi32>
        %lt3A_329 = arith.cmpi slt, %get3A_320, %lt3A : vector<16xi32>
        %and3A_330 = arith.andi %ge3A_326, %lt3A_329 : vector<16xi1>
        %convert_element_type3A = arith.extui %and3A_330 : vector<16xi1> to vector<16xi32>
        %broadcast_in_dim3A_331 = arith.constant true
        %broadcast_in_dim3A_332 = vector.broadcast %broadcast_in_dim3A_331 : i1 to vector<16xi1>
        %masked_cumsum3A = tpu.scan <sum>, %convert_element_type3A masked %broadcast_in_dim3A_332 : vector<16xi32>, vector<16xi1> -> vector<16xi32>
        %add3A_333 = vector.broadcast %scan3A_317 : i32 to vector<16xi32>
        %add3A_334 = arith.addi %add3A_333, %masked_cumsum3A : vector<16xi32>
        %sub3A = arith.constant 1 : i32
        %sub3A_335 = vector.broadcast %sub3A : i32 to vector<16xi32>
        %sub3A_336 = arith.subi %add3A_334, %sub3A_335 : vector<16xi32>
        %shift_right_logical3A_337 = arith.constant 7 : i32
        %shift_right_logical3A_338 = vector.broadcast %shift_right_logical3A_337 : i32 to vector<16xi32>
        %shift_right_logical3A_339 = arith.shrui %sub3A_336, %shift_right_logical3A_338 : vector<16xi32>
        %and3A_340 = arith.constant 127 : i32
        %and3A_341 = vector.broadcast %and3A_340 : i32 to vector<16xi32>
        %and3A_342 = arith.andi %sub3A_336, %and3A_341 : vector<16xi32>
        tpu.vector_store_idx %arg8[%shift_right_logical3A_339, %and3A_342], %get3A_324 masked %and3A_330 : memref<15x128xi32, #tpu.memory_space<vmem>>[vector<16xi32>, vector<16xi32>], vector<16xi32>, vector<16xi1>
        %sub3A_343 = vector.broadcast %mul3A_92 : i32 to vector<16xi32>
        %sub3A_344 = arith.subi %get3A_320, %sub3A_343 : vector<16xi32>
        tpu.vector_store_idx %arg9[%shift_right_logical3A_339, %and3A_342], %sub3A_344 masked %and3A_330 : memref<15x128xi32, #tpu.memory_space<vmem>>[vector<16xi32>, vector<16xi32>], vector<16xi32>, vector<16xi1>
        %reduce_sum3A = arith.constant true
        %reduce_sum3A_345 = vector.broadcast %reduce_sum3A : i1 to vector<16xi1>
        %reduce_sum3A_346 = tpu.scan <sum>, %convert_element_type3A masked %reduce_sum3A_345 : vector<16xi32>, vector<16xi1> -> vector<16xi32>
        %reduce_sum3A_347 = vector.extract %reduce_sum3A_346[15] : i32 from vector<16xi32>
        %add3A_348 = arith.addi %scan3A_317, %reduce_sum3A_347 : i32
        scf.yield %add3A_348 : i32
      }
      %scan3A_191 = arith.constant 112 : i32
      %shift_right_logical3A_192 = arith.constant 7 : i32
      %shift_right_logical3A_193 = arith.shrui %scan3A_190, %shift_right_logical3A_192 : i32
      %while3A_194 = arith.constant 0 : i32
      %while3A_195 = arith.constant 0 : i32
      %while3A_196 = arith.subi %shift_right_logical3A_193, %while3A_195 : i32
      %while3A_197 = arith.addi %while3A_195, %while3A_196 : i32
      %while3A_198 = arith.constant 1 : i32
      %while3A_199 = arith.divsi %while3A_196, %while3A_198 : i32
      %while3A_200 = arith.muli %while3A_199, %while3A_198 : i32
      %while3A_201 = arith.addi %while3A_195, %while3A_200 : i32
      %while3A_202 = arith.constant 1 : i32
      scf.for %while3A_316 = %while3A_195 to %while3A_201 step %while3A_202  : i32 {
        %dma_start3A = arith.constant 0 : i32
        %dma_start3A_317 = tpu.memref_slice %arg8[%while3A_316, %dma_start3A] : memref<15x128xi32, #tpu.memory_space<vmem>> -> memref<1x128xi32, #tpu.memory_space<vmem>>
        %dma_start3A_318 = tpu.memref_squeeze %dma_start3A_317 : memref<1x128xi32, #tpu.memory_space<vmem>> -> memref<128xi32, #tpu.memory_space<vmem>>
        %dma_start3A_319 = arith.constant 0 : i32
        %dma_start3A_320 = arith.constant 0 : i32
        %dma_start3A_321 = tpu.memref_slice %arg2[%dma_start3A_319, %dma_start3A_320] : memref<50176x128xf32, #tpu.memory_space<hbm>> -> memref<50176x128xf32, #tpu.memory_space<hbm>>
        tpu.enqueue_indirect_dma source(%dma_start3A_321 : memref<50176x128xf32, #tpu.memory_space<hbm>>) target(%arg10 : memref<128x128xf32, #tpu.memory_space<vmem>>) offsets(%dma_start3A_318 : memref<128xi32, #tpu.memory_space<vmem>>) semaphore(%arg12 : memref<!tpu.dma_semaphore, #tpu.memory_space<semaphore_mem>>)
        %dma_wait3A = arith.constant 0 : i32
        %dma_wait3A_322 = tpu.memref_slice %arg8[%while3A_316, %dma_wait3A] : memref<15x128xi32, #tpu.memory_space<vmem>> -> memref<1x128xi32, #tpu.memory_space<vmem>>
        %dma_wait3A_323 = tpu.memref_squeeze %dma_wait3A_322 : memref<1x128xi32, #tpu.memory_space<vmem>> -> memref<128xi32, #tpu.memory_space<vmem>>
        %dma_wait3A_324 = arith.constant 0 : i32
        %dma_wait3A_325 = arith.constant 0 : i32
        %dma_wait3A_326 = tpu.memref_slice %arg2[%dma_wait3A_324, %dma_wait3A_325] : memref<50176x128xf32, #tpu.memory_space<hbm>> -> memref<50176x128xf32, #tpu.memory_space<hbm>>
        tpu.wait_indirect_dma semaphore(%arg12 : memref<!tpu.dma_semaphore, #tpu.memory_space<semaphore_mem>>) src(%dma_wait3A_326 : memref<50176x128xf32, #tpu.memory_space<hbm>>) dst(%arg10 : memref<128x128xf32, #tpu.memory_space<vmem>>)
        "tpu.region"() ({
          %run_scoped3A = tpu.sem_alloc : memref<!tpu.dma_semaphore, #tpu.memory_space<semaphore_mem>>
          %dma_start3A_327 = arith.constant 0 : i32
          %dma_start3A_328 = tpu.memref_slice %arg9[%while3A_316, %dma_start3A_327] : memref<15x128xi32, #tpu.memory_space<vmem>> -> memref<1x128xi32, #tpu.memory_space<vmem>>
          %dma_start3A_329 = tpu.memref_squeeze %dma_start3A_328 : memref<1x128xi32, #tpu.memory_space<vmem>> -> memref<128xi32, #tpu.memory_space<vmem>>
          %dma_start3A_330 = arith.constant 0 : i32
          %dma_start3A_331 = arith.constant 0 : i32
          %dma_start3A_332 = tpu.memref_slice %arg11[%dma_start3A_330, %dma_start3A_331] : memref<12552x128xf32, #tpu.memory_space<vmem_shared>> -> memref<12552x128xf32, #tpu.memory_space<vmem_shared>>
          tpu.enqueue_indirect_dma source(%arg10 : memref<128x128xf32, #tpu.memory_space<vmem>>) target(%dma_start3A_332 : memref<12552x128xf32, #tpu.memory_space<vmem_shared>>) offsets(%dma_start3A_329 : memref<128xi32, #tpu.memory_space<vmem>>) semaphore(%run_scoped3A : memref<!tpu.dma_semaphore, #tpu.memory_space<semaphore_mem>>) {add = true}
          %dma_wait3A_333 = arith.constant 0 : i32
          %dma_wait3A_334 = tpu.memref_slice %arg9[%while3A_316, %dma_wait3A_333] : memref<15x128xi32, #tpu.memory_space<vmem>> -> memref<1x128xi32, #tpu.memory_space<vmem>>
          %dma_wait3A_335 = tpu.memref_squeeze %dma_wait3A_334 : memref<1x128xi32, #tpu.memory_space<vmem>> -> memref<128xi32, #tpu.memory_space<vmem>>
          %dma_wait3A_336 = arith.constant 0 : i32
          %dma_wait3A_337 = arith.constant 0 : i32
          %dma_wait3A_338 = tpu.memref_slice %arg11[%dma_wait3A_336, %dma_wait3A_337] : memref<12552x128xf32, #tpu.memory_space<vmem_shared>> -> memref<12552x128xf32, #tpu.memory_space<vmem_shared>>
          tpu.wait_indirect_dma semaphore(%run_scoped3A : memref<!tpu.dma_semaphore, #tpu.memory_space<semaphore_mem>>) src(%arg10 : memref<128x128xf32, #tpu.memory_space<vmem>>) dst(%dma_wait3A_338 : memref<12552x128xf32, #tpu.memory_space<vmem_shared>>)
          tpu.yield
        }) : () -> ()
      }
      %while3A_203 = arith.constant 1 : i32
      scf.for %while3A_316 = %while3A_201 to %while3A_197 step %while3A_203  : i32 {
        %dma_start3A = arith.constant 0 : i32
        %dma_start3A_317 = tpu.memref_slice %arg8[%while3A_316, %dma_start3A] : memref<15x128xi32, #tpu.memory_space<vmem>> -> memref<1x128xi32, #tpu.memory_space<vmem>>
        %dma_start3A_318 = tpu.memref_squeeze %dma_start3A_317 : memref<1x128xi32, #tpu.memory_space<vmem>> -> memref<128xi32, #tpu.memory_space<vmem>>
        %dma_start3A_319 = arith.constant 0 : i32
        %dma_start3A_320 = arith.constant 0 : i32
        %dma_start3A_321 = tpu.memref_slice %arg2[%dma_start3A_319, %dma_start3A_320] : memref<50176x128xf32, #tpu.memory_space<hbm>> -> memref<50176x128xf32, #tpu.memory_space<hbm>>
        tpu.enqueue_indirect_dma source(%dma_start3A_321 : memref<50176x128xf32, #tpu.memory_space<hbm>>) target(%arg10 : memref<128x128xf32, #tpu.memory_space<vmem>>) offsets(%dma_start3A_318 : memref<128xi32, #tpu.memory_space<vmem>>) semaphore(%arg12 : memref<!tpu.dma_semaphore, #tpu.memory_space<semaphore_mem>>)
        %dma_wait3A = arith.constant 0 : i32
        %dma_wait3A_322 = tpu.memref_slice %arg8[%while3A_316, %dma_wait3A] : memref<15x128xi32, #tpu.memory_space<vmem>> -> memref<1x128xi32, #tpu.memory_space<vmem>>
        %dma_wait3A_323 = tpu.memref_squeeze %dma_wait3A_322 : memref<1x128xi32, #tpu.memory_space<vmem>> -> memref<128xi32, #tpu.memory_space<vmem>>
        %dma_wait3A_324 = arith.constant 0 : i32
        %dma_wait3A_325 = arith.constant 0 : i32
        %dma_wait3A_326 = tpu.memref_slice %arg2[%dma_wait3A_324, %dma_wait3A_325] : memref<50176x128xf32, #tpu.memory_space<hbm>> -> memref<50176x128xf32, #tpu.memory_space<hbm>>
        tpu.wait_indirect_dma semaphore(%arg12 : memref<!tpu.dma_semaphore, #tpu.memory_space<semaphore_mem>>) src(%dma_wait3A_326 : memref<50176x128xf32, #tpu.memory_space<hbm>>) dst(%arg10 : memref<128x128xf32, #tpu.memory_space<vmem>>)
        "tpu.region"() ({
          %run_scoped3A = tpu.sem_alloc : memref<!tpu.dma_semaphore, #tpu.memory_space<semaphore_mem>>
          %dma_start3A_327 = arith.constant 0 : i32
          %dma_start3A_328 = tpu.memref_slice %arg9[%while3A_316, %dma_start3A_327] : memref<15x128xi32, #tpu.memory_space<vmem>> -> memref<1x128xi32, #tpu.memory_space<vmem>>
          %dma_start3A_329 = tpu.memref_squeeze %dma_start3A_328 : memref<1x128xi32, #tpu.memory_space<vmem>> -> memref<128xi32, #tpu.memory_space<vmem>>
          %dma_start3A_330 = arith.constant 0 : i32
          %dma_start3A_331 = arith.constant 0 : i32
          %dma_start3A_332 = tpu.memref_slice %arg11[%dma_start3A_330, %dma_start3A_331] : memref<12552x128xf32, #tpu.memory_space<vmem_shared>> -> memref<12552x128xf32, #tpu.memory_space<vmem_shared>>
          tpu.enqueue_indirect_dma source(%arg10 : memref<128x128xf32, #tpu.memory_space<vmem>>) target(%dma_start3A_332 : memref<12552x128xf32, #tpu.memory_space<vmem_shared>>) offsets(%dma_start3A_329 : memref<128xi32, #tpu.memory_space<vmem>>) semaphore(%run_scoped3A : memref<!tpu.dma_semaphore, #tpu.memory_space<semaphore_mem>>) {add = true}
          %dma_wait3A_333 = arith.constant 0 : i32
          %dma_wait3A_334 = tpu.memref_slice %arg9[%while3A_316, %dma_wait3A_333] : memref<15x128xi32, #tpu.memory_space<vmem>> -> memref<1x128xi32, #tpu.memory_space<vmem>>
          %dma_wait3A_335 = tpu.memref_squeeze %dma_wait3A_334 : memref<1x128xi32, #tpu.memory_space<vmem>> -> memref<128xi32, #tpu.memory_space<vmem>>
          %dma_wait3A_336 = arith.constant 0 : i32
          %dma_wait3A_337 = arith.constant 0 : i32
          %dma_wait3A_338 = tpu.memref_slice %arg11[%dma_wait3A_336, %dma_wait3A_337] : memref<12552x128xf32, #tpu.memory_space<vmem_shared>> -> memref<12552x128xf32, #tpu.memory_space<vmem_shared>>
          tpu.wait_indirect_dma semaphore(%run_scoped3A : memref<!tpu.dma_semaphore, #tpu.memory_space<semaphore_mem>>) src(%arg10 : memref<128x128xf32, #tpu.memory_space<vmem>>) dst(%dma_wait3A_338 : memref<12552x128xf32, #tpu.memory_space<vmem_shared>>)
          tpu.yield
        }) : () -> ()
      }
      %broadcast_in_dim3A_204 = vector.broadcast %shift_right_logical3A_193 : i32 to vector<16xi32>
      %iota3A_205 = tpu.iota {dimensions = array<i32: 0>} : vector<16xi32>
      %add3A_206 = arith.constant 0 : i32
      %add3A_207 = vector.broadcast %add3A_206 : i32 to vector<16xi32>
      %add3A_208 = arith.addi %add3A_207, %iota3A_205 : vector<16xi32>
      %gather3A = tpu.vector_load_idx %arg8[%broadcast_in_dim3A_204, %add3A_208] : memref<15x128xi32, #tpu.memory_space<vmem>>[vector<16xi32>, vector<16xi32>], vector<16xi32>,
      %gather3A_209 = tpu.vector_load_idx %arg9[%broadcast_in_dim3A_204, %add3A_208] : memref<15x128xi32, #tpu.memory_space<vmem>>[vector<16xi32>, vector<16xi32>], vector<16xi32>,
      %swap3A = arith.constant 0 : i32
      %swap3A_210 = arith.index_cast %swap3A : i32 to index
      %swap3A_211 = arith.constant 0 : index
      %swap3A_212 = tpu.vector_load %arg8[%swap3A_210, %swap3A_211] {strides = array<i32>} : memref<15x128xi32, #tpu.memory_space<vmem>>, vector<16xi32>,
      tpu.vector_store %arg8[%swap3A_210, %swap3A_211], %gather3A {strides = array<i32>} : memref<15x128xi32, #tpu.memory_space<vmem>>, vector<16xi32>,
      %swap3A_213 = arith.constant 0 : i32
      %swap3A_214 = arith.index_cast %swap3A_213 : i32 to index
      %swap3A_215 = arith.constant 0 : index
      %swap3A_216 = tpu.vector_load %arg9[%swap3A_214, %swap3A_215] {strides = array<i32>} : memref<15x128xi32, #tpu.memory_space<vmem>>, vector<16xi32>,
      tpu.vector_store %arg9[%swap3A_214, %swap3A_215], %gather3A_209 {strides = array<i32>} : memref<15x128xi32, #tpu.memory_space<vmem>>, vector<16xi32>,
      %iota3A_217 = tpu.iota {dimensions = array<i32: 0>} : vector<16xi32>
      %add3A_218 = arith.constant 16 : i32
      %add3A_219 = vector.broadcast %add3A_218 : i32 to vector<16xi32>
      %add3A_220 = arith.addi %add3A_219, %iota3A_217 : vector<16xi32>
      %gather3A_221 = tpu.vector_load_idx %arg8[%broadcast_in_dim3A_204, %add3A_220] : memref<15x128xi32, #tpu.memory_space<vmem>>[vector<16xi32>, vector<16xi32>], vector<16xi32>,
      %gather3A_222 = tpu.vector_load_idx %arg9[%broadcast_in_dim3A_204, %add3A_220] : memref<15x128xi32, #tpu.memory_space<vmem>>[vector<16xi32>, vector<16xi32>], vector<16xi32>,
      %swap3A_223 = arith.constant 0 : i32
      %swap3A_224 = arith.index_cast %swap3A_223 : i32 to index
      %swap3A_225 = arith.constant 16 : index
      %swap3A_226 = tpu.vector_load %arg8[%swap3A_224, %swap3A_225] {strides = array<i32>} : memref<15x128xi32, #tpu.memory_space<vmem>>, vector<16xi32>,
      tpu.vector_store %arg8[%swap3A_224, %swap3A_225], %gather3A_221 {strides = array<i32>} : memref<15x128xi32, #tpu.memory_space<vmem>>, vector<16xi32>,
      %swap3A_227 = arith.constant 0 : i32
      %swap3A_228 = arith.index_cast %swap3A_227 : i32 to index
      %swap3A_229 = arith.constant 16 : index
      %swap3A_230 = tpu.vector_load %arg9[%swap3A_228, %swap3A_229] {strides = array<i32>} : memref<15x128xi32, #tpu.memory_space<vmem>>, vector<16xi32>,
      tpu.vector_store %arg9[%swap3A_228, %swap3A_229], %gather3A_222 {strides = array<i32>} : memref<15x128xi32, #tpu.memory_space<vmem>>, vector<16xi32>,
      %iota3A_231 = tpu.iota {dimensions = array<i32: 0>} : vector<16xi32>
      %add3A_232 = arith.constant 32 : i32
      %add3A_233 = vector.broadcast %add3A_232 : i32 to vector<16xi32>
      %add3A_234 = arith.addi %add3A_233, %iota3A_231 : vector<16xi32>
      %gather3A_235 = tpu.vector_load_idx %arg8[%broadcast_in_dim3A_204, %add3A_234] : memref<15x128xi32, #tpu.memory_space<vmem>>[vector<16xi32>, vector<16xi32>], vector<16xi32>,
      %gather3A_236 = tpu.vector_load_idx %arg9[%broadcast_in_dim3A_204, %add3A_234] : memref<15x128xi32, #tpu.memory_space<vmem>>[vector<16xi32>, vector<16xi32>], vector<16xi32>,
      %swap3A_237 = arith.constant 0 : i32
      %swap3A_238 = arith.index_cast %swap3A_237 : i32 to index
      %swap3A_239 = arith.constant 32 : index
      %swap3A_240 = tpu.vector_load %arg8[%swap3A_238, %swap3A_239] {strides = array<i32>} : memref<15x128xi32, #tpu.memory_space<vmem>>, vector<16xi32>,
      tpu.vector_store %arg8[%swap3A_238, %swap3A_239], %gather3A_235 {strides = array<i32>} : memref<15x128xi32, #tpu.memory_space<vmem>>, vector<16xi32>,
      %swap3A_241 = arith.constant 0 : i32
      %swap3A_242 = arith.index_cast %swap3A_241 : i32 to index
      %swap3A_243 = arith.constant 32 : index
      %swap3A_244 = tpu.vector_load %arg9[%swap3A_242, %swap3A_243] {strides = array<i32>} : memref<15x128xi32, #tpu.memory_space<vmem>>, vector<16xi32>,
      tpu.vector_store %arg9[%swap3A_242, %swap3A_243], %gather3A_236 {strides = array<i32>} : memref<15x128xi32, #tpu.memory_space<vmem>>, vector<16xi32>,
      %iota3A_245 = tpu.iota {dimensions = array<i32: 0>} : vector<16xi32>
      %add3A_246 = arith.constant 48 : i32
      %add3A_247 = vector.broadcast %add3A_246 : i32 to vector<16xi32>
      %add3A_248 = arith.addi %add3A_247, %iota3A_245 : vector<16xi32>
      %gather3A_249 = tpu.vector_load_idx %arg8[%broadcast_in_dim3A_204, %add3A_248] : memref<15x128xi32, #tpu.memory_space<vmem>>[vector<16xi32>, vector<16xi32>], vector<16xi32>,
      %gather3A_250 = tpu.vector_load_idx %arg9[%broadcast_in_dim3A_204, %add3A_248] : memref<15x128xi32, #tpu.memory_space<vmem>>[vector<16xi32>, vector<16xi32>], vector<16xi32>,
      %swap3A_251 = arith.constant 0 : i32
      %swap3A_252 = arith.index_cast %swap3A_251 : i32 to index
      %swap3A_253 = arith.constant 48 : index
      %swap3A_254 = tpu.vector_load %arg8[%swap3A_252, %swap3A_253] {strides = array<i32>} : memref<15x128xi32, #tpu.memory_space<vmem>>, vector<16xi32>,
      tpu.vector_store %arg8[%swap3A_252, %swap3A_253], %gather3A_249 {strides = array<i32>} : memref<15x128xi32, #tpu.memory_space<vmem>>, vector<16xi32>,
      %swap3A_255 = arith.constant 0 : i32
      %swap3A_256 = arith.index_cast %swap3A_255 : i32 to index
      %swap3A_257 = arith.constant 48 : index
      %swap3A_258 = tpu.vector_load %arg9[%swap3A_256, %swap3A_257] {strides = array<i32>} : memref<15x128xi32, #tpu.memory_space<vmem>>, vector<16xi32>,
      tpu.vector_store %arg9[%swap3A_256, %swap3A_257], %gather3A_250 {strides = array<i32>} : memref<15x128xi32, #tpu.memory_space<vmem>>, vector<16xi32>,
      %iota3A_259 = tpu.iota {dimensions = array<i32: 0>} : vector<16xi32>
      %add3A_260 = arith.constant 64 : i32
      %add3A_261 = vector.broadcast %add3A_260 : i32 to vector<16xi32>
      %add3A_262 = arith.addi %add3A_261, %iota3A_259 : vector<16xi32>
      %gather3A_263 = tpu.vector_load_idx %arg8[%broadcast_in_dim3A_204, %add3A_262] : memref<15x128xi32, #tpu.memory_space<vmem>>[vector<16xi32>, vector<16xi32>], vector<16xi32>,
      %gather3A_264 = tpu.vector_load_idx %arg9[%broadcast_in_dim3A_204, %add3A_262] : memref<15x128xi32, #tpu.memory_space<vmem>>[vector<16xi32>, vector<16xi32>], vector<16xi32>,
      %swap3A_265 = arith.constant 0 : i32
      %swap3A_266 = arith.index_cast %swap3A_265 : i32 to index
      %swap3A_267 = arith.constant 64 : index
      %swap3A_268 = tpu.vector_load %arg8[%swap3A_266, %swap3A_267] {strides = array<i32>} : memref<15x128xi32, #tpu.memory_space<vmem>>, vector<16xi32>,
      tpu.vector_store %arg8[%swap3A_266, %swap3A_267], %gather3A_263 {strides = array<i32>} : memref<15x128xi32, #tpu.memory_space<vmem>>, vector<16xi32>,
      %swap3A_269 = arith.constant 0 : i32
      %swap3A_270 = arith.index_cast %swap3A_269 : i32 to index
      %swap3A_271 = arith.constant 64 : index
      %swap3A_272 = tpu.vector_load %arg9[%swap3A_270, %swap3A_271] {strides = array<i32>} : memref<15x128xi32, #tpu.memory_space<vmem>>, vector<16xi32>,
      tpu.vector_store %arg9[%swap3A_270, %swap3A_271], %gather3A_264 {strides = array<i32>} : memref<15x128xi32, #tpu.memory_space<vmem>>, vector<16xi32>,
      %iota3A_273 = tpu.iota {dimensions = array<i32: 0>} : vector<16xi32>
      %add3A_274 = arith.constant 80 : i32
      %add3A_275 = vector.broadcast %add3A_274 : i32 to vector<16xi32>
      %add3A_276 = arith.addi %add3A_275, %iota3A_273 : vector<16xi32>
      %gather3A_277 = tpu.vector_load_idx %arg8[%broadcast_in_dim3A_204, %add3A_276] : memref<15x128xi32, #tpu.memory_space<vmem>>[vector<16xi32>, vector<16xi32>], vector<16xi32>,
      %gather3A_278 = tpu.vector_load_idx %arg9[%broadcast_in_dim3A_204, %add3A_276] : memref<15x128xi32, #tpu.memory_space<vmem>>[vector<16xi32>, vector<16xi32>], vector<16xi32>,
      %swap3A_279 = arith.constant 0 : i32
      %swap3A_280 = arith.index_cast %swap3A_279 : i32 to index
      %swap3A_281 = arith.constant 80 : index
      %swap3A_282 = tpu.vector_load %arg8[%swap3A_280, %swap3A_281] {strides = array<i32>} : memref<15x128xi32, #tpu.memory_space<vmem>>, vector<16xi32>,
      tpu.vector_store %arg8[%swap3A_280, %swap3A_281], %gather3A_277 {strides = array<i32>} : memref<15x128xi32, #tpu.memory_space<vmem>>, vector<16xi32>,
      %swap3A_283 = arith.constant 0 : i32
      %swap3A_284 = arith.index_cast %swap3A_283 : i32 to index
      %swap3A_285 = arith.constant 80 : index
      %swap3A_286 = tpu.vector_load %arg9[%swap3A_284, %swap3A_285] {strides = array<i32>} : memref<15x128xi32, #tpu.memory_space<vmem>>, vector<16xi32>,
      tpu.vector_store %arg9[%swap3A_284, %swap3A_285], %gather3A_278 {strides = array<i32>} : memref<15x128xi32, #tpu.memory_space<vmem>>, vector<16xi32>,
      %iota3A_287 = tpu.iota {dimensions = array<i32: 0>} : vector<16xi32>
      %add3A_288 = arith.constant 96 : i32
      %add3A_289 = vector.broadcast %add3A_288 : i32 to vector<16xi32>
      %add3A_290 = arith.addi %add3A_289, %iota3A_287 : vector<16xi32>
      %gather3A_291 = tpu.vector_load_idx %arg8[%broadcast_in_dim3A_204, %add3A_290] : memref<15x128xi32, #tpu.memory_space<vmem>>[vector<16xi32>, vector<16xi32>], vector<16xi32>,
      %gather3A_292 = tpu.vector_load_idx %arg9[%broadcast_in_dim3A_204, %add3A_290] : memref<15x128xi32, #tpu.memory_space<vmem>>[vector<16xi32>, vector<16xi32>], vector<16xi32>,
      %swap3A_293 = arith.constant 0 : i32
      %swap3A_294 = arith.index_cast %swap3A_293 : i32 to index
      %swap3A_295 = arith.constant 96 : index
      %swap3A_296 = tpu.vector_load %arg8[%swap3A_294, %swap3A_295] {strides = array<i32>} : memref<15x128xi32, #tpu.memory_space<vmem>>, vector<16xi32>,
      tpu.vector_store %arg8[%swap3A_294, %swap3A_295], %gather3A_291 {strides = array<i32>} : memref<15x128xi32, #tpu.memory_space<vmem>>, vector<16xi32>,
      %swap3A_297 = arith.constant 0 : i32
      %swap3A_298 = arith.index_cast %swap3A_297 : i32 to index
      %swap3A_299 = arith.constant 96 : index
      %swap3A_300 = tpu.vector_load %arg9[%swap3A_298, %swap3A_299] {strides = array<i32>} : memref<15x128xi32, #tpu.memory_space<vmem>>, vector<16xi32>,
      tpu.vector_store %arg9[%swap3A_298, %swap3A_299], %gather3A_292 {strides = array<i32>} : memref<15x128xi32, #tpu.memory_space<vmem>>, vector<16xi32>,
      %iota3A_301 = tpu.iota {dimensions = array<i32: 0>} : vector<16xi32>
      %add3A_302 = arith.constant 112 : i32
      %add3A_303 = vector.broadcast %add3A_302 : i32 to vector<16xi32>
      %add3A_304 = arith.addi %add3A_303, %iota3A_301 : vector<16xi32>
      %gather3A_305 = tpu.vector_load_idx %arg8[%broadcast_in_dim3A_204, %add3A_304] : memref<15x128xi32, #tpu.memory_space<vmem>>[vector<16xi32>, vector<16xi32>], vector<16xi32>,
      %gather3A_306 = tpu.vector_load_idx %arg9[%broadcast_in_dim3A_204, %add3A_304] : memref<15x128xi32, #tpu.memory_space<vmem>>[vector<16xi32>, vector<16xi32>], vector<16xi32>,
      %swap3A_307 = arith.constant 0 : i32
      %swap3A_308 = arith.index_cast %swap3A_307 : i32 to index
      %swap3A_309 = arith.constant 112 : index
      %swap3A_310 = tpu.vector_load %arg8[%swap3A_308, %swap3A_309] {strides = array<i32>} : memref<15x128xi32, #tpu.memory_space<vmem>>, vector<16xi32>,
      tpu.vector_store %arg8[%swap3A_308, %swap3A_309], %gather3A_305 {strides = array<i32>} : memref<15x128xi32, #tpu.memory_space<vmem>>, vector<16xi32>,
      %swap3A_311 = arith.constant 0 : i32
      %swap3A_312 = arith.index_cast %swap3A_311 : i32 to index
      %swap3A_313 = arith.constant 112 : index
      %swap3A_314 = tpu.vector_load %arg9[%swap3A_312, %swap3A_313] {strides = array<i32>} : memref<15x128xi32, #tpu.memory_space<vmem>>, vector<16xi32>,
      tpu.vector_store %arg9[%swap3A_312, %swap3A_313], %gather3A_306 {strides = array<i32>} : memref<15x128xi32, #tpu.memory_space<vmem>>, vector<16xi32>,
      %and3A = arith.constant 127 : i32
      %and3A_315 = arith.andi %scan3A_190, %and3A : i32
      scf.yield %and3A_315 : i32
    }
    %scan3A_110 = arith.constant 7 : i32
    %iota3A_111 = tpu.iota {dimensions = array<i32: 0>} : vector<16xi32>
    %add3A_112 = arith.constant 0 : i32
    %add3A_113 = vector.broadcast %add3A_112 : i32 to vector<16xi32>
    %add3A_114 = arith.addi %add3A_113, %iota3A_111 : vector<16xi32>
    %ge3A_115 = vector.broadcast %scan3A_109 : i32 to vector<16xi32>
    %ge3A_116 = arith.cmpi sge, %add3A_114, %ge3A_115 : vector<16xi32>
    tpu.vector_store_idx %arg8[%broadcast_in_dim3A_0, %add3A_114], %broadcast_in_dim3A_0 masked %ge3A_116 : memref<15x128xi32, #tpu.memory_space<vmem>>[vector<16xi32>, vector<16xi32>], vector<16xi32>, vector<16xi1>
    tpu.vector_store_idx %arg9[%broadcast_in_dim3A_0, %add3A_114], %broadcast_in_dim3A_2 masked %ge3A_116 : memref<15x128xi32, #tpu.memory_space<vmem>>[vector<16xi32>, vector<16xi32>], vector<16xi32>, vector<16xi1>
    %iota3A_117 = tpu.iota {dimensions = array<i32: 0>} : vector<16xi32>
    %add3A_118 = arith.constant 16 : i32
    %add3A_119 = vector.broadcast %add3A_118 : i32 to vector<16xi32>
    %add3A_120 = arith.addi %add3A_119, %iota3A_117 : vector<16xi32>
    %ge3A_121 = vector.broadcast %scan3A_109 : i32 to vector<16xi32>
    %ge3A_122 = arith.cmpi sge, %add3A_120, %ge3A_121 : vector<16xi32>
    tpu.vector_store_idx %arg8[%broadcast_in_dim3A_0, %add3A_120], %broadcast_in_dim3A_0 masked %ge3A_122 : memref<15x128xi32, #tpu.memory_space<vmem>>[vector<16xi32>, vector<16xi32>], vector<16xi32>, vector<16xi1>
    tpu.vector_store_idx %arg9[%broadcast_in_dim3A_0, %add3A_120], %broadcast_in_dim3A_2 masked %ge3A_122 : memref<15x128xi32, #tpu.memory_space<vmem>>[vector<16xi32>, vector<16xi32>], vector<16xi32>, vector<16xi1>
    %iota3A_123 = tpu.iota {dimensions = array<i32: 0>} : vector<16xi32>
    %add3A_124 = arith.constant 32 : i32
    %add3A_125 = vector.broadcast %add3A_124 : i32 to vector<16xi32>
    %add3A_126 = arith.addi %add3A_125, %iota3A_123 : vector<16xi32>
    %ge3A_127 = vector.broadcast %scan3A_109 : i32 to vector<16xi32>
    %ge3A_128 = arith.cmpi sge, %add3A_126, %ge3A_127 : vector<16xi32>
    tpu.vector_store_idx %arg8[%broadcast_in_dim3A_0, %add3A_126], %broadcast_in_dim3A_0 masked %ge3A_128 : memref<15x128xi32, #tpu.memory_space<vmem>>[vector<16xi32>, vector<16xi32>], vector<16xi32>, vector<16xi1>
    tpu.vector_store_idx %arg9[%broadcast_in_dim3A_0, %add3A_126], %broadcast_in_dim3A_2 masked %ge3A_128 : memref<15x128xi32, #tpu.memory_space<vmem>>[vector<16xi32>, vector<16xi32>], vector<16xi32>, vector<16xi1>
    %iota3A_129 = tpu.iota {dimensions = array<i32: 0>} : vector<16xi32>
    %add3A_130 = arith.constant 48 : i32
    %add3A_131 = vector.broadcast %add3A_130 : i32 to vector<16xi32>
    %add3A_132 = arith.addi %add3A_131, %iota3A_129 : vector<16xi32>
    %ge3A_133 = vector.broadcast %scan3A_109 : i32 to vector<16xi32>
    %ge3A_134 = arith.cmpi sge, %add3A_132, %ge3A_133 : vector<16xi32>
    tpu.vector_store_idx %arg8[%broadcast_in_dim3A_0, %add3A_132], %broadcast_in_dim3A_0 masked %ge3A_134 : memref<15x128xi32, #tpu.memory_space<vmem>>[vector<16xi32>, vector<16xi32>], vector<16xi32>, vector<16xi1>
    tpu.vector_store_idx %arg9[%broadcast_in_dim3A_0, %add3A_132], %broadcast_in_dim3A_2 masked %ge3A_134 : memref<15x128xi32, #tpu.memory_space<vmem>>[vector<16xi32>, vector<16xi32>], vector<16xi32>, vector<16xi1>
    %iota3A_135 = tpu.iota {dimensions = array<i32: 0>} : vector<16xi32>
    %add3A_136 = arith.constant 64 : i32
    %add3A_137 = vector.broadcast %add3A_136 : i32 to vector<16xi32>
    %add3A_138 = arith.addi %add3A_137, %iota3A_135 : vector<16xi32>
    %ge3A_139 = vector.broadcast %scan3A_109 : i32 to vector<16xi32>
    %ge3A_140 = arith.cmpi sge, %add3A_138, %ge3A_139 : vector<16xi32>
    tpu.vector_store_idx %arg8[%broadcast_in_dim3A_0, %add3A_138], %broadcast_in_dim3A_0 masked %ge3A_140 : memref<15x128xi32, #tpu.memory_space<vmem>>[vector<16xi32>, vector<16xi32>], vector<16xi32>, vector<16xi1>
    tpu.vector_store_idx %arg9[%broadcast_in_dim3A_0, %add3A_138], %broadcast_in_dim3A_2 masked %ge3A_140 : memref<15x128xi32, #tpu.memory_space<vmem>>[vector<16xi32>, vector<16xi32>], vector<16xi32>, vector<16xi1>
    %iota3A_141 = tpu.iota {dimensions = array<i32: 0>} : vector<16xi32>
    %add3A_142 = arith.constant 80 : i32
    %add3A_143 = vector.broadcast %add3A_142 : i32 to vector<16xi32>
    %add3A_144 = arith.addi %add3A_143, %iota3A_141 : vector<16xi32>
    %ge3A_145 = vector.broadcast %scan3A_109 : i32 to vector<16xi32>
    %ge3A_146 = arith.cmpi sge, %add3A_144, %ge3A_145 : vector<16xi32>
    tpu.vector_store_idx %arg8[%broadcast_in_dim3A_0, %add3A_144], %broadcast_in_dim3A_0 masked %ge3A_146 : memref<15x128xi32, #tpu.memory_space<vmem>>[vector<16xi32>, vector<16xi32>], vector<16xi32>, vector<16xi1>
    tpu.vector_store_idx %arg9[%broadcast_in_dim3A_0, %add3A_144], %broadcast_in_dim3A_2 masked %ge3A_146 : memref<15x128xi32, #tpu.memory_space<vmem>>[vector<16xi32>, vector<16xi32>], vector<16xi32>, vector<16xi1>
    %iota3A_147 = tpu.iota {dimensions = array<i32: 0>} : vector<16xi32>
    %add3A_148 = arith.constant 96 : i32
    %add3A_149 = vector.broadcast %add3A_148 : i32 to vector<16xi32>
    %add3A_150 = arith.addi %add3A_149, %iota3A_147 : vector<16xi32>
    %ge3A_151 = vector.broadcast %scan3A_109 : i32 to vector<16xi32>
    %ge3A_152 = arith.cmpi sge, %add3A_150, %ge3A_151 : vector<16xi32>
    tpu.vector_store_idx %arg8[%broadcast_in_dim3A_0, %add3A_150], %broadcast_in_dim3A_0 masked %ge3A_152 : memref<15x128xi32, #tpu.memory_space<vmem>>[vector<16xi32>, vector<16xi32>], vector<16xi32>, vector<16xi1>
    tpu.vector_store_idx %arg9[%broadcast_in_dim3A_0, %add3A_150], %broadcast_in_dim3A_2 masked %ge3A_152 : memref<15x128xi32, #tpu.memory_space<vmem>>[vector<16xi32>, vector<16xi32>], vector<16xi32>, vector<16xi1>
    %iota3A_153 = tpu.iota {dimensions = array<i32: 0>} : vector<16xi32>
    %add3A_154 = arith.constant 112 : i32
    %add3A_155 = vector.broadcast %add3A_154 : i32 to vector<16xi32>
    %add3A_156 = arith.addi %add3A_155, %iota3A_153 : vector<16xi32>
    %ge3A_157 = vector.broadcast %scan3A_109 : i32 to vector<16xi32>
    %ge3A_158 = arith.cmpi sge, %add3A_156, %ge3A_157 : vector<16xi32>
    tpu.vector_store_idx %arg8[%broadcast_in_dim3A_0, %add3A_156], %broadcast_in_dim3A_0 masked %ge3A_158 : memref<15x128xi32, #tpu.memory_space<vmem>>[vector<16xi32>, vector<16xi32>], vector<16xi32>, vector<16xi1>
    tpu.vector_store_idx %arg9[%broadcast_in_dim3A_0, %add3A_156], %broadcast_in_dim3A_2 masked %ge3A_158 : memref<15x128xi32, #tpu.memory_space<vmem>>[vector<16xi32>, vector<16xi32>], vector<16xi32>, vector<16xi1>
    %add3A_159 = arith.constant 127 : i32
    %add3A_160 = arith.addi %scan3A_109, %add3A_159 : i32
    %shift_right_logical3A_161 = arith.constant 7 : i32
    %shift_right_logical3A_162 = arith.shrui %add3A_160, %shift_right_logical3A_161 : i32
    %while3A_163 = arith.constant 0 : i32
    %while3A_164 = arith.constant 0 : i32
    %while3A_165 = arith.subi %shift_right_logical3A_162, %while3A_164 : i32
    %while3A_166 = arith.addi %while3A_164, %while3A_165 : i32
    %while3A_167 = arith.constant 1 : i32
    %while3A_168 = arith.divsi %while3A_165, %while3A_167 : i32
    %while3A_169 = arith.muli %while3A_168, %while3A_167 : i32
    %while3A_170 = arith.addi %while3A_164, %while3A_169 : i32
    %while3A_171 = arith.constant 1 : i32
    scf.for %while3A_179 = %while3A_164 to %while3A_170 step %while3A_171  : i32 {
      %dma_start3A = arith.constant 0 : i32
      %dma_start3A_180 = tpu.memref_slice %arg8[%while3A_179, %dma_start3A] : memref<15x128xi32, #tpu.memory_space<vmem>> -> memref<1x128xi32, #tpu.memory_space<vmem>>
      %dma_start3A_181 = tpu.memref_squeeze %dma_start3A_180 : memref<1x128xi32, #tpu.memory_space<vmem>> -> memref<128xi32, #tpu.memory_space<vmem>>
      %dma_start3A_182 = arith.constant 0 : i32
      %dma_start3A_183 = arith.constant 0 : i32
      %dma_start3A_184 = tpu.memref_slice %arg2[%dma_start3A_182, %dma_start3A_183] : memref<50176x128xf32, #tpu.memory_space<hbm>> -> memref<50176x128xf32, #tpu.memory_space<hbm>>
      tpu.enqueue_indirect_dma source(%dma_start3A_184 : memref<50176x128xf32, #tpu.memory_space<hbm>>) target(%arg10 : memref<128x128xf32, #tpu.memory_space<vmem>>) offsets(%dma_start3A_181 : memref<128xi32, #tpu.memory_space<vmem>>) semaphore(%arg12 : memref<!tpu.dma_semaphore, #tpu.memory_space<semaphore_mem>>)
      %dma_wait3A = arith.constant 0 : i32
      %dma_wait3A_185 = tpu.memref_slice %arg8[%while3A_179, %dma_wait3A] : memref<15x128xi32, #tpu.memory_space<vmem>> -> memref<1x128xi32, #tpu.memory_space<vmem>>
      %dma_wait3A_186 = tpu.memref_squeeze %dma_wait3A_185 : memref<1x128xi32, #tpu.memory_space<vmem>> -> memref<128xi32, #tpu.memory_space<vmem>>
      %dma_wait3A_187 = arith.constant 0 : i32
      %dma_wait3A_188 = arith.constant 0 : i32
      %dma_wait3A_189 = tpu.memref_slice %arg2[%dma_wait3A_187, %dma_wait3A_188] : memref<50176x128xf32, #tpu.memory_space<hbm>> -> memref<50176x128xf32, #tpu.memory_space<hbm>>
      tpu.wait_indirect_dma semaphore(%arg12 : memref<!tpu.dma_semaphore, #tpu.memory_space<semaphore_mem>>) src(%dma_wait3A_189 : memref<50176x128xf32, #tpu.memory_space<hbm>>) dst(%arg10 : memref<128x128xf32, #tpu.memory_space<vmem>>)
      "tpu.region"() ({
        %run_scoped3A = tpu.sem_alloc : memref<!tpu.dma_semaphore, #tpu.memory_space<semaphore_mem>>
        %dma_start3A_190 = arith.constant 0 : i32
        %dma_start3A_191 = tpu.memref_slice %arg9[%while3A_179, %dma_start3A_190] : memref<15x128xi32, #tpu.memory_space<vmem>> -> memref<1x128xi32, #tpu.memory_space<vmem>>
        %dma_start3A_192 = tpu.memref_squeeze %dma_start3A_191 : memref<1x128xi32, #tpu.memory_space<vmem>> -> memref<128xi32, #tpu.memory_space<vmem>>
        %dma_start3A_193 = arith.constant 0 : i32
        %dma_start3A_194 = arith.constant 0 : i32
        %dma_start3A_195 = tpu.memref_slice %arg11[%dma_start3A_193, %dma_start3A_194] : memref<12552x128xf32, #tpu.memory_space<vmem_shared>> -> memref<12552x128xf32, #tpu.memory_space<vmem_shared>>
        tpu.enqueue_indirect_dma source(%arg10 : memref<128x128xf32, #tpu.memory_space<vmem>>) target(%dma_start3A_195 : memref<12552x128xf32, #tpu.memory_space<vmem_shared>>) offsets(%dma_start3A_192 : memref<128xi32, #tpu.memory_space<vmem>>) semaphore(%run_scoped3A : memref<!tpu.dma_semaphore, #tpu.memory_space<semaphore_mem>>) {add = true}
        %dma_wait3A_196 = arith.constant 0 : i32
        %dma_wait3A_197 = tpu.memref_slice %arg9[%while3A_179, %dma_wait3A_196] : memref<15x128xi32, #tpu.memory_space<vmem>> -> memref<1x128xi32, #tpu.memory_space<vmem>>
        %dma_wait3A_198 = tpu.memref_squeeze %dma_wait3A_197 : memref<1x128xi32, #tpu.memory_space<vmem>> -> memref<128xi32, #tpu.memory_space<vmem>>
        %dma_wait3A_199 = arith.constant 0 : i32
        %dma_wait3A_200 = arith.constant 0 : i32
        %dma_wait3A_201 = tpu.memref_slice %arg11[%dma_wait3A_199, %dma_wait3A_200] : memref<12552x128xf32, #tpu.memory_space<vmem_shared>> -> memref<12552x128xf32, #tpu.memory_space<vmem_shared>>
        tpu.wait_indirect_dma semaphore(%run_scoped3A : memref<!tpu.dma_semaphore, #tpu.memory_space<semaphore_mem>>) src(%arg10 : memref<128x128xf32, #tpu.memory_space<vmem>>) dst(%dma_wait3A_201 : memref<12552x128xf32, #tpu.memory_space<vmem_shared>>)
        tpu.yield
      }) : () -> ()
    }
    %while3A_172 = arith.constant 1 : i32
    scf.for %while3A_179 = %while3A_170 to %while3A_166 step %while3A_172  : i32 {
      %dma_start3A = arith.constant 0 : i32
      %dma_start3A_180 = tpu.memref_slice %arg8[%while3A_179, %dma_start3A] : memref<15x128xi32, #tpu.memory_space<vmem>> -> memref<1x128xi32, #tpu.memory_space<vmem>>
      %dma_start3A_181 = tpu.memref_squeeze %dma_start3A_180 : memref<1x128xi32, #tpu.memory_space<vmem>> -> memref<128xi32, #tpu.memory_space<vmem>>
      %dma_start3A_182 = arith.constant 0 : i32
      %dma_start3A_183 = arith.constant 0 : i32
      %dma_start3A_184 = tpu.memref_slice %arg2[%dma_start3A_182, %dma_start3A_183] : memref<50176x128xf32, #tpu.memory_space<hbm>> -> memref<50176x128xf32, #tpu.memory_space<hbm>>
      tpu.enqueue_indirect_dma source(%dma_start3A_184 : memref<50176x128xf32, #tpu.memory_space<hbm>>) target(%arg10 : memref<128x128xf32, #tpu.memory_space<vmem>>) offsets(%dma_start3A_181 : memref<128xi32, #tpu.memory_space<vmem>>) semaphore(%arg12 : memref<!tpu.dma_semaphore, #tpu.memory_space<semaphore_mem>>)
      %dma_wait3A = arith.constant 0 : i32
      %dma_wait3A_185 = tpu.memref_slice %arg8[%while3A_179, %dma_wait3A] : memref<15x128xi32, #tpu.memory_space<vmem>> -> memref<1x128xi32, #tpu.memory_space<vmem>>
      %dma_wait3A_186 = tpu.memref_squeeze %dma_wait3A_185 : memref<1x128xi32, #tpu.memory_space<vmem>> -> memref<128xi32, #tpu.memory_space<vmem>>
      %dma_wait3A_187 = arith.constant 0 : i32
      %dma_wait3A_188 = arith.constant 0 : i32
      %dma_wait3A_189 = tpu.memref_slice %arg2[%dma_wait3A_187, %dma_wait3A_188] : memref<50176x128xf32, #tpu.memory_space<hbm>> -> memref<50176x128xf32, #tpu.memory_space<hbm>>
      tpu.wait_indirect_dma semaphore(%arg12 : memref<!tpu.dma_semaphore, #tpu.memory_space<semaphore_mem>>) src(%dma_wait3A_189 : memref<50176x128xf32, #tpu.memory_space<hbm>>) dst(%arg10 : memref<128x128xf32, #tpu.memory_space<vmem>>)
      "tpu.region"() ({
        %run_scoped3A = tpu.sem_alloc : memref<!tpu.dma_semaphore, #tpu.memory_space<semaphore_mem>>
        %dma_start3A_190 = arith.constant 0 : i32
        %dma_start3A_191 = tpu.memref_slice %arg9[%while3A_179, %dma_start3A_190] : memref<15x128xi32, #tpu.memory_space<vmem>> -> memref<1x128xi32, #tpu.memory_space<vmem>>
        %dma_start3A_192 = tpu.memref_squeeze %dma_start3A_191 : memref<1x128xi32, #tpu.memory_space<vmem>> -> memref<128xi32, #tpu.memory_space<vmem>>
        %dma_start3A_193 = arith.constant 0 : i32
        %dma_start3A_194 = arith.constant 0 : i32
        %dma_start3A_195 = tpu.memref_slice %arg11[%dma_start3A_193, %dma_start3A_194] : memref<12552x128xf32, #tpu.memory_space<vmem_shared>> -> memref<12552x128xf32, #tpu.memory_space<vmem_shared>>
        tpu.enqueue_indirect_dma source(%arg10 : memref<128x128xf32, #tpu.memory_space<vmem>>) target(%dma_start3A_195 : memref<12552x128xf32, #tpu.memory_space<vmem_shared>>) offsets(%dma_start3A_192 : memref<128xi32, #tpu.memory_space<vmem>>) semaphore(%run_scoped3A : memref<!tpu.dma_semaphore, #tpu.memory_space<semaphore_mem>>) {add = true}
        %dma_wait3A_196 = arith.constant 0 : i32
        %dma_wait3A_197 = tpu.memref_slice %arg9[%while3A_179, %dma_wait3A_196] : memref<15x128xi32, #tpu.memory_space<vmem>> -> memref<1x128xi32, #tpu.memory_space<vmem>>
        %dma_wait3A_198 = tpu.memref_squeeze %dma_wait3A_197 : memref<1x128xi32, #tpu.memory_space<vmem>> -> memref<128xi32, #tpu.memory_space<vmem>>
        %dma_wait3A_199 = arith.constant 0 : i32
        %dma_wait3A_200 = arith.constant 0 : i32
        %dma_wait3A_201 = tpu.memref_slice %arg11[%dma_wait3A_199, %dma_wait3A_200] : memref<12552x128xf32, #tpu.memory_space<vmem_shared>> -> memref<12552x128xf32, #tpu.memory_space<vmem_shared>>
        tpu.wait_indirect_dma semaphore(%run_scoped3A : memref<!tpu.dma_semaphore, #tpu.memory_space<semaphore_mem>>) src(%arg10 : memref<128x128xf32, #tpu.memory_space<vmem>>) dst(%dma_wait3A_201 : memref<12552x128xf32, #tpu.memory_space<vmem_shared>>)
        tpu.yield
      }) : () -> ()
    }
    %barrier3A_173 = arith.constant 0 : index
    tpu.barrier barrier_id(%barrier3A_173)
    %mul3A_174 = arith.constant 784 : i32
    %mul3A_175 = arith.muli %arg1, %mul3A_174 : i32
    %mul3A_176 = arith.constant 784 : i32
    %mul3A_177 = arith.muli %arg1, %mul3A_176 : i32
    %add3A_178 = arith.addi %mul3A_92, %mul3A_177 : i32
    "tpu.region"() ({
      %run_scoped3A = tpu.sem_alloc : memref<!tpu.dma_semaphore, #tpu.memory_space<semaphore_mem>>
      %dma_start3A = arith.constant 0 : i32
      %dma_start3A_179 = tpu.memref_slice %arg5[%add3A_178, %dma_start3A] : memref<50176x128xf32, #tpu.memory_space<hbm>> -> memref<784x128xf32, #tpu.memory_space<hbm>>
      %dma_start3A_180 = arith.constant 0 : i32
      %dma_start3A_181 = tpu.memref_slice %arg11[%mul3A_175, %dma_start3A_180] : memref<12552x128xf32, #tpu.memory_space<vmem_shared>> -> memref<784x128xf32, #tpu.memory_space<vmem_shared>>
      tpu.enqueue_dma source(%dma_start3A_181 : memref<784x128xf32, #tpu.memory_space<vmem_shared>>) target(%dma_start3A_179 : memref<784x128xf32, #tpu.memory_space<hbm>>) target_semaphore(%run_scoped3A : memref<!tpu.dma_semaphore, #tpu.memory_space<semaphore_mem>>)
      %dma_wait3A = arith.constant 0 : i32
      %dma_wait3A_182 = tpu.memref_slice %arg5[%add3A_178, %dma_wait3A] : memref<50176x128xf32, #tpu.memory_space<hbm>> -> memref<784x128xf32, #tpu.memory_space<hbm>>
      %dma_wait3A_183 = arith.constant 0 : i32
      %dma_wait3A_184 = tpu.memref_slice %arg11[%mul3A_175, %dma_wait3A_183] : memref<12552x128xf32, #tpu.memory_space<vmem_shared>> -> memref<784x128xf32, #tpu.memory_space<vmem_shared>>
      tpu.wait_dma2 semaphore(%run_scoped3A : memref<!tpu.dma_semaphore, #tpu.memory_space<semaphore_mem>>) src(%dma_wait3A_184 : memref<784x128xf32, #tpu.memory_space<vmem_shared>>) dst(%dma_wait3A_182 : memref<784x128xf32, #tpu.memory_space<hbm>>)
      tpu.yield
    }) : () -> ()
    return
  }
}

#map = affine_map<(d0, d1) -> (0, 0)>
#map1 = affine_map<(d0, d1) -> (0)>
module attributes {stable_mosaic.version = 14 : i64} {
  func.func @k(%arg0: i32, %arg1: i32, %arg2: memref<50176x128xf32, #tpu.memory_space<hbm>>, %arg3: memref<200704xi32, #tpu.memory_space<hbm>>, %arg4: memref<200704xi32, #tpu.memory_space<hbm>>, %arg5: memref<50176x128xf32, #tpu.memory_space<hbm>>, %arg6: memref<1792xi32, #tpu.memory_space<vmem>>, %arg7: memref<1792xi32, #tpu.memory_space<vmem>>, %arg8: memref<15x128xi32, #tpu.memory_space<vmem>>, %arg9: memref<15x128xi32, #tpu.memory_space<vmem>>, %arg10: memref<128x128xf32, #tpu.memory_space<vmem>>, %arg11: memref<12552x128xf32, #tpu.memory_space<vmem_shared>>, %arg12: memref<!tpu.dma_semaphore, #tpu.memory_space<semaphore_mem>>) attributes {dimension_semantics = [#tpu.dimension_semantics<core_parallel>, #tpu.dimension_semantics<subcore_parallel>], iteration_bounds = array<i64: 2, 16>, scalar_prefetch = 0 : i64, scratch_operands = 7 : i64, tpu.core_type = #tpu.core_type<sc_vector_subcore>, window_params = [{transform_indices = #map}, {transform_indices = #map1}, {transform_indices = #map1}, {transform_indices = #map}]} {
    %broadcast_in_dim3A = arith.constant 0 : i32
    %broadcast_in_dim3A_0 = vector.broadcast %broadcast_in_dim3A : i32 to vector<16xi32>
    %broadcast_in_dim3A_1 = arith.constant 12544 : i32
    %broadcast_in_dim3A_2 = vector.broadcast %broadcast_in_dim3A_1 : i32 to vector<16xi32>
    %mul3A = arith.constant 2 : i32
    %mul3A_3 = arith.muli %mul3A, %arg0 : i32
    %add3A = arith.constant 0 : i32
    %add3A_4 = arith.addi %mul3A_3, %add3A : i32
    %mul3A_5 = arith.constant 12544 : i32
    %mul3A_6 = arith.muli %add3A_4, %mul3A_5 : i32
    %scan3A = arith.constant 0 : i32
    %scan3A_7 = arith.constant 128 : i32
    %scan3A_8 = arith.addi %scan3A, %scan3A_7 : i32
    %scan3A_9 = arith.constant 1 : i32
    scf.for %scan3A_179 = %scan3A to %scan3A_8 step %scan3A_9  : i32 {
      %mul3A_180 = arith.constant 1 : i32
      %mul3A_181 = arith.muli %scan3A_179, %mul3A_180 : i32
      %add3A_182 = arith.constant 0 : i32
      %add3A_183 = arith.addi %add3A_182, %mul3A_181 : i32
      %broadcast_in_dim3A_184 = arith.constant 0.000000e+00 : f32
      %broadcast_in_dim3A_185 = vector.broadcast %broadcast_in_dim3A_184 : f32 to vector<16xf32>
      %swap3A = arith.index_cast %add3A_183 : i32 to index
      %swap3A_186 = arith.constant 0 : index
      %swap3A_187 = tpu.vector_load %arg10[%swap3A, %swap3A_186] {strides = array<i32>} : memref<128x128xf32, #tpu.memory_space<vmem>>, vector<16xf32>,
      tpu.vector_store %arg10[%swap3A, %swap3A_186], %broadcast_in_dim3A_185 {strides = array<i32>} : memref<128x128xf32, #tpu.memory_space<vmem>>, vector<16xf32>,
      %broadcast_in_dim3A_188 = arith.constant 0.000000e+00 : f32
      %broadcast_in_dim3A_189 = vector.broadcast %broadcast_in_dim3A_188 : f32 to vector<16xf32>
      %swap3A_190 = arith.index_cast %add3A_183 : i32 to index
      %swap3A_191 = arith.constant 16 : index
      %swap3A_192 = tpu.vector_load %arg10[%swap3A_190, %swap3A_191] {strides = array<i32>} : memref<128x128xf32, #tpu.memory_space<vmem>>, vector<16xf32>,
      tpu.vector_store %arg10[%swap3A_190, %swap3A_191], %broadcast_in_dim3A_189 {strides = array<i32>} : memref<128x128xf32, #tpu.memory_space<vmem>>, vector<16xf32>,
      %broadcast_in_dim3A_193 = arith.constant 0.000000e+00 : f32
      %broadcast_in_dim3A_194 = vector.broadcast %broadcast_in_dim3A_193 : f32 to vector<16xf32>
      %swap3A_195 = arith.index_cast %add3A_183 : i32 to index
      %swap3A_196 = arith.constant 32 : index
      %swap3A_197 = tpu.vector_load %arg10[%swap3A_195, %swap3A_196] {strides = array<i32>} : memref<128x128xf32, #tpu.memory_space<vmem>>, vector<16xf32>,
      tpu.vector_store %arg10[%swap3A_195, %swap3A_196], %broadcast_in_dim3A_194 {strides = array<i32>} : memref<128x128xf32, #tpu.memory_space<vmem>>, vector<16xf32>,
      %broadcast_in_dim3A_198 = arith.constant 0.000000e+00 : f32
      %broadcast_in_dim3A_199 = vector.broadcast %broadcast_in_dim3A_198 : f32 to vector<16xf32>
      %swap3A_200 = arith.index_cast %add3A_183 : i32 to index
      %swap3A_201 = arith.constant 48 : index
      %swap3A_202 = tpu.vector_load %arg10[%swap3A_200, %swap3A_201] {strides = array<i32>} : memref<128x128xf32, #tpu.memory_space<vmem>>, vector<16xf32>,
      tpu.vector_store %arg10[%swap3A_200, %swap3A_201], %broadcast_in_dim3A_199 {strides = array<i32>} : memref<128x128xf32, #tpu.memory_space<vmem>>, vector<16xf32>,
      %broadcast_in_dim3A_203 = arith.constant 0.000000e+00 : f32
      %broadcast_in_dim3A_204 = vector.broadcast %broadcast_in_dim3A_203 : f32 to vector<16xf32>
      %swap3A_205 = arith.index_cast %add3A_183 : i32 to index
      %swap3A_206 = arith.constant 64 : index
      %swap3A_207 = tpu.vector_load %arg10[%swap3A_205, %swap3A_206] {strides = array<i32>} : memref<128x128xf32, #tpu.memory_space<vmem>>, vector<16xf32>,
      tpu.vector_store %arg10[%swap3A_205, %swap3A_206], %broadcast_in_dim3A_204 {strides = array<i32>} : memref<128x128xf32, #tpu.memory_space<vmem>>, vector<16xf32>,
      %broadcast_in_dim3A_208 = arith.constant 0.000000e+00 : f32
      %broadcast_in_dim3A_209 = vector.broadcast %broadcast_in_dim3A_208 : f32 to vector<16xf32>
      %swap3A_210 = arith.index_cast %add3A_183 : i32 to index
      %swap3A_211 = arith.constant 80 : index
      %swap3A_212 = tpu.vector_load %arg10[%swap3A_210, %swap3A_211] {strides = array<i32>} : memref<128x128xf32, #tpu.memory_space<vmem>>, vector<16xf32>,
      tpu.vector_store %arg10[%swap3A_210, %swap3A_211], %broadcast_in_dim3A_209 {strides = array<i32>} : memref<128x128xf32, #tpu.memory_space<vmem>>, vector<16xf32>,
      %broadcast_in_dim3A_213 = arith.constant 0.000000e+00 : f32
      %broadcast_in_dim3A_214 = vector.broadcast %broadcast_in_dim3A_213 : f32 to vector<16xf32>
      %swap3A_215 = arith.index_cast %add3A_183 : i32 to index
      %swap3A_216 = arith.constant 96 : index
      %swap3A_217 = tpu.vector_load %arg10[%swap3A_215, %swap3A_216] {strides = array<i32>} : memref<128x128xf32, #tpu.memory_space<vmem>>, vector<16xf32>,
      tpu.vector_store %arg10[%swap3A_215, %swap3A_216], %broadcast_in_dim3A_214 {strides = array<i32>} : memref<128x128xf32, #tpu.memory_space<vmem>>, vector<16xf32>,
      %broadcast_in_dim3A_218 = arith.constant 0.000000e+00 : f32
      %broadcast_in_dim3A_219 = vector.broadcast %broadcast_in_dim3A_218 : f32 to vector<16xf32>
      %swap3A_220 = arith.index_cast %add3A_183 : i32 to index
      %swap3A_221 = arith.constant 112 : index
      %swap3A_222 = tpu.vector_load %arg10[%swap3A_220, %swap3A_221] {strides = array<i32>} : memref<128x128xf32, #tpu.memory_space<vmem>>, vector<16xf32>,
      tpu.vector_store %arg10[%swap3A_220, %swap3A_221], %broadcast_in_dim3A_219 {strides = array<i32>} : memref<128x128xf32, #tpu.memory_space<vmem>>, vector<16xf32>,
    }
    %scan3A_10 = arith.constant 128 : i32
    %scan3A_11 = arith.constant 0 : i32
    %scan3A_12 = arith.constant 8 : i32
    %scan3A_13 = arith.addi %scan3A_11, %scan3A_12 : i32
    %scan3A_14 = arith.constant 1 : i32
    scf.for %scan3A_179 = %scan3A_11 to %scan3A_13 step %scan3A_14  : i32 {
      %mul3A_180 = arith.constant 1 : i32
      %mul3A_181 = arith.muli %scan3A_179, %mul3A_180 : i32
      %add3A_182 = arith.constant 0 : i32
      %add3A_183 = arith.addi %add3A_182, %mul3A_181 : i32
      %mul3A_184 = arith.constant 784 : i32
      %mul3A_185 = arith.muli %arg1, %mul3A_184 : i32
      %mul3A_186 = arith.constant 98 : i32
      %mul3A_187 = arith.muli %add3A_183, %mul3A_186 : i32
      %add3A_188 = arith.addi %mul3A_185, %mul3A_187 : i32
      "tpu.region"() ({
        %run_scoped3A = tpu.sem_alloc : memref<!tpu.dma_semaphore, #tpu.memory_space<semaphore_mem>>
        %dma_start3A = arith.constant 0 : i32
        %dma_start3A_189 = arith.constant 0 : i32
        %dma_start3A_190 = tpu.memref_slice %arg10[%dma_start3A, %dma_start3A_189] : memref<128x128xf32, #tpu.memory_space<vmem>> -> memref<98x128xf32, #tpu.memory_space<vmem>>
        %dma_start3A_191 = arith.constant 0 : i32
        %dma_start3A_192 = tpu.memref_slice %arg11[%add3A_188, %dma_start3A_191] : memref<12552x128xf32, #tpu.memory_space<vmem_shared>> -> memref<98x128xf32, #tpu.memory_space<vmem_shared>>
        %dma_start3A_193 = arith.constant 0 : i32
        %dma_start3A_194 = tpu.memref_slice %arg11[%add3A_188, %dma_start3A_193] : memref<12552x128xf32, #tpu.memory_space<vmem_shared>> -> memref<98x128xf32, #tpu.memory_space<vmem_shared>>
        %dma_start3A_195 = arith.constant 0 : i32
        %dma_start3A_196 = arith.constant 0 : i32
        %dma_start3A_197 = tpu.memref_slice %arg10[%dma_start3A_195, %dma_start3A_196] : memref<128x128xf32, #tpu.memory_space<vmem>> -> memref<98x128xf32, #tpu.memory_space<vmem>>
        tpu.enqueue_dma source(%dma_start3A_197 : memref<98x128xf32, #tpu.memory_space<vmem>>) target(%dma_start3A_194 : memref<98x128xf32, #tpu.memory_space<vmem_shared>>) target_semaphore(%run_scoped3A : memref<!tpu.dma_semaphore, #tpu.memory_space<semaphore_mem>>)
        %dma_wait3A = arith.constant 0 : i32
        %dma_wait3A_198 = arith.constant 0 : i32
        %dma_wait3A_199 = tpu.memref_slice %arg10[%dma_wait3A, %dma_wait3A_198] : memref<128x128xf32, #tpu.memory_space<vmem>> -> memref<98x128xf32, #tpu.memory_space<vmem>>
        %dma_wait3A_200 = arith.constant 0 : i32
        %dma_wait3A_201 = tpu.memref_slice %arg11[%add3A_188, %dma_wait3A_200] : memref<12552x128xf32, #tpu.memory_space<vmem_shared>> -> memref<98x128xf32, #tpu.memory_space<vmem_shared>>
        %dma_wait3A_202 = arith.constant 0 : i32
        %dma_wait3A_203 = tpu.memref_slice %arg11[%add3A_188, %dma_wait3A_202] : memref<12552x128xf32, #tpu.memory_space<vmem_shared>> -> memref<98x128xf32, #tpu.memory_space<vmem_shared>>
        %dma_wait3A_204 = arith.constant 0 : i32
        %dma_wait3A_205 = arith.constant 0 : i32
        %dma_wait3A_206 = tpu.memref_slice %arg10[%dma_wait3A_204, %dma_wait3A_205] : memref<128x128xf32, #tpu.memory_space<vmem>> -> memref<98x128xf32, #tpu.memory_space<vmem>>
        tpu.wait_dma2 semaphore(%run_scoped3A : memref<!tpu.dma_semaphore, #tpu.memory_space<semaphore_mem>>) src(%dma_wait3A_206 : memref<98x128xf32, #tpu.memory_space<vmem>>) dst(%dma_wait3A_203 : memref<98x128xf32, #tpu.memory_space<vmem_shared>>)
        tpu.yield
      }) : () -> ()
    }
    %scan3A_15 = arith.constant 8 : i32
    %barrier3A = arith.constant 0 : index
    tpu.barrier barrier_id(%barrier3A)
    %scan3A_16 = arith.constant 0 : i32
    %scan3A_17 = arith.constant 0 : i32
    %scan3A_18 = arith.constant 7 : i32
    %scan3A_19 = arith.addi %scan3A_17, %scan3A_18 : i32
    %scan3A_20 = arith.constant 1 : i32
    %scan3A_21 = scf.for %scan3A_179 = %scan3A_17 to %scan3A_19 step %scan3A_20 iter_args(%scan3A_180 = %scan3A_16) -> (i32)  : i32 {
      %mul3A_181 = arith.constant 12544 : i32
      %mul3A_182 = arith.muli %arg1, %mul3A_181 : i32
      %mul3A_183 = arith.constant 1792 : i32
      %mul3A_184 = arith.muli %scan3A_179, %mul3A_183 : i32
      %add3A_185 = arith.addi %mul3A_182, %mul3A_184 : i32
      "tpu.region"() ({
        %run_scoped3A = tpu.sem_alloc : memref<!tpu.dma_semaphore, #tpu.memory_space<semaphore_mem>>
        %dma_start3A = tpu.memref_slice %arg4[%add3A_185] : memref<200704xi32, #tpu.memory_space<hbm>> -> memref<1792xi32, #tpu.memory_space<hbm>>
        %dma_start3A_316 = tpu.memref_slice %arg4[%add3A_185] : memref<200704xi32, #tpu.memory_space<hbm>> -> memref<1792xi32, #tpu.memory_space<hbm>>
        tpu.enqueue_dma source(%dma_start3A_316 : memref<1792xi32, #tpu.memory_space<hbm>>) target(%arg6 : memref<1792xi32, #tpu.memory_space<vmem>>) target_semaphore(%run_scoped3A : memref<!tpu.dma_semaphore, #tpu.memory_space<semaphore_mem>>)
        %dma_wait3A = tpu.memref_slice %arg4[%add3A_185] : memref<200704xi32, #tpu.memory_space<hbm>> -> memref<1792xi32, #tpu.memory_space<hbm>>
        %dma_wait3A_317 = tpu.memref_slice %arg4[%add3A_185] : memref<200704xi32, #tpu.memory_space<hbm>> -> memref<1792xi32, #tpu.memory_space<hbm>>
        tpu.wait_dma2 semaphore(%run_scoped3A : memref<!tpu.dma_semaphore, #tpu.memory_space<semaphore_mem>>) src(%dma_wait3A_317 : memref<1792xi32, #tpu.memory_space<hbm>>) dst(%arg6 : memref<1792xi32, #tpu.memory_space<vmem>>)
        tpu.yield
      }) : () -> ()
      "tpu.region"() ({
        %run_scoped3A = tpu.sem_alloc : memref<!tpu.dma_semaphore, #tpu.memory_space<semaphore_mem>>
        %dma_start3A = tpu.memref_slice %arg3[%add3A_185] : memref<200704xi32, #tpu.memory_space<hbm>> -> memref<1792xi32, #tpu.memory_space<hbm>>
        %dma_start3A_316 = tpu.memref_slice %arg3[%add3A_185] : memref<200704xi32, #tpu.memory_space<hbm>> -> memref<1792xi32, #tpu.memory_space<hbm>>
        tpu.enqueue_dma source(%dma_start3A_316 : memref<1792xi32, #tpu.memory_space<hbm>>) target(%arg7 : memref<1792xi32, #tpu.memory_space<vmem>>) target_semaphore(%run_scoped3A : memref<!tpu.dma_semaphore, #tpu.memory_space<semaphore_mem>>)
        %dma_wait3A = tpu.memref_slice %arg3[%add3A_185] : memref<200704xi32, #tpu.memory_space<hbm>> -> memref<1792xi32, #tpu.memory_space<hbm>>
        %dma_wait3A_317 = tpu.memref_slice %arg3[%add3A_185] : memref<200704xi32, #tpu.memory_space<hbm>> -> memref<1792xi32, #tpu.memory_space<hbm>>
        tpu.wait_dma2 semaphore(%run_scoped3A : memref<!tpu.dma_semaphore, #tpu.memory_space<semaphore_mem>>) src(%dma_wait3A_317 : memref<1792xi32, #tpu.memory_space<hbm>>) dst(%arg7 : memref<1792xi32, #tpu.memory_space<vmem>>)
        tpu.yield
      }) : () -> ()
      %scan3A_186 = arith.constant 0 : i32
      %scan3A_187 = arith.constant 112 : i32
      %scan3A_188 = arith.addi %scan3A_186, %scan3A_187 : i32
      %scan3A_189 = arith.constant 1 : i32
      %scan3A_190 = scf.for %scan3A_316 = %scan3A_186 to %scan3A_188 step %scan3A_189 iter_args(%scan3A_317 = %scan3A_180) -> (i32)  : i32 {
        %mul3A_318 = arith.constant 16 : i32
        %mul3A_319 = arith.muli %scan3A_316, %mul3A_318 : i32
        %get3A = arith.index_cast %mul3A_319 : i32 to index
        %get3A_320 = tpu.vector_load %arg6[%get3A] {strides = array<i32>} : memref<1792xi32, #tpu.memory_space<vmem>>, vector<16xi32>,
        %mul3A_321 = arith.constant 16 : i32
        %mul3A_322 = arith.muli %scan3A_316, %mul3A_321 : i32
        %get3A_323 = arith.index_cast %mul3A_322 : i32 to index
        %get3A_324 = tpu.vector_load %arg7[%get3A_323] {strides = array<i32>} : memref<1792xi32, #tpu.memory_space<vmem>>, vector<16xi32>,
        %ge3A_325 = vector.broadcast %mul3A_6 : i32 to vector<16xi32>
        %ge3A_326 = arith.cmpi sge, %get3A_320, %ge3A_325 : vector<16xi32>
        %add3A_327 = arith.constant 12544 : i32
        %add3A_328 = arith.addi %mul3A_6, %add3A_327 : i32
        %lt3A = vector.broadcast %add3A_328 : i32 to vector<16xi32>
        %lt3A_329 = arith.cmpi slt, %get3A_320, %lt3A : vector<16xi32>
        %and3A_330 = arith.andi %ge3A_326, %lt3A_329 : vector<16xi1>
        %convert_element_type3A = arith.extui %and3A_330 : vector<16xi1> to vector<16xi32>
        %broadcast_in_dim3A_331 = arith.constant true
        %broadcast_in_dim3A_332 = vector.broadcast %broadcast_in_dim3A_331 : i1 to vector<16xi1>
        %masked_cumsum3A = tpu.scan <sum>, %convert_element_type3A masked %broadcast_in_dim3A_332 : vector<16xi32>, vector<16xi1> -> vector<16xi32>
        %add3A_333 = vector.broadcast %scan3A_317 : i32 to vector<16xi32>
        %add3A_334 = arith.addi %add3A_333, %masked_cumsum3A : vector<16xi32>
        %sub3A = arith.constant 1 : i32
        %sub3A_335 = vector.broadcast %sub3A : i32 to vector<16xi32>
        %sub3A_336 = arith.subi %add3A_334, %sub3A_335 : vector<16xi32>
        %shift_right_logical3A_337 = arith.constant 7 : i32
        %shift_right_logical3A_338 = vector.broadcast %shift_right_logical3A_337 : i32 to vector<16xi32>
        %shift_right_logical3A_339 = arith.shrui %sub3A_336, %shift_right_logical3A_338 : vector<16xi32>
        %and3A_340 = arith.constant 127 : i32
        %and3A_341 = vector.broadcast %and3A_340 : i32 to vector<16xi32>
        %and3A_342 = arith.andi %sub3A_336, %and3A_341 : vector<16xi32>
        tpu.vector_store_idx %arg8[%shift_right_logical3A_339, %and3A_342], %get3A_324 masked %and3A_330 : memref<15x128xi32, #tpu.memory_space<vmem>>[vector<16xi32>, vector<16xi32>], vector<16xi32>, vector<16xi1>
        %sub3A_343 = vector.broadcast %mul3A_6 : i32 to vector<16xi32>
        %sub3A_344 = arith.subi %get3A_320, %sub3A_343 : vector<16xi32>
        tpu.vector_store_idx %arg9[%shift_right_logical3A_339, %and3A_342], %sub3A_344 masked %and3A_330 : memref<15x128xi32, #tpu.memory_space<vmem>>[vector<16xi32>, vector<16xi32>], vector<16xi32>, vector<16xi1>
        %reduce_sum3A = arith.constant true
        %reduce_sum3A_345 = vector.broadcast %reduce_sum3A : i1 to vector<16xi1>
        %reduce_sum3A_346 = tpu.scan <sum>, %convert_element_type3A masked %reduce_sum3A_345 : vector<16xi32>, vector<16xi1> -> vector<16xi32>
        %reduce_sum3A_347 = vector.extract %reduce_sum3A_346[15] : i32 from vector<16xi32>
        %add3A_348 = arith.addi %scan3A_317, %reduce_sum3A_347 : i32
        scf.yield %add3A_348 : i32
      }
      %scan3A_191 = arith.constant 112 : i32
      %shift_right_logical3A_192 = arith.constant 7 : i32
      %shift_right_logical3A_193 = arith.shrui %scan3A_190, %shift_right_logical3A_192 : i32
      %while3A_194 = arith.constant 0 : i32
      %while3A_195 = arith.constant 0 : i32
      %while3A_196 = arith.subi %shift_right_logical3A_193, %while3A_195 : i32
      %while3A_197 = arith.addi %while3A_195, %while3A_196 : i32
      %while3A_198 = arith.constant 1 : i32
      %while3A_199 = arith.divsi %while3A_196, %while3A_198 : i32
      %while3A_200 = arith.muli %while3A_199, %while3A_198 : i32
      %while3A_201 = arith.addi %while3A_195, %while3A_200 : i32
      %while3A_202 = arith.constant 1 : i32
      scf.for %while3A_316 = %while3A_195 to %while3A_201 step %while3A_202  : i32 {
        %dma_start3A = arith.constant 0 : i32
        %dma_start3A_317 = tpu.memref_slice %arg8[%while3A_316, %dma_start3A] : memref<15x128xi32, #tpu.memory_space<vmem>> -> memref<1x128xi32, #tpu.memory_space<vmem>>
        %dma_start3A_318 = tpu.memref_squeeze %dma_start3A_317 : memref<1x128xi32, #tpu.memory_space<vmem>> -> memref<128xi32, #tpu.memory_space<vmem>>
        %dma_start3A_319 = arith.constant 0 : i32
        %dma_start3A_320 = arith.constant 0 : i32
        %dma_start3A_321 = tpu.memref_slice %arg2[%dma_start3A_319, %dma_start3A_320] : memref<50176x128xf32, #tpu.memory_space<hbm>> -> memref<50176x128xf32, #tpu.memory_space<hbm>>
        tpu.enqueue_indirect_dma source(%dma_start3A_321 : memref<50176x128xf32, #tpu.memory_space<hbm>>) target(%arg10 : memref<128x128xf32, #tpu.memory_space<vmem>>) offsets(%dma_start3A_318 : memref<128xi32, #tpu.memory_space<vmem>>) semaphore(%arg12 : memref<!tpu.dma_semaphore, #tpu.memory_space<semaphore_mem>>)
        %dma_wait3A = arith.constant 0 : i32
        %dma_wait3A_322 = tpu.memref_slice %arg8[%while3A_316, %dma_wait3A] : memref<15x128xi32, #tpu.memory_space<vmem>> -> memref<1x128xi32, #tpu.memory_space<vmem>>
        %dma_wait3A_323 = tpu.memref_squeeze %dma_wait3A_322 : memref<1x128xi32, #tpu.memory_space<vmem>> -> memref<128xi32, #tpu.memory_space<vmem>>
        %dma_wait3A_324 = arith.constant 0 : i32
        %dma_wait3A_325 = arith.constant 0 : i32
        %dma_wait3A_326 = tpu.memref_slice %arg2[%dma_wait3A_324, %dma_wait3A_325] : memref<50176x128xf32, #tpu.memory_space<hbm>> -> memref<50176x128xf32, #tpu.memory_space<hbm>>
        tpu.wait_indirect_dma semaphore(%arg12 : memref<!tpu.dma_semaphore, #tpu.memory_space<semaphore_mem>>) src(%dma_wait3A_326 : memref<50176x128xf32, #tpu.memory_space<hbm>>) dst(%arg10 : memref<128x128xf32, #tpu.memory_space<vmem>>)
        "tpu.region"() ({
          %run_scoped3A = tpu.sem_alloc : memref<!tpu.dma_semaphore, #tpu.memory_space<semaphore_mem>>
          %dma_start3A_327 = arith.constant 0 : i32
          %dma_start3A_328 = tpu.memref_slice %arg9[%while3A_316, %dma_start3A_327] : memref<15x128xi32, #tpu.memory_space<vmem>> -> memref<1x128xi32, #tpu.memory_space<vmem>>
          %dma_start3A_329 = tpu.memref_squeeze %dma_start3A_328 : memref<1x128xi32, #tpu.memory_space<vmem>> -> memref<128xi32, #tpu.memory_space<vmem>>
          %dma_start3A_330 = arith.constant 0 : i32
          %dma_start3A_331 = arith.constant 0 : i32
          %dma_start3A_332 = tpu.memref_slice %arg11[%dma_start3A_330, %dma_start3A_331] : memref<12552x128xf32, #tpu.memory_space<vmem_shared>> -> memref<12552x128xf32, #tpu.memory_space<vmem_shared>>
          tpu.enqueue_indirect_dma source(%arg10 : memref<128x128xf32, #tpu.memory_space<vmem>>) target(%dma_start3A_332 : memref<12552x128xf32, #tpu.memory_space<vmem_shared>>) offsets(%dma_start3A_329 : memref<128xi32, #tpu.memory_space<vmem>>) semaphore(%run_scoped3A : memref<!tpu.dma_semaphore, #tpu.memory_space<semaphore_mem>>) {add = true}
          %dma_wait3A_333 = arith.constant 0 : i32
          %dma_wait3A_334 = tpu.memref_slice %arg9[%while3A_316, %dma_wait3A_333] : memref<15x128xi32, #tpu.memory_space<vmem>> -> memref<1x128xi32, #tpu.memory_space<vmem>>
          %dma_wait3A_335 = tpu.memref_squeeze %dma_wait3A_334 : memref<1x128xi32, #tpu.memory_space<vmem>> -> memref<128xi32, #tpu.memory_space<vmem>>
          %dma_wait3A_336 = arith.constant 0 : i32
          %dma_wait3A_337 = arith.constant 0 : i32
          %dma_wait3A_338 = tpu.memref_slice %arg11[%dma_wait3A_336, %dma_wait3A_337] : memref<12552x128xf32, #tpu.memory_space<vmem_shared>> -> memref<12552x128xf32, #tpu.memory_space<vmem_shared>>
          tpu.wait_indirect_dma semaphore(%run_scoped3A : memref<!tpu.dma_semaphore, #tpu.memory_space<semaphore_mem>>) src(%arg10 : memref<128x128xf32, #tpu.memory_space<vmem>>) dst(%dma_wait3A_338 : memref<12552x128xf32, #tpu.memory_space<vmem_shared>>)
          tpu.yield
        }) : () -> ()
      }
      %while3A_203 = arith.constant 1 : i32
      scf.for %while3A_316 = %while3A_201 to %while3A_197 step %while3A_203  : i32 {
        %dma_start3A = arith.constant 0 : i32
        %dma_start3A_317 = tpu.memref_slice %arg8[%while3A_316, %dma_start3A] : memref<15x128xi32, #tpu.memory_space<vmem>> -> memref<1x128xi32, #tpu.memory_space<vmem>>
        %dma_start3A_318 = tpu.memref_squeeze %dma_start3A_317 : memref<1x128xi32, #tpu.memory_space<vmem>> -> memref<128xi32, #tpu.memory_space<vmem>>
        %dma_start3A_319 = arith.constant 0 : i32
        %dma_start3A_320 = arith.constant 0 : i32
        %dma_start3A_321 = tpu.memref_slice %arg2[%dma_start3A_319, %dma_start3A_320] : memref<50176x128xf32, #tpu.memory_space<hbm>> -> memref<50176x128xf32, #tpu.memory_space<hbm>>
        tpu.enqueue_indirect_dma source(%dma_start3A_321 : memref<50176x128xf32, #tpu.memory_space<hbm>>) target(%arg10 : memref<128x128xf32, #tpu.memory_space<vmem>>) offsets(%dma_start3A_318 : memref<128xi32, #tpu.memory_space<vmem>>) semaphore(%arg12 : memref<!tpu.dma_semaphore, #tpu.memory_space<semaphore_mem>>)
        %dma_wait3A = arith.constant 0 : i32
        %dma_wait3A_322 = tpu.memref_slice %arg8[%while3A_316, %dma_wait3A] : memref<15x128xi32, #tpu.memory_space<vmem>> -> memref<1x128xi32, #tpu.memory_space<vmem>>
        %dma_wait3A_323 = tpu.memref_squeeze %dma_wait3A_322 : memref<1x128xi32, #tpu.memory_space<vmem>> -> memref<128xi32, #tpu.memory_space<vmem>>
        %dma_wait3A_324 = arith.constant 0 : i32
        %dma_wait3A_325 = arith.constant 0 : i32
        %dma_wait3A_326 = tpu.memref_slice %arg2[%dma_wait3A_324, %dma_wait3A_325] : memref<50176x128xf32, #tpu.memory_space<hbm>> -> memref<50176x128xf32, #tpu.memory_space<hbm>>
        tpu.wait_indirect_dma semaphore(%arg12 : memref<!tpu.dma_semaphore, #tpu.memory_space<semaphore_mem>>) src(%dma_wait3A_326 : memref<50176x128xf32, #tpu.memory_space<hbm>>) dst(%arg10 : memref<128x128xf32, #tpu.memory_space<vmem>>)
        "tpu.region"() ({
          %run_scoped3A = tpu.sem_alloc : memref<!tpu.dma_semaphore, #tpu.memory_space<semaphore_mem>>
          %dma_start3A_327 = arith.constant 0 : i32
          %dma_start3A_328 = tpu.memref_slice %arg9[%while3A_316, %dma_start3A_327] : memref<15x128xi32, #tpu.memory_space<vmem>> -> memref<1x128xi32, #tpu.memory_space<vmem>>
          %dma_start3A_329 = tpu.memref_squeeze %dma_start3A_328 : memref<1x128xi32, #tpu.memory_space<vmem>> -> memref<128xi32, #tpu.memory_space<vmem>>
          %dma_start3A_330 = arith.constant 0 : i32
          %dma_start3A_331 = arith.constant 0 : i32
          %dma_start3A_332 = tpu.memref_slice %arg11[%dma_start3A_330, %dma_start3A_331] : memref<12552x128xf32, #tpu.memory_space<vmem_shared>> -> memref<12552x128xf32, #tpu.memory_space<vmem_shared>>
          tpu.enqueue_indirect_dma source(%arg10 : memref<128x128xf32, #tpu.memory_space<vmem>>) target(%dma_start3A_332 : memref<12552x128xf32, #tpu.memory_space<vmem_shared>>) offsets(%dma_start3A_329 : memref<128xi32, #tpu.memory_space<vmem>>) semaphore(%run_scoped3A : memref<!tpu.dma_semaphore, #tpu.memory_space<semaphore_mem>>) {add = true}
          %dma_wait3A_333 = arith.constant 0 : i32
          %dma_wait3A_334 = tpu.memref_slice %arg9[%while3A_316, %dma_wait3A_333] : memref<15x128xi32, #tpu.memory_space<vmem>> -> memref<1x128xi32, #tpu.memory_space<vmem>>
          %dma_wait3A_335 = tpu.memref_squeeze %dma_wait3A_334 : memref<1x128xi32, #tpu.memory_space<vmem>> -> memref<128xi32, #tpu.memory_space<vmem>>
          %dma_wait3A_336 = arith.constant 0 : i32
          %dma_wait3A_337 = arith.constant 0 : i32
          %dma_wait3A_338 = tpu.memref_slice %arg11[%dma_wait3A_336, %dma_wait3A_337] : memref<12552x128xf32, #tpu.memory_space<vmem_shared>> -> memref<12552x128xf32, #tpu.memory_space<vmem_shared>>
          tpu.wait_indirect_dma semaphore(%run_scoped3A : memref<!tpu.dma_semaphore, #tpu.memory_space<semaphore_mem>>) src(%arg10 : memref<128x128xf32, #tpu.memory_space<vmem>>) dst(%dma_wait3A_338 : memref<12552x128xf32, #tpu.memory_space<vmem_shared>>)
          tpu.yield
        }) : () -> ()
      }
      %broadcast_in_dim3A_204 = vector.broadcast %shift_right_logical3A_193 : i32 to vector<16xi32>
      %iota3A_205 = tpu.iota {dimensions = array<i32: 0>} : vector<16xi32>
      %add3A_206 = arith.constant 0 : i32
      %add3A_207 = vector.broadcast %add3A_206 : i32 to vector<16xi32>
      %add3A_208 = arith.addi %add3A_207, %iota3A_205 : vector<16xi32>
      %gather3A = tpu.vector_load_idx %arg8[%broadcast_in_dim3A_204, %add3A_208] : memref<15x128xi32, #tpu.memory_space<vmem>>[vector<16xi32>, vector<16xi32>], vector<16xi32>,
      %gather3A_209 = tpu.vector_load_idx %arg9[%broadcast_in_dim3A_204, %add3A_208] : memref<15x128xi32, #tpu.memory_space<vmem>>[vector<16xi32>, vector<16xi32>], vector<16xi32>,
      %swap3A = arith.constant 0 : i32
      %swap3A_210 = arith.index_cast %swap3A : i32 to index
      %swap3A_211 = arith.constant 0 : index
      %swap3A_212 = tpu.vector_load %arg8[%swap3A_210, %swap3A_211] {strides = array<i32>} : memref<15x128xi32, #tpu.memory_space<vmem>>, vector<16xi32>,
      tpu.vector_store %arg8[%swap3A_210, %swap3A_211], %gather3A {strides = array<i32>} : memref<15x128xi32, #tpu.memory_space<vmem>>, vector<16xi32>,
      %swap3A_213 = arith.constant 0 : i32
      %swap3A_214 = arith.index_cast %swap3A_213 : i32 to index
      %swap3A_215 = arith.constant 0 : index
      %swap3A_216 = tpu.vector_load %arg9[%swap3A_214, %swap3A_215] {strides = array<i32>} : memref<15x128xi32, #tpu.memory_space<vmem>>, vector<16xi32>,
      tpu.vector_store %arg9[%swap3A_214, %swap3A_215], %gather3A_209 {strides = array<i32>} : memref<15x128xi32, #tpu.memory_space<vmem>>, vector<16xi32>,
      %iota3A_217 = tpu.iota {dimensions = array<i32: 0>} : vector<16xi32>
      %add3A_218 = arith.constant 16 : i32
      %add3A_219 = vector.broadcast %add3A_218 : i32 to vector<16xi32>
      %add3A_220 = arith.addi %add3A_219, %iota3A_217 : vector<16xi32>
      %gather3A_221 = tpu.vector_load_idx %arg8[%broadcast_in_dim3A_204, %add3A_220] : memref<15x128xi32, #tpu.memory_space<vmem>>[vector<16xi32>, vector<16xi32>], vector<16xi32>,
      %gather3A_222 = tpu.vector_load_idx %arg9[%broadcast_in_dim3A_204, %add3A_220] : memref<15x128xi32, #tpu.memory_space<vmem>>[vector<16xi32>, vector<16xi32>], vector<16xi32>,
      %swap3A_223 = arith.constant 0 : i32
      %swap3A_224 = arith.index_cast %swap3A_223 : i32 to index
      %swap3A_225 = arith.constant 16 : index
      %swap3A_226 = tpu.vector_load %arg8[%swap3A_224, %swap3A_225] {strides = array<i32>} : memref<15x128xi32, #tpu.memory_space<vmem>>, vector<16xi32>,
      tpu.vector_store %arg8[%swap3A_224, %swap3A_225], %gather3A_221 {strides = array<i32>} : memref<15x128xi32, #tpu.memory_space<vmem>>, vector<16xi32>,
      %swap3A_227 = arith.constant 0 : i32
      %swap3A_228 = arith.index_cast %swap3A_227 : i32 to index
      %swap3A_229 = arith.constant 16 : index
      %swap3A_230 = tpu.vector_load %arg9[%swap3A_228, %swap3A_229] {strides = array<i32>} : memref<15x128xi32, #tpu.memory_space<vmem>>, vector<16xi32>,
      tpu.vector_store %arg9[%swap3A_228, %swap3A_229], %gather3A_222 {strides = array<i32>} : memref<15x128xi32, #tpu.memory_space<vmem>>, vector<16xi32>,
      %iota3A_231 = tpu.iota {dimensions = array<i32: 0>} : vector<16xi32>
      %add3A_232 = arith.constant 32 : i32
      %add3A_233 = vector.broadcast %add3A_232 : i32 to vector<16xi32>
      %add3A_234 = arith.addi %add3A_233, %iota3A_231 : vector<16xi32>
      %gather3A_235 = tpu.vector_load_idx %arg8[%broadcast_in_dim3A_204, %add3A_234] : memref<15x128xi32, #tpu.memory_space<vmem>>[vector<16xi32>, vector<16xi32>], vector<16xi32>,
      %gather3A_236 = tpu.vector_load_idx %arg9[%broadcast_in_dim3A_204, %add3A_234] : memref<15x128xi32, #tpu.memory_space<vmem>>[vector<16xi32>, vector<16xi32>], vector<16xi32>,
      %swap3A_237 = arith.constant 0 : i32
      %swap3A_238 = arith.index_cast %swap3A_237 : i32 to index
      %swap3A_239 = arith.constant 32 : index
      %swap3A_240 = tpu.vector_load %arg8[%swap3A_238, %swap3A_239] {strides = array<i32>} : memref<15x128xi32, #tpu.memory_space<vmem>>, vector<16xi32>,
      tpu.vector_store %arg8[%swap3A_238, %swap3A_239], %gather3A_235 {strides = array<i32>} : memref<15x128xi32, #tpu.memory_space<vmem>>, vector<16xi32>,
      %swap3A_241 = arith.constant 0 : i32
      %swap3A_242 = arith.index_cast %swap3A_241 : i32 to index
      %swap3A_243 = arith.constant 32 : index
      %swap3A_244 = tpu.vector_load %arg9[%swap3A_242, %swap3A_243] {strides = array<i32>} : memref<15x128xi32, #tpu.memory_space<vmem>>, vector<16xi32>,
      tpu.vector_store %arg9[%swap3A_242, %swap3A_243], %gather3A_236 {strides = array<i32>} : memref<15x128xi32, #tpu.memory_space<vmem>>, vector<16xi32>,
      %iota3A_245 = tpu.iota {dimensions = array<i32: 0>} : vector<16xi32>
      %add3A_246 = arith.constant 48 : i32
      %add3A_247 = vector.broadcast %add3A_246 : i32 to vector<16xi32>
      %add3A_248 = arith.addi %add3A_247, %iota3A_245 : vector<16xi32>
      %gather3A_249 = tpu.vector_load_idx %arg8[%broadcast_in_dim3A_204, %add3A_248] : memref<15x128xi32, #tpu.memory_space<vmem>>[vector<16xi32>, vector<16xi32>], vector<16xi32>,
      %gather3A_250 = tpu.vector_load_idx %arg9[%broadcast_in_dim3A_204, %add3A_248] : memref<15x128xi32, #tpu.memory_space<vmem>>[vector<16xi32>, vector<16xi32>], vector<16xi32>,
      %swap3A_251 = arith.constant 0 : i32
      %swap3A_252 = arith.index_cast %swap3A_251 : i32 to index
      %swap3A_253 = arith.constant 48 : index
      %swap3A_254 = tpu.vector_load %arg8[%swap3A_252, %swap3A_253] {strides = array<i32>} : memref<15x128xi32, #tpu.memory_space<vmem>>, vector<16xi32>,
      tpu.vector_store %arg8[%swap3A_252, %swap3A_253], %gather3A_249 {strides = array<i32>} : memref<15x128xi32, #tpu.memory_space<vmem>>, vector<16xi32>,
      %swap3A_255 = arith.constant 0 : i32
      %swap3A_256 = arith.index_cast %swap3A_255 : i32 to index
      %swap3A_257 = arith.constant 48 : index
      %swap3A_258 = tpu.vector_load %arg9[%swap3A_256, %swap3A_257] {strides = array<i32>} : memref<15x128xi32, #tpu.memory_space<vmem>>, vector<16xi32>,
      tpu.vector_store %arg9[%swap3A_256, %swap3A_257], %gather3A_250 {strides = array<i32>} : memref<15x128xi32, #tpu.memory_space<vmem>>, vector<16xi32>,
      %iota3A_259 = tpu.iota {dimensions = array<i32: 0>} : vector<16xi32>
      %add3A_260 = arith.constant 64 : i32
      %add3A_261 = vector.broadcast %add3A_260 : i32 to vector<16xi32>
      %add3A_262 = arith.addi %add3A_261, %iota3A_259 : vector<16xi32>
      %gather3A_263 = tpu.vector_load_idx %arg8[%broadcast_in_dim3A_204, %add3A_262] : memref<15x128xi32, #tpu.memory_space<vmem>>[vector<16xi32>, vector<16xi32>], vector<16xi32>,
      %gather3A_264 = tpu.vector_load_idx %arg9[%broadcast_in_dim3A_204, %add3A_262] : memref<15x128xi32, #tpu.memory_space<vmem>>[vector<16xi32>, vector<16xi32>], vector<16xi32>,
      %swap3A_265 = arith.constant 0 : i32
      %swap3A_266 = arith.index_cast %swap3A_265 : i32 to index
      %swap3A_267 = arith.constant 64 : index
      %swap3A_268 = tpu.vector_load %arg8[%swap3A_266, %swap3A_267] {strides = array<i32>} : memref<15x128xi32, #tpu.memory_space<vmem>>, vector<16xi32>,
      tpu.vector_store %arg8[%swap3A_266, %swap3A_267], %gather3A_263 {strides = array<i32>} : memref<15x128xi32, #tpu.memory_space<vmem>>, vector<16xi32>,
      %swap3A_269 = arith.constant 0 : i32
      %swap3A_270 = arith.index_cast %swap3A_269 : i32 to index
      %swap3A_271 = arith.constant 64 : index
      %swap3A_272 = tpu.vector_load %arg9[%swap3A_270, %swap3A_271] {strides = array<i32>} : memref<15x128xi32, #tpu.memory_space<vmem>>, vector<16xi32>,
      tpu.vector_store %arg9[%swap3A_270, %swap3A_271], %gather3A_264 {strides = array<i32>} : memref<15x128xi32, #tpu.memory_space<vmem>>, vector<16xi32>,
      %iota3A_273 = tpu.iota {dimensions = array<i32: 0>} : vector<16xi32>
      %add3A_274 = arith.constant 80 : i32
      %add3A_275 = vector.broadcast %add3A_274 : i32 to vector<16xi32>
      %add3A_276 = arith.addi %add3A_275, %iota3A_273 : vector<16xi32>
      %gather3A_277 = tpu.vector_load_idx %arg8[%broadcast_in_dim3A_204, %add3A_276] : memref<15x128xi32, #tpu.memory_space<vmem>>[vector<16xi32>, vector<16xi32>], vector<16xi32>,
      %gather3A_278 = tpu.vector_load_idx %arg9[%broadcast_in_dim3A_204, %add3A_276] : memref<15x128xi32, #tpu.memory_space<vmem>>[vector<16xi32>, vector<16xi32>], vector<16xi32>,
      %swap3A_279 = arith.constant 0 : i32
      %swap3A_280 = arith.index_cast %swap3A_279 : i32 to index
      %swap3A_281 = arith.constant 80 : index
      %swap3A_282 = tpu.vector_load %arg8[%swap3A_280, %swap3A_281] {strides = array<i32>} : memref<15x128xi32, #tpu.memory_space<vmem>>, vector<16xi32>,
      tpu.vector_store %arg8[%swap3A_280, %swap3A_281], %gather3A_277 {strides = array<i32>} : memref<15x128xi32, #tpu.memory_space<vmem>>, vector<16xi32>,
      %swap3A_283 = arith.constant 0 : i32
      %swap3A_284 = arith.index_cast %swap3A_283 : i32 to index
      %swap3A_285 = arith.constant 80 : index
      %swap3A_286 = tpu.vector_load %arg9[%swap3A_284, %swap3A_285] {strides = array<i32>} : memref<15x128xi32, #tpu.memory_space<vmem>>, vector<16xi32>,
      tpu.vector_store %arg9[%swap3A_284, %swap3A_285], %gather3A_278 {strides = array<i32>} : memref<15x128xi32, #tpu.memory_space<vmem>>, vector<16xi32>,
      %iota3A_287 = tpu.iota {dimensions = array<i32: 0>} : vector<16xi32>
      %add3A_288 = arith.constant 96 : i32
      %add3A_289 = vector.broadcast %add3A_288 : i32 to vector<16xi32>
      %add3A_290 = arith.addi %add3A_289, %iota3A_287 : vector<16xi32>
      %gather3A_291 = tpu.vector_load_idx %arg8[%broadcast_in_dim3A_204, %add3A_290] : memref<15x128xi32, #tpu.memory_space<vmem>>[vector<16xi32>, vector<16xi32>], vector<16xi32>,
      %gather3A_292 = tpu.vector_load_idx %arg9[%broadcast_in_dim3A_204, %add3A_290] : memref<15x128xi32, #tpu.memory_space<vmem>>[vector<16xi32>, vector<16xi32>], vector<16xi32>,
      %swap3A_293 = arith.constant 0 : i32
      %swap3A_294 = arith.index_cast %swap3A_293 : i32 to index
      %swap3A_295 = arith.constant 96 : index
      %swap3A_296 = tpu.vector_load %arg8[%swap3A_294, %swap3A_295] {strides = array<i32>} : memref<15x128xi32, #tpu.memory_space<vmem>>, vector<16xi32>,
      tpu.vector_store %arg8[%swap3A_294, %swap3A_295], %gather3A_291 {strides = array<i32>} : memref<15x128xi32, #tpu.memory_space<vmem>>, vector<16xi32>,
      %swap3A_297 = arith.constant 0 : i32
      %swap3A_298 = arith.index_cast %swap3A_297 : i32 to index
      %swap3A_299 = arith.constant 96 : index
      %swap3A_300 = tpu.vector_load %arg9[%swap3A_298, %swap3A_299] {strides = array<i32>} : memref<15x128xi32, #tpu.memory_space<vmem>>, vector<16xi32>,
      tpu.vector_store %arg9[%swap3A_298, %swap3A_299], %gather3A_292 {strides = array<i32>} : memref<15x128xi32, #tpu.memory_space<vmem>>, vector<16xi32>,
      %iota3A_301 = tpu.iota {dimensions = array<i32: 0>} : vector<16xi32>
      %add3A_302 = arith.constant 112 : i32
      %add3A_303 = vector.broadcast %add3A_302 : i32 to vector<16xi32>
      %add3A_304 = arith.addi %add3A_303, %iota3A_301 : vector<16xi32>
      %gather3A_305 = tpu.vector_load_idx %arg8[%broadcast_in_dim3A_204, %add3A_304] : memref<15x128xi32, #tpu.memory_space<vmem>>[vector<16xi32>, vector<16xi32>], vector<16xi32>,
      %gather3A_306 = tpu.vector_load_idx %arg9[%broadcast_in_dim3A_204, %add3A_304] : memref<15x128xi32, #tpu.memory_space<vmem>>[vector<16xi32>, vector<16xi32>], vector<16xi32>,
      %swap3A_307 = arith.constant 0 : i32
      %swap3A_308 = arith.index_cast %swap3A_307 : i32 to index
      %swap3A_309 = arith.constant 112 : index
      %swap3A_310 = tpu.vector_load %arg8[%swap3A_308, %swap3A_309] {strides = array<i32>} : memref<15x128xi32, #tpu.memory_space<vmem>>, vector<16xi32>,
      tpu.vector_store %arg8[%swap3A_308, %swap3A_309], %gather3A_305 {strides = array<i32>} : memref<15x128xi32, #tpu.memory_space<vmem>>, vector<16xi32>,
      %swap3A_311 = arith.constant 0 : i32
      %swap3A_312 = arith.index_cast %swap3A_311 : i32 to index
      %swap3A_313 = arith.constant 112 : index
      %swap3A_314 = tpu.vector_load %arg9[%swap3A_312, %swap3A_313] {strides = array<i32>} : memref<15x128xi32, #tpu.memory_space<vmem>>, vector<16xi32>,
      tpu.vector_store %arg9[%swap3A_312, %swap3A_313], %gather3A_306 {strides = array<i32>} : memref<15x128xi32, #tpu.memory_space<vmem>>, vector<16xi32>,
      %and3A = arith.constant 127 : i32
      %and3A_315 = arith.andi %scan3A_190, %and3A : i32
      scf.yield %and3A_315 : i32
    }
    %scan3A_22 = arith.constant 7 : i32
    %iota3A = tpu.iota {dimensions = array<i32: 0>} : vector<16xi32>
    %add3A_23 = arith.constant 0 : i32
    %add3A_24 = vector.broadcast %add3A_23 : i32 to vector<16xi32>
    %add3A_25 = arith.addi %add3A_24, %iota3A : vector<16xi32>
    %ge3A = vector.broadcast %scan3A_21 : i32 to vector<16xi32>
    %ge3A_26 = arith.cmpi sge, %add3A_25, %ge3A : vector<16xi32>
    tpu.vector_store_idx %arg8[%broadcast_in_dim3A_0, %add3A_25], %broadcast_in_dim3A_0 masked %ge3A_26 : memref<15x128xi32, #tpu.memory_space<vmem>>[vector<16xi32>, vector<16xi32>], vector<16xi32>, vector<16xi1>
    tpu.vector_store_idx %arg9[%broadcast_in_dim3A_0, %add3A_25], %broadcast_in_dim3A_2 masked %ge3A_26 : memref<15x128xi32, #tpu.memory_space<vmem>>[vector<16xi32>, vector<16xi32>], vector<16xi32>, vector<16xi1>
    %iota3A_27 = tpu.iota {dimensions = array<i32: 0>} : vector<16xi32>
    %add3A_28 = arith.constant 16 : i32
    %add3A_29 = vector.broadcast %add3A_28 : i32 to vector<16xi32>
    %add3A_30 = arith.addi %add3A_29, %iota3A_27 : vector<16xi32>
    %ge3A_31 = vector.broadcast %scan3A_21 : i32 to vector<16xi32>
    %ge3A_32 = arith.cmpi sge, %add3A_30, %ge3A_31 : vector<16xi32>
    tpu.vector_store_idx %arg8[%broadcast_in_dim3A_0, %add3A_30], %broadcast_in_dim3A_0 masked %ge3A_32 : memref<15x128xi32, #tpu.memory_space<vmem>>[vector<16xi32>, vector<16xi32>], vector<16xi32>, vector<16xi1>
    tpu.vector_store_idx %arg9[%broadcast_in_dim3A_0, %add3A_30], %broadcast_in_dim3A_2 masked %ge3A_32 : memref<15x128xi32, #tpu.memory_space<vmem>>[vector<16xi32>, vector<16xi32>], vector<16xi32>, vector<16xi1>
    %iota3A_33 = tpu.iota {dimensions = array<i32: 0>} : vector<16xi32>
    %add3A_34 = arith.constant 32 : i32
    %add3A_35 = vector.broadcast %add3A_34 : i32 to vector<16xi32>
    %add3A_36 = arith.addi %add3A_35, %iota3A_33 : vector<16xi32>
    %ge3A_37 = vector.broadcast %scan3A_21 : i32 to vector<16xi32>
    %ge3A_38 = arith.cmpi sge, %add3A_36, %ge3A_37 : vector<16xi32>
    tpu.vector_store_idx %arg8[%broadcast_in_dim3A_0, %add3A_36], %broadcast_in_dim3A_0 masked %ge3A_38 : memref<15x128xi32, #tpu.memory_space<vmem>>[vector<16xi32>, vector<16xi32>], vector<16xi32>, vector<16xi1>
    tpu.vector_store_idx %arg9[%broadcast_in_dim3A_0, %add3A_36], %broadcast_in_dim3A_2 masked %ge3A_38 : memref<15x128xi32, #tpu.memory_space<vmem>>[vector<16xi32>, vector<16xi32>], vector<16xi32>, vector<16xi1>
    %iota3A_39 = tpu.iota {dimensions = array<i32: 0>} : vector<16xi32>
    %add3A_40 = arith.constant 48 : i32
    %add3A_41 = vector.broadcast %add3A_40 : i32 to vector<16xi32>
    %add3A_42 = arith.addi %add3A_41, %iota3A_39 : vector<16xi32>
    %ge3A_43 = vector.broadcast %scan3A_21 : i32 to vector<16xi32>
    %ge3A_44 = arith.cmpi sge, %add3A_42, %ge3A_43 : vector<16xi32>
    tpu.vector_store_idx %arg8[%broadcast_in_dim3A_0, %add3A_42], %broadcast_in_dim3A_0 masked %ge3A_44 : memref<15x128xi32, #tpu.memory_space<vmem>>[vector<16xi32>, vector<16xi32>], vector<16xi32>, vector<16xi1>
    tpu.vector_store_idx %arg9[%broadcast_in_dim3A_0, %add3A_42], %broadcast_in_dim3A_2 masked %ge3A_44 : memref<15x128xi32, #tpu.memory_space<vmem>>[vector<16xi32>, vector<16xi32>], vector<16xi32>, vector<16xi1>
    %iota3A_45 = tpu.iota {dimensions = array<i32: 0>} : vector<16xi32>
    %add3A_46 = arith.constant 64 : i32
    %add3A_47 = vector.broadcast %add3A_46 : i32 to vector<16xi32>
    %add3A_48 = arith.addi %add3A_47, %iota3A_45 : vector<16xi32>
    %ge3A_49 = vector.broadcast %scan3A_21 : i32 to vector<16xi32>
    %ge3A_50 = arith.cmpi sge, %add3A_48, %ge3A_49 : vector<16xi32>
    tpu.vector_store_idx %arg8[%broadcast_in_dim3A_0, %add3A_48], %broadcast_in_dim3A_0 masked %ge3A_50 : memref<15x128xi32, #tpu.memory_space<vmem>>[vector<16xi32>, vector<16xi32>], vector<16xi32>, vector<16xi1>
    tpu.vector_store_idx %arg9[%broadcast_in_dim3A_0, %add3A_48], %broadcast_in_dim3A_2 masked %ge3A_50 : memref<15x128xi32, #tpu.memory_space<vmem>>[vector<16xi32>, vector<16xi32>], vector<16xi32>, vector<16xi1>
    %iota3A_51 = tpu.iota {dimensions = array<i32: 0>} : vector<16xi32>
    %add3A_52 = arith.constant 80 : i32
    %add3A_53 = vector.broadcast %add3A_52 : i32 to vector<16xi32>
    %add3A_54 = arith.addi %add3A_53, %iota3A_51 : vector<16xi32>
    %ge3A_55 = vector.broadcast %scan3A_21 : i32 to vector<16xi32>
    %ge3A_56 = arith.cmpi sge, %add3A_54, %ge3A_55 : vector<16xi32>
    tpu.vector_store_idx %arg8[%broadcast_in_dim3A_0, %add3A_54], %broadcast_in_dim3A_0 masked %ge3A_56 : memref<15x128xi32, #tpu.memory_space<vmem>>[vector<16xi32>, vector<16xi32>], vector<16xi32>, vector<16xi1>
    tpu.vector_store_idx %arg9[%broadcast_in_dim3A_0, %add3A_54], %broadcast_in_dim3A_2 masked %ge3A_56 : memref<15x128xi32, #tpu.memory_space<vmem>>[vector<16xi32>, vector<16xi32>], vector<16xi32>, vector<16xi1>
    %iota3A_57 = tpu.iota {dimensions = array<i32: 0>} : vector<16xi32>
    %add3A_58 = arith.constant 96 : i32
    %add3A_59 = vector.broadcast %add3A_58 : i32 to vector<16xi32>
    %add3A_60 = arith.addi %add3A_59, %iota3A_57 : vector<16xi32>
    %ge3A_61 = vector.broadcast %scan3A_21 : i32 to vector<16xi32>
    %ge3A_62 = arith.cmpi sge, %add3A_60, %ge3A_61 : vector<16xi32>
    tpu.vector_store_idx %arg8[%broadcast_in_dim3A_0, %add3A_60], %broadcast_in_dim3A_0 masked %ge3A_62 : memref<15x128xi32, #tpu.memory_space<vmem>>[vector<16xi32>, vector<16xi32>], vector<16xi32>, vector<16xi1>
    tpu.vector_store_idx %arg9[%broadcast_in_dim3A_0, %add3A_60], %broadcast_in_dim3A_2 masked %ge3A_62 : memref<15x128xi32, #tpu.memory_space<vmem>>[vector<16xi32>, vector<16xi32>], vector<16xi32>, vector<16xi1>
    %iota3A_63 = tpu.iota {dimensions = array<i32: 0>} : vector<16xi32>
    %add3A_64 = arith.constant 112 : i32
    %add3A_65 = vector.broadcast %add3A_64 : i32 to vector<16xi32>
    %add3A_66 = arith.addi %add3A_65, %iota3A_63 : vector<16xi32>
    %ge3A_67 = vector.broadcast %scan3A_21 : i32 to vector<16xi32>
    %ge3A_68 = arith.cmpi sge, %add3A_66, %ge3A_67 : vector<16xi32>
    tpu.vector_store_idx %arg8[%broadcast_in_dim3A_0, %add3A_66], %broadcast_in_dim3A_0 masked %ge3A_68 : memref<15x128xi32, #tpu.memory_space<vmem>>[vector<16xi32>, vector<16xi32>], vector<16xi32>, vector<16xi1>
    tpu.vector_store_idx %arg9[%broadcast_in_dim3A_0, %add3A_66], %broadcast_in_dim3A_2 masked %ge3A_68 : memref<15x128xi32, #tpu.memory_space<vmem>>[vector<16xi32>, vector<16xi32>], vector<16xi32>, vector<16xi1>
    %add3A_69 = arith.constant 127 : i32
    %add3A_70 = arith.addi %scan3A_21, %add3A_69 : i32
    %shift_right_logical3A = arith.constant 7 : i32
    %shift_right_logical3A_71 = arith.shrui %add3A_70, %shift_right_logical3A : i32
    %while3A = arith.constant 0 : i32
    %while3A_72 = arith.constant 0 : i32
    %while3A_73 = arith.subi %shift_right_logical3A_71, %while3A_72 : i32
    %while3A_74 = arith.addi %while3A_72, %while3A_73 : i32
    %while3A_75 = arith.constant 1 : i32
    %while3A_76 = arith.divsi %while3A_73, %while3A_75 : i32
    %while3A_77 = arith.muli %while3A_76, %while3A_75 : i32
    %while3A_78 = arith.addi %while3A_72, %while3A_77 : i32
    %while3A_79 = arith.constant 1 : i32
    scf.for %while3A_179 = %while3A_72 to %while3A_78 step %while3A_79  : i32 {
      %dma_start3A = arith.constant 0 : i32
      %dma_start3A_180 = tpu.memref_slice %arg8[%while3A_179, %dma_start3A] : memref<15x128xi32, #tpu.memory_space<vmem>> -> memref<1x128xi32, #tpu.memory_space<vmem>>
      %dma_start3A_181 = tpu.memref_squeeze %dma_start3A_180 : memref<1x128xi32, #tpu.memory_space<vmem>> -> memref<128xi32, #tpu.memory_space<vmem>>
      %dma_start3A_182 = arith.constant 0 : i32
      %dma_start3A_183 = arith.constant 0 : i32
      %dma_start3A_184 = tpu.memref_slice %arg2[%dma_start3A_182, %dma_start3A_183] : memref<50176x128xf32, #tpu.memory_space<hbm>> -> memref<50176x128xf32, #tpu.memory_space<hbm>>
      tpu.enqueue_indirect_dma source(%dma_start3A_184 : memref<50176x128xf32, #tpu.memory_space<hbm>>) target(%arg10 : memref<128x128xf32, #tpu.memory_space<vmem>>) offsets(%dma_start3A_181 : memref<128xi32, #tpu.memory_space<vmem>>) semaphore(%arg12 : memref<!tpu.dma_semaphore, #tpu.memory_space<semaphore_mem>>)
      %dma_wait3A = arith.constant 0 : i32
      %dma_wait3A_185 = tpu.memref_slice %arg8[%while3A_179, %dma_wait3A] : memref<15x128xi32, #tpu.memory_space<vmem>> -> memref<1x128xi32, #tpu.memory_space<vmem>>
      %dma_wait3A_186 = tpu.memref_squeeze %dma_wait3A_185 : memref<1x128xi32, #tpu.memory_space<vmem>> -> memref<128xi32, #tpu.memory_space<vmem>>
      %dma_wait3A_187 = arith.constant 0 : i32
      %dma_wait3A_188 = arith.constant 0 : i32
      %dma_wait3A_189 = tpu.memref_slice %arg2[%dma_wait3A_187, %dma_wait3A_188] : memref<50176x128xf32, #tpu.memory_space<hbm>> -> memref<50176x128xf32, #tpu.memory_space<hbm>>
      tpu.wait_indirect_dma semaphore(%arg12 : memref<!tpu.dma_semaphore, #tpu.memory_space<semaphore_mem>>) src(%dma_wait3A_189 : memref<50176x128xf32, #tpu.memory_space<hbm>>) dst(%arg10 : memref<128x128xf32, #tpu.memory_space<vmem>>)
      "tpu.region"() ({
        %run_scoped3A = tpu.sem_alloc : memref<!tpu.dma_semaphore, #tpu.memory_space<semaphore_mem>>
        %dma_start3A_190 = arith.constant 0 : i32
        %dma_start3A_191 = tpu.memref_slice %arg9[%while3A_179, %dma_start3A_190] : memref<15x128xi32, #tpu.memory_space<vmem>> -> memref<1x128xi32, #tpu.memory_space<vmem>>
        %dma_start3A_192 = tpu.memref_squeeze %dma_start3A_191 : memref<1x128xi32, #tpu.memory_space<vmem>> -> memref<128xi32, #tpu.memory_space<vmem>>
        %dma_start3A_193 = arith.constant 0 : i32
        %dma_start3A_194 = arith.constant 0 : i32
        %dma_start3A_195 = tpu.memref_slice %arg11[%dma_start3A_193, %dma_start3A_194] : memref<12552x128xf32, #tpu.memory_space<vmem_shared>> -> memref<12552x128xf32, #tpu.memory_space<vmem_shared>>
        tpu.enqueue_indirect_dma source(%arg10 : memref<128x128xf32, #tpu.memory_space<vmem>>) target(%dma_start3A_195 : memref<12552x128xf32, #tpu.memory_space<vmem_shared>>) offsets(%dma_start3A_192 : memref<128xi32, #tpu.memory_space<vmem>>) semaphore(%run_scoped3A : memref<!tpu.dma_semaphore, #tpu.memory_space<semaphore_mem>>) {add = true}
        %dma_wait3A_196 = arith.constant 0 : i32
        %dma_wait3A_197 = tpu.memref_slice %arg9[%while3A_179, %dma_wait3A_196] : memref<15x128xi32, #tpu.memory_space<vmem>> -> memref<1x128xi32, #tpu.memory_space<vmem>>
        %dma_wait3A_198 = tpu.memref_squeeze %dma_wait3A_197 : memref<1x128xi32, #tpu.memory_space<vmem>> -> memref<128xi32, #tpu.memory_space<vmem>>
        %dma_wait3A_199 = arith.constant 0 : i32
        %dma_wait3A_200 = arith.constant 0 : i32
        %dma_wait3A_201 = tpu.memref_slice %arg11[%dma_wait3A_199, %dma_wait3A_200] : memref<12552x128xf32, #tpu.memory_space<vmem_shared>> -> memref<12552x128xf32, #tpu.memory_space<vmem_shared>>
        tpu.wait_indirect_dma semaphore(%run_scoped3A : memref<!tpu.dma_semaphore, #tpu.memory_space<semaphore_mem>>) src(%arg10 : memref<128x128xf32, #tpu.memory_space<vmem>>) dst(%dma_wait3A_201 : memref<12552x128xf32, #tpu.memory_space<vmem_shared>>)
        tpu.yield
      }) : () -> ()
    }
    %while3A_80 = arith.constant 1 : i32
    scf.for %while3A_179 = %while3A_78 to %while3A_74 step %while3A_80  : i32 {
      %dma_start3A = arith.constant 0 : i32
      %dma_start3A_180 = tpu.memref_slice %arg8[%while3A_179, %dma_start3A] : memref<15x128xi32, #tpu.memory_space<vmem>> -> memref<1x128xi32, #tpu.memory_space<vmem>>
      %dma_start3A_181 = tpu.memref_squeeze %dma_start3A_180 : memref<1x128xi32, #tpu.memory_space<vmem>> -> memref<128xi32, #tpu.memory_space<vmem>>
      %dma_start3A_182 = arith.constant 0 : i32
      %dma_start3A_183 = arith.constant 0 : i32
      %dma_start3A_184 = tpu.memref_slice %arg2[%dma_start3A_182, %dma_start3A_183] : memref<50176x128xf32, #tpu.memory_space<hbm>> -> memref<50176x128xf32, #tpu.memory_space<hbm>>
      tpu.enqueue_indirect_dma source(%dma_start3A_184 : memref<50176x128xf32, #tpu.memory_space<hbm>>) target(%arg10 : memref<128x128xf32, #tpu.memory_space<vmem>>) offsets(%dma_start3A_181 : memref<128xi32, #tpu.memory_space<vmem>>) semaphore(%arg12 : memref<!tpu.dma_semaphore, #tpu.memory_space<semaphore_mem>>)
      %dma_wait3A = arith.constant 0 : i32
      %dma_wait3A_185 = tpu.memref_slice %arg8[%while3A_179, %dma_wait3A] : memref<15x128xi32, #tpu.memory_space<vmem>> -> memref<1x128xi32, #tpu.memory_space<vmem>>
      %dma_wait3A_186 = tpu.memref_squeeze %dma_wait3A_185 : memref<1x128xi32, #tpu.memory_space<vmem>> -> memref<128xi32, #tpu.memory_space<vmem>>
      %dma_wait3A_187 = arith.constant 0 : i32
      %dma_wait3A_188 = arith.constant 0 : i32
      %dma_wait3A_189 = tpu.memref_slice %arg2[%dma_wait3A_187, %dma_wait3A_188] : memref<50176x128xf32, #tpu.memory_space<hbm>> -> memref<50176x128xf32, #tpu.memory_space<hbm>>
      tpu.wait_indirect_dma semaphore(%arg12 : memref<!tpu.dma_semaphore, #tpu.memory_space<semaphore_mem>>) src(%dma_wait3A_189 : memref<50176x128xf32, #tpu.memory_space<hbm>>) dst(%arg10 : memref<128x128xf32, #tpu.memory_space<vmem>>)
      "tpu.region"() ({
        %run_scoped3A = tpu.sem_alloc : memref<!tpu.dma_semaphore, #tpu.memory_space<semaphore_mem>>
        %dma_start3A_190 = arith.constant 0 : i32
        %dma_start3A_191 = tpu.memref_slice %arg9[%while3A_179, %dma_start3A_190] : memref<15x128xi32, #tpu.memory_space<vmem>> -> memref<1x128xi32, #tpu.memory_space<vmem>>
        %dma_start3A_192 = tpu.memref_squeeze %dma_start3A_191 : memref<1x128xi32, #tpu.memory_space<vmem>> -> memref<128xi32, #tpu.memory_space<vmem>>
        %dma_start3A_193 = arith.constant 0 : i32
        %dma_start3A_194 = arith.constant 0 : i32
        %dma_start3A_195 = tpu.memref_slice %arg11[%dma_start3A_193, %dma_start3A_194] : memref<12552x128xf32, #tpu.memory_space<vmem_shared>> -> memref<12552x128xf32, #tpu.memory_space<vmem_shared>>
        tpu.enqueue_indirect_dma source(%arg10 : memref<128x128xf32, #tpu.memory_space<vmem>>) target(%dma_start3A_195 : memref<12552x128xf32, #tpu.memory_space<vmem_shared>>) offsets(%dma_start3A_192 : memref<128xi32, #tpu.memory_space<vmem>>) semaphore(%run_scoped3A : memref<!tpu.dma_semaphore, #tpu.memory_space<semaphore_mem>>) {add = true}
        %dma_wait3A_196 = arith.constant 0 : i32
        %dma_wait3A_197 = tpu.memref_slice %arg9[%while3A_179, %dma_wait3A_196] : memref<15x128xi32, #tpu.memory_space<vmem>> -> memref<1x128xi32, #tpu.memory_space<vmem>>
        %dma_wait3A_198 = tpu.memref_squeeze %dma_wait3A_197 : memref<1x128xi32, #tpu.memory_space<vmem>> -> memref<128xi32, #tpu.memory_space<vmem>>
        %dma_wait3A_199 = arith.constant 0 : i32
        %dma_wait3A_200 = arith.constant 0 : i32
        %dma_wait3A_201 = tpu.memref_slice %arg11[%dma_wait3A_199, %dma_wait3A_200] : memref<12552x128xf32, #tpu.memory_space<vmem_shared>> -> memref<12552x128xf32, #tpu.memory_space<vmem_shared>>
        tpu.wait_indirect_dma semaphore(%run_scoped3A : memref<!tpu.dma_semaphore, #tpu.memory_space<semaphore_mem>>) src(%arg10 : memref<128x128xf32, #tpu.memory_space<vmem>>) dst(%dma_wait3A_201 : memref<12552x128xf32, #tpu.memory_space<vmem_shared>>)
        tpu.yield
      }) : () -> ()
    }
    %barrier3A_81 = arith.constant 0 : index
    tpu.barrier barrier_id(%barrier3A_81)
    %mul3A_82 = arith.constant 784 : i32
    %mul3A_83 = arith.muli %arg1, %mul3A_82 : i32
    %mul3A_84 = arith.constant 784 : i32
    %mul3A_85 = arith.muli %arg1, %mul3A_84 : i32
    %add3A_86 = arith.addi %mul3A_6, %mul3A_85 : i32
    "tpu.region"() ({
      %run_scoped3A = tpu.sem_alloc : memref<!tpu.dma_semaphore, #tpu.memory_space<semaphore_mem>>
      %dma_start3A = arith.constant 0 : i32
      %dma_start3A_179 = tpu.memref_slice %arg5[%add3A_86, %dma_start3A] : memref<50176x128xf32, #tpu.memory_space<hbm>> -> memref<784x128xf32, #tpu.memory_space<hbm>>
      %dma_start3A_180 = arith.constant 0 : i32
      %dma_start3A_181 = tpu.memref_slice %arg11[%mul3A_83, %dma_start3A_180] : memref<12552x128xf32, #tpu.memory_space<vmem_shared>> -> memref<784x128xf32, #tpu.memory_space<vmem_shared>>
      tpu.enqueue_dma source(%dma_start3A_181 : memref<784x128xf32, #tpu.memory_space<vmem_shared>>) target(%dma_start3A_179 : memref<784x128xf32, #tpu.memory_space<hbm>>) target_semaphore(%run_scoped3A : memref<!tpu.dma_semaphore, #tpu.memory_space<semaphore_mem>>)
      %dma_wait3A = arith.constant 0 : i32
      %dma_wait3A_182 = tpu.memref_slice %arg5[%add3A_86, %dma_wait3A] : memref<50176x128xf32, #tpu.memory_space<hbm>> -> memref<784x128xf32, #tpu.memory_space<hbm>>
      %dma_wait3A_183 = arith.constant 0 : i32
      %dma_wait3A_184 = tpu.memref_slice %arg11[%mul3A_83, %dma_wait3A_183] : memref<12552x128xf32, #tpu.memory_space<vmem_shared>> -> memref<784x128xf32, #tpu.memory_space<vmem_shared>>
      tpu.wait_dma2 semaphore(%run_scoped3A : memref<!tpu.dma_semaphore, #tpu.memory_space<semaphore_mem>>) src(%dma_wait3A_184 : memref<784x128xf32, #tpu.memory_space<vmem_shared>>) dst(%dma_wait3A_182 : memref<784x128xf32, #tpu.memory_space<hbm>>)
      tpu.yield
    }) : () -> ()
    %mul3A_87 = arith.constant 2 : i32
    %mul3A_88 = arith.muli %mul3A_87, %arg0 : i32
    %add3A_89 = arith.constant 1 : i32
    %add3A_90 = arith.addi %mul3A_88, %add3A_89 : i32
    %mul3A_91 = arith.constant 12544 : i32
    %mul3A_92 = arith.muli %add3A_90, %mul3A_91 : i32
    %scan3A_93 = arith.constant 0 : i32
    %scan3A_94 = arith.constant 128 : i32
    %scan3A_95 = arith.addi %scan3A_93, %scan3A_94 : i32
    %scan3A_96 = arith.constant 1 : i32
    scf.for %scan3A_179 = %scan3A_93 to %scan3A_95 step %scan3A_96  : i32 {
      %mul3A_180 = arith.constant 1 : i32
      %mul3A_181 = arith.muli %scan3A_179, %mul3A_180 : i32
      %add3A_182 = arith.constant 0 : i32
      %add3A_183 = arith.addi %add3A_182, %mul3A_181 : i32
      %broadcast_in_dim3A_184 = arith.constant 0.000000e+00 : f32
      %broadcast_in_dim3A_185 = vector.broadcast %broadcast_in_dim3A_184 : f32 to vector<16xf32>
      %swap3A = arith.index_cast %add3A_183 : i32 to index
      %swap3A_186 = arith.constant 0 : index
      %swap3A_187 = tpu.vector_load %arg10[%swap3A, %swap3A_186] {strides = array<i32>} : memref<128x128xf32, #tpu.memory_space<vmem>>, vector<16xf32>,
      tpu.vector_store %arg10[%swap3A, %swap3A_186], %broadcast_in_dim3A_185 {strides = array<i32>} : memref<128x128xf32, #tpu.memory_space<vmem>>, vector<16xf32>,
      %broadcast_in_dim3A_188 = arith.constant 0.000000e+00 : f32
      %broadcast_in_dim3A_189 = vector.broadcast %broadcast_in_dim3A_188 : f32 to vector<16xf32>
      %swap3A_190 = arith.index_cast %add3A_183 : i32 to index
      %swap3A_191 = arith.constant 16 : index
      %swap3A_192 = tpu.vector_load %arg10[%swap3A_190, %swap3A_191] {strides = array<i32>} : memref<128x128xf32, #tpu.memory_space<vmem>>, vector<16xf32>,
      tpu.vector_store %arg10[%swap3A_190, %swap3A_191], %broadcast_in_dim3A_189 {strides = array<i32>} : memref<128x128xf32, #tpu.memory_space<vmem>>, vector<16xf32>,
      %broadcast_in_dim3A_193 = arith.constant 0.000000e+00 : f32
      %broadcast_in_dim3A_194 = vector.broadcast %broadcast_in_dim3A_193 : f32 to vector<16xf32>
      %swap3A_195 = arith.index_cast %add3A_183 : i32 to index
      %swap3A_196 = arith.constant 32 : index
      %swap3A_197 = tpu.vector_load %arg10[%swap3A_195, %swap3A_196] {strides = array<i32>} : memref<128x128xf32, #tpu.memory_space<vmem>>, vector<16xf32>,
      tpu.vector_store %arg10[%swap3A_195, %swap3A_196], %broadcast_in_dim3A_194 {strides = array<i32>} : memref<128x128xf32, #tpu.memory_space<vmem>>, vector<16xf32>,
      %broadcast_in_dim3A_198 = arith.constant 0.000000e+00 : f32
      %broadcast_in_dim3A_199 = vector.broadcast %broadcast_in_dim3A_198 : f32 to vector<16xf32>
      %swap3A_200 = arith.index_cast %add3A_183 : i32 to index
      %swap3A_201 = arith.constant 48 : index
      %swap3A_202 = tpu.vector_load %arg10[%swap3A_200, %swap3A_201] {strides = array<i32>} : memref<128x128xf32, #tpu.memory_space<vmem>>, vector<16xf32>,
      tpu.vector_store %arg10[%swap3A_200, %swap3A_201], %broadcast_in_dim3A_199 {strides = array<i32>} : memref<128x128xf32, #tpu.memory_space<vmem>>, vector<16xf32>,
      %broadcast_in_dim3A_203 = arith.constant 0.000000e+00 : f32
      %broadcast_in_dim3A_204 = vector.broadcast %broadcast_in_dim3A_203 : f32 to vector<16xf32>
      %swap3A_205 = arith.index_cast %add3A_183 : i32 to index
      %swap3A_206 = arith.constant 64 : index
      %swap3A_207 = tpu.vector_load %arg10[%swap3A_205, %swap3A_206] {strides = array<i32>} : memref<128x128xf32, #tpu.memory_space<vmem>>, vector<16xf32>,
      tpu.vector_store %arg10[%swap3A_205, %swap3A_206], %broadcast_in_dim3A_204 {strides = array<i32>} : memref<128x128xf32, #tpu.memory_space<vmem>>, vector<16xf32>,
      %broadcast_in_dim3A_208 = arith.constant 0.000000e+00 : f32
      %broadcast_in_dim3A_209 = vector.broadcast %broadcast_in_dim3A_208 : f32 to vector<16xf32>
      %swap3A_210 = arith.index_cast %add3A_183 : i32 to index
      %swap3A_211 = arith.constant 80 : index
      %swap3A_212 = tpu.vector_load %arg10[%swap3A_210, %swap3A_211] {strides = array<i32>} : memref<128x128xf32, #tpu.memory_space<vmem>>, vector<16xf32>,
      tpu.vector_store %arg10[%swap3A_210, %swap3A_211], %broadcast_in_dim3A_209 {strides = array<i32>} : memref<128x128xf32, #tpu.memory_space<vmem>>, vector<16xf32>,
      %broadcast_in_dim3A_213 = arith.constant 0.000000e+00 : f32
      %broadcast_in_dim3A_214 = vector.broadcast %broadcast_in_dim3A_213 : f32 to vector<16xf32>
      %swap3A_215 = arith.index_cast %add3A_183 : i32 to index
      %swap3A_216 = arith.constant 96 : index
      %swap3A_217 = tpu.vector_load %arg10[%swap3A_215, %swap3A_216] {strides = array<i32>} : memref<128x128xf32, #tpu.memory_space<vmem>>, vector<16xf32>,
      tpu.vector_store %arg10[%swap3A_215, %swap3A_216], %broadcast_in_dim3A_214 {strides = array<i32>} : memref<128x128xf32, #tpu.memory_space<vmem>>, vector<16xf32>,
      %broadcast_in_dim3A_218 = arith.constant 0.000000e+00 : f32
      %broadcast_in_dim3A_219 = vector.broadcast %broadcast_in_dim3A_218 : f32 to vector<16xf32>
      %swap3A_220 = arith.index_cast %add3A_183 : i32 to index
      %swap3A_221 = arith.constant 112 : index
      %swap3A_222 = tpu.vector_load %arg10[%swap3A_220, %swap3A_221] {strides = array<i32>} : memref<128x128xf32, #tpu.memory_space<vmem>>, vector<16xf32>,
      tpu.vector_store %arg10[%swap3A_220, %swap3A_221], %broadcast_in_dim3A_219 {strides = array<i32>} : memref<128x128xf32, #tpu.memory_space<vmem>>, vector<16xf32>,
    }
    %scan3A_97 = arith.constant 128 : i32
    %scan3A_98 = arith.constant 0 : i32
    %scan3A_99 = arith.constant 8 : i32
    %scan3A_100 = arith.addi %scan3A_98, %scan3A_99 : i32
    %scan3A_101 = arith.constant 1 : i32
    scf.for %scan3A_179 = %scan3A_98 to %scan3A_100 step %scan3A_101  : i32 {
      %mul3A_180 = arith.constant 1 : i32
      %mul3A_181 = arith.muli %scan3A_179, %mul3A_180 : i32
      %add3A_182 = arith.constant 0 : i32
      %add3A_183 = arith.addi %add3A_182, %mul3A_181 : i32
      %mul3A_184 = arith.constant 784 : i32
      %mul3A_185 = arith.muli %arg1, %mul3A_184 : i32
      %mul3A_186 = arith.constant 98 : i32
      %mul3A_187 = arith.muli %add3A_183, %mul3A_186 : i32
      %add3A_188 = arith.addi %mul3A_185, %mul3A_187 : i32
      "tpu.region"() ({
        %run_scoped3A = tpu.sem_alloc : memref<!tpu.dma_semaphore, #tpu.memory_space<semaphore_mem>>
        %dma_start3A = arith.constant 0 : i32
        %dma_start3A_189 = arith.constant 0 : i32
        %dma_start3A_190 = tpu.memref_slice %arg10[%dma_start3A, %dma_start3A_189] : memref<128x128xf32, #tpu.memory_space<vmem>> -> memref<98x128xf32, #tpu.memory_space<vmem>>
        %dma_start3A_191 = arith.constant 0 : i32
        %dma_start3A_192 = tpu.memref_slice %arg11[%add3A_188, %dma_start3A_191] : memref<12552x128xf32, #tpu.memory_space<vmem_shared>> -> memref<98x128xf32, #tpu.memory_space<vmem_shared>>
        %dma_start3A_193 = arith.constant 0 : i32
        %dma_start3A_194 = tpu.memref_slice %arg11[%add3A_188, %dma_start3A_193] : memref<12552x128xf32, #tpu.memory_space<vmem_shared>> -> memref<98x128xf32, #tpu.memory_space<vmem_shared>>
        %dma_start3A_195 = arith.constant 0 : i32
        %dma_start3A_196 = arith.constant 0 : i32
        %dma_start3A_197 = tpu.memref_slice %arg10[%dma_start3A_195, %dma_start3A_196] : memref<128x128xf32, #tpu.memory_space<vmem>> -> memref<98x128xf32, #tpu.memory_space<vmem>>
        tpu.enqueue_dma source(%dma_start3A_197 : memref<98x128xf32, #tpu.memory_space<vmem>>) target(%dma_start3A_194 : memref<98x128xf32, #tpu.memory_space<vmem_shared>>) target_semaphore(%run_scoped3A : memref<!tpu.dma_semaphore, #tpu.memory_space<semaphore_mem>>)
        %dma_wait3A = arith.constant 0 : i32
        %dma_wait3A_198 = arith.constant 0 : i32
        %dma_wait3A_199 = tpu.memref_slice %arg10[%dma_wait3A, %dma_wait3A_198] : memref<128x128xf32, #tpu.memory_space<vmem>> -> memref<98x128xf32, #tpu.memory_space<vmem>>
        %dma_wait3A_200 = arith.constant 0 : i32
        %dma_wait3A_201 = tpu.memref_slice %arg11[%add3A_188, %dma_wait3A_200] : memref<12552x128xf32, #tpu.memory_space<vmem_shared>> -> memref<98x128xf32, #tpu.memory_space<vmem_shared>>
        %dma_wait3A_202 = arith.constant 0 : i32
        %dma_wait3A_203 = tpu.memref_slice %arg11[%add3A_188, %dma_wait3A_202] : memref<12552x128xf32, #tpu.memory_space<vmem_shared>> -> memref<98x128xf32, #tpu.memory_space<vmem_shared>>
        %dma_wait3A_204 = arith.constant 0 : i32
        %dma_wait3A_205 = arith.constant 0 : i32
        %dma_wait3A_206 = tpu.memref_slice %arg10[%dma_wait3A_204, %dma_wait3A_205] : memref<128x128xf32, #tpu.memory_space<vmem>> -> memref<98x128xf32, #tpu.memory_space<vmem>>
        tpu.wait_dma2 semaphore(%run_scoped3A : memref<!tpu.dma_semaphore, #tpu.memory_space<semaphore_mem>>) src(%dma_wait3A_206 : memref<98x128xf32, #tpu.memory_space<vmem>>) dst(%dma_wait3A_203 : memref<98x128xf32, #tpu.memory_space<vmem_shared>>)
        tpu.yield
      }) : () -> ()
    }
    %scan3A_102 = arith.constant 8 : i32
    %barrier3A_103 = arith.constant 0 : index
    tpu.barrier barrier_id(%barrier3A_103)
    %scan3A_104 = arith.constant 0 : i32
    %scan3A_105 = arith.constant 0 : i32
    %scan3A_106 = arith.constant 7 : i32
    %scan3A_107 = arith.addi %scan3A_105, %scan3A_106 : i32
    %scan3A_108 = arith.constant 1 : i32
    %scan3A_109 = scf.for %scan3A_179 = %scan3A_105 to %scan3A_107 step %scan3A_108 iter_args(%scan3A_180 = %scan3A_104) -> (i32)  : i32 {
      %mul3A_181 = arith.constant 12544 : i32
      %mul3A_182 = arith.muli %arg1, %mul3A_181 : i32
      %mul3A_183 = arith.constant 1792 : i32
      %mul3A_184 = arith.muli %scan3A_179, %mul3A_183 : i32
      %add3A_185 = arith.addi %mul3A_182, %mul3A_184 : i32
      "tpu.region"() ({
        %run_scoped3A = tpu.sem_alloc : memref<!tpu.dma_semaphore, #tpu.memory_space<semaphore_mem>>
        %dma_start3A = tpu.memref_slice %arg4[%add3A_185] : memref<200704xi32, #tpu.memory_space<hbm>> -> memref<1792xi32, #tpu.memory_space<hbm>>
        %dma_start3A_316 = tpu.memref_slice %arg4[%add3A_185] : memref<200704xi32, #tpu.memory_space<hbm>> -> memref<1792xi32, #tpu.memory_space<hbm>>
        tpu.enqueue_dma source(%dma_start3A_316 : memref<1792xi32, #tpu.memory_space<hbm>>) target(%arg6 : memref<1792xi32, #tpu.memory_space<vmem>>) target_semaphore(%run_scoped3A : memref<!tpu.dma_semaphore, #tpu.memory_space<semaphore_mem>>)
        %dma_wait3A = tpu.memref_slice %arg4[%add3A_185] : memref<200704xi32, #tpu.memory_space<hbm>> -> memref<1792xi32, #tpu.memory_space<hbm>>
        %dma_wait3A_317 = tpu.memref_slice %arg4[%add3A_185] : memref<200704xi32, #tpu.memory_space<hbm>> -> memref<1792xi32, #tpu.memory_space<hbm>>
        tpu.wait_dma2 semaphore(%run_scoped3A : memref<!tpu.dma_semaphore, #tpu.memory_space<semaphore_mem>>) src(%dma_wait3A_317 : memref<1792xi32, #tpu.memory_space<hbm>>) dst(%arg6 : memref<1792xi32, #tpu.memory_space<vmem>>)
        tpu.yield
      }) : () -> ()
      "tpu.region"() ({
        %run_scoped3A = tpu.sem_alloc : memref<!tpu.dma_semaphore, #tpu.memory_space<semaphore_mem>>
        %dma_start3A = tpu.memref_slice %arg3[%add3A_185] : memref<200704xi32, #tpu.memory_space<hbm>> -> memref<1792xi32, #tpu.memory_space<hbm>>
        %dma_start3A_316 = tpu.memref_slice %arg3[%add3A_185] : memref<200704xi32, #tpu.memory_space<hbm>> -> memref<1792xi32, #tpu.memory_space<hbm>>
        tpu.enqueue_dma source(%dma_start3A_316 : memref<1792xi32, #tpu.memory_space<hbm>>) target(%arg7 : memref<1792xi32, #tpu.memory_space<vmem>>) target_semaphore(%run_scoped3A : memref<!tpu.dma_semaphore, #tpu.memory_space<semaphore_mem>>)
        %dma_wait3A = tpu.memref_slice %arg3[%add3A_185] : memref<200704xi32, #tpu.memory_space<hbm>> -> memref<1792xi32, #tpu.memory_space<hbm>>
        %dma_wait3A_317 = tpu.memref_slice %arg3[%add3A_185] : memref<200704xi32, #tpu.memory_space<hbm>> -> memref<1792xi32, #tpu.memory_space<hbm>>
        tpu.wait_dma2 semaphore(%run_scoped3A : memref<!tpu.dma_semaphore, #tpu.memory_space<semaphore_mem>>) src(%dma_wait3A_317 : memref<1792xi32, #tpu.memory_space<hbm>>) dst(%arg7 : memref<1792xi32, #tpu.memory_space<vmem>>)
        tpu.yield
      }) : () -> ()
      %scan3A_186 = arith.constant 0 : i32
      %scan3A_187 = arith.constant 112 : i32
      %scan3A_188 = arith.addi %scan3A_186, %scan3A_187 : i32
      %scan3A_189 = arith.constant 1 : i32
      %scan3A_190 = scf.for %scan3A_316 = %scan3A_186 to %scan3A_188 step %scan3A_189 iter_args(%scan3A_317 = %scan3A_180) -> (i32)  : i32 {
        %mul3A_318 = arith.constant 16 : i32
        %mul3A_319 = arith.muli %scan3A_316, %mul3A_318 : i32
        %get3A = arith.index_cast %mul3A_319 : i32 to index
        %get3A_320 = tpu.vector_load %arg6[%get3A] {strides = array<i32>} : memref<1792xi32, #tpu.memory_space<vmem>>, vector<16xi32>,
        %mul3A_321 = arith.constant 16 : i32
        %mul3A_322 = arith.muli %scan3A_316, %mul3A_321 : i32
        %get3A_323 = arith.index_cast %mul3A_322 : i32 to index
        %get3A_324 = tpu.vector_load %arg7[%get3A_323] {strides = array<i32>} : memref<1792xi32, #tpu.memory_space<vmem>>, vector<16xi32>,
        %ge3A_325 = vector.broadcast %mul3A_92 : i32 to vector<16xi32>
        %ge3A_326 = arith.cmpi sge, %get3A_320, %ge3A_325 : vector<16xi32>
        %add3A_327 = arith.constant 12544 : i32
        %add3A_328 = arith.addi %mul3A_92, %add3A_327 : i32
        %lt3A = vector.broadcast %add3A_328 : i32 to vector<16xi32>
        %lt3A_329 = arith.cmpi slt, %get3A_320, %lt3A : vector<16xi32>
        %and3A_330 = arith.andi %ge3A_326, %lt3A_329 : vector<16xi1>
        %convert_element_type3A = arith.extui %and3A_330 : vector<16xi1> to vector<16xi32>
        %broadcast_in_dim3A_331 = arith.constant true
        %broadcast_in_dim3A_332 = vector.broadcast %broadcast_in_dim3A_331 : i1 to vector<16xi1>
        %masked_cumsum3A = tpu.scan <sum>, %convert_element_type3A masked %broadcast_in_dim3A_332 : vector<16xi32>, vector<16xi1> -> vector<16xi32>
        %add3A_333 = vector.broadcast %scan3A_317 : i32 to vector<16xi32>
        %add3A_334 = arith.addi %add3A_333, %masked_cumsum3A : vector<16xi32>
        %sub3A = arith.constant 1 : i32
        %sub3A_335 = vector.broadcast %sub3A : i32 to vector<16xi32>
        %sub3A_336 = arith.subi %add3A_334, %sub3A_335 : vector<16xi32>
        %shift_right_logical3A_337 = arith.constant 7 : i32
        %shift_right_logical3A_338 = vector.broadcast %shift_right_logical3A_337 : i32 to vector<16xi32>
        %shift_right_logical3A_339 = arith.shrui %sub3A_336, %shift_right_logical3A_338 : vector<16xi32>
        %and3A_340 = arith.constant 127 : i32
        %and3A_341 = vector.broadcast %and3A_340 : i32 to vector<16xi32>
        %and3A_342 = arith.andi %sub3A_336, %and3A_341 : vector<16xi32>
        tpu.vector_store_idx %arg8[%shift_right_logical3A_339, %and3A_342], %get3A_324 masked %and3A_330 : memref<15x128xi32, #tpu.memory_space<vmem>>[vector<16xi32>, vector<16xi32>], vector<16xi32>, vector<16xi1>
        %sub3A_343 = vector.broadcast %mul3A_92 : i32 to vector<16xi32>
        %sub3A_344 = arith.subi %get3A_320, %sub3A_343 : vector<16xi32>
        tpu.vector_store_idx %arg9[%shift_right_logical3A_339, %and3A_342], %sub3A_344 masked %and3A_330 : memref<15x128xi32, #tpu.memory_space<vmem>>[vector<16xi32>, vector<16xi32>], vector<16xi32>, vector<16xi1>
        %reduce_sum3A = arith.constant true
        %reduce_sum3A_345 = vector.broadcast %reduce_sum3A : i1 to vector<16xi1>
        %reduce_sum3A_346 = tpu.scan <sum>, %convert_element_type3A masked %reduce_sum3A_345 : vector<16xi32>, vector<16xi1> -> vector<16xi32>
        %reduce_sum3A_347 = vector.extract %reduce_sum3A_346[15] : i32 from vector<16xi32>
        %add3A_348 = arith.addi %scan3A_317, %reduce_sum3A_347 : i32
        scf.yield %add3A_348 : i32
      }
      %scan3A_191 = arith.constant 112 : i32
      %shift_right_logical3A_192 = arith.constant 7 : i32
      %shift_right_logical3A_193 = arith.shrui %scan3A_190, %shift_right_logical3A_192 : i32
      %while3A_194 = arith.constant 0 : i32
      %while3A_195 = arith.constant 0 : i32
      %while3A_196 = arith.subi %shift_right_logical3A_193, %while3A_195 : i32
      %while3A_197 = arith.addi %while3A_195, %while3A_196 : i32
      %while3A_198 = arith.constant 1 : i32
      %while3A_199 = arith.divsi %while3A_196, %while3A_198 : i32
      %while3A_200 = arith.muli %while3A_199, %while3A_198 : i32
      %while3A_201 = arith.addi %while3A_195, %while3A_200 : i32
      %while3A_202 = arith.constant 1 : i32
      scf.for %while3A_316 = %while3A_195 to %while3A_201 step %while3A_202  : i32 {
        %dma_start3A = arith.constant 0 : i32
        %dma_start3A_317 = tpu.memref_slice %arg8[%while3A_316, %dma_start3A] : memref<15x128xi32, #tpu.memory_space<vmem>> -> memref<1x128xi32, #tpu.memory_space<vmem>>
        %dma_start3A_318 = tpu.memref_squeeze %dma_start3A_317 : memref<1x128xi32, #tpu.memory_space<vmem>> -> memref<128xi32, #tpu.memory_space<vmem>>
        %dma_start3A_319 = arith.constant 0 : i32
        %dma_start3A_320 = arith.constant 0 : i32
        %dma_start3A_321 = tpu.memref_slice %arg2[%dma_start3A_319, %dma_start3A_320] : memref<50176x128xf32, #tpu.memory_space<hbm>> -> memref<50176x128xf32, #tpu.memory_space<hbm>>
        tpu.enqueue_indirect_dma source(%dma_start3A_321 : memref<50176x128xf32, #tpu.memory_space<hbm>>) target(%arg10 : memref<128x128xf32, #tpu.memory_space<vmem>>) offsets(%dma_start3A_318 : memref<128xi32, #tpu.memory_space<vmem>>) semaphore(%arg12 : memref<!tpu.dma_semaphore, #tpu.memory_space<semaphore_mem>>)
        %dma_wait3A = arith.constant 0 : i32
        %dma_wait3A_322 = tpu.memref_slice %arg8[%while3A_316, %dma_wait3A] : memref<15x128xi32, #tpu.memory_space<vmem>> -> memref<1x128xi32, #tpu.memory_space<vmem>>
        %dma_wait3A_323 = tpu.memref_squeeze %dma_wait3A_322 : memref<1x128xi32, #tpu.memory_space<vmem>> -> memref<128xi32, #tpu.memory_space<vmem>>
        %dma_wait3A_324 = arith.constant 0 : i32
        %dma_wait3A_325 = arith.constant 0 : i32
        %dma_wait3A_326 = tpu.memref_slice %arg2[%dma_wait3A_324, %dma_wait3A_325] : memref<50176x128xf32, #tpu.memory_space<hbm>> -> memref<50176x128xf32, #tpu.memory_space<hbm>>
        tpu.wait_indirect_dma semaphore(%arg12 : memref<!tpu.dma_semaphore, #tpu.memory_space<semaphore_mem>>) src(%dma_wait3A_326 : memref<50176x128xf32, #tpu.memory_space<hbm>>) dst(%arg10 : memref<128x128xf32, #tpu.memory_space<vmem>>)
        "tpu.region"() ({
          %run_scoped3A = tpu.sem_alloc : memref<!tpu.dma_semaphore, #tpu.memory_space<semaphore_mem>>
          %dma_start3A_327 = arith.constant 0 : i32
          %dma_start3A_328 = tpu.memref_slice %arg9[%while3A_316, %dma_start3A_327] : memref<15x128xi32, #tpu.memory_space<vmem>> -> memref<1x128xi32, #tpu.memory_space<vmem>>
          %dma_start3A_329 = tpu.memref_squeeze %dma_start3A_328 : memref<1x128xi32, #tpu.memory_space<vmem>> -> memref<128xi32, #tpu.memory_space<vmem>>
          %dma_start3A_330 = arith.constant 0 : i32
          %dma_start3A_331 = arith.constant 0 : i32
          %dma_start3A_332 = tpu.memref_slice %arg11[%dma_start3A_330, %dma_start3A_331] : memref<12552x128xf32, #tpu.memory_space<vmem_shared>> -> memref<12552x128xf32, #tpu.memory_space<vmem_shared>>
          tpu.enqueue_indirect_dma source(%arg10 : memref<128x128xf32, #tpu.memory_space<vmem>>) target(%dma_start3A_332 : memref<12552x128xf32, #tpu.memory_space<vmem_shared>>) offsets(%dma_start3A_329 : memref<128xi32, #tpu.memory_space<vmem>>) semaphore(%run_scoped3A : memref<!tpu.dma_semaphore, #tpu.memory_space<semaphore_mem>>) {add = true}
          %dma_wait3A_333 = arith.constant 0 : i32
          %dma_wait3A_334 = tpu.memref_slice %arg9[%while3A_316, %dma_wait3A_333] : memref<15x128xi32, #tpu.memory_space<vmem>> -> memref<1x128xi32, #tpu.memory_space<vmem>>
          %dma_wait3A_335 = tpu.memref_squeeze %dma_wait3A_334 : memref<1x128xi32, #tpu.memory_space<vmem>> -> memref<128xi32, #tpu.memory_space<vmem>>
          %dma_wait3A_336 = arith.constant 0 : i32
          %dma_wait3A_337 = arith.constant 0 : i32
          %dma_wait3A_338 = tpu.memref_slice %arg11[%dma_wait3A_336, %dma_wait3A_337] : memref<12552x128xf32, #tpu.memory_space<vmem_shared>> -> memref<12552x128xf32, #tpu.memory_space<vmem_shared>>
          tpu.wait_indirect_dma semaphore(%run_scoped3A : memref<!tpu.dma_semaphore, #tpu.memory_space<semaphore_mem>>) src(%arg10 : memref<128x128xf32, #tpu.memory_space<vmem>>) dst(%dma_wait3A_338 : memref<12552x128xf32, #tpu.memory_space<vmem_shared>>)
          tpu.yield
        }) : () -> ()
      }
      %while3A_203 = arith.constant 1 : i32
      scf.for %while3A_316 = %while3A_201 to %while3A_197 step %while3A_203  : i32 {
        %dma_start3A = arith.constant 0 : i32
        %dma_start3A_317 = tpu.memref_slice %arg8[%while3A_316, %dma_start3A] : memref<15x128xi32, #tpu.memory_space<vmem>> -> memref<1x128xi32, #tpu.memory_space<vmem>>
        %dma_start3A_318 = tpu.memref_squeeze %dma_start3A_317 : memref<1x128xi32, #tpu.memory_space<vmem>> -> memref<128xi32, #tpu.memory_space<vmem>>
        %dma_start3A_319 = arith.constant 0 : i32
        %dma_start3A_320 = arith.constant 0 : i32
        %dma_start3A_321 = tpu.memref_slice %arg2[%dma_start3A_319, %dma_start3A_320] : memref<50176x128xf32, #tpu.memory_space<hbm>> -> memref<50176x128xf32, #tpu.memory_space<hbm>>
        tpu.enqueue_indirect_dma source(%dma_start3A_321 : memref<50176x128xf32, #tpu.memory_space<hbm>>) target(%arg10 : memref<128x128xf32, #tpu.memory_space<vmem>>) offsets(%dma_start3A_318 : memref<128xi32, #tpu.memory_space<vmem>>) semaphore(%arg12 : memref<!tpu.dma_semaphore, #tpu.memory_space<semaphore_mem>>)
        %dma_wait3A = arith.constant 0 : i32
        %dma_wait3A_322 = tpu.memref_slice %arg8[%while3A_316, %dma_wait3A] : memref<15x128xi32, #tpu.memory_space<vmem>> -> memref<1x128xi32, #tpu.memory_space<vmem>>
        %dma_wait3A_323 = tpu.memref_squeeze %dma_wait3A_322 : memref<1x128xi32, #tpu.memory_space<vmem>> -> memref<128xi32, #tpu.memory_space<vmem>>
        %dma_wait3A_324 = arith.constant 0 : i32
        %dma_wait3A_325 = arith.constant 0 : i32
        %dma_wait3A_326 = tpu.memref_slice %arg2[%dma_wait3A_324, %dma_wait3A_325] : memref<50176x128xf32, #tpu.memory_space<hbm>> -> memref<50176x128xf32, #tpu.memory_space<hbm>>
        tpu.wait_indirect_dma semaphore(%arg12 : memref<!tpu.dma_semaphore, #tpu.memory_space<semaphore_mem>>) src(%dma_wait3A_326 : memref<50176x128xf32, #tpu.memory_space<hbm>>) dst(%arg10 : memref<128x128xf32, #tpu.memory_space<vmem>>)
        "tpu.region"() ({
          %run_scoped3A = tpu.sem_alloc : memref<!tpu.dma_semaphore, #tpu.memory_space<semaphore_mem>>
          %dma_start3A_327 = arith.constant 0 : i32
          %dma_start3A_328 = tpu.memref_slice %arg9[%while3A_316, %dma_start3A_327] : memref<15x128xi32, #tpu.memory_space<vmem>> -> memref<1x128xi32, #tpu.memory_space<vmem>>
          %dma_start3A_329 = tpu.memref_squeeze %dma_start3A_328 : memref<1x128xi32, #tpu.memory_space<vmem>> -> memref<128xi32, #tpu.memory_space<vmem>>
          %dma_start3A_330 = arith.constant 0 : i32
          %dma_start3A_331 = arith.constant 0 : i32
          %dma_start3A_332 = tpu.memref_slice %arg11[%dma_start3A_330, %dma_start3A_331] : memref<12552x128xf32, #tpu.memory_space<vmem_shared>> -> memref<12552x128xf32, #tpu.memory_space<vmem_shared>>
          tpu.enqueue_indirect_dma source(%arg10 : memref<128x128xf32, #tpu.memory_space<vmem>>) target(%dma_start3A_332 : memref<12552x128xf32, #tpu.memory_space<vmem_shared>>) offsets(%dma_start3A_329 : memref<128xi32, #tpu.memory_space<vmem>>) semaphore(%run_scoped3A : memref<!tpu.dma_semaphore, #tpu.memory_space<semaphore_mem>>) {add = true}
          %dma_wait3A_333 = arith.constant 0 : i32
          %dma_wait3A_334 = tpu.memref_slice %arg9[%while3A_316, %dma_wait3A_333] : memref<15x128xi32, #tpu.memory_space<vmem>> -> memref<1x128xi32, #tpu.memory_space<vmem>>
          %dma_wait3A_335 = tpu.memref_squeeze %dma_wait3A_334 : memref<1x128xi32, #tpu.memory_space<vmem>> -> memref<128xi32, #tpu.memory_space<vmem>>
          %dma_wait3A_336 = arith.constant 0 : i32
          %dma_wait3A_337 = arith.constant 0 : i32
          %dma_wait3A_338 = tpu.memref_slice %arg11[%dma_wait3A_336, %dma_wait3A_337] : memref<12552x128xf32, #tpu.memory_space<vmem_shared>> -> memref<12552x128xf32, #tpu.memory_space<vmem_shared>>
          tpu.wait_indirect_dma semaphore(%run_scoped3A : memref<!tpu.dma_semaphore, #tpu.memory_space<semaphore_mem>>) src(%arg10 : memref<128x128xf32, #tpu.memory_space<vmem>>) dst(%dma_wait3A_338 : memref<12552x128xf32, #tpu.memory_space<vmem_shared>>)
          tpu.yield
        }) : () -> ()
      }
      %broadcast_in_dim3A_204 = vector.broadcast %shift_right_logical3A_193 : i32 to vector<16xi32>
      %iota3A_205 = tpu.iota {dimensions = array<i32: 0>} : vector<16xi32>
      %add3A_206 = arith.constant 0 : i32
      %add3A_207 = vector.broadcast %add3A_206 : i32 to vector<16xi32>
      %add3A_208 = arith.addi %add3A_207, %iota3A_205 : vector<16xi32>
      %gather3A = tpu.vector_load_idx %arg8[%broadcast_in_dim3A_204, %add3A_208] : memref<15x128xi32, #tpu.memory_space<vmem>>[vector<16xi32>, vector<16xi32>], vector<16xi32>,
      %gather3A_209 = tpu.vector_load_idx %arg9[%broadcast_in_dim3A_204, %add3A_208] : memref<15x128xi32, #tpu.memory_space<vmem>>[vector<16xi32>, vector<16xi32>], vector<16xi32>,
      %swap3A = arith.constant 0 : i32
      %swap3A_210 = arith.index_cast %swap3A : i32 to index
      %swap3A_211 = arith.constant 0 : index
      %swap3A_212 = tpu.vector_load %arg8[%swap3A_210, %swap3A_211] {strides = array<i32>} : memref<15x128xi32, #tpu.memory_space<vmem>>, vector<16xi32>,
      tpu.vector_store %arg8[%swap3A_210, %swap3A_211], %gather3A {strides = array<i32>} : memref<15x128xi32, #tpu.memory_space<vmem>>, vector<16xi32>,
      %swap3A_213 = arith.constant 0 : i32
      %swap3A_214 = arith.index_cast %swap3A_213 : i32 to index
      %swap3A_215 = arith.constant 0 : index
      %swap3A_216 = tpu.vector_load %arg9[%swap3A_214, %swap3A_215] {strides = array<i32>} : memref<15x128xi32, #tpu.memory_space<vmem>>, vector<16xi32>,
      tpu.vector_store %arg9[%swap3A_214, %swap3A_215], %gather3A_209 {strides = array<i32>} : memref<15x128xi32, #tpu.memory_space<vmem>>, vector<16xi32>,
      %iota3A_217 = tpu.iota {dimensions = array<i32: 0>} : vector<16xi32>
      %add3A_218 = arith.constant 16 : i32
      %add3A_219 = vector.broadcast %add3A_218 : i32 to vector<16xi32>
      %add3A_220 = arith.addi %add3A_219, %iota3A_217 : vector<16xi32>
      %gather3A_221 = tpu.vector_load_idx %arg8[%broadcast_in_dim3A_204, %add3A_220] : memref<15x128xi32, #tpu.memory_space<vmem>>[vector<16xi32>, vector<16xi32>], vector<16xi32>,
      %gather3A_222 = tpu.vector_load_idx %arg9[%broadcast_in_dim3A_204, %add3A_220] : memref<15x128xi32, #tpu.memory_space<vmem>>[vector<16xi32>, vector<16xi32>], vector<16xi32>,
      %swap3A_223 = arith.constant 0 : i32
      %swap3A_224 = arith.index_cast %swap3A_223 : i32 to index
      %swap3A_225 = arith.constant 16 : index
      %swap3A_226 = tpu.vector_load %arg8[%swap3A_224, %swap3A_225] {strides = array<i32>} : memref<15x128xi32, #tpu.memory_space<vmem>>, vector<16xi32>,
      tpu.vector_store %arg8[%swap3A_224, %swap3A_225], %gather3A_221 {strides = array<i32>} : memref<15x128xi32, #tpu.memory_space<vmem>>, vector<16xi32>,
      %swap3A_227 = arith.constant 0 : i32
      %swap3A_228 = arith.index_cast %swap3A_227 : i32 to index
      %swap3A_229 = arith.constant 16 : index
      %swap3A_230 = tpu.vector_load %arg9[%swap3A_228, %swap3A_229] {strides = array<i32>} : memref<15x128xi32, #tpu.memory_space<vmem>>, vector<16xi32>,
      tpu.vector_store %arg9[%swap3A_228, %swap3A_229], %gather3A_222 {strides = array<i32>} : memref<15x128xi32, #tpu.memory_space<vmem>>, vector<16xi32>,
      %iota3A_231 = tpu.iota {dimensions = array<i32: 0>} : vector<16xi32>
      %add3A_232 = arith.constant 32 : i32
      %add3A_233 = vector.broadcast %add3A_232 : i32 to vector<16xi32>
      %add3A_234 = arith.addi %add3A_233, %iota3A_231 : vector<16xi32>
      %gather3A_235 = tpu.vector_load_idx %arg8[%broadcast_in_dim3A_204, %add3A_234] : memref<15x128xi32, #tpu.memory_space<vmem>>[vector<16xi32>, vector<16xi32>], vector<16xi32>,
      %gather3A_236 = tpu.vector_load_idx %arg9[%broadcast_in_dim3A_204, %add3A_234] : memref<15x128xi32, #tpu.memory_space<vmem>>[vector<16xi32>, vector<16xi32>], vector<16xi32>,
      %swap3A_237 = arith.constant 0 : i32
      %swap3A_238 = arith.index_cast %swap3A_237 : i32 to index
      %swap3A_239 = arith.constant 32 : index
      %swap3A_240 = tpu.vector_load %arg8[%swap3A_238, %swap3A_239] {strides = array<i32>} : memref<15x128xi32, #tpu.memory_space<vmem>>, vector<16xi32>,
      tpu.vector_store %arg8[%swap3A_238, %swap3A_239], %gather3A_235 {strides = array<i32>} : memref<15x128xi32, #tpu.memory_space<vmem>>, vector<16xi32>,
      %swap3A_241 = arith.constant 0 : i32
      %swap3A_242 = arith.index_cast %swap3A_241 : i32 to index
      %swap3A_243 = arith.constant 32 : index
      %swap3A_244 = tpu.vector_load %arg9[%swap3A_242, %swap3A_243] {strides = array<i32>} : memref<15x128xi32, #tpu.memory_space<vmem>>, vector<16xi32>,
      tpu.vector_store %arg9[%swap3A_242, %swap3A_243], %gather3A_236 {strides = array<i32>} : memref<15x128xi32, #tpu.memory_space<vmem>>, vector<16xi32>,
      %iota3A_245 = tpu.iota {dimensions = array<i32: 0>} : vector<16xi32>
      %add3A_246 = arith.constant 48 : i32
      %add3A_247 = vector.broadcast %add3A_246 : i32 to vector<16xi32>
      %add3A_248 = arith.addi %add3A_247, %iota3A_245 : vector<16xi32>
      %gather3A_249 = tpu.vector_load_idx %arg8[%broadcast_in_dim3A_204, %add3A_248] : memref<15x128xi32, #tpu.memory_space<vmem>>[vector<16xi32>, vector<16xi32>], vector<16xi32>,
      %gather3A_250 = tpu.vector_load_idx %arg9[%broadcast_in_dim3A_204, %add3A_248] : memref<15x128xi32, #tpu.memory_space<vmem>>[vector<16xi32>, vector<16xi32>], vector<16xi32>,
      %swap3A_251 = arith.constant 0 : i32
      %swap3A_252 = arith.index_cast %swap3A_251 : i32 to index
      %swap3A_253 = arith.constant 48 : index
      %swap3A_254 = tpu.vector_load %arg8[%swap3A_252, %swap3A_253] {strides = array<i32>} : memref<15x128xi32, #tpu.memory_space<vmem>>, vector<16xi32>,
      tpu.vector_store %arg8[%swap3A_252, %swap3A_253], %gather3A_249 {strides = array<i32>} : memref<15x128xi32, #tpu.memory_space<vmem>>, vector<16xi32>,
      %swap3A_255 = arith.constant 0 : i32
      %swap3A_256 = arith.index_cast %swap3A_255 : i32 to index
      %swap3A_257 = arith.constant 48 : index
      %swap3A_258 = tpu.vector_load %arg9[%swap3A_256, %swap3A_257] {strides = array<i32>} : memref<15x128xi32, #tpu.memory_space<vmem>>, vector<16xi32>,
      tpu.vector_store %arg9[%swap3A_256, %swap3A_257], %gather3A_250 {strides = array<i32>} : memref<15x128xi32, #tpu.memory_space<vmem>>, vector<16xi32>,
      %iota3A_259 = tpu.iota {dimensions = array<i32: 0>} : vector<16xi32>
      %add3A_260 = arith.constant 64 : i32
      %add3A_261 = vector.broadcast %add3A_260 : i32 to vector<16xi32>
      %add3A_262 = arith.addi %add3A_261, %iota3A_259 : vector<16xi32>
      %gather3A_263 = tpu.vector_load_idx %arg8[%broadcast_in_dim3A_204, %add3A_262] : memref<15x128xi32, #tpu.memory_space<vmem>>[vector<16xi32>, vector<16xi32>], vector<16xi32>,
      %gather3A_264 = tpu.vector_load_idx %arg9[%broadcast_in_dim3A_204, %add3A_262] : memref<15x128xi32, #tpu.memory_space<vmem>>[vector<16xi32>, vector<16xi32>], vector<16xi32>,
      %swap3A_265 = arith.constant 0 : i32
      %swap3A_266 = arith.index_cast %swap3A_265 : i32 to index
      %swap3A_267 = arith.constant 64 : index
      %swap3A_268 = tpu.vector_load %arg8[%swap3A_266, %swap3A_267] {strides = array<i32>} : memref<15x128xi32, #tpu.memory_space<vmem>>, vector<16xi32>,
      tpu.vector_store %arg8[%swap3A_266, %swap3A_267], %gather3A_263 {strides = array<i32>} : memref<15x128xi32, #tpu.memory_space<vmem>>, vector<16xi32>,
      %swap3A_269 = arith.constant 0 : i32
      %swap3A_270 = arith.index_cast %swap3A_269 : i32 to index
      %swap3A_271 = arith.constant 64 : index
      %swap3A_272 = tpu.vector_load %arg9[%swap3A_270, %swap3A_271] {strides = array<i32>} : memref<15x128xi32, #tpu.memory_space<vmem>>, vector<16xi32>,
      tpu.vector_store %arg9[%swap3A_270, %swap3A_271], %gather3A_264 {strides = array<i32>} : memref<15x128xi32, #tpu.memory_space<vmem>>, vector<16xi32>,
      %iota3A_273 = tpu.iota {dimensions = array<i32: 0>} : vector<16xi32>
      %add3A_274 = arith.constant 80 : i32
      %add3A_275 = vector.broadcast %add3A_274 : i32 to vector<16xi32>
      %add3A_276 = arith.addi %add3A_275, %iota3A_273 : vector<16xi32>
      %gather3A_277 = tpu.vector_load_idx %arg8[%broadcast_in_dim3A_204, %add3A_276] : memref<15x128xi32, #tpu.memory_space<vmem>>[vector<16xi32>, vector<16xi32>], vector<16xi32>,
      %gather3A_278 = tpu.vector_load_idx %arg9[%broadcast_in_dim3A_204, %add3A_276] : memref<15x128xi32, #tpu.memory_space<vmem>>[vector<16xi32>, vector<16xi32>], vector<16xi32>,
      %swap3A_279 = arith.constant 0 : i32
      %swap3A_280 = arith.index_cast %swap3A_279 : i32 to index
      %swap3A_281 = arith.constant 80 : index
      %swap3A_282 = tpu.vector_load %arg8[%swap3A_280, %swap3A_281] {strides = array<i32>} : memref<15x128xi32, #tpu.memory_space<vmem>>, vector<16xi32>,
      tpu.vector_store %arg8[%swap3A_280, %swap3A_281], %gather3A_277 {strides = array<i32>} : memref<15x128xi32, #tpu.memory_space<vmem>>, vector<16xi32>,
      %swap3A_283 = arith.constant 0 : i32
      %swap3A_284 = arith.index_cast %swap3A_283 : i32 to index
      %swap3A_285 = arith.constant 80 : index
      %swap3A_286 = tpu.vector_load %arg9[%swap3A_284, %swap3A_285] {strides = array<i32>} : memref<15x128xi32, #tpu.memory_space<vmem>>, vector<16xi32>,
      tpu.vector_store %arg9[%swap3A_284, %swap3A_285], %gather3A_278 {strides = array<i32>} : memref<15x128xi32, #tpu.memory_space<vmem>>, vector<16xi32>,
      %iota3A_287 = tpu.iota {dimensions = array<i32: 0>} : vector<16xi32>
      %add3A_288 = arith.constant 96 : i32
      %add3A_289 = vector.broadcast %add3A_288 : i32 to vector<16xi32>
      %add3A_290 = arith.addi %add3A_289, %iota3A_287 : vector<16xi32>
      %gather3A_291 = tpu.vector_load_idx %arg8[%broadcast_in_dim3A_204, %add3A_290] : memref<15x128xi32, #tpu.memory_space<vmem>>[vector<16xi32>, vector<16xi32>], vector<16xi32>,
      %gather3A_292 = tpu.vector_load_idx %arg9[%broadcast_in_dim3A_204, %add3A_290] : memref<15x128xi32, #tpu.memory_space<vmem>>[vector<16xi32>, vector<16xi32>], vector<16xi32>,
      %swap3A_293 = arith.constant 0 : i32
      %swap3A_294 = arith.index_cast %swap3A_293 : i32 to index
      %swap3A_295 = arith.constant 96 : index
      %swap3A_296 = tpu.vector_load %arg8[%swap3A_294, %swap3A_295] {strides = array<i32>} : memref<15x128xi32, #tpu.memory_space<vmem>>, vector<16xi32>,
      tpu.vector_store %arg8[%swap3A_294, %swap3A_295], %gather3A_291 {strides = array<i32>} : memref<15x128xi32, #tpu.memory_space<vmem>>, vector<16xi32>,
      %swap3A_297 = arith.constant 0 : i32
      %swap3A_298 = arith.index_cast %swap3A_297 : i32 to index
      %swap3A_299 = arith.constant 96 : index
      %swap3A_300 = tpu.vector_load %arg9[%swap3A_298, %swap3A_299] {strides = array<i32>} : memref<15x128xi32, #tpu.memory_space<vmem>>, vector<16xi32>,
      tpu.vector_store %arg9[%swap3A_298, %swap3A_299], %gather3A_292 {strides = array<i32>} : memref<15x128xi32, #tpu.memory_space<vmem>>, vector<16xi32>,
      %iota3A_301 = tpu.iota {dimensions = array<i32: 0>} : vector<16xi32>
      %add3A_302 = arith.constant 112 : i32
      %add3A_303 = vector.broadcast %add3A_302 : i32 to vector<16xi32>
      %add3A_304 = arith.addi %add3A_303, %iota3A_301 : vector<16xi32>
      %gather3A_305 = tpu.vector_load_idx %arg8[%broadcast_in_dim3A_204, %add3A_304] : memref<15x128xi32, #tpu.memory_space<vmem>>[vector<16xi32>, vector<16xi32>], vector<16xi32>,
      %gather3A_306 = tpu.vector_load_idx %arg9[%broadcast_in_dim3A_204, %add3A_304] : memref<15x128xi32, #tpu.memory_space<vmem>>[vector<16xi32>, vector<16xi32>], vector<16xi32>,
      %swap3A_307 = arith.constant 0 : i32
      %swap3A_308 = arith.index_cast %swap3A_307 : i32 to index
      %swap3A_309 = arith.constant 112 : index
      %swap3A_310 = tpu.vector_load %arg8[%swap3A_308, %swap3A_309] {strides = array<i32>} : memref<15x128xi32, #tpu.memory_space<vmem>>, vector<16xi32>,
      tpu.vector_store %arg8[%swap3A_308, %swap3A_309], %gather3A_305 {strides = array<i32>} : memref<15x128xi32, #tpu.memory_space<vmem>>, vector<16xi32>,
      %swap3A_311 = arith.constant 0 : i32
      %swap3A_312 = arith.index_cast %swap3A_311 : i32 to index
      %swap3A_313 = arith.constant 112 : index
      %swap3A_314 = tpu.vector_load %arg9[%swap3A_312, %swap3A_313] {strides = array<i32>} : memref<15x128xi32, #tpu.memory_space<vmem>>, vector<16xi32>,
      tpu.vector_store %arg9[%swap3A_312, %swap3A_313], %gather3A_306 {strides = array<i32>} : memref<15x128xi32, #tpu.memory_space<vmem>>, vector<16xi32>,
      %and3A = arith.constant 127 : i32
      %and3A_315 = arith.andi %scan3A_190, %and3A : i32
      scf.yield %and3A_315 : i32
    }
    %scan3A_110 = arith.constant 7 : i32
    %iota3A_111 = tpu.iota {dimensions = array<i32: 0>} : vector<16xi32>
    %add3A_112 = arith.constant 0 : i32
    %add3A_113 = vector.broadcast %add3A_112 : i32 to vector<16xi32>
    %add3A_114 = arith.addi %add3A_113, %iota3A_111 : vector<16xi32>
    %ge3A_115 = vector.broadcast %scan3A_109 : i32 to vector<16xi32>
    %ge3A_116 = arith.cmpi sge, %add3A_114, %ge3A_115 : vector<16xi32>
    tpu.vector_store_idx %arg8[%broadcast_in_dim3A_0, %add3A_114], %broadcast_in_dim3A_0 masked %ge3A_116 : memref<15x128xi32, #tpu.memory_space<vmem>>[vector<16xi32>, vector<16xi32>], vector<16xi32>, vector<16xi1>
    tpu.vector_store_idx %arg9[%broadcast_in_dim3A_0, %add3A_114], %broadcast_in_dim3A_2 masked %ge3A_116 : memref<15x128xi32, #tpu.memory_space<vmem>>[vector<16xi32>, vector<16xi32>], vector<16xi32>, vector<16xi1>
    %iota3A_117 = tpu.iota {dimensions = array<i32: 0>} : vector<16xi32>
    %add3A_118 = arith.constant 16 : i32
    %add3A_119 = vector.broadcast %add3A_118 : i32 to vector<16xi32>
    %add3A_120 = arith.addi %add3A_119, %iota3A_117 : vector<16xi32>
    %ge3A_121 = vector.broadcast %scan3A_109 : i32 to vector<16xi32>
    %ge3A_122 = arith.cmpi sge, %add3A_120, %ge3A_121 : vector<16xi32>
    tpu.vector_store_idx %arg8[%broadcast_in_dim3A_0, %add3A_120], %broadcast_in_dim3A_0 masked %ge3A_122 : memref<15x128xi32, #tpu.memory_space<vmem>>[vector<16xi32>, vector<16xi32>], vector<16xi32>, vector<16xi1>
    tpu.vector_store_idx %arg9[%broadcast_in_dim3A_0, %add3A_120], %broadcast_in_dim3A_2 masked %ge3A_122 : memref<15x128xi32, #tpu.memory_space<vmem>>[vector<16xi32>, vector<16xi32>], vector<16xi32>, vector<16xi1>
    %iota3A_123 = tpu.iota {dimensions = array<i32: 0>} : vector<16xi32>
    %add3A_124 = arith.constant 32 : i32
    %add3A_125 = vector.broadcast %add3A_124 : i32 to vector<16xi32>
    %add3A_126 = arith.addi %add3A_125, %iota3A_123 : vector<16xi32>
    %ge3A_127 = vector.broadcast %scan3A_109 : i32 to vector<16xi32>
    %ge3A_128 = arith.cmpi sge, %add3A_126, %ge3A_127 : vector<16xi32>
    tpu.vector_store_idx %arg8[%broadcast_in_dim3A_0, %add3A_126], %broadcast_in_dim3A_0 masked %ge3A_128 : memref<15x128xi32, #tpu.memory_space<vmem>>[vector<16xi32>, vector<16xi32>], vector<16xi32>, vector<16xi1>
    tpu.vector_store_idx %arg9[%broadcast_in_dim3A_0, %add3A_126], %broadcast_in_dim3A_2 masked %ge3A_128 : memref<15x128xi32, #tpu.memory_space<vmem>>[vector<16xi32>, vector<16xi32>], vector<16xi32>, vector<16xi1>
    %iota3A_129 = tpu.iota {dimensions = array<i32: 0>} : vector<16xi32>
    %add3A_130 = arith.constant 48 : i32
    %add3A_131 = vector.broadcast %add3A_130 : i32 to vector<16xi32>
    %add3A_132 = arith.addi %add3A_131, %iota3A_129 : vector<16xi32>
    %ge3A_133 = vector.broadcast %scan3A_109 : i32 to vector<16xi32>
    %ge3A_134 = arith.cmpi sge, %add3A_132, %ge3A_133 : vector<16xi32>
    tpu.vector_store_idx %arg8[%broadcast_in_dim3A_0, %add3A_132], %broadcast_in_dim3A_0 masked %ge3A_134 : memref<15x128xi32, #tpu.memory_space<vmem>>[vector<16xi32>, vector<16xi32>], vector<16xi32>, vector<16xi1>
    tpu.vector_store_idx %arg9[%broadcast_in_dim3A_0, %add3A_132], %broadcast_in_dim3A_2 masked %ge3A_134 : memref<15x128xi32, #tpu.memory_space<vmem>>[vector<16xi32>, vector<16xi32>], vector<16xi32>, vector<16xi1>
    %iota3A_135 = tpu.iota {dimensions = array<i32: 0>} : vector<16xi32>
    %add3A_136 = arith.constant 64 : i32
    %add3A_137 = vector.broadcast %add3A_136 : i32 to vector<16xi32>
    %add3A_138 = arith.addi %add3A_137, %iota3A_135 : vector<16xi32>
    %ge3A_139 = vector.broadcast %scan3A_109 : i32 to vector<16xi32>
    %ge3A_140 = arith.cmpi sge, %add3A_138, %ge3A_139 : vector<16xi32>
    tpu.vector_store_idx %arg8[%broadcast_in_dim3A_0, %add3A_138], %broadcast_in_dim3A_0 masked %ge3A_140 : memref<15x128xi32, #tpu.memory_space<vmem>>[vector<16xi32>, vector<16xi32>], vector<16xi32>, vector<16xi1>
    tpu.vector_store_idx %arg9[%broadcast_in_dim3A_0, %add3A_138], %broadcast_in_dim3A_2 masked %ge3A_140 : memref<15x128xi32, #tpu.memory_space<vmem>>[vector<16xi32>, vector<16xi32>], vector<16xi32>, vector<16xi1>
    %iota3A_141 = tpu.iota {dimensions = array<i32: 0>} : vector<16xi32>
    %add3A_142 = arith.constant 80 : i32
    %add3A_143 = vector.broadcast %add3A_142 : i32 to vector<16xi32>
    %add3A_144 = arith.addi %add3A_143, %iota3A_141 : vector<16xi32>
    %ge3A_145 = vector.broadcast %scan3A_109 : i32 to vector<16xi32>
    %ge3A_146 = arith.cmpi sge, %add3A_144, %ge3A_145 : vector<16xi32>
    tpu.vector_store_idx %arg8[%broadcast_in_dim3A_0, %add3A_144], %broadcast_in_dim3A_0 masked %ge3A_146 : memref<15x128xi32, #tpu.memory_space<vmem>>[vector<16xi32>, vector<16xi32>], vector<16xi32>, vector<16xi1>
    tpu.vector_store_idx %arg9[%broadcast_in_dim3A_0, %add3A_144], %broadcast_in_dim3A_2 masked %ge3A_146 : memref<15x128xi32, #tpu.memory_space<vmem>>[vector<16xi32>, vector<16xi32>], vector<16xi32>, vector<16xi1>
    %iota3A_147 = tpu.iota {dimensions = array<i32: 0>} : vector<16xi32>
    %add3A_148 = arith.constant 96 : i32
    %add3A_149 = vector.broadcast %add3A_148 : i32 to vector<16xi32>
    %add3A_150 = arith.addi %add3A_149, %iota3A_147 : vector<16xi32>
    %ge3A_151 = vector.broadcast %scan3A_109 : i32 to vector<16xi32>
    %ge3A_152 = arith.cmpi sge, %add3A_150, %ge3A_151 : vector<16xi32>
    tpu.vector_store_idx %arg8[%broadcast_in_dim3A_0, %add3A_150], %broadcast_in_dim3A_0 masked %ge3A_152 : memref<15x128xi32, #tpu.memory_space<vmem>>[vector<16xi32>, vector<16xi32>], vector<16xi32>, vector<16xi1>
    tpu.vector_store_idx %arg9[%broadcast_in_dim3A_0, %add3A_150], %broadcast_in_dim3A_2 masked %ge3A_152 : memref<15x128xi32, #tpu.memory_space<vmem>>[vector<16xi32>, vector<16xi32>], vector<16xi32>, vector<16xi1>
    %iota3A_153 = tpu.iota {dimensions = array<i32: 0>} : vector<16xi32>
    %add3A_154 = arith.constant 112 : i32
    %add3A_155 = vector.broadcast %add3A_154 : i32 to vector<16xi32>
    %add3A_156 = arith.addi %add3A_155, %iota3A_153 : vector<16xi32>
    %ge3A_157 = vector.broadcast %scan3A_109 : i32 to vector<16xi32>
    %ge3A_158 = arith.cmpi sge, %add3A_156, %ge3A_157 : vector<16xi32>
    tpu.vector_store_idx %arg8[%broadcast_in_dim3A_0, %add3A_156], %broadcast_in_dim3A_0 masked %ge3A_158 : memref<15x128xi32, #tpu.memory_space<vmem>>[vector<16xi32>, vector<16xi32>], vector<16xi32>, vector<16xi1>
    tpu.vector_store_idx %arg9[%broadcast_in_dim3A_0, %add3A_156], %broadcast_in_dim3A_2 masked %ge3A_158 : memref<15x128xi32, #tpu.memory_space<vmem>>[vector<16xi32>, vector<16xi32>], vector<16xi32>, vector<16xi1>
    %add3A_159 = arith.constant 127 : i32
    %add3A_160 = arith.addi %scan3A_109, %add3A_159 : i32
    %shift_right_logical3A_161 = arith.constant 7 : i32
    %shift_right_logical3A_162 = arith.shrui %add3A_160, %shift_right_logical3A_161 : i32
    %while3A_163 = arith.constant 0 : i32
    %while3A_164 = arith.constant 0 : i32
    %while3A_165 = arith.subi %shift_right_logical3A_162, %while3A_164 : i32
    %while3A_166 = arith.addi %while3A_164, %while3A_165 : i32
    %while3A_167 = arith.constant 1 : i32
    %while3A_168 = arith.divsi %while3A_165, %while3A_167 : i32
    %while3A_169 = arith.muli %while3A_168, %while3A_167 : i32
    %while3A_170 = arith.addi %while3A_164, %while3A_169 : i32
    %while3A_171 = arith.constant 1 : i32
    scf.for %while3A_179 = %while3A_164 to %while3A_170 step %while3A_171  : i32 {
      %dma_start3A = arith.constant 0 : i32
      %dma_start3A_180 = tpu.memref_slice %arg8[%while3A_179, %dma_start3A] : memref<15x128xi32, #tpu.memory_space<vmem>> -> memref<1x128xi32, #tpu.memory_space<vmem>>
      %dma_start3A_181 = tpu.memref_squeeze %dma_start3A_180 : memref<1x128xi32, #tpu.memory_space<vmem>> -> memref<128xi32, #tpu.memory_space<vmem>>
      %dma_start3A_182 = arith.constant 0 : i32
      %dma_start3A_183 = arith.constant 0 : i32
      %dma_start3A_184 = tpu.memref_slice %arg2[%dma_start3A_182, %dma_start3A_183] : memref<50176x128xf32, #tpu.memory_space<hbm>> -> memref<50176x128xf32, #tpu.memory_space<hbm>>
      tpu.enqueue_indirect_dma source(%dma_start3A_184 : memref<50176x128xf32, #tpu.memory_space<hbm>>) target(%arg10 : memref<128x128xf32, #tpu.memory_space<vmem>>) offsets(%dma_start3A_181 : memref<128xi32, #tpu.memory_space<vmem>>) semaphore(%arg12 : memref<!tpu.dma_semaphore, #tpu.memory_space<semaphore_mem>>)
      %dma_wait3A = arith.constant 0 : i32
      %dma_wait3A_185 = tpu.memref_slice %arg8[%while3A_179, %dma_wait3A] : memref<15x128xi32, #tpu.memory_space<vmem>> -> memref<1x128xi32, #tpu.memory_space<vmem>>
      %dma_wait3A_186 = tpu.memref_squeeze %dma_wait3A_185 : memref<1x128xi32, #tpu.memory_space<vmem>> -> memref<128xi32, #tpu.memory_space<vmem>>
      %dma_wait3A_187 = arith.constant 0 : i32
      %dma_wait3A_188 = arith.constant 0 : i32
      %dma_wait3A_189 = tpu.memref_slice %arg2[%dma_wait3A_187, %dma_wait3A_188] : memref<50176x128xf32, #tpu.memory_space<hbm>> -> memref<50176x128xf32, #tpu.memory_space<hbm>>
      tpu.wait_indirect_dma semaphore(%arg12 : memref<!tpu.dma_semaphore, #tpu.memory_space<semaphore_mem>>) src(%dma_wait3A_189 : memref<50176x128xf32, #tpu.memory_space<hbm>>) dst(%arg10 : memref<128x128xf32, #tpu.memory_space<vmem>>)
      "tpu.region"() ({
        %run_scoped3A = tpu.sem_alloc : memref<!tpu.dma_semaphore, #tpu.memory_space<semaphore_mem>>
        %dma_start3A_190 = arith.constant 0 : i32
        %dma_start3A_191 = tpu.memref_slice %arg9[%while3A_179, %dma_start3A_190] : memref<15x128xi32, #tpu.memory_space<vmem>> -> memref<1x128xi32, #tpu.memory_space<vmem>>
        %dma_start3A_192 = tpu.memref_squeeze %dma_start3A_191 : memref<1x128xi32, #tpu.memory_space<vmem>> -> memref<128xi32, #tpu.memory_space<vmem>>
        %dma_start3A_193 = arith.constant 0 : i32
        %dma_start3A_194 = arith.constant 0 : i32
        %dma_start3A_195 = tpu.memref_slice %arg11[%dma_start3A_193, %dma_start3A_194] : memref<12552x128xf32, #tpu.memory_space<vmem_shared>> -> memref<12552x128xf32, #tpu.memory_space<vmem_shared>>
        tpu.enqueue_indirect_dma source(%arg10 : memref<128x128xf32, #tpu.memory_space<vmem>>) target(%dma_start3A_195 : memref<12552x128xf32, #tpu.memory_space<vmem_shared>>) offsets(%dma_start3A_192 : memref<128xi32, #tpu.memory_space<vmem>>) semaphore(%run_scoped3A : memref<!tpu.dma_semaphore, #tpu.memory_space<semaphore_mem>>) {add = true}
        %dma_wait3A_196 = arith.constant 0 : i32
        %dma_wait3A_197 = tpu.memref_slice %arg9[%while3A_179, %dma_wait3A_196] : memref<15x128xi32, #tpu.memory_space<vmem>> -> memref<1x128xi32, #tpu.memory_space<vmem>>
        %dma_wait3A_198 = tpu.memref_squeeze %dma_wait3A_197 : memref<1x128xi32, #tpu.memory_space<vmem>> -> memref<128xi32, #tpu.memory_space<vmem>>
        %dma_wait3A_199 = arith.constant 0 : i32
        %dma_wait3A_200 = arith.constant 0 : i32
        %dma_wait3A_201 = tpu.memref_slice %arg11[%dma_wait3A_199, %dma_wait3A_200] : memref<12552x128xf32, #tpu.memory_space<vmem_shared>> -> memref<12552x128xf32, #tpu.memory_space<vmem_shared>>
        tpu.wait_indirect_dma semaphore(%run_scoped3A : memref<!tpu.dma_semaphore, #tpu.memory_space<semaphore_mem>>) src(%arg10 : memref<128x128xf32, #tpu.memory_space<vmem>>) dst(%dma_wait3A_201 : memref<12552x128xf32, #tpu.memory_space<vmem_shared>>)
        tpu.yield
      }) : () -> ()
    }
    %while3A_172 = arith.constant 1 : i32
    scf.for %while3A_179 = %while3A_170 to %while3A_166 step %while3A_172  : i32 {
      %dma_start3A = arith.constant 0 : i32
      %dma_start3A_180 = tpu.memref_slice %arg8[%while3A_179, %dma_start3A] : memref<15x128xi32, #tpu.memory_space<vmem>> -> memref<1x128xi32, #tpu.memory_space<vmem>>
      %dma_start3A_181 = tpu.memref_squeeze %dma_start3A_180 : memref<1x128xi32, #tpu.memory_space<vmem>> -> memref<128xi32, #tpu.memory_space<vmem>>
      %dma_start3A_182 = arith.constant 0 : i32
      %dma_start3A_183 = arith.constant 0 : i32
      %dma_start3A_184 = tpu.memref_slice %arg2[%dma_start3A_182, %dma_start3A_183] : memref<50176x128xf32, #tpu.memory_space<hbm>> -> memref<50176x128xf32, #tpu.memory_space<hbm>>
      tpu.enqueue_indirect_dma source(%dma_start3A_184 : memref<50176x128xf32, #tpu.memory_space<hbm>>) target(%arg10 : memref<128x128xf32, #tpu.memory_space<vmem>>) offsets(%dma_start3A_181 : memref<128xi32, #tpu.memory_space<vmem>>) semaphore(%arg12 : memref<!tpu.dma_semaphore, #tpu.memory_space<semaphore_mem>>)
      %dma_wait3A = arith.constant 0 : i32
      %dma_wait3A_185 = tpu.memref_slice %arg8[%while3A_179, %dma_wait3A] : memref<15x128xi32, #tpu.memory_space<vmem>> -> memref<1x128xi32, #tpu.memory_space<vmem>>
      %dma_wait3A_186 = tpu.memref_squeeze %dma_wait3A_185 : memref<1x128xi32, #tpu.memory_space<vmem>> -> memref<128xi32, #tpu.memory_space<vmem>>
      %dma_wait3A_187 = arith.constant 0 : i32
      %dma_wait3A_188 = arith.constant 0 : i32
      %dma_wait3A_189 = tpu.memref_slice %arg2[%dma_wait3A_187, %dma_wait3A_188] : memref<50176x128xf32, #tpu.memory_space<hbm>> -> memref<50176x128xf32, #tpu.memory_space<hbm>>
      tpu.wait_indirect_dma semaphore(%arg12 : memref<!tpu.dma_semaphore, #tpu.memory_space<semaphore_mem>>) src(%dma_wait3A_189 : memref<50176x128xf32, #tpu.memory_space<hbm>>) dst(%arg10 : memref<128x128xf32, #tpu.memory_space<vmem>>)
      "tpu.region"() ({
        %run_scoped3A = tpu.sem_alloc : memref<!tpu.dma_semaphore, #tpu.memory_space<semaphore_mem>>
        %dma_start3A_190 = arith.constant 0 : i32
        %dma_start3A_191 = tpu.memref_slice %arg9[%while3A_179, %dma_start3A_190] : memref<15x128xi32, #tpu.memory_space<vmem>> -> memref<1x128xi32, #tpu.memory_space<vmem>>
        %dma_start3A_192 = tpu.memref_squeeze %dma_start3A_191 : memref<1x128xi32, #tpu.memory_space<vmem>> -> memref<128xi32, #tpu.memory_space<vmem>>
        %dma_start3A_193 = arith.constant 0 : i32
        %dma_start3A_194 = arith.constant 0 : i32
        %dma_start3A_195 = tpu.memref_slice %arg11[%dma_start3A_193, %dma_start3A_194] : memref<12552x128xf32, #tpu.memory_space<vmem_shared>> -> memref<12552x128xf32, #tpu.memory_space<vmem_shared>>
        tpu.enqueue_indirect_dma source(%arg10 : memref<128x128xf32, #tpu.memory_space<vmem>>) target(%dma_start3A_195 : memref<12552x128xf32, #tpu.memory_space<vmem_shared>>) offsets(%dma_start3A_192 : memref<128xi32, #tpu.memory_space<vmem>>) semaphore(%run_scoped3A : memref<!tpu.dma_semaphore, #tpu.memory_space<semaphore_mem>>) {add = true}
        %dma_wait3A_196 = arith.constant 0 : i32
        %dma_wait3A_197 = tpu.memref_slice %arg9[%while3A_179, %dma_wait3A_196] : memref<15x128xi32, #tpu.memory_space<vmem>> -> memref<1x128xi32, #tpu.memory_space<vmem>>
        %dma_wait3A_198 = tpu.memref_squeeze %dma_wait3A_197 : memref<1x128xi32, #tpu.memory_space<vmem>> -> memref<128xi32, #tpu.memory_space<vmem>>
        %dma_wait3A_199 = arith.constant 0 : i32
        %dma_wait3A_200 = arith.constant 0 : i32
        %dma_wait3A_201 = tpu.memref_slice %arg11[%dma_wait3A_199, %dma_wait3A_200] : memref<12552x128xf32, #tpu.memory_space<vmem_shared>> -> memref<12552x128xf32, #tpu.memory_space<vmem_shared>>
        tpu.wait_indirect_dma semaphore(%run_scoped3A : memref<!tpu.dma_semaphore, #tpu.memory_space<semaphore_mem>>) src(%arg10 : memref<128x128xf32, #tpu.memory_space<vmem>>) dst(%dma_wait3A_201 : memref<12552x128xf32, #tpu.memory_space<vmem_shared>>)
        tpu.yield
      }) : () -> ()
    }
    %barrier3A_173 = arith.constant 0 : index
    tpu.barrier barrier_id(%barrier3A_173)
    %mul3A_174 = arith.constant 784 : i32
    %mul3A_175 = arith.muli %arg1, %mul3A_174 : i32
    %mul3A_176 = arith.constant 784 : i32
    %mul3A_177 = arith.muli %arg1, %mul3A_176 : i32
    %add3A_178 = arith.addi %mul3A_92, %mul3A_177 : i32
    "tpu.region"() ({
      %run_scoped3A = tpu.sem_alloc : memref<!tpu.dma_semaphore, #tpu.memory_space<semaphore_mem>>
      %dma_start3A = arith.constant 0 : i32
      %dma_start3A_179 = tpu.memref_slice %arg5[%add3A_178, %dma_start3A] : memref<50176x128xf32, #tpu.memory_space<hbm>> -> memref<784x128xf32, #tpu.memory_space<hbm>>
      %dma_start3A_180 = arith.constant 0 : i32
      %dma_start3A_181 = tpu.memref_slice %arg11[%mul3A_175, %dma_start3A_180] : memref<12552x128xf32, #tpu.memory_space<vmem_shared>> -> memref<784x128xf32, #tpu.memory_space<vmem_shared>>
      tpu.enqueue_dma source(%dma_start3A_181 : memref<784x128xf32, #tpu.memory_space<vmem_shared>>) target(%dma_start3A_179 : memref<784x128xf32, #tpu.memory_space<hbm>>) target_semaphore(%run_scoped3A : memref<!tpu.dma_semaphore, #tpu.memory_space<semaphore_mem>>)
      %dma_wait3A = arith.constant 0 : i32
      %dma_wait3A_182 = tpu.memref_slice %arg5[%add3A_178, %dma_wait3A] : memref<50176x128xf32, #tpu.memory_space<hbm>> -> memref<784x128xf32, #tpu.memory_space<hbm>>
      %dma_wait3A_183 = arith.constant 0 : i32
      %dma_wait3A_184 = tpu.memref_slice %arg11[%mul3A_175, %dma_wait3A_183] : memref<12552x128xf32, #tpu.memory_space<vmem_shared>> -> memref<784x128xf32, #tpu.memory_space<vmem_shared>>
      tpu.wait_dma2 semaphore(%run_scoped3A : memref<!tpu.dma_semaphore, #tpu.memory_space<semaphore_mem>>) src(%dma_wait3A_184 : memref<784x128xf32, #tpu.memory_space<vmem_shared>>) dst(%dma_wait3A_182 : memref<784x128xf32, #tpu.memory_space<hbm>>)
      tpu.yield
    }) : () -> ()
    return
  }
}

#map = affine_map<(d0, d1) -> (0, 0)>
#map1 = affine_map<(d0, d1) -> (0)>
module attributes {stable_mosaic.version = 14 : i64} {
  func.func @k(%arg0: i32, %arg1: i32, %arg2: memref<50176x128xf32, #tpu.memory_space<hbm>>, %arg3: memref<200704xi32, #tpu.memory_space<hbm>>, %arg4: memref<200704xi32, #tpu.memory_space<hbm>>, %arg5: memref<50176x128xf32, #tpu.memory_space<hbm>>, %arg6: memref<1792xi32, #tpu.memory_space<vmem>>, %arg7: memref<1792xi32, #tpu.memory_space<vmem>>, %arg8: memref<15x128xi32, #tpu.memory_space<vmem>>, %arg9: memref<15x128xi32, #tpu.memory_space<vmem>>, %arg10: memref<128x128xf32, #tpu.memory_space<vmem>>, %arg11: memref<12552x128xf32, #tpu.memory_space<vmem_shared>>, %arg12: memref<!tpu.dma_semaphore, #tpu.memory_space<semaphore_mem>>) attributes {dimension_semantics = [#tpu.dimension_semantics<core_parallel>, #tpu.dimension_semantics<subcore_parallel>], iteration_bounds = array<i64: 2, 16>, scalar_prefetch = 0 : i64, scratch_operands = 7 : i64, tpu.core_type = #tpu.core_type<sc_vector_subcore>, window_params = [{transform_indices = #map}, {transform_indices = #map1}, {transform_indices = #map1}, {transform_indices = #map}]} {
    %broadcast_in_dim3A = arith.constant 0 : i32
    %broadcast_in_dim3A_0 = vector.broadcast %broadcast_in_dim3A : i32 to vector<16xi32>
    %broadcast_in_dim3A_1 = arith.constant 12544 : i32
    %broadcast_in_dim3A_2 = vector.broadcast %broadcast_in_dim3A_1 : i32 to vector<16xi32>
    %mul3A = arith.constant 2 : i32
    %mul3A_3 = arith.muli %mul3A, %arg0 : i32
    %add3A = arith.constant 0 : i32
    %add3A_4 = arith.addi %mul3A_3, %add3A : i32
    %mul3A_5 = arith.constant 12544 : i32
    %mul3A_6 = arith.muli %add3A_4, %mul3A_5 : i32
    %scan3A = arith.constant 0 : i32
    %scan3A_7 = arith.constant 128 : i32
    %scan3A_8 = arith.addi %scan3A, %scan3A_7 : i32
    %scan3A_9 = arith.constant 1 : i32
    scf.for %scan3A_179 = %scan3A to %scan3A_8 step %scan3A_9  : i32 {
      %mul3A_180 = arith.constant 1 : i32
      %mul3A_181 = arith.muli %scan3A_179, %mul3A_180 : i32
      %add3A_182 = arith.constant 0 : i32
      %add3A_183 = arith.addi %add3A_182, %mul3A_181 : i32
      %broadcast_in_dim3A_184 = arith.constant 0.000000e+00 : f32
      %broadcast_in_dim3A_185 = vector.broadcast %broadcast_in_dim3A_184 : f32 to vector<16xf32>
      %swap3A = arith.index_cast %add3A_183 : i32 to index
      %swap3A_186 = arith.constant 0 : index
      %swap3A_187 = tpu.vector_load %arg10[%swap3A, %swap3A_186] {strides = array<i32>} : memref<128x128xf32, #tpu.memory_space<vmem>>, vector<16xf32>,
      tpu.vector_store %arg10[%swap3A, %swap3A_186], %broadcast_in_dim3A_185 {strides = array<i32>} : memref<128x128xf32, #tpu.memory_space<vmem>>, vector<16xf32>,
      %broadcast_in_dim3A_188 = arith.constant 0.000000e+00 : f32
      %broadcast_in_dim3A_189 = vector.broadcast %broadcast_in_dim3A_188 : f32 to vector<16xf32>
      %swap3A_190 = arith.index_cast %add3A_183 : i32 to index
      %swap3A_191 = arith.constant 16 : index
      %swap3A_192 = tpu.vector_load %arg10[%swap3A_190, %swap3A_191] {strides = array<i32>} : memref<128x128xf32, #tpu.memory_space<vmem>>, vector<16xf32>,
      tpu.vector_store %arg10[%swap3A_190, %swap3A_191], %broadcast_in_dim3A_189 {strides = array<i32>} : memref<128x128xf32, #tpu.memory_space<vmem>>, vector<16xf32>,
      %broadcast_in_dim3A_193 = arith.constant 0.000000e+00 : f32
      %broadcast_in_dim3A_194 = vector.broadcast %broadcast_in_dim3A_193 : f32 to vector<16xf32>
      %swap3A_195 = arith.index_cast %add3A_183 : i32 to index
      %swap3A_196 = arith.constant 32 : index
      %swap3A_197 = tpu.vector_load %arg10[%swap3A_195, %swap3A_196] {strides = array<i32>} : memref<128x128xf32, #tpu.memory_space<vmem>>, vector<16xf32>,
      tpu.vector_store %arg10[%swap3A_195, %swap3A_196], %broadcast_in_dim3A_194 {strides = array<i32>} : memref<128x128xf32, #tpu.memory_space<vmem>>, vector<16xf32>,
      %broadcast_in_dim3A_198 = arith.constant 0.000000e+00 : f32
      %broadcast_in_dim3A_199 = vector.broadcast %broadcast_in_dim3A_198 : f32 to vector<16xf32>
      %swap3A_200 = arith.index_cast %add3A_183 : i32 to index
      %swap3A_201 = arith.constant 48 : index
      %swap3A_202 = tpu.vector_load %arg10[%swap3A_200, %swap3A_201] {strides = array<i32>} : memref<128x128xf32, #tpu.memory_space<vmem>>, vector<16xf32>,
      tpu.vector_store %arg10[%swap3A_200, %swap3A_201], %broadcast_in_dim3A_199 {strides = array<i32>} : memref<128x128xf32, #tpu.memory_space<vmem>>, vector<16xf32>,
      %broadcast_in_dim3A_203 = arith.constant 0.000000e+00 : f32
      %broadcast_in_dim3A_204 = vector.broadcast %broadcast_in_dim3A_203 : f32 to vector<16xf32>
      %swap3A_205 = arith.index_cast %add3A_183 : i32 to index
      %swap3A_206 = arith.constant 64 : index
      %swap3A_207 = tpu.vector_load %arg10[%swap3A_205, %swap3A_206] {strides = array<i32>} : memref<128x128xf32, #tpu.memory_space<vmem>>, vector<16xf32>,
      tpu.vector_store %arg10[%swap3A_205, %swap3A_206], %broadcast_in_dim3A_204 {strides = array<i32>} : memref<128x128xf32, #tpu.memory_space<vmem>>, vector<16xf32>,
      %broadcast_in_dim3A_208 = arith.constant 0.000000e+00 : f32
      %broadcast_in_dim3A_209 = vector.broadcast %broadcast_in_dim3A_208 : f32 to vector<16xf32>
      %swap3A_210 = arith.index_cast %add3A_183 : i32 to index
      %swap3A_211 = arith.constant 80 : index
      %swap3A_212 = tpu.vector_load %arg10[%swap3A_210, %swap3A_211] {strides = array<i32>} : memref<128x128xf32, #tpu.memory_space<vmem>>, vector<16xf32>,
      tpu.vector_store %arg10[%swap3A_210, %swap3A_211], %broadcast_in_dim3A_209 {strides = array<i32>} : memref<128x128xf32, #tpu.memory_space<vmem>>, vector<16xf32>,
      %broadcast_in_dim3A_213 = arith.constant 0.000000e+00 : f32
      %broadcast_in_dim3A_214 = vector.broadcast %broadcast_in_dim3A_213 : f32 to vector<16xf32>
      %swap3A_215 = arith.index_cast %add3A_183 : i32 to index
      %swap3A_216 = arith.constant 96 : index
      %swap3A_217 = tpu.vector_load %arg10[%swap3A_215, %swap3A_216] {strides = array<i32>} : memref<128x128xf32, #tpu.memory_space<vmem>>, vector<16xf32>,
      tpu.vector_store %arg10[%swap3A_215, %swap3A_216], %broadcast_in_dim3A_214 {strides = array<i32>} : memref<128x128xf32, #tpu.memory_space<vmem>>, vector<16xf32>,
      %broadcast_in_dim3A_218 = arith.constant 0.000000e+00 : f32
      %broadcast_in_dim3A_219 = vector.broadcast %broadcast_in_dim3A_218 : f32 to vector<16xf32>
      %swap3A_220 = arith.index_cast %add3A_183 : i32 to index
      %swap3A_221 = arith.constant 112 : index
      %swap3A_222 = tpu.vector_load %arg10[%swap3A_220, %swap3A_221] {strides = array<i32>} : memref<128x128xf32, #tpu.memory_space<vmem>>, vector<16xf32>,
      tpu.vector_store %arg10[%swap3A_220, %swap3A_221], %broadcast_in_dim3A_219 {strides = array<i32>} : memref<128x128xf32, #tpu.memory_space<vmem>>, vector<16xf32>,
    }
    %scan3A_10 = arith.constant 128 : i32
    %scan3A_11 = arith.constant 0 : i32
    %scan3A_12 = arith.constant 8 : i32
    %scan3A_13 = arith.addi %scan3A_11, %scan3A_12 : i32
    %scan3A_14 = arith.constant 1 : i32
    scf.for %scan3A_179 = %scan3A_11 to %scan3A_13 step %scan3A_14  : i32 {
      %mul3A_180 = arith.constant 1 : i32
      %mul3A_181 = arith.muli %scan3A_179, %mul3A_180 : i32
      %add3A_182 = arith.constant 0 : i32
      %add3A_183 = arith.addi %add3A_182, %mul3A_181 : i32
      %mul3A_184 = arith.constant 784 : i32
      %mul3A_185 = arith.muli %arg1, %mul3A_184 : i32
      %mul3A_186 = arith.constant 98 : i32
      %mul3A_187 = arith.muli %add3A_183, %mul3A_186 : i32
      %add3A_188 = arith.addi %mul3A_185, %mul3A_187 : i32
      "tpu.region"() ({
        %run_scoped3A = tpu.sem_alloc : memref<!tpu.dma_semaphore, #tpu.memory_space<semaphore_mem>>
        %dma_start3A = arith.constant 0 : i32
        %dma_start3A_189 = arith.constant 0 : i32
        %dma_start3A_190 = tpu.memref_slice %arg10[%dma_start3A, %dma_start3A_189] : memref<128x128xf32, #tpu.memory_space<vmem>> -> memref<98x128xf32, #tpu.memory_space<vmem>>
        %dma_start3A_191 = arith.constant 0 : i32
        %dma_start3A_192 = tpu.memref_slice %arg11[%add3A_188, %dma_start3A_191] : memref<12552x128xf32, #tpu.memory_space<vmem_shared>> -> memref<98x128xf32, #tpu.memory_space<vmem_shared>>
        %dma_start3A_193 = arith.constant 0 : i32
        %dma_start3A_194 = tpu.memref_slice %arg11[%add3A_188, %dma_start3A_193] : memref<12552x128xf32, #tpu.memory_space<vmem_shared>> -> memref<98x128xf32, #tpu.memory_space<vmem_shared>>
        %dma_start3A_195 = arith.constant 0 : i32
        %dma_start3A_196 = arith.constant 0 : i32
        %dma_start3A_197 = tpu.memref_slice %arg10[%dma_start3A_195, %dma_start3A_196] : memref<128x128xf32, #tpu.memory_space<vmem>> -> memref<98x128xf32, #tpu.memory_space<vmem>>
        tpu.enqueue_dma source(%dma_start3A_197 : memref<98x128xf32, #tpu.memory_space<vmem>>) target(%dma_start3A_194 : memref<98x128xf32, #tpu.memory_space<vmem_shared>>) target_semaphore(%run_scoped3A : memref<!tpu.dma_semaphore, #tpu.memory_space<semaphore_mem>>)
        %dma_wait3A = arith.constant 0 : i32
        %dma_wait3A_198 = arith.constant 0 : i32
        %dma_wait3A_199 = tpu.memref_slice %arg10[%dma_wait3A, %dma_wait3A_198] : memref<128x128xf32, #tpu.memory_space<vmem>> -> memref<98x128xf32, #tpu.memory_space<vmem>>
        %dma_wait3A_200 = arith.constant 0 : i32
        %dma_wait3A_201 = tpu.memref_slice %arg11[%add3A_188, %dma_wait3A_200] : memref<12552x128xf32, #tpu.memory_space<vmem_shared>> -> memref<98x128xf32, #tpu.memory_space<vmem_shared>>
        %dma_wait3A_202 = arith.constant 0 : i32
        %dma_wait3A_203 = tpu.memref_slice %arg11[%add3A_188, %dma_wait3A_202] : memref<12552x128xf32, #tpu.memory_space<vmem_shared>> -> memref<98x128xf32, #tpu.memory_space<vmem_shared>>
        %dma_wait3A_204 = arith.constant 0 : i32
        %dma_wait3A_205 = arith.constant 0 : i32
        %dma_wait3A_206 = tpu.memref_slice %arg10[%dma_wait3A_204, %dma_wait3A_205] : memref<128x128xf32, #tpu.memory_space<vmem>> -> memref<98x128xf32, #tpu.memory_space<vmem>>
        tpu.wait_dma2 semaphore(%run_scoped3A : memref<!tpu.dma_semaphore, #tpu.memory_space<semaphore_mem>>) src(%dma_wait3A_206 : memref<98x128xf32, #tpu.memory_space<vmem>>) dst(%dma_wait3A_203 : memref<98x128xf32, #tpu.memory_space<vmem_shared>>)
        tpu.yield
      }) : () -> ()
    }
    %scan3A_15 = arith.constant 8 : i32
    %barrier3A = arith.constant 0 : index
    tpu.barrier barrier_id(%barrier3A)
    %scan3A_16 = arith.constant 0 : i32
    %scan3A_17 = arith.constant 0 : i32
    %scan3A_18 = arith.constant 7 : i32
    %scan3A_19 = arith.addi %scan3A_17, %scan3A_18 : i32
    %scan3A_20 = arith.constant 1 : i32
    %scan3A_21 = scf.for %scan3A_179 = %scan3A_17 to %scan3A_19 step %scan3A_20 iter_args(%scan3A_180 = %scan3A_16) -> (i32)  : i32 {
      %mul3A_181 = arith.constant 12544 : i32
      %mul3A_182 = arith.muli %arg1, %mul3A_181 : i32
      %mul3A_183 = arith.constant 1792 : i32
      %mul3A_184 = arith.muli %scan3A_179, %mul3A_183 : i32
      %add3A_185 = arith.addi %mul3A_182, %mul3A_184 : i32
      "tpu.region"() ({
        %run_scoped3A = tpu.sem_alloc : memref<!tpu.dma_semaphore, #tpu.memory_space<semaphore_mem>>
        %dma_start3A = tpu.memref_slice %arg4[%add3A_185] : memref<200704xi32, #tpu.memory_space<hbm>> -> memref<1792xi32, #tpu.memory_space<hbm>>
        %dma_start3A_316 = tpu.memref_slice %arg4[%add3A_185] : memref<200704xi32, #tpu.memory_space<hbm>> -> memref<1792xi32, #tpu.memory_space<hbm>>
        tpu.enqueue_dma source(%dma_start3A_316 : memref<1792xi32, #tpu.memory_space<hbm>>) target(%arg6 : memref<1792xi32, #tpu.memory_space<vmem>>) target_semaphore(%run_scoped3A : memref<!tpu.dma_semaphore, #tpu.memory_space<semaphore_mem>>)
        %dma_wait3A = tpu.memref_slice %arg4[%add3A_185] : memref<200704xi32, #tpu.memory_space<hbm>> -> memref<1792xi32, #tpu.memory_space<hbm>>
        %dma_wait3A_317 = tpu.memref_slice %arg4[%add3A_185] : memref<200704xi32, #tpu.memory_space<hbm>> -> memref<1792xi32, #tpu.memory_space<hbm>>
        tpu.wait_dma2 semaphore(%run_scoped3A : memref<!tpu.dma_semaphore, #tpu.memory_space<semaphore_mem>>) src(%dma_wait3A_317 : memref<1792xi32, #tpu.memory_space<hbm>>) dst(%arg6 : memref<1792xi32, #tpu.memory_space<vmem>>)
        tpu.yield
      }) : () -> ()
      "tpu.region"() ({
        %run_scoped3A = tpu.sem_alloc : memref<!tpu.dma_semaphore, #tpu.memory_space<semaphore_mem>>
        %dma_start3A = tpu.memref_slice %arg3[%add3A_185] : memref<200704xi32, #tpu.memory_space<hbm>> -> memref<1792xi32, #tpu.memory_space<hbm>>
        %dma_start3A_316 = tpu.memref_slice %arg3[%add3A_185] : memref<200704xi32, #tpu.memory_space<hbm>> -> memref<1792xi32, #tpu.memory_space<hbm>>
        tpu.enqueue_dma source(%dma_start3A_316 : memref<1792xi32, #tpu.memory_space<hbm>>) target(%arg7 : memref<1792xi32, #tpu.memory_space<vmem>>) target_semaphore(%run_scoped3A : memref<!tpu.dma_semaphore, #tpu.memory_space<semaphore_mem>>)
        %dma_wait3A = tpu.memref_slice %arg3[%add3A_185] : memref<200704xi32, #tpu.memory_space<hbm>> -> memref<1792xi32, #tpu.memory_space<hbm>>
        %dma_wait3A_317 = tpu.memref_slice %arg3[%add3A_185] : memref<200704xi32, #tpu.memory_space<hbm>> -> memref<1792xi32, #tpu.memory_space<hbm>>
        tpu.wait_dma2 semaphore(%run_scoped3A : memref<!tpu.dma_semaphore, #tpu.memory_space<semaphore_mem>>) src(%dma_wait3A_317 : memref<1792xi32, #tpu.memory_space<hbm>>) dst(%arg7 : memref<1792xi32, #tpu.memory_space<vmem>>)
        tpu.yield
      }) : () -> ()
      %scan3A_186 = arith.constant 0 : i32
      %scan3A_187 = arith.constant 112 : i32
      %scan3A_188 = arith.addi %scan3A_186, %scan3A_187 : i32
      %scan3A_189 = arith.constant 1 : i32
      %scan3A_190 = scf.for %scan3A_316 = %scan3A_186 to %scan3A_188 step %scan3A_189 iter_args(%scan3A_317 = %scan3A_180) -> (i32)  : i32 {
        %mul3A_318 = arith.constant 16 : i32
        %mul3A_319 = arith.muli %scan3A_316, %mul3A_318 : i32
        %get3A = arith.index_cast %mul3A_319 : i32 to index
        %get3A_320 = tpu.vector_load %arg6[%get3A] {strides = array<i32>} : memref<1792xi32, #tpu.memory_space<vmem>>, vector<16xi32>,
        %mul3A_321 = arith.constant 16 : i32
        %mul3A_322 = arith.muli %scan3A_316, %mul3A_321 : i32
        %get3A_323 = arith.index_cast %mul3A_322 : i32 to index
        %get3A_324 = tpu.vector_load %arg7[%get3A_323] {strides = array<i32>} : memref<1792xi32, #tpu.memory_space<vmem>>, vector<16xi32>,
        %ge3A_325 = vector.broadcast %mul3A_6 : i32 to vector<16xi32>
        %ge3A_326 = arith.cmpi sge, %get3A_320, %ge3A_325 : vector<16xi32>
        %add3A_327 = arith.constant 12544 : i32
        %add3A_328 = arith.addi %mul3A_6, %add3A_327 : i32
        %lt3A = vector.broadcast %add3A_328 : i32 to vector<16xi32>
        %lt3A_329 = arith.cmpi slt, %get3A_320, %lt3A : vector<16xi32>
        %and3A_330 = arith.andi %ge3A_326, %lt3A_329 : vector<16xi1>
        %convert_element_type3A = arith.extui %and3A_330 : vector<16xi1> to vector<16xi32>
        %broadcast_in_dim3A_331 = arith.constant true
        %broadcast_in_dim3A_332 = vector.broadcast %broadcast_in_dim3A_331 : i1 to vector<16xi1>
        %masked_cumsum3A = tpu.scan <sum>, %convert_element_type3A masked %broadcast_in_dim3A_332 : vector<16xi32>, vector<16xi1> -> vector<16xi32>
        %add3A_333 = vector.broadcast %scan3A_317 : i32 to vector<16xi32>
        %add3A_334 = arith.addi %add3A_333, %masked_cumsum3A : vector<16xi32>
        %sub3A = arith.constant 1 : i32
        %sub3A_335 = vector.broadcast %sub3A : i32 to vector<16xi32>
        %sub3A_336 = arith.subi %add3A_334, %sub3A_335 : vector<16xi32>
        %shift_right_logical3A_337 = arith.constant 7 : i32
        %shift_right_logical3A_338 = vector.broadcast %shift_right_logical3A_337 : i32 to vector<16xi32>
        %shift_right_logical3A_339 = arith.shrui %sub3A_336, %shift_right_logical3A_338 : vector<16xi32>
        %and3A_340 = arith.constant 127 : i32
        %and3A_341 = vector.broadcast %and3A_340 : i32 to vector<16xi32>
        %and3A_342 = arith.andi %sub3A_336, %and3A_341 : vector<16xi32>
        tpu.vector_store_idx %arg8[%shift_right_logical3A_339, %and3A_342], %get3A_324 masked %and3A_330 : memref<15x128xi32, #tpu.memory_space<vmem>>[vector<16xi32>, vector<16xi32>], vector<16xi32>, vector<16xi1>
        %sub3A_343 = vector.broadcast %mul3A_6 : i32 to vector<16xi32>
        %sub3A_344 = arith.subi %get3A_320, %sub3A_343 : vector<16xi32>
        tpu.vector_store_idx %arg9[%shift_right_logical3A_339, %and3A_342], %sub3A_344 masked %and3A_330 : memref<15x128xi32, #tpu.memory_space<vmem>>[vector<16xi32>, vector<16xi32>], vector<16xi32>, vector<16xi1>
        %reduce_sum3A = arith.constant true
        %reduce_sum3A_345 = vector.broadcast %reduce_sum3A : i1 to vector<16xi1>
        %reduce_sum3A_346 = tpu.scan <sum>, %convert_element_type3A masked %reduce_sum3A_345 : vector<16xi32>, vector<16xi1> -> vector<16xi32>
        %reduce_sum3A_347 = vector.extract %reduce_sum3A_346[15] : i32 from vector<16xi32>
        %add3A_348 = arith.addi %scan3A_317, %reduce_sum3A_347 : i32
        scf.yield %add3A_348 : i32
      }
      %scan3A_191 = arith.constant 112 : i32
      %shift_right_logical3A_192 = arith.constant 7 : i32
      %shift_right_logical3A_193 = arith.shrui %scan3A_190, %shift_right_logical3A_192 : i32
      %while3A_194 = arith.constant 0 : i32
      %while3A_195 = arith.constant 0 : i32
      %while3A_196 = arith.subi %shift_right_logical3A_193, %while3A_195 : i32
      %while3A_197 = arith.addi %while3A_195, %while3A_196 : i32
      %while3A_198 = arith.constant 1 : i32
      %while3A_199 = arith.divsi %while3A_196, %while3A_198 : i32
      %while3A_200 = arith.muli %while3A_199, %while3A_198 : i32
      %while3A_201 = arith.addi %while3A_195, %while3A_200 : i32
      %while3A_202 = arith.constant 1 : i32
      scf.for %while3A_316 = %while3A_195 to %while3A_201 step %while3A_202  : i32 {
        %dma_start3A = arith.constant 0 : i32
        %dma_start3A_317 = tpu.memref_slice %arg8[%while3A_316, %dma_start3A] : memref<15x128xi32, #tpu.memory_space<vmem>> -> memref<1x128xi32, #tpu.memory_space<vmem>>
        %dma_start3A_318 = tpu.memref_squeeze %dma_start3A_317 : memref<1x128xi32, #tpu.memory_space<vmem>> -> memref<128xi32, #tpu.memory_space<vmem>>
        %dma_start3A_319 = arith.constant 0 : i32
        %dma_start3A_320 = arith.constant 0 : i32
        %dma_start3A_321 = tpu.memref_slice %arg2[%dma_start3A_319, %dma_start3A_320] : memref<50176x128xf32, #tpu.memory_space<hbm>> -> memref<50176x128xf32, #tpu.memory_space<hbm>>
        tpu.enqueue_indirect_dma source(%dma_start3A_321 : memref<50176x128xf32, #tpu.memory_space<hbm>>) target(%arg10 : memref<128x128xf32, #tpu.memory_space<vmem>>) offsets(%dma_start3A_318 : memref<128xi32, #tpu.memory_space<vmem>>) semaphore(%arg12 : memref<!tpu.dma_semaphore, #tpu.memory_space<semaphore_mem>>)
        %dma_wait3A = arith.constant 0 : i32
        %dma_wait3A_322 = tpu.memref_slice %arg8[%while3A_316, %dma_wait3A] : memref<15x128xi32, #tpu.memory_space<vmem>> -> memref<1x128xi32, #tpu.memory_space<vmem>>
        %dma_wait3A_323 = tpu.memref_squeeze %dma_wait3A_322 : memref<1x128xi32, #tpu.memory_space<vmem>> -> memref<128xi32, #tpu.memory_space<vmem>>
        %dma_wait3A_324 = arith.constant 0 : i32
        %dma_wait3A_325 = arith.constant 0 : i32
        %dma_wait3A_326 = tpu.memref_slice %arg2[%dma_wait3A_324, %dma_wait3A_325] : memref<50176x128xf32, #tpu.memory_space<hbm>> -> memref<50176x128xf32, #tpu.memory_space<hbm>>
        tpu.wait_indirect_dma semaphore(%arg12 : memref<!tpu.dma_semaphore, #tpu.memory_space<semaphore_mem>>) src(%dma_wait3A_326 : memref<50176x128xf32, #tpu.memory_space<hbm>>) dst(%arg10 : memref<128x128xf32, #tpu.memory_space<vmem>>)
        "tpu.region"() ({
          %run_scoped3A = tpu.sem_alloc : memref<!tpu.dma_semaphore, #tpu.memory_space<semaphore_mem>>
          %dma_start3A_327 = arith.constant 0 : i32
          %dma_start3A_328 = tpu.memref_slice %arg9[%while3A_316, %dma_start3A_327] : memref<15x128xi32, #tpu.memory_space<vmem>> -> memref<1x128xi32, #tpu.memory_space<vmem>>
          %dma_start3A_329 = tpu.memref_squeeze %dma_start3A_328 : memref<1x128xi32, #tpu.memory_space<vmem>> -> memref<128xi32, #tpu.memory_space<vmem>>
          %dma_start3A_330 = arith.constant 0 : i32
          %dma_start3A_331 = arith.constant 0 : i32
          %dma_start3A_332 = tpu.memref_slice %arg11[%dma_start3A_330, %dma_start3A_331] : memref<12552x128xf32, #tpu.memory_space<vmem_shared>> -> memref<12552x128xf32, #tpu.memory_space<vmem_shared>>
          tpu.enqueue_indirect_dma source(%arg10 : memref<128x128xf32, #tpu.memory_space<vmem>>) target(%dma_start3A_332 : memref<12552x128xf32, #tpu.memory_space<vmem_shared>>) offsets(%dma_start3A_329 : memref<128xi32, #tpu.memory_space<vmem>>) semaphore(%run_scoped3A : memref<!tpu.dma_semaphore, #tpu.memory_space<semaphore_mem>>) {add = true}
          %dma_wait3A_333 = arith.constant 0 : i32
          %dma_wait3A_334 = tpu.memref_slice %arg9[%while3A_316, %dma_wait3A_333] : memref<15x128xi32, #tpu.memory_space<vmem>> -> memref<1x128xi32, #tpu.memory_space<vmem>>
          %dma_wait3A_335 = tpu.memref_squeeze %dma_wait3A_334 : memref<1x128xi32, #tpu.memory_space<vmem>> -> memref<128xi32, #tpu.memory_space<vmem>>
          %dma_wait3A_336 = arith.constant 0 : i32
          %dma_wait3A_337 = arith.constant 0 : i32
          %dma_wait3A_338 = tpu.memref_slice %arg11[%dma_wait3A_336, %dma_wait3A_337] : memref<12552x128xf32, #tpu.memory_space<vmem_shared>> -> memref<12552x128xf32, #tpu.memory_space<vmem_shared>>
          tpu.wait_indirect_dma semaphore(%run_scoped3A : memref<!tpu.dma_semaphore, #tpu.memory_space<semaphore_mem>>) src(%arg10 : memref<128x128xf32, #tpu.memory_space<vmem>>) dst(%dma_wait3A_338 : memref<12552x128xf32, #tpu.memory_space<vmem_shared>>)
          tpu.yield
        }) : () -> ()
      }
      %while3A_203 = arith.constant 1 : i32
      scf.for %while3A_316 = %while3A_201 to %while3A_197 step %while3A_203  : i32 {
        %dma_start3A = arith.constant 0 : i32
        %dma_start3A_317 = tpu.memref_slice %arg8[%while3A_316, %dma_start3A] : memref<15x128xi32, #tpu.memory_space<vmem>> -> memref<1x128xi32, #tpu.memory_space<vmem>>
        %dma_start3A_318 = tpu.memref_squeeze %dma_start3A_317 : memref<1x128xi32, #tpu.memory_space<vmem>> -> memref<128xi32, #tpu.memory_space<vmem>>
        %dma_start3A_319 = arith.constant 0 : i32
        %dma_start3A_320 = arith.constant 0 : i32
        %dma_start3A_321 = tpu.memref_slice %arg2[%dma_start3A_319, %dma_start3A_320] : memref<50176x128xf32, #tpu.memory_space<hbm>> -> memref<50176x128xf32, #tpu.memory_space<hbm>>
        tpu.enqueue_indirect_dma source(%dma_start3A_321 : memref<50176x128xf32, #tpu.memory_space<hbm>>) target(%arg10 : memref<128x128xf32, #tpu.memory_space<vmem>>) offsets(%dma_start3A_318 : memref<128xi32, #tpu.memory_space<vmem>>) semaphore(%arg12 : memref<!tpu.dma_semaphore, #tpu.memory_space<semaphore_mem>>)
        %dma_wait3A = arith.constant 0 : i32
        %dma_wait3A_322 = tpu.memref_slice %arg8[%while3A_316, %dma_wait3A] : memref<15x128xi32, #tpu.memory_space<vmem>> -> memref<1x128xi32, #tpu.memory_space<vmem>>
        %dma_wait3A_323 = tpu.memref_squeeze %dma_wait3A_322 : memref<1x128xi32, #tpu.memory_space<vmem>> -> memref<128xi32, #tpu.memory_space<vmem>>
        %dma_wait3A_324 = arith.constant 0 : i32
        %dma_wait3A_325 = arith.constant 0 : i32
        %dma_wait3A_326 = tpu.memref_slice %arg2[%dma_wait3A_324, %dma_wait3A_325] : memref<50176x128xf32, #tpu.memory_space<hbm>> -> memref<50176x128xf32, #tpu.memory_space<hbm>>
        tpu.wait_indirect_dma semaphore(%arg12 : memref<!tpu.dma_semaphore, #tpu.memory_space<semaphore_mem>>) src(%dma_wait3A_326 : memref<50176x128xf32, #tpu.memory_space<hbm>>) dst(%arg10 : memref<128x128xf32, #tpu.memory_space<vmem>>)
        "tpu.region"() ({
          %run_scoped3A = tpu.sem_alloc : memref<!tpu.dma_semaphore, #tpu.memory_space<semaphore_mem>>
          %dma_start3A_327 = arith.constant 0 : i32
          %dma_start3A_328 = tpu.memref_slice %arg9[%while3A_316, %dma_start3A_327] : memref<15x128xi32, #tpu.memory_space<vmem>> -> memref<1x128xi32, #tpu.memory_space<vmem>>
          %dma_start3A_329 = tpu.memref_squeeze %dma_start3A_328 : memref<1x128xi32, #tpu.memory_space<vmem>> -> memref<128xi32, #tpu.memory_space<vmem>>
          %dma_start3A_330 = arith.constant 0 : i32
          %dma_start3A_331 = arith.constant 0 : i32
          %dma_start3A_332 = tpu.memref_slice %arg11[%dma_start3A_330, %dma_start3A_331] : memref<12552x128xf32, #tpu.memory_space<vmem_shared>> -> memref<12552x128xf32, #tpu.memory_space<vmem_shared>>
          tpu.enqueue_indirect_dma source(%arg10 : memref<128x128xf32, #tpu.memory_space<vmem>>) target(%dma_start3A_332 : memref<12552x128xf32, #tpu.memory_space<vmem_shared>>) offsets(%dma_start3A_329 : memref<128xi32, #tpu.memory_space<vmem>>) semaphore(%run_scoped3A : memref<!tpu.dma_semaphore, #tpu.memory_space<semaphore_mem>>) {add = true}
          %dma_wait3A_333 = arith.constant 0 : i32
          %dma_wait3A_334 = tpu.memref_slice %arg9[%while3A_316, %dma_wait3A_333] : memref<15x128xi32, #tpu.memory_space<vmem>> -> memref<1x128xi32, #tpu.memory_space<vmem>>
          %dma_wait3A_335 = tpu.memref_squeeze %dma_wait3A_334 : memref<1x128xi32, #tpu.memory_space<vmem>> -> memref<128xi32, #tpu.memory_space<vmem>>
          %dma_wait3A_336 = arith.constant 0 : i32
          %dma_wait3A_337 = arith.constant 0 : i32
          %dma_wait3A_338 = tpu.memref_slice %arg11[%dma_wait3A_336, %dma_wait3A_337] : memref<12552x128xf32, #tpu.memory_space<vmem_shared>> -> memref<12552x128xf32, #tpu.memory_space<vmem_shared>>
          tpu.wait_indirect_dma semaphore(%run_scoped3A : memref<!tpu.dma_semaphore, #tpu.memory_space<semaphore_mem>>) src(%arg10 : memref<128x128xf32, #tpu.memory_space<vmem>>) dst(%dma_wait3A_338 : memref<12552x128xf32, #tpu.memory_space<vmem_shared>>)
          tpu.yield
        }) : () -> ()
      }
      %broadcast_in_dim3A_204 = vector.broadcast %shift_right_logical3A_193 : i32 to vector<16xi32>
      %iota3A_205 = tpu.iota {dimensions = array<i32: 0>} : vector<16xi32>
      %add3A_206 = arith.constant 0 : i32
      %add3A_207 = vector.broadcast %add3A_206 : i32 to vector<16xi32>
      %add3A_208 = arith.addi %add3A_207, %iota3A_205 : vector<16xi32>
      %gather3A = tpu.vector_load_idx %arg8[%broadcast_in_dim3A_204, %add3A_208] : memref<15x128xi32, #tpu.memory_space<vmem>>[vector<16xi32>, vector<16xi32>], vector<16xi32>,
      %gather3A_209 = tpu.vector_load_idx %arg9[%broadcast_in_dim3A_204, %add3A_208] : memref<15x128xi32, #tpu.memory_space<vmem>>[vector<16xi32>, vector<16xi32>], vector<16xi32>,
      %swap3A = arith.constant 0 : i32
      %swap3A_210 = arith.index_cast %swap3A : i32 to index
      %swap3A_211 = arith.constant 0 : index
      %swap3A_212 = tpu.vector_load %arg8[%swap3A_210, %swap3A_211] {strides = array<i32>} : memref<15x128xi32, #tpu.memory_space<vmem>>, vector<16xi32>,
      tpu.vector_store %arg8[%swap3A_210, %swap3A_211], %gather3A {strides = array<i32>} : memref<15x128xi32, #tpu.memory_space<vmem>>, vector<16xi32>,
      %swap3A_213 = arith.constant 0 : i32
      %swap3A_214 = arith.index_cast %swap3A_213 : i32 to index
      %swap3A_215 = arith.constant 0 : index
      %swap3A_216 = tpu.vector_load %arg9[%swap3A_214, %swap3A_215] {strides = array<i32>} : memref<15x128xi32, #tpu.memory_space<vmem>>, vector<16xi32>,
      tpu.vector_store %arg9[%swap3A_214, %swap3A_215], %gather3A_209 {strides = array<i32>} : memref<15x128xi32, #tpu.memory_space<vmem>>, vector<16xi32>,
      %iota3A_217 = tpu.iota {dimensions = array<i32: 0>} : vector<16xi32>
      %add3A_218 = arith.constant 16 : i32
      %add3A_219 = vector.broadcast %add3A_218 : i32 to vector<16xi32>
      %add3A_220 = arith.addi %add3A_219, %iota3A_217 : vector<16xi32>
      %gather3A_221 = tpu.vector_load_idx %arg8[%broadcast_in_dim3A_204, %add3A_220] : memref<15x128xi32, #tpu.memory_space<vmem>>[vector<16xi32>, vector<16xi32>], vector<16xi32>,
      %gather3A_222 = tpu.vector_load_idx %arg9[%broadcast_in_dim3A_204, %add3A_220] : memref<15x128xi32, #tpu.memory_space<vmem>>[vector<16xi32>, vector<16xi32>], vector<16xi32>,
      %swap3A_223 = arith.constant 0 : i32
      %swap3A_224 = arith.index_cast %swap3A_223 : i32 to index
      %swap3A_225 = arith.constant 16 : index
      %swap3A_226 = tpu.vector_load %arg8[%swap3A_224, %swap3A_225] {strides = array<i32>} : memref<15x128xi32, #tpu.memory_space<vmem>>, vector<16xi32>,
      tpu.vector_store %arg8[%swap3A_224, %swap3A_225], %gather3A_221 {strides = array<i32>} : memref<15x128xi32, #tpu.memory_space<vmem>>, vector<16xi32>,
      %swap3A_227 = arith.constant 0 : i32
      %swap3A_228 = arith.index_cast %swap3A_227 : i32 to index
      %swap3A_229 = arith.constant 16 : index
      %swap3A_230 = tpu.vector_load %arg9[%swap3A_228, %swap3A_229] {strides = array<i32>} : memref<15x128xi32, #tpu.memory_space<vmem>>, vector<16xi32>,
      tpu.vector_store %arg9[%swap3A_228, %swap3A_229], %gather3A_222 {strides = array<i32>} : memref<15x128xi32, #tpu.memory_space<vmem>>, vector<16xi32>,
      %iota3A_231 = tpu.iota {dimensions = array<i32: 0>} : vector<16xi32>
      %add3A_232 = arith.constant 32 : i32
      %add3A_233 = vector.broadcast %add3A_232 : i32 to vector<16xi32>
      %add3A_234 = arith.addi %add3A_233, %iota3A_231 : vector<16xi32>
      %gather3A_235 = tpu.vector_load_idx %arg8[%broadcast_in_dim3A_204, %add3A_234] : memref<15x128xi32, #tpu.memory_space<vmem>>[vector<16xi32>, vector<16xi32>], vector<16xi32>,
      %gather3A_236 = tpu.vector_load_idx %arg9[%broadcast_in_dim3A_204, %add3A_234] : memref<15x128xi32, #tpu.memory_space<vmem>>[vector<16xi32>, vector<16xi32>], vector<16xi32>,
      %swap3A_237 = arith.constant 0 : i32
      %swap3A_238 = arith.index_cast %swap3A_237 : i32 to index
      %swap3A_239 = arith.constant 32 : index
      %swap3A_240 = tpu.vector_load %arg8[%swap3A_238, %swap3A_239] {strides = array<i32>} : memref<15x128xi32, #tpu.memory_space<vmem>>, vector<16xi32>,
      tpu.vector_store %arg8[%swap3A_238, %swap3A_239], %gather3A_235 {strides = array<i32>} : memref<15x128xi32, #tpu.memory_space<vmem>>, vector<16xi32>,
      %swap3A_241 = arith.constant 0 : i32
      %swap3A_242 = arith.index_cast %swap3A_241 : i32 to index
      %swap3A_243 = arith.constant 32 : index
      %swap3A_244 = tpu.vector_load %arg9[%swap3A_242, %swap3A_243] {strides = array<i32>} : memref<15x128xi32, #tpu.memory_space<vmem>>, vector<16xi32>,
      tpu.vector_store %arg9[%swap3A_242, %swap3A_243], %gather3A_236 {strides = array<i32>} : memref<15x128xi32, #tpu.memory_space<vmem>>, vector<16xi32>,
      %iota3A_245 = tpu.iota {dimensions = array<i32: 0>} : vector<16xi32>
      %add3A_246 = arith.constant 48 : i32
      %add3A_247 = vector.broadcast %add3A_246 : i32 to vector<16xi32>
      %add3A_248 = arith.addi %add3A_247, %iota3A_245 : vector<16xi32>
      %gather3A_249 = tpu.vector_load_idx %arg8[%broadcast_in_dim3A_204, %add3A_248] : memref<15x128xi32, #tpu.memory_space<vmem>>[vector<16xi32>, vector<16xi32>], vector<16xi32>,
      %gather3A_250 = tpu.vector_load_idx %arg9[%broadcast_in_dim3A_204, %add3A_248] : memref<15x128xi32, #tpu.memory_space<vmem>>[vector<16xi32>, vector<16xi32>], vector<16xi32>,
      %swap3A_251 = arith.constant 0 : i32
      %swap3A_252 = arith.index_cast %swap3A_251 : i32 to index
      %swap3A_253 = arith.constant 48 : index
      %swap3A_254 = tpu.vector_load %arg8[%swap3A_252, %swap3A_253] {strides = array<i32>} : memref<15x128xi32, #tpu.memory_space<vmem>>, vector<16xi32>,
      tpu.vector_store %arg8[%swap3A_252, %swap3A_253], %gather3A_249 {strides = array<i32>} : memref<15x128xi32, #tpu.memory_space<vmem>>, vector<16xi32>,
      %swap3A_255 = arith.constant 0 : i32
      %swap3A_256 = arith.index_cast %swap3A_255 : i32 to index
      %swap3A_257 = arith.constant 48 : index
      %swap3A_258 = tpu.vector_load %arg9[%swap3A_256, %swap3A_257] {strides = array<i32>} : memref<15x128xi32, #tpu.memory_space<vmem>>, vector<16xi32>,
      tpu.vector_store %arg9[%swap3A_256, %swap3A_257], %gather3A_250 {strides = array<i32>} : memref<15x128xi32, #tpu.memory_space<vmem>>, vector<16xi32>,
      %iota3A_259 = tpu.iota {dimensions = array<i32: 0>} : vector<16xi32>
      %add3A_260 = arith.constant 64 : i32
      %add3A_261 = vector.broadcast %add3A_260 : i32 to vector<16xi32>
      %add3A_262 = arith.addi %add3A_261, %iota3A_259 : vector<16xi32>
      %gather3A_263 = tpu.vector_load_idx %arg8[%broadcast_in_dim3A_204, %add3A_262] : memref<15x128xi32, #tpu.memory_space<vmem>>[vector<16xi32>, vector<16xi32>], vector<16xi32>,
      %gather3A_264 = tpu.vector_load_idx %arg9[%broadcast_in_dim3A_204, %add3A_262] : memref<15x128xi32, #tpu.memory_space<vmem>>[vector<16xi32>, vector<16xi32>], vector<16xi32>,
      %swap3A_265 = arith.constant 0 : i32
      %swap3A_266 = arith.index_cast %swap3A_265 : i32 to index
      %swap3A_267 = arith.constant 64 : index
      %swap3A_268 = tpu.vector_load %arg8[%swap3A_266, %swap3A_267] {strides = array<i32>} : memref<15x128xi32, #tpu.memory_space<vmem>>, vector<16xi32>,
      tpu.vector_store %arg8[%swap3A_266, %swap3A_267], %gather3A_263 {strides = array<i32>} : memref<15x128xi32, #tpu.memory_space<vmem>>, vector<16xi32>,
      %swap3A_269 = arith.constant 0 : i32
      %swap3A_270 = arith.index_cast %swap3A_269 : i32 to index
      %swap3A_271 = arith.constant 64 : index
      %swap3A_272 = tpu.vector_load %arg9[%swap3A_270, %swap3A_271] {strides = array<i32>} : memref<15x128xi32, #tpu.memory_space<vmem>>, vector<16xi32>,
      tpu.vector_store %arg9[%swap3A_270, %swap3A_271], %gather3A_264 {strides = array<i32>} : memref<15x128xi32, #tpu.memory_space<vmem>>, vector<16xi32>,
      %iota3A_273 = tpu.iota {dimensions = array<i32: 0>} : vector<16xi32>
      %add3A_274 = arith.constant 80 : i32
      %add3A_275 = vector.broadcast %add3A_274 : i32 to vector<16xi32>
      %add3A_276 = arith.addi %add3A_275, %iota3A_273 : vector<16xi32>
      %gather3A_277 = tpu.vector_load_idx %arg8[%broadcast_in_dim3A_204, %add3A_276] : memref<15x128xi32, #tpu.memory_space<vmem>>[vector<16xi32>, vector<16xi32>], vector<16xi32>,
      %gather3A_278 = tpu.vector_load_idx %arg9[%broadcast_in_dim3A_204, %add3A_276] : memref<15x128xi32, #tpu.memory_space<vmem>>[vector<16xi32>, vector<16xi32>], vector<16xi32>,
      %swap3A_279 = arith.constant 0 : i32
      %swap3A_280 = arith.index_cast %swap3A_279 : i32 to index
      %swap3A_281 = arith.constant 80 : index
      %swap3A_282 = tpu.vector_load %arg8[%swap3A_280, %swap3A_281] {strides = array<i32>} : memref<15x128xi32, #tpu.memory_space<vmem>>, vector<16xi32>,
      tpu.vector_store %arg8[%swap3A_280, %swap3A_281], %gather3A_277 {strides = array<i32>} : memref<15x128xi32, #tpu.memory_space<vmem>>, vector<16xi32>,
      %swap3A_283 = arith.constant 0 : i32
      %swap3A_284 = arith.index_cast %swap3A_283 : i32 to index
      %swap3A_285 = arith.constant 80 : index
      %swap3A_286 = tpu.vector_load %arg9[%swap3A_284, %swap3A_285] {strides = array<i32>} : memref<15x128xi32, #tpu.memory_space<vmem>>, vector<16xi32>,
      tpu.vector_store %arg9[%swap3A_284, %swap3A_285], %gather3A_278 {strides = array<i32>} : memref<15x128xi32, #tpu.memory_space<vmem>>, vector<16xi32>,
      %iota3A_287 = tpu.iota {dimensions = array<i32: 0>} : vector<16xi32>
      %add3A_288 = arith.constant 96 : i32
      %add3A_289 = vector.broadcast %add3A_288 : i32 to vector<16xi32>
      %add3A_290 = arith.addi %add3A_289, %iota3A_287 : vector<16xi32>
      %gather3A_291 = tpu.vector_load_idx %arg8[%broadcast_in_dim3A_204, %add3A_290] : memref<15x128xi32, #tpu.memory_space<vmem>>[vector<16xi32>, vector<16xi32>], vector<16xi32>,
      %gather3A_292 = tpu.vector_load_idx %arg9[%broadcast_in_dim3A_204, %add3A_290] : memref<15x128xi32, #tpu.memory_space<vmem>>[vector<16xi32>, vector<16xi32>], vector<16xi32>,
      %swap3A_293 = arith.constant 0 : i32
      %swap3A_294 = arith.index_cast %swap3A_293 : i32 to index
      %swap3A_295 = arith.constant 96 : index
      %swap3A_296 = tpu.vector_load %arg8[%swap3A_294, %swap3A_295] {strides = array<i32>} : memref<15x128xi32, #tpu.memory_space<vmem>>, vector<16xi32>,
      tpu.vector_store %arg8[%swap3A_294, %swap3A_295], %gather3A_291 {strides = array<i32>} : memref<15x128xi32, #tpu.memory_space<vmem>>, vector<16xi32>,
      %swap3A_297 = arith.constant 0 : i32
      %swap3A_298 = arith.index_cast %swap3A_297 : i32 to index
      %swap3A_299 = arith.constant 96 : index
      %swap3A_300 = tpu.vector_load %arg9[%swap3A_298, %swap3A_299] {strides = array<i32>} : memref<15x128xi32, #tpu.memory_space<vmem>>, vector<16xi32>,
      tpu.vector_store %arg9[%swap3A_298, %swap3A_299], %gather3A_292 {strides = array<i32>} : memref<15x128xi32, #tpu.memory_space<vmem>>, vector<16xi32>,
      %iota3A_301 = tpu.iota {dimensions = array<i32: 0>} : vector<16xi32>
      %add3A_302 = arith.constant 112 : i32
      %add3A_303 = vector.broadcast %add3A_302 : i32 to vector<16xi32>
      %add3A_304 = arith.addi %add3A_303, %iota3A_301 : vector<16xi32>
      %gather3A_305 = tpu.vector_load_idx %arg8[%broadcast_in_dim3A_204, %add3A_304] : memref<15x128xi32, #tpu.memory_space<vmem>>[vector<16xi32>, vector<16xi32>], vector<16xi32>,
      %gather3A_306 = tpu.vector_load_idx %arg9[%broadcast_in_dim3A_204, %add3A_304] : memref<15x128xi32, #tpu.memory_space<vmem>>[vector<16xi32>, vector<16xi32>], vector<16xi32>,
      %swap3A_307 = arith.constant 0 : i32
      %swap3A_308 = arith.index_cast %swap3A_307 : i32 to index
      %swap3A_309 = arith.constant 112 : index
      %swap3A_310 = tpu.vector_load %arg8[%swap3A_308, %swap3A_309] {strides = array<i32>} : memref<15x128xi32, #tpu.memory_space<vmem>>, vector<16xi32>,
      tpu.vector_store %arg8[%swap3A_308, %swap3A_309], %gather3A_305 {strides = array<i32>} : memref<15x128xi32, #tpu.memory_space<vmem>>, vector<16xi32>,
      %swap3A_311 = arith.constant 0 : i32
      %swap3A_312 = arith.index_cast %swap3A_311 : i32 to index
      %swap3A_313 = arith.constant 112 : index
      %swap3A_314 = tpu.vector_load %arg9[%swap3A_312, %swap3A_313] {strides = array<i32>} : memref<15x128xi32, #tpu.memory_space<vmem>>, vector<16xi32>,
      tpu.vector_store %arg9[%swap3A_312, %swap3A_313], %gather3A_306 {strides = array<i32>} : memref<15x128xi32, #tpu.memory_space<vmem>>, vector<16xi32>,
      %and3A = arith.constant 127 : i32
      %and3A_315 = arith.andi %scan3A_190, %and3A : i32
      scf.yield %and3A_315 : i32
    }
    %scan3A_22 = arith.constant 7 : i32
    %iota3A = tpu.iota {dimensions = array<i32: 0>} : vector<16xi32>
    %add3A_23 = arith.constant 0 : i32
    %add3A_24 = vector.broadcast %add3A_23 : i32 to vector<16xi32>
    %add3A_25 = arith.addi %add3A_24, %iota3A : vector<16xi32>
    %ge3A = vector.broadcast %scan3A_21 : i32 to vector<16xi32>
    %ge3A_26 = arith.cmpi sge, %add3A_25, %ge3A : vector<16xi32>
    tpu.vector_store_idx %arg8[%broadcast_in_dim3A_0, %add3A_25], %broadcast_in_dim3A_0 masked %ge3A_26 : memref<15x128xi32, #tpu.memory_space<vmem>>[vector<16xi32>, vector<16xi32>], vector<16xi32>, vector<16xi1>
    tpu.vector_store_idx %arg9[%broadcast_in_dim3A_0, %add3A_25], %broadcast_in_dim3A_2 masked %ge3A_26 : memref<15x128xi32, #tpu.memory_space<vmem>>[vector<16xi32>, vector<16xi32>], vector<16xi32>, vector<16xi1>
    %iota3A_27 = tpu.iota {dimensions = array<i32: 0>} : vector<16xi32>
    %add3A_28 = arith.constant 16 : i32
    %add3A_29 = vector.broadcast %add3A_28 : i32 to vector<16xi32>
    %add3A_30 = arith.addi %add3A_29, %iota3A_27 : vector<16xi32>
    %ge3A_31 = vector.broadcast %scan3A_21 : i32 to vector<16xi32>
    %ge3A_32 = arith.cmpi sge, %add3A_30, %ge3A_31 : vector<16xi32>
    tpu.vector_store_idx %arg8[%broadcast_in_dim3A_0, %add3A_30], %broadcast_in_dim3A_0 masked %ge3A_32 : memref<15x128xi32, #tpu.memory_space<vmem>>[vector<16xi32>, vector<16xi32>], vector<16xi32>, vector<16xi1>
    tpu.vector_store_idx %arg9[%broadcast_in_dim3A_0, %add3A_30], %broadcast_in_dim3A_2 masked %ge3A_32 : memref<15x128xi32, #tpu.memory_space<vmem>>[vector<16xi32>, vector<16xi32>], vector<16xi32>, vector<16xi1>
    %iota3A_33 = tpu.iota {dimensions = array<i32: 0>} : vector<16xi32>
    %add3A_34 = arith.constant 32 : i32
    %add3A_35 = vector.broadcast %add3A_34 : i32 to vector<16xi32>
    %add3A_36 = arith.addi %add3A_35, %iota3A_33 : vector<16xi32>
    %ge3A_37 = vector.broadcast %scan3A_21 : i32 to vector<16xi32>
    %ge3A_38 = arith.cmpi sge, %add3A_36, %ge3A_37 : vector<16xi32>
    tpu.vector_store_idx %arg8[%broadcast_in_dim3A_0, %add3A_36], %broadcast_in_dim3A_0 masked %ge3A_38 : memref<15x128xi32, #tpu.memory_space<vmem>>[vector<16xi32>, vector<16xi32>], vector<16xi32>, vector<16xi1>
    tpu.vector_store_idx %arg9[%broadcast_in_dim3A_0, %add3A_36], %broadcast_in_dim3A_2 masked %ge3A_38 : memref<15x128xi32, #tpu.memory_space<vmem>>[vector<16xi32>, vector<16xi32>], vector<16xi32>, vector<16xi1>
    %iota3A_39 = tpu.iota {dimensions = array<i32: 0>} : vector<16xi32>
    %add3A_40 = arith.constant 48 : i32
    %add3A_41 = vector.broadcast %add3A_40 : i32 to vector<16xi32>
    %add3A_42 = arith.addi %add3A_41, %iota3A_39 : vector<16xi32>
    %ge3A_43 = vector.broadcast %scan3A_21 : i32 to vector<16xi32>
    %ge3A_44 = arith.cmpi sge, %add3A_42, %ge3A_43 : vector<16xi32>
    tpu.vector_store_idx %arg8[%broadcast_in_dim3A_0, %add3A_42], %broadcast_in_dim3A_0 masked %ge3A_44 : memref<15x128xi32, #tpu.memory_space<vmem>>[vector<16xi32>, vector<16xi32>], vector<16xi32>, vector<16xi1>
    tpu.vector_store_idx %arg9[%broadcast_in_dim3A_0, %add3A_42], %broadcast_in_dim3A_2 masked %ge3A_44 : memref<15x128xi32, #tpu.memory_space<vmem>>[vector<16xi32>, vector<16xi32>], vector<16xi32>, vector<16xi1>
    %iota3A_45 = tpu.iota {dimensions = array<i32: 0>} : vector<16xi32>
    %add3A_46 = arith.constant 64 : i32
    %add3A_47 = vector.broadcast %add3A_46 : i32 to vector<16xi32>
    %add3A_48 = arith.addi %add3A_47, %iota3A_45 : vector<16xi32>
    %ge3A_49 = vector.broadcast %scan3A_21 : i32 to vector<16xi32>
    %ge3A_50 = arith.cmpi sge, %add3A_48, %ge3A_49 : vector<16xi32>
    tpu.vector_store_idx %arg8[%broadcast_in_dim3A_0, %add3A_48], %broadcast_in_dim3A_0 masked %ge3A_50 : memref<15x128xi32, #tpu.memory_space<vmem>>[vector<16xi32>, vector<16xi32>], vector<16xi32>, vector<16xi1>
    tpu.vector_store_idx %arg9[%broadcast_in_dim3A_0, %add3A_48], %broadcast_in_dim3A_2 masked %ge3A_50 : memref<15x128xi32, #tpu.memory_space<vmem>>[vector<16xi32>, vector<16xi32>], vector<16xi32>, vector<16xi1>
    %iota3A_51 = tpu.iota {dimensions = array<i32: 0>} : vector<16xi32>
    %add3A_52 = arith.constant 80 : i32
    %add3A_53 = vector.broadcast %add3A_52 : i32 to vector<16xi32>
    %add3A_54 = arith.addi %add3A_53, %iota3A_51 : vector<16xi32>
    %ge3A_55 = vector.broadcast %scan3A_21 : i32 to vector<16xi32>
    %ge3A_56 = arith.cmpi sge, %add3A_54, %ge3A_55 : vector<16xi32>
    tpu.vector_store_idx %arg8[%broadcast_in_dim3A_0, %add3A_54], %broadcast_in_dim3A_0 masked %ge3A_56 : memref<15x128xi32, #tpu.memory_space<vmem>>[vector<16xi32>, vector<16xi32>], vector<16xi32>, vector<16xi1>
    tpu.vector_store_idx %arg9[%broadcast_in_dim3A_0, %add3A_54], %broadcast_in_dim3A_2 masked %ge3A_56 : memref<15x128xi32, #tpu.memory_space<vmem>>[vector<16xi32>, vector<16xi32>], vector<16xi32>, vector<16xi1>
    %iota3A_57 = tpu.iota {dimensions = array<i32: 0>} : vector<16xi32>
    %add3A_58 = arith.constant 96 : i32
    %add3A_59 = vector.broadcast %add3A_58 : i32 to vector<16xi32>
    %add3A_60 = arith.addi %add3A_59, %iota3A_57 : vector<16xi32>
    %ge3A_61 = vector.broadcast %scan3A_21 : i32 to vector<16xi32>
    %ge3A_62 = arith.cmpi sge, %add3A_60, %ge3A_61 : vector<16xi32>
    tpu.vector_store_idx %arg8[%broadcast_in_dim3A_0, %add3A_60], %broadcast_in_dim3A_0 masked %ge3A_62 : memref<15x128xi32, #tpu.memory_space<vmem>>[vector<16xi32>, vector<16xi32>], vector<16xi32>, vector<16xi1>
    tpu.vector_store_idx %arg9[%broadcast_in_dim3A_0, %add3A_60], %broadcast_in_dim3A_2 masked %ge3A_62 : memref<15x128xi32, #tpu.memory_space<vmem>>[vector<16xi32>, vector<16xi32>], vector<16xi32>, vector<16xi1>
    %iota3A_63 = tpu.iota {dimensions = array<i32: 0>} : vector<16xi32>
    %add3A_64 = arith.constant 112 : i32
    %add3A_65 = vector.broadcast %add3A_64 : i32 to vector<16xi32>
    %add3A_66 = arith.addi %add3A_65, %iota3A_63 : vector<16xi32>
    %ge3A_67 = vector.broadcast %scan3A_21 : i32 to vector<16xi32>
    %ge3A_68 = arith.cmpi sge, %add3A_66, %ge3A_67 : vector<16xi32>
    tpu.vector_store_idx %arg8[%broadcast_in_dim3A_0, %add3A_66], %broadcast_in_dim3A_0 masked %ge3A_68 : memref<15x128xi32, #tpu.memory_space<vmem>>[vector<16xi32>, vector<16xi32>], vector<16xi32>, vector<16xi1>
    tpu.vector_store_idx %arg9[%broadcast_in_dim3A_0, %add3A_66], %broadcast_in_dim3A_2 masked %ge3A_68 : memref<15x128xi32, #tpu.memory_space<vmem>>[vector<16xi32>, vector<16xi32>], vector<16xi32>, vector<16xi1>
    %add3A_69 = arith.constant 127 : i32
    %add3A_70 = arith.addi %scan3A_21, %add3A_69 : i32
    %shift_right_logical3A = arith.constant 7 : i32
    %shift_right_logical3A_71 = arith.shrui %add3A_70, %shift_right_logical3A : i32
    %while3A = arith.constant 0 : i32
    %while3A_72 = arith.constant 0 : i32
    %while3A_73 = arith.subi %shift_right_logical3A_71, %while3A_72 : i32
    %while3A_74 = arith.addi %while3A_72, %while3A_73 : i32
    %while3A_75 = arith.constant 1 : i32
    %while3A_76 = arith.divsi %while3A_73, %while3A_75 : i32
    %while3A_77 = arith.muli %while3A_76, %while3A_75 : i32
    %while3A_78 = arith.addi %while3A_72, %while3A_77 : i32
    %while3A_79 = arith.constant 1 : i32
    scf.for %while3A_179 = %while3A_72 to %while3A_78 step %while3A_79  : i32 {
      %dma_start3A = arith.constant 0 : i32
      %dma_start3A_180 = tpu.memref_slice %arg8[%while3A_179, %dma_start3A] : memref<15x128xi32, #tpu.memory_space<vmem>> -> memref<1x128xi32, #tpu.memory_space<vmem>>
      %dma_start3A_181 = tpu.memref_squeeze %dma_start3A_180 : memref<1x128xi32, #tpu.memory_space<vmem>> -> memref<128xi32, #tpu.memory_space<vmem>>
      %dma_start3A_182 = arith.constant 0 : i32
      %dma_start3A_183 = arith.constant 0 : i32
      %dma_start3A_184 = tpu.memref_slice %arg2[%dma_start3A_182, %dma_start3A_183] : memref<50176x128xf32, #tpu.memory_space<hbm>> -> memref<50176x128xf32, #tpu.memory_space<hbm>>
      tpu.enqueue_indirect_dma source(%dma_start3A_184 : memref<50176x128xf32, #tpu.memory_space<hbm>>) target(%arg10 : memref<128x128xf32, #tpu.memory_space<vmem>>) offsets(%dma_start3A_181 : memref<128xi32, #tpu.memory_space<vmem>>) semaphore(%arg12 : memref<!tpu.dma_semaphore, #tpu.memory_space<semaphore_mem>>)
      %dma_wait3A = arith.constant 0 : i32
      %dma_wait3A_185 = tpu.memref_slice %arg8[%while3A_179, %dma_wait3A] : memref<15x128xi32, #tpu.memory_space<vmem>> -> memref<1x128xi32, #tpu.memory_space<vmem>>
      %dma_wait3A_186 = tpu.memref_squeeze %dma_wait3A_185 : memref<1x128xi32, #tpu.memory_space<vmem>> -> memref<128xi32, #tpu.memory_space<vmem>>
      %dma_wait3A_187 = arith.constant 0 : i32
      %dma_wait3A_188 = arith.constant 0 : i32
      %dma_wait3A_189 = tpu.memref_slice %arg2[%dma_wait3A_187, %dma_wait3A_188] : memref<50176x128xf32, #tpu.memory_space<hbm>> -> memref<50176x128xf32, #tpu.memory_space<hbm>>
      tpu.wait_indirect_dma semaphore(%arg12 : memref<!tpu.dma_semaphore, #tpu.memory_space<semaphore_mem>>) src(%dma_wait3A_189 : memref<50176x128xf32, #tpu.memory_space<hbm>>) dst(%arg10 : memref<128x128xf32, #tpu.memory_space<vmem>>)
      "tpu.region"() ({
        %run_scoped3A = tpu.sem_alloc : memref<!tpu.dma_semaphore, #tpu.memory_space<semaphore_mem>>
        %dma_start3A_190 = arith.constant 0 : i32
        %dma_start3A_191 = tpu.memref_slice %arg9[%while3A_179, %dma_start3A_190] : memref<15x128xi32, #tpu.memory_space<vmem>> -> memref<1x128xi32, #tpu.memory_space<vmem>>
        %dma_start3A_192 = tpu.memref_squeeze %dma_start3A_191 : memref<1x128xi32, #tpu.memory_space<vmem>> -> memref<128xi32, #tpu.memory_space<vmem>>
        %dma_start3A_193 = arith.constant 0 : i32
        %dma_start3A_194 = arith.constant 0 : i32
        %dma_start3A_195 = tpu.memref_slice %arg11[%dma_start3A_193, %dma_start3A_194] : memref<12552x128xf32, #tpu.memory_space<vmem_shared>> -> memref<12552x128xf32, #tpu.memory_space<vmem_shared>>
        tpu.enqueue_indirect_dma source(%arg10 : memref<128x128xf32, #tpu.memory_space<vmem>>) target(%dma_start3A_195 : memref<12552x128xf32, #tpu.memory_space<vmem_shared>>) offsets(%dma_start3A_192 : memref<128xi32, #tpu.memory_space<vmem>>) semaphore(%run_scoped3A : memref<!tpu.dma_semaphore, #tpu.memory_space<semaphore_mem>>) {add = true}
        %dma_wait3A_196 = arith.constant 0 : i32
        %dma_wait3A_197 = tpu.memref_slice %arg9[%while3A_179, %dma_wait3A_196] : memref<15x128xi32, #tpu.memory_space<vmem>> -> memref<1x128xi32, #tpu.memory_space<vmem>>
        %dma_wait3A_198 = tpu.memref_squeeze %dma_wait3A_197 : memref<1x128xi32, #tpu.memory_space<vmem>> -> memref<128xi32, #tpu.memory_space<vmem>>
        %dma_wait3A_199 = arith.constant 0 : i32
        %dma_wait3A_200 = arith.constant 0 : i32
        %dma_wait3A_201 = tpu.memref_slice %arg11[%dma_wait3A_199, %dma_wait3A_200] : memref<12552x128xf32, #tpu.memory_space<vmem_shared>> -> memref<12552x128xf32, #tpu.memory_space<vmem_shared>>
        tpu.wait_indirect_dma semaphore(%run_scoped3A : memref<!tpu.dma_semaphore, #tpu.memory_space<semaphore_mem>>) src(%arg10 : memref<128x128xf32, #tpu.memory_space<vmem>>) dst(%dma_wait3A_201 : memref<12552x128xf32, #tpu.memory_space<vmem_shared>>)
        tpu.yield
      }) : () -> ()
    }
    %while3A_80 = arith.constant 1 : i32
    scf.for %while3A_179 = %while3A_78 to %while3A_74 step %while3A_80  : i32 {
      %dma_start3A = arith.constant 0 : i32
      %dma_start3A_180 = tpu.memref_slice %arg8[%while3A_179, %dma_start3A] : memref<15x128xi32, #tpu.memory_space<vmem>> -> memref<1x128xi32, #tpu.memory_space<vmem>>
      %dma_start3A_181 = tpu.memref_squeeze %dma_start3A_180 : memref<1x128xi32, #tpu.memory_space<vmem>> -> memref<128xi32, #tpu.memory_space<vmem>>
      %dma_start3A_182 = arith.constant 0 : i32
      %dma_start3A_183 = arith.constant 0 : i32
      %dma_start3A_184 = tpu.memref_slice %arg2[%dma_start3A_182, %dma_start3A_183] : memref<50176x128xf32, #tpu.memory_space<hbm>> -> memref<50176x128xf32, #tpu.memory_space<hbm>>
      tpu.enqueue_indirect_dma source(%dma_start3A_184 : memref<50176x128xf32, #tpu.memory_space<hbm>>) target(%arg10 : memref<128x128xf32, #tpu.memory_space<vmem>>) offsets(%dma_start3A_181 : memref<128xi32, #tpu.memory_space<vmem>>) semaphore(%arg12 : memref<!tpu.dma_semaphore, #tpu.memory_space<semaphore_mem>>)
      %dma_wait3A = arith.constant 0 : i32
      %dma_wait3A_185 = tpu.memref_slice %arg8[%while3A_179, %dma_wait3A] : memref<15x128xi32, #tpu.memory_space<vmem>> -> memref<1x128xi32, #tpu.memory_space<vmem>>
      %dma_wait3A_186 = tpu.memref_squeeze %dma_wait3A_185 : memref<1x128xi32, #tpu.memory_space<vmem>> -> memref<128xi32, #tpu.memory_space<vmem>>
      %dma_wait3A_187 = arith.constant 0 : i32
      %dma_wait3A_188 = arith.constant 0 : i32
      %dma_wait3A_189 = tpu.memref_slice %arg2[%dma_wait3A_187, %dma_wait3A_188] : memref<50176x128xf32, #tpu.memory_space<hbm>> -> memref<50176x128xf32, #tpu.memory_space<hbm>>
      tpu.wait_indirect_dma semaphore(%arg12 : memref<!tpu.dma_semaphore, #tpu.memory_space<semaphore_mem>>) src(%dma_wait3A_189 : memref<50176x128xf32, #tpu.memory_space<hbm>>) dst(%arg10 : memref<128x128xf32, #tpu.memory_space<vmem>>)
      "tpu.region"() ({
        %run_scoped3A = tpu.sem_alloc : memref<!tpu.dma_semaphore, #tpu.memory_space<semaphore_mem>>
        %dma_start3A_190 = arith.constant 0 : i32
        %dma_start3A_191 = tpu.memref_slice %arg9[%while3A_179, %dma_start3A_190] : memref<15x128xi32, #tpu.memory_space<vmem>> -> memref<1x128xi32, #tpu.memory_space<vmem>>
        %dma_start3A_192 = tpu.memref_squeeze %dma_start3A_191 : memref<1x128xi32, #tpu.memory_space<vmem>> -> memref<128xi32, #tpu.memory_space<vmem>>
        %dma_start3A_193 = arith.constant 0 : i32
        %dma_start3A_194 = arith.constant 0 : i32
        %dma_start3A_195 = tpu.memref_slice %arg11[%dma_start3A_193, %dma_start3A_194] : memref<12552x128xf32, #tpu.memory_space<vmem_shared>> -> memref<12552x128xf32, #tpu.memory_space<vmem_shared>>
        tpu.enqueue_indirect_dma source(%arg10 : memref<128x128xf32, #tpu.memory_space<vmem>>) target(%dma_start3A_195 : memref<12552x128xf32, #tpu.memory_space<vmem_shared>>) offsets(%dma_start3A_192 : memref<128xi32, #tpu.memory_space<vmem>>) semaphore(%run_scoped3A : memref<!tpu.dma_semaphore, #tpu.memory_space<semaphore_mem>>) {add = true}
        %dma_wait3A_196 = arith.constant 0 : i32
        %dma_wait3A_197 = tpu.memref_slice %arg9[%while3A_179, %dma_wait3A_196] : memref<15x128xi32, #tpu.memory_space<vmem>> -> memref<1x128xi32, #tpu.memory_space<vmem>>
        %dma_wait3A_198 = tpu.memref_squeeze %dma_wait3A_197 : memref<1x128xi32, #tpu.memory_space<vmem>> -> memref<128xi32, #tpu.memory_space<vmem>>
        %dma_wait3A_199 = arith.constant 0 : i32
        %dma_wait3A_200 = arith.constant 0 : i32
        %dma_wait3A_201 = tpu.memref_slice %arg11[%dma_wait3A_199, %dma_wait3A_200] : memref<12552x128xf32, #tpu.memory_space<vmem_shared>> -> memref<12552x128xf32, #tpu.memory_space<vmem_shared>>
        tpu.wait_indirect_dma semaphore(%run_scoped3A : memref<!tpu.dma_semaphore, #tpu.memory_space<semaphore_mem>>) src(%arg10 : memref<128x128xf32, #tpu.memory_space<vmem>>) dst(%dma_wait3A_201 : memref<12552x128xf32, #tpu.memory_space<vmem_shared>>)
        tpu.yield
      }) : () -> ()
    }
    %barrier3A_81 = arith.constant 0 : index
    tpu.barrier barrier_id(%barrier3A_81)
    %mul3A_82 = arith.constant 784 : i32
    %mul3A_83 = arith.muli %arg1, %mul3A_82 : i32
    %mul3A_84 = arith.constant 784 : i32
    %mul3A_85 = arith.muli %arg1, %mul3A_84 : i32
    %add3A_86 = arith.addi %mul3A_6, %mul3A_85 : i32
    "tpu.region"() ({
      %run_scoped3A = tpu.sem_alloc : memref<!tpu.dma_semaphore, #tpu.memory_space<semaphore_mem>>
      %dma_start3A = arith.constant 0 : i32
      %dma_start3A_179 = tpu.memref_slice %arg5[%add3A_86, %dma_start3A] : memref<50176x128xf32, #tpu.memory_space<hbm>> -> memref<784x128xf32, #tpu.memory_space<hbm>>
      %dma_start3A_180 = arith.constant 0 : i32
      %dma_start3A_181 = tpu.memref_slice %arg11[%mul3A_83, %dma_start3A_180] : memref<12552x128xf32, #tpu.memory_space<vmem_shared>> -> memref<784x128xf32, #tpu.memory_space<vmem_shared>>
      tpu.enqueue_dma source(%dma_start3A_181 : memref<784x128xf32, #tpu.memory_space<vmem_shared>>) target(%dma_start3A_179 : memref<784x128xf32, #tpu.memory_space<hbm>>) target_semaphore(%run_scoped3A : memref<!tpu.dma_semaphore, #tpu.memory_space<semaphore_mem>>)
      %dma_wait3A = arith.constant 0 : i32
      %dma_wait3A_182 = tpu.memref_slice %arg5[%add3A_86, %dma_wait3A] : memref<50176x128xf32, #tpu.memory_space<hbm>> -> memref<784x128xf32, #tpu.memory_space<hbm>>
      %dma_wait3A_183 = arith.constant 0 : i32
      %dma_wait3A_184 = tpu.memref_slice %arg11[%mul3A_83, %dma_wait3A_183] : memref<12552x128xf32, #tpu.memory_space<vmem_shared>> -> memref<784x128xf32, #tpu.memory_space<vmem_shared>>
      tpu.wait_dma2 semaphore(%run_scoped3A : memref<!tpu.dma_semaphore, #tpu.memory_space<semaphore_mem>>) src(%dma_wait3A_184 : memref<784x128xf32, #tpu.memory_space<vmem_shared>>) dst(%dma_wait3A_182 : memref<784x128xf32, #tpu.memory_space<hbm>>)
      tpu.yield
    }) : () -> ()
    %mul3A_87 = arith.constant 2 : i32
    %mul3A_88 = arith.muli %mul3A_87, %arg0 : i32
    %add3A_89 = arith.constant 1 : i32
    %add3A_90 = arith.addi %mul3A_88, %add3A_89 : i32
    %mul3A_91 = arith.constant 12544 : i32
    %mul3A_92 = arith.muli %add3A_90, %mul3A_91 : i32
    %scan3A_93 = arith.constant 0 : i32
    %scan3A_94 = arith.constant 128 : i32
    %scan3A_95 = arith.addi %scan3A_93, %scan3A_94 : i32
    %scan3A_96 = arith.constant 1 : i32
    scf.for %scan3A_179 = %scan3A_93 to %scan3A_95 step %scan3A_96  : i32 {
      %mul3A_180 = arith.constant 1 : i32
      %mul3A_181 = arith.muli %scan3A_179, %mul3A_180 : i32
      %add3A_182 = arith.constant 0 : i32
      %add3A_183 = arith.addi %add3A_182, %mul3A_181 : i32
      %broadcast_in_dim3A_184 = arith.constant 0.000000e+00 : f32
      %broadcast_in_dim3A_185 = vector.broadcast %broadcast_in_dim3A_184 : f32 to vector<16xf32>
      %swap3A = arith.index_cast %add3A_183 : i32 to index
      %swap3A_186 = arith.constant 0 : index
      %swap3A_187 = tpu.vector_load %arg10[%swap3A, %swap3A_186] {strides = array<i32>} : memref<128x128xf32, #tpu.memory_space<vmem>>, vector<16xf32>,
      tpu.vector_store %arg10[%swap3A, %swap3A_186], %broadcast_in_dim3A_185 {strides = array<i32>} : memref<128x128xf32, #tpu.memory_space<vmem>>, vector<16xf32>,
      %broadcast_in_dim3A_188 = arith.constant 0.000000e+00 : f32
      %broadcast_in_dim3A_189 = vector.broadcast %broadcast_in_dim3A_188 : f32 to vector<16xf32>
      %swap3A_190 = arith.index_cast %add3A_183 : i32 to index
      %swap3A_191 = arith.constant 16 : index
      %swap3A_192 = tpu.vector_load %arg10[%swap3A_190, %swap3A_191] {strides = array<i32>} : memref<128x128xf32, #tpu.memory_space<vmem>>, vector<16xf32>,
      tpu.vector_store %arg10[%swap3A_190, %swap3A_191], %broadcast_in_dim3A_189 {strides = array<i32>} : memref<128x128xf32, #tpu.memory_space<vmem>>, vector<16xf32>,
      %broadcast_in_dim3A_193 = arith.constant 0.000000e+00 : f32
      %broadcast_in_dim3A_194 = vector.broadcast %broadcast_in_dim3A_193 : f32 to vector<16xf32>
      %swap3A_195 = arith.index_cast %add3A_183 : i32 to index
      %swap3A_196 = arith.constant 32 : index
      %swap3A_197 = tpu.vector_load %arg10[%swap3A_195, %swap3A_196] {strides = array<i32>} : memref<128x128xf32, #tpu.memory_space<vmem>>, vector<16xf32>,
      tpu.vector_store %arg10[%swap3A_195, %swap3A_196], %broadcast_in_dim3A_194 {strides = array<i32>} : memref<128x128xf32, #tpu.memory_space<vmem>>, vector<16xf32>,
      %broadcast_in_dim3A_198 = arith.constant 0.000000e+00 : f32
      %broadcast_in_dim3A_199 = vector.broadcast %broadcast_in_dim3A_198 : f32 to vector<16xf32>
      %swap3A_200 = arith.index_cast %add3A_183 : i32 to index
      %swap3A_201 = arith.constant 48 : index
      %swap3A_202 = tpu.vector_load %arg10[%swap3A_200, %swap3A_201] {strides = array<i32>} : memref<128x128xf32, #tpu.memory_space<vmem>>, vector<16xf32>,
      tpu.vector_store %arg10[%swap3A_200, %swap3A_201], %broadcast_in_dim3A_199 {strides = array<i32>} : memref<128x128xf32, #tpu.memory_space<vmem>>, vector<16xf32>,
      %broadcast_in_dim3A_203 = arith.constant 0.000000e+00 : f32
      %broadcast_in_dim3A_204 = vector.broadcast %broadcast_in_dim3A_203 : f32 to vector<16xf32>
      %swap3A_205 = arith.index_cast %add3A_183 : i32 to index
      %swap3A_206 = arith.constant 64 : index
      %swap3A_207 = tpu.vector_load %arg10[%swap3A_205, %swap3A_206] {strides = array<i32>} : memref<128x128xf32, #tpu.memory_space<vmem>>, vector<16xf32>,
      tpu.vector_store %arg10[%swap3A_205, %swap3A_206], %broadcast_in_dim3A_204 {strides = array<i32>} : memref<128x128xf32, #tpu.memory_space<vmem>>, vector<16xf32>,
      %broadcast_in_dim3A_208 = arith.constant 0.000000e+00 : f32
      %broadcast_in_dim3A_209 = vector.broadcast %broadcast_in_dim3A_208 : f32 to vector<16xf32>
      %swap3A_210 = arith.index_cast %add3A_183 : i32 to index
      %swap3A_211 = arith.constant 80 : index
      %swap3A_212 = tpu.vector_load %arg10[%swap3A_210, %swap3A_211] {strides = array<i32>} : memref<128x128xf32, #tpu.memory_space<vmem>>, vector<16xf32>,
      tpu.vector_store %arg10[%swap3A_210, %swap3A_211], %broadcast_in_dim3A_209 {strides = array<i32>} : memref<128x128xf32, #tpu.memory_space<vmem>>, vector<16xf32>,
      %broadcast_in_dim3A_213 = arith.constant 0.000000e+00 : f32
      %broadcast_in_dim3A_214 = vector.broadcast %broadcast_in_dim3A_213 : f32 to vector<16xf32>
      %swap3A_215 = arith.index_cast %add3A_183 : i32 to index
      %swap3A_216 = arith.constant 96 : index
      %swap3A_217 = tpu.vector_load %arg10[%swap3A_215, %swap3A_216] {strides = array<i32>} : memref<128x128xf32, #tpu.memory_space<vmem>>, vector<16xf32>,
      tpu.vector_store %arg10[%swap3A_215, %swap3A_216], %broadcast_in_dim3A_214 {strides = array<i32>} : memref<128x128xf32, #tpu.memory_space<vmem>>, vector<16xf32>,
      %broadcast_in_dim3A_218 = arith.constant 0.000000e+00 : f32
      %broadcast_in_dim3A_219 = vector.broadcast %broadcast_in_dim3A_218 : f32 to vector<16xf32>
      %swap3A_220 = arith.index_cast %add3A_183 : i32 to index
      %swap3A_221 = arith.constant 112 : index
      %swap3A_222 = tpu.vector_load %arg10[%swap3A_220, %swap3A_221] {strides = array<i32>} : memref<128x128xf32, #tpu.memory_space<vmem>>, vector<16xf32>,
      tpu.vector_store %arg10[%swap3A_220, %swap3A_221], %broadcast_in_dim3A_219 {strides = array<i32>} : memref<128x128xf32, #tpu.memory_space<vmem>>, vector<16xf32>,
    }
    %scan3A_97 = arith.constant 128 : i32
    %scan3A_98 = arith.constant 0 : i32
    %scan3A_99 = arith.constant 8 : i32
    %scan3A_100 = arith.addi %scan3A_98, %scan3A_99 : i32
    %scan3A_101 = arith.constant 1 : i32
    scf.for %scan3A_179 = %scan3A_98 to %scan3A_100 step %scan3A_101  : i32 {
      %mul3A_180 = arith.constant 1 : i32
      %mul3A_181 = arith.muli %scan3A_179, %mul3A_180 : i32
      %add3A_182 = arith.constant 0 : i32
      %add3A_183 = arith.addi %add3A_182, %mul3A_181 : i32
      %mul3A_184 = arith.constant 784 : i32
      %mul3A_185 = arith.muli %arg1, %mul3A_184 : i32
      %mul3A_186 = arith.constant 98 : i32
      %mul3A_187 = arith.muli %add3A_183, %mul3A_186 : i32
      %add3A_188 = arith.addi %mul3A_185, %mul3A_187 : i32
      "tpu.region"() ({
        %run_scoped3A = tpu.sem_alloc : memref<!tpu.dma_semaphore, #tpu.memory_space<semaphore_mem>>
        %dma_start3A = arith.constant 0 : i32
        %dma_start3A_189 = arith.constant 0 : i32
        %dma_start3A_190 = tpu.memref_slice %arg10[%dma_start3A, %dma_start3A_189] : memref<128x128xf32, #tpu.memory_space<vmem>> -> memref<98x128xf32, #tpu.memory_space<vmem>>
        %dma_start3A_191 = arith.constant 0 : i32
        %dma_start3A_192 = tpu.memref_slice %arg11[%add3A_188, %dma_start3A_191] : memref<12552x128xf32, #tpu.memory_space<vmem_shared>> -> memref<98x128xf32, #tpu.memory_space<vmem_shared>>
        %dma_start3A_193 = arith.constant 0 : i32
        %dma_start3A_194 = tpu.memref_slice %arg11[%add3A_188, %dma_start3A_193] : memref<12552x128xf32, #tpu.memory_space<vmem_shared>> -> memref<98x128xf32, #tpu.memory_space<vmem_shared>>
        %dma_start3A_195 = arith.constant 0 : i32
        %dma_start3A_196 = arith.constant 0 : i32
        %dma_start3A_197 = tpu.memref_slice %arg10[%dma_start3A_195, %dma_start3A_196] : memref<128x128xf32, #tpu.memory_space<vmem>> -> memref<98x128xf32, #tpu.memory_space<vmem>>
        tpu.enqueue_dma source(%dma_start3A_197 : memref<98x128xf32, #tpu.memory_space<vmem>>) target(%dma_start3A_194 : memref<98x128xf32, #tpu.memory_space<vmem_shared>>) target_semaphore(%run_scoped3A : memref<!tpu.dma_semaphore, #tpu.memory_space<semaphore_mem>>)
        %dma_wait3A = arith.constant 0 : i32
        %dma_wait3A_198 = arith.constant 0 : i32
        %dma_wait3A_199 = tpu.memref_slice %arg10[%dma_wait3A, %dma_wait3A_198] : memref<128x128xf32, #tpu.memory_space<vmem>> -> memref<98x128xf32, #tpu.memory_space<vmem>>
        %dma_wait3A_200 = arith.constant 0 : i32
        %dma_wait3A_201 = tpu.memref_slice %arg11[%add3A_188, %dma_wait3A_200] : memref<12552x128xf32, #tpu.memory_space<vmem_shared>> -> memref<98x128xf32, #tpu.memory_space<vmem_shared>>
        %dma_wait3A_202 = arith.constant 0 : i32
        %dma_wait3A_203 = tpu.memref_slice %arg11[%add3A_188, %dma_wait3A_202] : memref<12552x128xf32, #tpu.memory_space<vmem_shared>> -> memref<98x128xf32, #tpu.memory_space<vmem_shared>>
        %dma_wait3A_204 = arith.constant 0 : i32
        %dma_wait3A_205 = arith.constant 0 : i32
        %dma_wait3A_206 = tpu.memref_slice %arg10[%dma_wait3A_204, %dma_wait3A_205] : memref<128x128xf32, #tpu.memory_space<vmem>> -> memref<98x128xf32, #tpu.memory_space<vmem>>
        tpu.wait_dma2 semaphore(%run_scoped3A : memref<!tpu.dma_semaphore, #tpu.memory_space<semaphore_mem>>) src(%dma_wait3A_206 : memref<98x128xf32, #tpu.memory_space<vmem>>) dst(%dma_wait3A_203 : memref<98x128xf32, #tpu.memory_space<vmem_shared>>)
        tpu.yield
      }) : () -> ()
    }
    %scan3A_102 = arith.constant 8 : i32
    %barrier3A_103 = arith.constant 0 : index
    tpu.barrier barrier_id(%barrier3A_103)
    %scan3A_104 = arith.constant 0 : i32
    %scan3A_105 = arith.constant 0 : i32
    %scan3A_106 = arith.constant 7 : i32
    %scan3A_107 = arith.addi %scan3A_105, %scan3A_106 : i32
    %scan3A_108 = arith.constant 1 : i32
    %scan3A_109 = scf.for %scan3A_179 = %scan3A_105 to %scan3A_107 step %scan3A_108 iter_args(%scan3A_180 = %scan3A_104) -> (i32)  : i32 {
      %mul3A_181 = arith.constant 12544 : i32
      %mul3A_182 = arith.muli %arg1, %mul3A_181 : i32
      %mul3A_183 = arith.constant 1792 : i32
      %mul3A_184 = arith.muli %scan3A_179, %mul3A_183 : i32
      %add3A_185 = arith.addi %mul3A_182, %mul3A_184 : i32
      "tpu.region"() ({
        %run_scoped3A = tpu.sem_alloc : memref<!tpu.dma_semaphore, #tpu.memory_space<semaphore_mem>>
        %dma_start3A = tpu.memref_slice %arg4[%add3A_185] : memref<200704xi32, #tpu.memory_space<hbm>> -> memref<1792xi32, #tpu.memory_space<hbm>>
        %dma_start3A_316 = tpu.memref_slice %arg4[%add3A_185] : memref<200704xi32, #tpu.memory_space<hbm>> -> memref<1792xi32, #tpu.memory_space<hbm>>
        tpu.enqueue_dma source(%dma_start3A_316 : memref<1792xi32, #tpu.memory_space<hbm>>) target(%arg6 : memref<1792xi32, #tpu.memory_space<vmem>>) target_semaphore(%run_scoped3A : memref<!tpu.dma_semaphore, #tpu.memory_space<semaphore_mem>>)
        %dma_wait3A = tpu.memref_slice %arg4[%add3A_185] : memref<200704xi32, #tpu.memory_space<hbm>> -> memref<1792xi32, #tpu.memory_space<hbm>>
        %dma_wait3A_317 = tpu.memref_slice %arg4[%add3A_185] : memref<200704xi32, #tpu.memory_space<hbm>> -> memref<1792xi32, #tpu.memory_space<hbm>>
        tpu.wait_dma2 semaphore(%run_scoped3A : memref<!tpu.dma_semaphore, #tpu.memory_space<semaphore_mem>>) src(%dma_wait3A_317 : memref<1792xi32, #tpu.memory_space<hbm>>) dst(%arg6 : memref<1792xi32, #tpu.memory_space<vmem>>)
        tpu.yield
      }) : () -> ()
      "tpu.region"() ({
        %run_scoped3A = tpu.sem_alloc : memref<!tpu.dma_semaphore, #tpu.memory_space<semaphore_mem>>
        %dma_start3A = tpu.memref_slice %arg3[%add3A_185] : memref<200704xi32, #tpu.memory_space<hbm>> -> memref<1792xi32, #tpu.memory_space<hbm>>
        %dma_start3A_316 = tpu.memref_slice %arg3[%add3A_185] : memref<200704xi32, #tpu.memory_space<hbm>> -> memref<1792xi32, #tpu.memory_space<hbm>>
        tpu.enqueue_dma source(%dma_start3A_316 : memref<1792xi32, #tpu.memory_space<hbm>>) target(%arg7 : memref<1792xi32, #tpu.memory_space<vmem>>) target_semaphore(%run_scoped3A : memref<!tpu.dma_semaphore, #tpu.memory_space<semaphore_mem>>)
        %dma_wait3A = tpu.memref_slice %arg3[%add3A_185] : memref<200704xi32, #tpu.memory_space<hbm>> -> memref<1792xi32, #tpu.memory_space<hbm>>
        %dma_wait3A_317 = tpu.memref_slice %arg3[%add3A_185] : memref<200704xi32, #tpu.memory_space<hbm>> -> memref<1792xi32, #tpu.memory_space<hbm>>
        tpu.wait_dma2 semaphore(%run_scoped3A : memref<!tpu.dma_semaphore, #tpu.memory_space<semaphore_mem>>) src(%dma_wait3A_317 : memref<1792xi32, #tpu.memory_space<hbm>>) dst(%arg7 : memref<1792xi32, #tpu.memory_space<vmem>>)
        tpu.yield
      }) : () -> ()
      %scan3A_186 = arith.constant 0 : i32
      %scan3A_187 = arith.constant 112 : i32
      %scan3A_188 = arith.addi %scan3A_186, %scan3A_187 : i32
      %scan3A_189 = arith.constant 1 : i32
      %scan3A_190 = scf.for %scan3A_316 = %scan3A_186 to %scan3A_188 step %scan3A_189 iter_args(%scan3A_317 = %scan3A_180) -> (i32)  : i32 {
        %mul3A_318 = arith.constant 16 : i32
        %mul3A_319 = arith.muli %scan3A_316, %mul3A_318 : i32
        %get3A = arith.index_cast %mul3A_319 : i32 to index
        %get3A_320 = tpu.vector_load %arg6[%get3A] {strides = array<i32>} : memref<1792xi32, #tpu.memory_space<vmem>>, vector<16xi32>,
        %mul3A_321 = arith.constant 16 : i32
        %mul3A_322 = arith.muli %scan3A_316, %mul3A_321 : i32
        %get3A_323 = arith.index_cast %mul3A_322 : i32 to index
        %get3A_324 = tpu.vector_load %arg7[%get3A_323] {strides = array<i32>} : memref<1792xi32, #tpu.memory_space<vmem>>, vector<16xi32>,
        %ge3A_325 = vector.broadcast %mul3A_92 : i32 to vector<16xi32>
        %ge3A_326 = arith.cmpi sge, %get3A_320, %ge3A_325 : vector<16xi32>
        %add3A_327 = arith.constant 12544 : i32
        %add3A_328 = arith.addi %mul3A_92, %add3A_327 : i32
        %lt3A = vector.broadcast %add3A_328 : i32 to vector<16xi32>
        %lt3A_329 = arith.cmpi slt, %get3A_320, %lt3A : vector<16xi32>
        %and3A_330 = arith.andi %ge3A_326, %lt3A_329 : vector<16xi1>
        %convert_element_type3A = arith.extui %and3A_330 : vector<16xi1> to vector<16xi32>
        %broadcast_in_dim3A_331 = arith.constant true
        %broadcast_in_dim3A_332 = vector.broadcast %broadcast_in_dim3A_331 : i1 to vector<16xi1>
        %masked_cumsum3A = tpu.scan <sum>, %convert_element_type3A masked %broadcast_in_dim3A_332 : vector<16xi32>, vector<16xi1> -> vector<16xi32>
        %add3A_333 = vector.broadcast %scan3A_317 : i32 to vector<16xi32>
        %add3A_334 = arith.addi %add3A_333, %masked_cumsum3A : vector<16xi32>
        %sub3A = arith.constant 1 : i32
        %sub3A_335 = vector.broadcast %sub3A : i32 to vector<16xi32>
        %sub3A_336 = arith.subi %add3A_334, %sub3A_335 : vector<16xi32>
        %shift_right_logical3A_337 = arith.constant 7 : i32
        %shift_right_logical3A_338 = vector.broadcast %shift_right_logical3A_337 : i32 to vector<16xi32>
        %shift_right_logical3A_339 = arith.shrui %sub3A_336, %shift_right_logical3A_338 : vector<16xi32>
        %and3A_340 = arith.constant 127 : i32
        %and3A_341 = vector.broadcast %and3A_340 : i32 to vector<16xi32>
        %and3A_342 = arith.andi %sub3A_336, %and3A_341 : vector<16xi32>
        tpu.vector_store_idx %arg8[%shift_right_logical3A_339, %and3A_342], %get3A_324 masked %and3A_330 : memref<15x128xi32, #tpu.memory_space<vmem>>[vector<16xi32>, vector<16xi32>], vector<16xi32>, vector<16xi1>
        %sub3A_343 = vector.broadcast %mul3A_92 : i32 to vector<16xi32>
        %sub3A_344 = arith.subi %get3A_320, %sub3A_343 : vector<16xi32>
        tpu.vector_store_idx %arg9[%shift_right_logical3A_339, %and3A_342], %sub3A_344 masked %and3A_330 : memref<15x128xi32, #tpu.memory_space<vmem>>[vector<16xi32>, vector<16xi32>], vector<16xi32>, vector<16xi1>
        %reduce_sum3A = arith.constant true
        %reduce_sum3A_345 = vector.broadcast %reduce_sum3A : i1 to vector<16xi1>
        %reduce_sum3A_346 = tpu.scan <sum>, %convert_element_type3A masked %reduce_sum3A_345 : vector<16xi32>, vector<16xi1> -> vector<16xi32>
        %reduce_sum3A_347 = vector.extract %reduce_sum3A_346[15] : i32 from vector<16xi32>
        %add3A_348 = arith.addi %scan3A_317, %reduce_sum3A_347 : i32
        scf.yield %add3A_348 : i32
      }
      %scan3A_191 = arith.constant 112 : i32
      %shift_right_logical3A_192 = arith.constant 7 : i32
      %shift_right_logical3A_193 = arith.shrui %scan3A_190, %shift_right_logical3A_192 : i32
      %while3A_194 = arith.constant 0 : i32
      %while3A_195 = arith.constant 0 : i32
      %while3A_196 = arith.subi %shift_right_logical3A_193, %while3A_195 : i32
      %while3A_197 = arith.addi %while3A_195, %while3A_196 : i32
      %while3A_198 = arith.constant 1 : i32
      %while3A_199 = arith.divsi %while3A_196, %while3A_198 : i32
      %while3A_200 = arith.muli %while3A_199, %while3A_198 : i32
      %while3A_201 = arith.addi %while3A_195, %while3A_200 : i32
      %while3A_202 = arith.constant 1 : i32
      scf.for %while3A_316 = %while3A_195 to %while3A_201 step %while3A_202  : i32 {
        %dma_start3A = arith.constant 0 : i32
        %dma_start3A_317 = tpu.memref_slice %arg8[%while3A_316, %dma_start3A] : memref<15x128xi32, #tpu.memory_space<vmem>> -> memref<1x128xi32, #tpu.memory_space<vmem>>
        %dma_start3A_318 = tpu.memref_squeeze %dma_start3A_317 : memref<1x128xi32, #tpu.memory_space<vmem>> -> memref<128xi32, #tpu.memory_space<vmem>>
        %dma_start3A_319 = arith.constant 0 : i32
        %dma_start3A_320 = arith.constant 0 : i32
        %dma_start3A_321 = tpu.memref_slice %arg2[%dma_start3A_319, %dma_start3A_320] : memref<50176x128xf32, #tpu.memory_space<hbm>> -> memref<50176x128xf32, #tpu.memory_space<hbm>>
        tpu.enqueue_indirect_dma source(%dma_start3A_321 : memref<50176x128xf32, #tpu.memory_space<hbm>>) target(%arg10 : memref<128x128xf32, #tpu.memory_space<vmem>>) offsets(%dma_start3A_318 : memref<128xi32, #tpu.memory_space<vmem>>) semaphore(%arg12 : memref<!tpu.dma_semaphore, #tpu.memory_space<semaphore_mem>>)
        %dma_wait3A = arith.constant 0 : i32
        %dma_wait3A_322 = tpu.memref_slice %arg8[%while3A_316, %dma_wait3A] : memref<15x128xi32, #tpu.memory_space<vmem>> -> memref<1x128xi32, #tpu.memory_space<vmem>>
        %dma_wait3A_323 = tpu.memref_squeeze %dma_wait3A_322 : memref<1x128xi32, #tpu.memory_space<vmem>> -> memref<128xi32, #tpu.memory_space<vmem>>
        %dma_wait3A_324 = arith.constant 0 : i32
        %dma_wait3A_325 = arith.constant 0 : i32
        %dma_wait3A_326 = tpu.memref_slice %arg2[%dma_wait3A_324, %dma_wait3A_325] : memref<50176x128xf32, #tpu.memory_space<hbm>> -> memref<50176x128xf32, #tpu.memory_space<hbm>>
        tpu.wait_indirect_dma semaphore(%arg12 : memref<!tpu.dma_semaphore, #tpu.memory_space<semaphore_mem>>) src(%dma_wait3A_326 : memref<50176x128xf32, #tpu.memory_space<hbm>>) dst(%arg10 : memref<128x128xf32, #tpu.memory_space<vmem>>)
        "tpu.region"() ({
          %run_scoped3A = tpu.sem_alloc : memref<!tpu.dma_semaphore, #tpu.memory_space<semaphore_mem>>
          %dma_start3A_327 = arith.constant 0 : i32
          %dma_start3A_328 = tpu.memref_slice %arg9[%while3A_316, %dma_start3A_327] : memref<15x128xi32, #tpu.memory_space<vmem>> -> memref<1x128xi32, #tpu.memory_space<vmem>>
          %dma_start3A_329 = tpu.memref_squeeze %dma_start3A_328 : memref<1x128xi32, #tpu.memory_space<vmem>> -> memref<128xi32, #tpu.memory_space<vmem>>
          %dma_start3A_330 = arith.constant 0 : i32
          %dma_start3A_331 = arith.constant 0 : i32
          %dma_start3A_332 = tpu.memref_slice %arg11[%dma_start3A_330, %dma_start3A_331] : memref<12552x128xf32, #tpu.memory_space<vmem_shared>> -> memref<12552x128xf32, #tpu.memory_space<vmem_shared>>
          tpu.enqueue_indirect_dma source(%arg10 : memref<128x128xf32, #tpu.memory_space<vmem>>) target(%dma_start3A_332 : memref<12552x128xf32, #tpu.memory_space<vmem_shared>>) offsets(%dma_start3A_329 : memref<128xi32, #tpu.memory_space<vmem>>) semaphore(%run_scoped3A : memref<!tpu.dma_semaphore, #tpu.memory_space<semaphore_mem>>) {add = true}
          %dma_wait3A_333 = arith.constant 0 : i32
          %dma_wait3A_334 = tpu.memref_slice %arg9[%while3A_316, %dma_wait3A_333] : memref<15x128xi32, #tpu.memory_space<vmem>> -> memref<1x128xi32, #tpu.memory_space<vmem>>
          %dma_wait3A_335 = tpu.memref_squeeze %dma_wait3A_334 : memref<1x128xi32, #tpu.memory_space<vmem>> -> memref<128xi32, #tpu.memory_space<vmem>>
          %dma_wait3A_336 = arith.constant 0 : i32
          %dma_wait3A_337 = arith.constant 0 : i32
          %dma_wait3A_338 = tpu.memref_slice %arg11[%dma_wait3A_336, %dma_wait3A_337] : memref<12552x128xf32, #tpu.memory_space<vmem_shared>> -> memref<12552x128xf32, #tpu.memory_space<vmem_shared>>
          tpu.wait_indirect_dma semaphore(%run_scoped3A : memref<!tpu.dma_semaphore, #tpu.memory_space<semaphore_mem>>) src(%arg10 : memref<128x128xf32, #tpu.memory_space<vmem>>) dst(%dma_wait3A_338 : memref<12552x128xf32, #tpu.memory_space<vmem_shared>>)
          tpu.yield
        }) : () -> ()
      }
      %while3A_203 = arith.constant 1 : i32
      scf.for %while3A_316 = %while3A_201 to %while3A_197 step %while3A_203  : i32 {
        %dma_start3A = arith.constant 0 : i32
        %dma_start3A_317 = tpu.memref_slice %arg8[%while3A_316, %dma_start3A] : memref<15x128xi32, #tpu.memory_space<vmem>> -> memref<1x128xi32, #tpu.memory_space<vmem>>
        %dma_start3A_318 = tpu.memref_squeeze %dma_start3A_317 : memref<1x128xi32, #tpu.memory_space<vmem>> -> memref<128xi32, #tpu.memory_space<vmem>>
        %dma_start3A_319 = arith.constant 0 : i32
        %dma_start3A_320 = arith.constant 0 : i32
        %dma_start3A_321 = tpu.memref_slice %arg2[%dma_start3A_319, %dma_start3A_320] : memref<50176x128xf32, #tpu.memory_space<hbm>> -> memref<50176x128xf32, #tpu.memory_space<hbm>>
        tpu.enqueue_indirect_dma source(%dma_start3A_321 : memref<50176x128xf32, #tpu.memory_space<hbm>>) target(%arg10 : memref<128x128xf32, #tpu.memory_space<vmem>>) offsets(%dma_start3A_318 : memref<128xi32, #tpu.memory_space<vmem>>) semaphore(%arg12 : memref<!tpu.dma_semaphore, #tpu.memory_space<semaphore_mem>>)
        %dma_wait3A = arith.constant 0 : i32
        %dma_wait3A_322 = tpu.memref_slice %arg8[%while3A_316, %dma_wait3A] : memref<15x128xi32, #tpu.memory_space<vmem>> -> memref<1x128xi32, #tpu.memory_space<vmem>>
        %dma_wait3A_323 = tpu.memref_squeeze %dma_wait3A_322 : memref<1x128xi32, #tpu.memory_space<vmem>> -> memref<128xi32, #tpu.memory_space<vmem>>
        %dma_wait3A_324 = arith.constant 0 : i32
        %dma_wait3A_325 = arith.constant 0 : i32
        %dma_wait3A_326 = tpu.memref_slice %arg2[%dma_wait3A_324, %dma_wait3A_325] : memref<50176x128xf32, #tpu.memory_space<hbm>> -> memref<50176x128xf32, #tpu.memory_space<hbm>>
        tpu.wait_indirect_dma semaphore(%arg12 : memref<!tpu.dma_semaphore, #tpu.memory_space<semaphore_mem>>) src(%dma_wait3A_326 : memref<50176x128xf32, #tpu.memory_space<hbm>>) dst(%arg10 : memref<128x128xf32, #tpu.memory_space<vmem>>)
        "tpu.region"() ({
          %run_scoped3A = tpu.sem_alloc : memref<!tpu.dma_semaphore, #tpu.memory_space<semaphore_mem>>
          %dma_start3A_327 = arith.constant 0 : i32
          %dma_start3A_328 = tpu.memref_slice %arg9[%while3A_316, %dma_start3A_327] : memref<15x128xi32, #tpu.memory_space<vmem>> -> memref<1x128xi32, #tpu.memory_space<vmem>>
          %dma_start3A_329 = tpu.memref_squeeze %dma_start3A_328 : memref<1x128xi32, #tpu.memory_space<vmem>> -> memref<128xi32, #tpu.memory_space<vmem>>
          %dma_start3A_330 = arith.constant 0 : i32
          %dma_start3A_331 = arith.constant 0 : i32
          %dma_start3A_332 = tpu.memref_slice %arg11[%dma_start3A_330, %dma_start3A_331] : memref<12552x128xf32, #tpu.memory_space<vmem_shared>> -> memref<12552x128xf32, #tpu.memory_space<vmem_shared>>
          tpu.enqueue_indirect_dma source(%arg10 : memref<128x128xf32, #tpu.memory_space<vmem>>) target(%dma_start3A_332 : memref<12552x128xf32, #tpu.memory_space<vmem_shared>>) offsets(%dma_start3A_329 : memref<128xi32, #tpu.memory_space<vmem>>) semaphore(%run_scoped3A : memref<!tpu.dma_semaphore, #tpu.memory_space<semaphore_mem>>) {add = true}
          %dma_wait3A_333 = arith.constant 0 : i32
          %dma_wait3A_334 = tpu.memref_slice %arg9[%while3A_316, %dma_wait3A_333] : memref<15x128xi32, #tpu.memory_space<vmem>> -> memref<1x128xi32, #tpu.memory_space<vmem>>
          %dma_wait3A_335 = tpu.memref_squeeze %dma_wait3A_334 : memref<1x128xi32, #tpu.memory_space<vmem>> -> memref<128xi32, #tpu.memory_space<vmem>>
          %dma_wait3A_336 = arith.constant 0 : i32
          %dma_wait3A_337 = arith.constant 0 : i32
          %dma_wait3A_338 = tpu.memref_slice %arg11[%dma_wait3A_336, %dma_wait3A_337] : memref<12552x128xf32, #tpu.memory_space<vmem_shared>> -> memref<12552x128xf32, #tpu.memory_space<vmem_shared>>
          tpu.wait_indirect_dma semaphore(%run_scoped3A : memref<!tpu.dma_semaphore, #tpu.memory_space<semaphore_mem>>) src(%arg10 : memref<128x128xf32, #tpu.memory_space<vmem>>) dst(%dma_wait3A_338 : memref<12552x128xf32, #tpu.memory_space<vmem_shared>>)
          tpu.yield
        }) : () -> ()
      }
      %broadcast_in_dim3A_204 = vector.broadcast %shift_right_logical3A_193 : i32 to vector<16xi32>
      %iota3A_205 = tpu.iota {dimensions = array<i32: 0>} : vector<16xi32>
      %add3A_206 = arith.constant 0 : i32
      %add3A_207 = vector.broadcast %add3A_206 : i32 to vector<16xi32>
      %add3A_208 = arith.addi %add3A_207, %iota3A_205 : vector<16xi32>
      %gather3A = tpu.vector_load_idx %arg8[%broadcast_in_dim3A_204, %add3A_208] : memref<15x128xi32, #tpu.memory_space<vmem>>[vector<16xi32>, vector<16xi32>], vector<16xi32>,
      %gather3A_209 = tpu.vector_load_idx %arg9[%broadcast_in_dim3A_204, %add3A_208] : memref<15x128xi32, #tpu.memory_space<vmem>>[vector<16xi32>, vector<16xi32>], vector<16xi32>,
      %swap3A = arith.constant 0 : i32
      %swap3A_210 = arith.index_cast %swap3A : i32 to index
      %swap3A_211 = arith.constant 0 : index
      %swap3A_212 = tpu.vector_load %arg8[%swap3A_210, %swap3A_211] {strides = array<i32>} : memref<15x128xi32, #tpu.memory_space<vmem>>, vector<16xi32>,
      tpu.vector_store %arg8[%swap3A_210, %swap3A_211], %gather3A {strides = array<i32>} : memref<15x128xi32, #tpu.memory_space<vmem>>, vector<16xi32>,
      %swap3A_213 = arith.constant 0 : i32
      %swap3A_214 = arith.index_cast %swap3A_213 : i32 to index
      %swap3A_215 = arith.constant 0 : index
      %swap3A_216 = tpu.vector_load %arg9[%swap3A_214, %swap3A_215] {strides = array<i32>} : memref<15x128xi32, #tpu.memory_space<vmem>>, vector<16xi32>,
      tpu.vector_store %arg9[%swap3A_214, %swap3A_215], %gather3A_209 {strides = array<i32>} : memref<15x128xi32, #tpu.memory_space<vmem>>, vector<16xi32>,
      %iota3A_217 = tpu.iota {dimensions = array<i32: 0>} : vector<16xi32>
      %add3A_218 = arith.constant 16 : i32
      %add3A_219 = vector.broadcast %add3A_218 : i32 to vector<16xi32>
      %add3A_220 = arith.addi %add3A_219, %iota3A_217 : vector<16xi32>
      %gather3A_221 = tpu.vector_load_idx %arg8[%broadcast_in_dim3A_204, %add3A_220] : memref<15x128xi32, #tpu.memory_space<vmem>>[vector<16xi32>, vector<16xi32>], vector<16xi32>,
      %gather3A_222 = tpu.vector_load_idx %arg9[%broadcast_in_dim3A_204, %add3A_220] : memref<15x128xi32, #tpu.memory_space<vmem>>[vector<16xi32>, vector<16xi32>], vector<16xi32>,
      %swap3A_223 = arith.constant 0 : i32
      %swap3A_224 = arith.index_cast %swap3A_223 : i32 to index
      %swap3A_225 = arith.constant 16 : index
      %swap3A_226 = tpu.vector_load %arg8[%swap3A_224, %swap3A_225] {strides = array<i32>} : memref<15x128xi32, #tpu.memory_space<vmem>>, vector<16xi32>,
      tpu.vector_store %arg8[%swap3A_224, %swap3A_225], %gather3A_221 {strides = array<i32>} : memref<15x128xi32, #tpu.memory_space<vmem>>, vector<16xi32>,
      %swap3A_227 = arith.constant 0 : i32
      %swap3A_228 = arith.index_cast %swap3A_227 : i32 to index
      %swap3A_229 = arith.constant 16 : index
      %swap3A_230 = tpu.vector_load %arg9[%swap3A_228, %swap3A_229] {strides = array<i32>} : memref<15x128xi32, #tpu.memory_space<vmem>>, vector<16xi32>,
      tpu.vector_store %arg9[%swap3A_228, %swap3A_229], %gather3A_222 {strides = array<i32>} : memref<15x128xi32, #tpu.memory_space<vmem>>, vector<16xi32>,
      %iota3A_231 = tpu.iota {dimensions = array<i32: 0>} : vector<16xi32>
      %add3A_232 = arith.constant 32 : i32
      %add3A_233 = vector.broadcast %add3A_232 : i32 to vector<16xi32>
      %add3A_234 = arith.addi %add3A_233, %iota3A_231 : vector<16xi32>
      %gather3A_235 = tpu.vector_load_idx %arg8[%broadcast_in_dim3A_204, %add3A_234] : memref<15x128xi32, #tpu.memory_space<vmem>>[vector<16xi32>, vector<16xi32>], vector<16xi32>,
      %gather3A_236 = tpu.vector_load_idx %arg9[%broadcast_in_dim3A_204, %add3A_234] : memref<15x128xi32, #tpu.memory_space<vmem>>[vector<16xi32>, vector<16xi32>], vector<16xi32>,
      %swap3A_237 = arith.constant 0 : i32
      %swap3A_238 = arith.index_cast %swap3A_237 : i32 to index
      %swap3A_239 = arith.constant 32 : index
      %swap3A_240 = tpu.vector_load %arg8[%swap3A_238, %swap3A_239] {strides = array<i32>} : memref<15x128xi32, #tpu.memory_space<vmem>>, vector<16xi32>,
      tpu.vector_store %arg8[%swap3A_238, %swap3A_239], %gather3A_235 {strides = array<i32>} : memref<15x128xi32, #tpu.memory_space<vmem>>, vector<16xi32>,
      %swap3A_241 = arith.constant 0 : i32
      %swap3A_242 = arith.index_cast %swap3A_241 : i32 to index
      %swap3A_243 = arith.constant 32 : index
      %swap3A_244 = tpu.vector_load %arg9[%swap3A_242, %swap3A_243] {strides = array<i32>} : memref<15x128xi32, #tpu.memory_space<vmem>>, vector<16xi32>,
      tpu.vector_store %arg9[%swap3A_242, %swap3A_243], %gather3A_236 {strides = array<i32>} : memref<15x128xi32, #tpu.memory_space<vmem>>, vector<16xi32>,
      %iota3A_245 = tpu.iota {dimensions = array<i32: 0>} : vector<16xi32>
      %add3A_246 = arith.constant 48 : i32
      %add3A_247 = vector.broadcast %add3A_246 : i32 to vector<16xi32>
      %add3A_248 = arith.addi %add3A_247, %iota3A_245 : vector<16xi32>
      %gather3A_249 = tpu.vector_load_idx %arg8[%broadcast_in_dim3A_204, %add3A_248] : memref<15x128xi32, #tpu.memory_space<vmem>>[vector<16xi32>, vector<16xi32>], vector<16xi32>,
      %gather3A_250 = tpu.vector_load_idx %arg9[%broadcast_in_dim3A_204, %add3A_248] : memref<15x128xi32, #tpu.memory_space<vmem>>[vector<16xi32>, vector<16xi32>], vector<16xi32>,
      %swap3A_251 = arith.constant 0 : i32
      %swap3A_252 = arith.index_cast %swap3A_251 : i32 to index
      %swap3A_253 = arith.constant 48 : index
      %swap3A_254 = tpu.vector_load %arg8[%swap3A_252, %swap3A_253] {strides = array<i32>} : memref<15x128xi32, #tpu.memory_space<vmem>>, vector<16xi32>,
      tpu.vector_store %arg8[%swap3A_252, %swap3A_253], %gather3A_249 {strides = array<i32>} : memref<15x128xi32, #tpu.memory_space<vmem>>, vector<16xi32>,
      %swap3A_255 = arith.constant 0 : i32
      %swap3A_256 = arith.index_cast %swap3A_255 : i32 to index
      %swap3A_257 = arith.constant 48 : index
      %swap3A_258 = tpu.vector_load %arg9[%swap3A_256, %swap3A_257] {strides = array<i32>} : memref<15x128xi32, #tpu.memory_space<vmem>>, vector<16xi32>,
      tpu.vector_store %arg9[%swap3A_256, %swap3A_257], %gather3A_250 {strides = array<i32>} : memref<15x128xi32, #tpu.memory_space<vmem>>, vector<16xi32>,
      %iota3A_259 = tpu.iota {dimensions = array<i32: 0>} : vector<16xi32>
      %add3A_260 = arith.constant 64 : i32
      %add3A_261 = vector.broadcast %add3A_260 : i32 to vector<16xi32>
      %add3A_262 = arith.addi %add3A_261, %iota3A_259 : vector<16xi32>
      %gather3A_263 = tpu.vector_load_idx %arg8[%broadcast_in_dim3A_204, %add3A_262] : memref<15x128xi32, #tpu.memory_space<vmem>>[vector<16xi32>, vector<16xi32>], vector<16xi32>,
      %gather3A_264 = tpu.vector_load_idx %arg9[%broadcast_in_dim3A_204, %add3A_262] : memref<15x128xi32, #tpu.memory_space<vmem>>[vector<16xi32>, vector<16xi32>], vector<16xi32>,
      %swap3A_265 = arith.constant 0 : i32
      %swap3A_266 = arith.index_cast %swap3A_265 : i32 to index
      %swap3A_267 = arith.constant 64 : index
      %swap3A_268 = tpu.vector_load %arg8[%swap3A_266, %swap3A_267] {strides = array<i32>} : memref<15x128xi32, #tpu.memory_space<vmem>>, vector<16xi32>,
      tpu.vector_store %arg8[%swap3A_266, %swap3A_267], %gather3A_263 {strides = array<i32>} : memref<15x128xi32, #tpu.memory_space<vmem>>, vector<16xi32>,
      %swap3A_269 = arith.constant 0 : i32
      %swap3A_270 = arith.index_cast %swap3A_269 : i32 to index
      %swap3A_271 = arith.constant 64 : index
      %swap3A_272 = tpu.vector_load %arg9[%swap3A_270, %swap3A_271] {strides = array<i32>} : memref<15x128xi32, #tpu.memory_space<vmem>>, vector<16xi32>,
      tpu.vector_store %arg9[%swap3A_270, %swap3A_271], %gather3A_264 {strides = array<i32>} : memref<15x128xi32, #tpu.memory_space<vmem>>, vector<16xi32>,
      %iota3A_273 = tpu.iota {dimensions = array<i32: 0>} : vector<16xi32>
      %add3A_274 = arith.constant 80 : i32
      %add3A_275 = vector.broadcast %add3A_274 : i32 to vector<16xi32>
      %add3A_276 = arith.addi %add3A_275, %iota3A_273 : vector<16xi32>
      %gather3A_277 = tpu.vector_load_idx %arg8[%broadcast_in_dim3A_204, %add3A_276] : memref<15x128xi32, #tpu.memory_space<vmem>>[vector<16xi32>, vector<16xi32>], vector<16xi32>,
      %gather3A_278 = tpu.vector_load_idx %arg9[%broadcast_in_dim3A_204, %add3A_276] : memref<15x128xi32, #tpu.memory_space<vmem>>[vector<16xi32>, vector<16xi32>], vector<16xi32>,
      %swap3A_279 = arith.constant 0 : i32
      %swap3A_280 = arith.index_cast %swap3A_279 : i32 to index
      %swap3A_281 = arith.constant 80 : index
      %swap3A_282 = tpu.vector_load %arg8[%swap3A_280, %swap3A_281] {strides = array<i32>} : memref<15x128xi32, #tpu.memory_space<vmem>>, vector<16xi32>,
      tpu.vector_store %arg8[%swap3A_280, %swap3A_281], %gather3A_277 {strides = array<i32>} : memref<15x128xi32, #tpu.memory_space<vmem>>, vector<16xi32>,
      %swap3A_283 = arith.constant 0 : i32
      %swap3A_284 = arith.index_cast %swap3A_283 : i32 to index
      %swap3A_285 = arith.constant 80 : index
      %swap3A_286 = tpu.vector_load %arg9[%swap3A_284, %swap3A_285] {strides = array<i32>} : memref<15x128xi32, #tpu.memory_space<vmem>>, vector<16xi32>,
      tpu.vector_store %arg9[%swap3A_284, %swap3A_285], %gather3A_278 {strides = array<i32>} : memref<15x128xi32, #tpu.memory_space<vmem>>, vector<16xi32>,
      %iota3A_287 = tpu.iota {dimensions = array<i32: 0>} : vector<16xi32>
      %add3A_288 = arith.constant 96 : i32
      %add3A_289 = vector.broadcast %add3A_288 : i32 to vector<16xi32>
      %add3A_290 = arith.addi %add3A_289, %iota3A_287 : vector<16xi32>
      %gather3A_291 = tpu.vector_load_idx %arg8[%broadcast_in_dim3A_204, %add3A_290] : memref<15x128xi32, #tpu.memory_space<vmem>>[vector<16xi32>, vector<16xi32>], vector<16xi32>,
      %gather3A_292 = tpu.vector_load_idx %arg9[%broadcast_in_dim3A_204, %add3A_290] : memref<15x128xi32, #tpu.memory_space<vmem>>[vector<16xi32>, vector<16xi32>], vector<16xi32>,
      %swap3A_293 = arith.constant 0 : i32
      %swap3A_294 = arith.index_cast %swap3A_293 : i32 to index
      %swap3A_295 = arith.constant 96 : index
      %swap3A_296 = tpu.vector_load %arg8[%swap3A_294, %swap3A_295] {strides = array<i32>} : memref<15x128xi32, #tpu.memory_space<vmem>>, vector<16xi32>,
      tpu.vector_store %arg8[%swap3A_294, %swap3A_295], %gather3A_291 {strides = array<i32>} : memref<15x128xi32, #tpu.memory_space<vmem>>, vector<16xi32>,
      %swap3A_297 = arith.constant 0 : i32
      %swap3A_298 = arith.index_cast %swap3A_297 : i32 to index
      %swap3A_299 = arith.constant 96 : index
      %swap3A_300 = tpu.vector_load %arg9[%swap3A_298, %swap3A_299] {strides = array<i32>} : memref<15x128xi32, #tpu.memory_space<vmem>>, vector<16xi32>,
      tpu.vector_store %arg9[%swap3A_298, %swap3A_299], %gather3A_292 {strides = array<i32>} : memref<15x128xi32, #tpu.memory_space<vmem>>, vector<16xi32>,
      %iota3A_301 = tpu.iota {dimensions = array<i32: 0>} : vector<16xi32>
      %add3A_302 = arith.constant 112 : i32
      %add3A_303 = vector.broadcast %add3A_302 : i32 to vector<16xi32>
      %add3A_304 = arith.addi %add3A_303, %iota3A_301 : vector<16xi32>
      %gather3A_305 = tpu.vector_load_idx %arg8[%broadcast_in_dim3A_204, %add3A_304] : memref<15x128xi32, #tpu.memory_space<vmem>>[vector<16xi32>, vector<16xi32>], vector<16xi32>,
      %gather3A_306 = tpu.vector_load_idx %arg9[%broadcast_in_dim3A_204, %add3A_304] : memref<15x128xi32, #tpu.memory_space<vmem>>[vector<16xi32>, vector<16xi32>], vector<16xi32>,
      %swap3A_307 = arith.constant 0 : i32
      %swap3A_308 = arith.index_cast %swap3A_307 : i32 to index
      %swap3A_309 = arith.constant 112 : index
      %swap3A_310 = tpu.vector_load %arg8[%swap3A_308, %swap3A_309] {strides = array<i32>} : memref<15x128xi32, #tpu.memory_space<vmem>>, vector<16xi32>,
      tpu.vector_store %arg8[%swap3A_308, %swap3A_309], %gather3A_305 {strides = array<i32>} : memref<15x128xi32, #tpu.memory_space<vmem>>, vector<16xi32>,
      %swap3A_311 = arith.constant 0 : i32
      %swap3A_312 = arith.index_cast %swap3A_311 : i32 to index
      %swap3A_313 = arith.constant 112 : index
      %swap3A_314 = tpu.vector_load %arg9[%swap3A_312, %swap3A_313] {strides = array<i32>} : memref<15x128xi32, #tpu.memory_space<vmem>>, vector<16xi32>,
      tpu.vector_store %arg9[%swap3A_312, %swap3A_313], %gather3A_306 {strides = array<i32>} : memref<15x128xi32, #tpu.memory_space<vmem>>, vector<16xi32>,
      %and3A = arith.constant 127 : i32
      %and3A_315 = arith.andi %scan3A_190, %and3A : i32
      scf.yield %and3A_315 : i32
    }
    %scan3A_110 = arith.constant 7 : i32
    %iota3A_111 = tpu.iota {dimensions = array<i32: 0>} : vector<16xi32>
    %add3A_112 = arith.constant 0 : i32
    %add3A_113 = vector.broadcast %add3A_112 : i32 to vector<16xi32>
    %add3A_114 = arith.addi %add3A_113, %iota3A_111 : vector<16xi32>
    %ge3A_115 = vector.broadcast %scan3A_109 : i32 to vector<16xi32>
    %ge3A_116 = arith.cmpi sge, %add3A_114, %ge3A_115 : vector<16xi32>
    tpu.vector_store_idx %arg8[%broadcast_in_dim3A_0, %add3A_114], %broadcast_in_dim3A_0 masked %ge3A_116 : memref<15x128xi32, #tpu.memory_space<vmem>>[vector<16xi32>, vector<16xi32>], vector<16xi32>, vector<16xi1>
    tpu.vector_store_idx %arg9[%broadcast_in_dim3A_0, %add3A_114], %broadcast_in_dim3A_2 masked %ge3A_116 : memref<15x128xi32, #tpu.memory_space<vmem>>[vector<16xi32>, vector<16xi32>], vector<16xi32>, vector<16xi1>
    %iota3A_117 = tpu.iota {dimensions = array<i32: 0>} : vector<16xi32>
    %add3A_118 = arith.constant 16 : i32
    %add3A_119 = vector.broadcast %add3A_118 : i32 to vector<16xi32>
    %add3A_120 = arith.addi %add3A_119, %iota3A_117 : vector<16xi32>
    %ge3A_121 = vector.broadcast %scan3A_109 : i32 to vector<16xi32>
    %ge3A_122 = arith.cmpi sge, %add3A_120, %ge3A_121 : vector<16xi32>
    tpu.vector_store_idx %arg8[%broadcast_in_dim3A_0, %add3A_120], %broadcast_in_dim3A_0 masked %ge3A_122 : memref<15x128xi32, #tpu.memory_space<vmem>>[vector<16xi32>, vector<16xi32>], vector<16xi32>, vector<16xi1>
    tpu.vector_store_idx %arg9[%broadcast_in_dim3A_0, %add3A_120], %broadcast_in_dim3A_2 masked %ge3A_122 : memref<15x128xi32, #tpu.memory_space<vmem>>[vector<16xi32>, vector<16xi32>], vector<16xi32>, vector<16xi1>
    %iota3A_123 = tpu.iota {dimensions = array<i32: 0>} : vector<16xi32>
    %add3A_124 = arith.constant 32 : i32
    %add3A_125 = vector.broadcast %add3A_124 : i32 to vector<16xi32>
    %add3A_126 = arith.addi %add3A_125, %iota3A_123 : vector<16xi32>
    %ge3A_127 = vector.broadcast %scan3A_109 : i32 to vector<16xi32>
    %ge3A_128 = arith.cmpi sge, %add3A_126, %ge3A_127 : vector<16xi32>
    tpu.vector_store_idx %arg8[%broadcast_in_dim3A_0, %add3A_126], %broadcast_in_dim3A_0 masked %ge3A_128 : memref<15x128xi32, #tpu.memory_space<vmem>>[vector<16xi32>, vector<16xi32>], vector<16xi32>, vector<16xi1>
    tpu.vector_store_idx %arg9[%broadcast_in_dim3A_0, %add3A_126], %broadcast_in_dim3A_2 masked %ge3A_128 : memref<15x128xi32, #tpu.memory_space<vmem>>[vector<16xi32>, vector<16xi32>], vector<16xi32>, vector<16xi1>
    %iota3A_129 = tpu.iota {dimensions = array<i32: 0>} : vector<16xi32>
    %add3A_130 = arith.constant 48 : i32
    %add3A_131 = vector.broadcast %add3A_130 : i32 to vector<16xi32>
    %add3A_132 = arith.addi %add3A_131, %iota3A_129 : vector<16xi32>
    %ge3A_133 = vector.broadcast %scan3A_109 : i32 to vector<16xi32>
    %ge3A_134 = arith.cmpi sge, %add3A_132, %ge3A_133 : vector<16xi32>
    tpu.vector_store_idx %arg8[%broadcast_in_dim3A_0, %add3A_132], %broadcast_in_dim3A_0 masked %ge3A_134 : memref<15x128xi32, #tpu.memory_space<vmem>>[vector<16xi32>, vector<16xi32>], vector<16xi32>, vector<16xi1>
    tpu.vector_store_idx %arg9[%broadcast_in_dim3A_0, %add3A_132], %broadcast_in_dim3A_2 masked %ge3A_134 : memref<15x128xi32, #tpu.memory_space<vmem>>[vector<16xi32>, vector<16xi32>], vector<16xi32>, vector<16xi1>
    %iota3A_135 = tpu.iota {dimensions = array<i32: 0>} : vector<16xi32>
    %add3A_136 = arith.constant 64 : i32
    %add3A_137 = vector.broadcast %add3A_136 : i32 to vector<16xi32>
    %add3A_138 = arith.addi %add3A_137, %iota3A_135 : vector<16xi32>
    %ge3A_139 = vector.broadcast %scan3A_109 : i32 to vector<16xi32>
    %ge3A_140 = arith.cmpi sge, %add3A_138, %ge3A_139 : vector<16xi32>
    tpu.vector_store_idx %arg8[%broadcast_in_dim3A_0, %add3A_138], %broadcast_in_dim3A_0 masked %ge3A_140 : memref<15x128xi32, #tpu.memory_space<vmem>>[vector<16xi32>, vector<16xi32>], vector<16xi32>, vector<16xi1>
    tpu.vector_store_idx %arg9[%broadcast_in_dim3A_0, %add3A_138], %broadcast_in_dim3A_2 masked %ge3A_140 : memref<15x128xi32, #tpu.memory_space<vmem>>[vector<16xi32>, vector<16xi32>], vector<16xi32>, vector<16xi1>
    %iota3A_141 = tpu.iota {dimensions = array<i32: 0>} : vector<16xi32>
    %add3A_142 = arith.constant 80 : i32
    %add3A_143 = vector.broadcast %add3A_142 : i32 to vector<16xi32>
    %add3A_144 = arith.addi %add3A_143, %iota3A_141 : vector<16xi32>
    %ge3A_145 = vector.broadcast %scan3A_109 : i32 to vector<16xi32>
    %ge3A_146 = arith.cmpi sge, %add3A_144, %ge3A_145 : vector<16xi32>
    tpu.vector_store_idx %arg8[%broadcast_in_dim3A_0, %add3A_144], %broadcast_in_dim3A_0 masked %ge3A_146 : memref<15x128xi32, #tpu.memory_space<vmem>>[vector<16xi32>, vector<16xi32>], vector<16xi32>, vector<16xi1>
    tpu.vector_store_idx %arg9[%broadcast_in_dim3A_0, %add3A_144], %broadcast_in_dim3A_2 masked %ge3A_146 : memref<15x128xi32, #tpu.memory_space<vmem>>[vector<16xi32>, vector<16xi32>], vector<16xi32>, vector<16xi1>
    %iota3A_147 = tpu.iota {dimensions = array<i32: 0>} : vector<16xi32>
    %add3A_148 = arith.constant 96 : i32
    %add3A_149 = vector.broadcast %add3A_148 : i32 to vector<16xi32>
    %add3A_150 = arith.addi %add3A_149, %iota3A_147 : vector<16xi32>
    %ge3A_151 = vector.broadcast %scan3A_109 : i32 to vector<16xi32>
    %ge3A_152 = arith.cmpi sge, %add3A_150, %ge3A_151 : vector<16xi32>
    tpu.vector_store_idx %arg8[%broadcast_in_dim3A_0, %add3A_150], %broadcast_in_dim3A_0 masked %ge3A_152 : memref<15x128xi32, #tpu.memory_space<vmem>>[vector<16xi32>, vector<16xi32>], vector<16xi32>, vector<16xi1>
    tpu.vector_store_idx %arg9[%broadcast_in_dim3A_0, %add3A_150], %broadcast_in_dim3A_2 masked %ge3A_152 : memref<15x128xi32, #tpu.memory_space<vmem>>[vector<16xi32>, vector<16xi32>], vector<16xi32>, vector<16xi1>
    %iota3A_153 = tpu.iota {dimensions = array<i32: 0>} : vector<16xi32>
    %add3A_154 = arith.constant 112 : i32
    %add3A_155 = vector.broadcast %add3A_154 : i32 to vector<16xi32>
    %add3A_156 = arith.addi %add3A_155, %iota3A_153 : vector<16xi32>
    %ge3A_157 = vector.broadcast %scan3A_109 : i32 to vector<16xi32>
    %ge3A_158 = arith.cmpi sge, %add3A_156, %ge3A_157 : vector<16xi32>
    tpu.vector_store_idx %arg8[%broadcast_in_dim3A_0, %add3A_156], %broadcast_in_dim3A_0 masked %ge3A_158 : memref<15x128xi32, #tpu.memory_space<vmem>>[vector<16xi32>, vector<16xi32>], vector<16xi32>, vector<16xi1>
    tpu.vector_store_idx %arg9[%broadcast_in_dim3A_0, %add3A_156], %broadcast_in_dim3A_2 masked %ge3A_158 : memref<15x128xi32, #tpu.memory_space<vmem>>[vector<16xi32>, vector<16xi32>], vector<16xi32>, vector<16xi1>
    %add3A_159 = arith.constant 127 : i32
    %add3A_160 = arith.addi %scan3A_109, %add3A_159 : i32
    %shift_right_logical3A_161 = arith.constant 7 : i32
    %shift_right_logical3A_162 = arith.shrui %add3A_160, %shift_right_logical3A_161 : i32
    %while3A_163 = arith.constant 0 : i32
    %while3A_164 = arith.constant 0 : i32
    %while3A_165 = arith.subi %shift_right_logical3A_162, %while3A_164 : i32
    %while3A_166 = arith.addi %while3A_164, %while3A_165 : i32
    %while3A_167 = arith.constant 1 : i32
    %while3A_168 = arith.divsi %while3A_165, %while3A_167 : i32
    %while3A_169 = arith.muli %while3A_168, %while3A_167 : i32
    %while3A_170 = arith.addi %while3A_164, %while3A_169 : i32
    %while3A_171 = arith.constant 1 : i32
    scf.for %while3A_179 = %while3A_164 to %while3A_170 step %while3A_171  : i32 {
      %dma_start3A = arith.constant 0 : i32
      %dma_start3A_180 = tpu.memref_slice %arg8[%while3A_179, %dma_start3A] : memref<15x128xi32, #tpu.memory_space<vmem>> -> memref<1x128xi32, #tpu.memory_space<vmem>>
      %dma_start3A_181 = tpu.memref_squeeze %dma_start3A_180 : memref<1x128xi32, #tpu.memory_space<vmem>> -> memref<128xi32, #tpu.memory_space<vmem>>
      %dma_start3A_182 = arith.constant 0 : i32
      %dma_start3A_183 = arith.constant 0 : i32
      %dma_start3A_184 = tpu.memref_slice %arg2[%dma_start3A_182, %dma_start3A_183] : memref<50176x128xf32, #tpu.memory_space<hbm>> -> memref<50176x128xf32, #tpu.memory_space<hbm>>
      tpu.enqueue_indirect_dma source(%dma_start3A_184 : memref<50176x128xf32, #tpu.memory_space<hbm>>) target(%arg10 : memref<128x128xf32, #tpu.memory_space<vmem>>) offsets(%dma_start3A_181 : memref<128xi32, #tpu.memory_space<vmem>>) semaphore(%arg12 : memref<!tpu.dma_semaphore, #tpu.memory_space<semaphore_mem>>)
      %dma_wait3A = arith.constant 0 : i32
      %dma_wait3A_185 = tpu.memref_slice %arg8[%while3A_179, %dma_wait3A] : memref<15x128xi32, #tpu.memory_space<vmem>> -> memref<1x128xi32, #tpu.memory_space<vmem>>
      %dma_wait3A_186 = tpu.memref_squeeze %dma_wait3A_185 : memref<1x128xi32, #tpu.memory_space<vmem>> -> memref<128xi32, #tpu.memory_space<vmem>>
      %dma_wait3A_187 = arith.constant 0 : i32
      %dma_wait3A_188 = arith.constant 0 : i32
      %dma_wait3A_189 = tpu.memref_slice %arg2[%dma_wait3A_187, %dma_wait3A_188] : memref<50176x128xf32, #tpu.memory_space<hbm>> -> memref<50176x128xf32, #tpu.memory_space<hbm>>
      tpu.wait_indirect_dma semaphore(%arg12 : memref<!tpu.dma_semaphore, #tpu.memory_space<semaphore_mem>>) src(%dma_wait3A_189 : memref<50176x128xf32, #tpu.memory_space<hbm>>) dst(%arg10 : memref<128x128xf32, #tpu.memory_space<vmem>>)
      "tpu.region"() ({
        %run_scoped3A = tpu.sem_alloc : memref<!tpu.dma_semaphore, #tpu.memory_space<semaphore_mem>>
        %dma_start3A_190 = arith.constant 0 : i32
        %dma_start3A_191 = tpu.memref_slice %arg9[%while3A_179, %dma_start3A_190] : memref<15x128xi32, #tpu.memory_space<vmem>> -> memref<1x128xi32, #tpu.memory_space<vmem>>
        %dma_start3A_192 = tpu.memref_squeeze %dma_start3A_191 : memref<1x128xi32, #tpu.memory_space<vmem>> -> memref<128xi32, #tpu.memory_space<vmem>>
        %dma_start3A_193 = arith.constant 0 : i32
        %dma_start3A_194 = arith.constant 0 : i32
        %dma_start3A_195 = tpu.memref_slice %arg11[%dma_start3A_193, %dma_start3A_194] : memref<12552x128xf32, #tpu.memory_space<vmem_shared>> -> memref<12552x128xf32, #tpu.memory_space<vmem_shared>>
        tpu.enqueue_indirect_dma source(%arg10 : memref<128x128xf32, #tpu.memory_space<vmem>>) target(%dma_start3A_195 : memref<12552x128xf32, #tpu.memory_space<vmem_shared>>) offsets(%dma_start3A_192 : memref<128xi32, #tpu.memory_space<vmem>>) semaphore(%run_scoped3A : memref<!tpu.dma_semaphore, #tpu.memory_space<semaphore_mem>>) {add = true}
        %dma_wait3A_196 = arith.constant 0 : i32
        %dma_wait3A_197 = tpu.memref_slice %arg9[%while3A_179, %dma_wait3A_196] : memref<15x128xi32, #tpu.memory_space<vmem>> -> memref<1x128xi32, #tpu.memory_space<vmem>>
        %dma_wait3A_198 = tpu.memref_squeeze %dma_wait3A_197 : memref<1x128xi32, #tpu.memory_space<vmem>> -> memref<128xi32, #tpu.memory_space<vmem>>
        %dma_wait3A_199 = arith.constant 0 : i32
        %dma_wait3A_200 = arith.constant 0 : i32
        %dma_wait3A_201 = tpu.memref_slice %arg11[%dma_wait3A_199, %dma_wait3A_200] : memref<12552x128xf32, #tpu.memory_space<vmem_shared>> -> memref<12552x128xf32, #tpu.memory_space<vmem_shared>>
        tpu.wait_indirect_dma semaphore(%run_scoped3A : memref<!tpu.dma_semaphore, #tpu.memory_space<semaphore_mem>>) src(%arg10 : memref<128x128xf32, #tpu.memory_space<vmem>>) dst(%dma_wait3A_201 : memref<12552x128xf32, #tpu.memory_space<vmem_shared>>)
        tpu.yield
      }) : () -> ()
    }
    %while3A_172 = arith.constant 1 : i32
    scf.for %while3A_179 = %while3A_170 to %while3A_166 step %while3A_172  : i32 {
      %dma_start3A = arith.constant 0 : i32
      %dma_start3A_180 = tpu.memref_slice %arg8[%while3A_179, %dma_start3A] : memref<15x128xi32, #tpu.memory_space<vmem>> -> memref<1x128xi32, #tpu.memory_space<vmem>>
      %dma_start3A_181 = tpu.memref_squeeze %dma_start3A_180 : memref<1x128xi32, #tpu.memory_space<vmem>> -> memref<128xi32, #tpu.memory_space<vmem>>
      %dma_start3A_182 = arith.constant 0 : i32
      %dma_start3A_183 = arith.constant 0 : i32
      %dma_start3A_184 = tpu.memref_slice %arg2[%dma_start3A_182, %dma_start3A_183] : memref<50176x128xf32, #tpu.memory_space<hbm>> -> memref<50176x128xf32, #tpu.memory_space<hbm>>
      tpu.enqueue_indirect_dma source(%dma_start3A_184 : memref<50176x128xf32, #tpu.memory_space<hbm>>) target(%arg10 : memref<128x128xf32, #tpu.memory_space<vmem>>) offsets(%dma_start3A_181 : memref<128xi32, #tpu.memory_space<vmem>>) semaphore(%arg12 : memref<!tpu.dma_semaphore, #tpu.memory_space<semaphore_mem>>)
      %dma_wait3A = arith.constant 0 : i32
      %dma_wait3A_185 = tpu.memref_slice %arg8[%while3A_179, %dma_wait3A] : memref<15x128xi32, #tpu.memory_space<vmem>> -> memref<1x128xi32, #tpu.memory_space<vmem>>
      %dma_wait3A_186 = tpu.memref_squeeze %dma_wait3A_185 : memref<1x128xi32, #tpu.memory_space<vmem>> -> memref<128xi32, #tpu.memory_space<vmem>>
      %dma_wait3A_187 = arith.constant 0 : i32
      %dma_wait3A_188 = arith.constant 0 : i32
      %dma_wait3A_189 = tpu.memref_slice %arg2[%dma_wait3A_187, %dma_wait3A_188] : memref<50176x128xf32, #tpu.memory_space<hbm>> -> memref<50176x128xf32, #tpu.memory_space<hbm>>
      tpu.wait_indirect_dma semaphore(%arg12 : memref<!tpu.dma_semaphore, #tpu.memory_space<semaphore_mem>>) src(%dma_wait3A_189 : memref<50176x128xf32, #tpu.memory_space<hbm>>) dst(%arg10 : memref<128x128xf32, #tpu.memory_space<vmem>>)
      "tpu.region"() ({
        %run_scoped3A = tpu.sem_alloc : memref<!tpu.dma_semaphore, #tpu.memory_space<semaphore_mem>>
        %dma_start3A_190 = arith.constant 0 : i32
        %dma_start3A_191 = tpu.memref_slice %arg9[%while3A_179, %dma_start3A_190] : memref<15x128xi32, #tpu.memory_space<vmem>> -> memref<1x128xi32, #tpu.memory_space<vmem>>
        %dma_start3A_192 = tpu.memref_squeeze %dma_start3A_191 : memref<1x128xi32, #tpu.memory_space<vmem>> -> memref<128xi32, #tpu.memory_space<vmem>>
        %dma_start3A_193 = arith.constant 0 : i32
        %dma_start3A_194 = arith.constant 0 : i32
        %dma_start3A_195 = tpu.memref_slice %arg11[%dma_start3A_193, %dma_start3A_194] : memref<12552x128xf32, #tpu.memory_space<vmem_shared>> -> memref<12552x128xf32, #tpu.memory_space<vmem_shared>>
        tpu.enqueue_indirect_dma source(%arg10 : memref<128x128xf32, #tpu.memory_space<vmem>>) target(%dma_start3A_195 : memref<12552x128xf32, #tpu.memory_space<vmem_shared>>) offsets(%dma_start3A_192 : memref<128xi32, #tpu.memory_space<vmem>>) semaphore(%run_scoped3A : memref<!tpu.dma_semaphore, #tpu.memory_space<semaphore_mem>>) {add = true}
        %dma_wait3A_196 = arith.constant 0 : i32
        %dma_wait3A_197 = tpu.memref_slice %arg9[%while3A_179, %dma_wait3A_196] : memref<15x128xi32, #tpu.memory_space<vmem>> -> memref<1x128xi32, #tpu.memory_space<vmem>>
        %dma_wait3A_198 = tpu.memref_squeeze %dma_wait3A_197 : memref<1x128xi32, #tpu.memory_space<vmem>> -> memref<128xi32, #tpu.memory_space<vmem>>
        %dma_wait3A_199 = arith.constant 0 : i32
        %dma_wait3A_200 = arith.constant 0 : i32
        %dma_wait3A_201 = tpu.memref_slice %arg11[%dma_wait3A_199, %dma_wait3A_200] : memref<12552x128xf32, #tpu.memory_space<vmem_shared>> -> memref<12552x128xf32, #tpu.memory_space<vmem_shared>>
        tpu.wait_indirect_dma semaphore(%run_scoped3A : memref<!tpu.dma_semaphore, #tpu.memory_space<semaphore_mem>>) src(%arg10 : memref<128x128xf32, #tpu.memory_space<vmem>>) dst(%dma_wait3A_201 : memref<12552x128xf32, #tpu.memory_space<vmem_shared>>)
        tpu.yield
      }) : () -> ()
    }
    %barrier3A_173 = arith.constant 0 : index
    tpu.barrier barrier_id(%barrier3A_173)
    %mul3A_174 = arith.constant 784 : i32
    %mul3A_175 = arith.muli %arg1, %mul3A_174 : i32
    %mul3A_176 = arith.constant 784 : i32
    %mul3A_177 = arith.muli %arg1, %mul3A_176 : i32
    %add3A_178 = arith.addi %mul3A_92, %mul3A_177 : i32
    "tpu.region"() ({
      %run_scoped3A = tpu.sem_alloc : memref<!tpu.dma_semaphore, #tpu.memory_space<semaphore_mem>>
      %dma_start3A = arith.constant 0 : i32
      %dma_start3A_179 = tpu.memref_slice %arg5[%add3A_178, %dma_start3A] : memref<50176x128xf32, #tpu.memory_space<hbm>> -> memref<784x128xf32, #tpu.memory_space<hbm>>
      %dma_start3A_180 = arith.constant 0 : i32
      %dma_start3A_181 = tpu.memref_slice %arg11[%mul3A_175, %dma_start3A_180] : memref<12552x128xf32, #tpu.memory_space<vmem_shared>> -> memref<784x128xf32, #tpu.memory_space<vmem_shared>>
      tpu.enqueue_dma source(%dma_start3A_181 : memref<784x128xf32, #tpu.memory_space<vmem_shared>>) target(%dma_start3A_179 : memref<784x128xf32, #tpu.memory_space<hbm>>) target_semaphore(%run_scoped3A : memref<!tpu.dma_semaphore, #tpu.memory_space<semaphore_mem>>)
      %dma_wait3A = arith.constant 0 : i32
      %dma_wait3A_182 = tpu.memref_slice %arg5[%add3A_178, %dma_wait3A] : memref<50176x128xf32, #tpu.memory_space<hbm>> -> memref<784x128xf32, #tpu.memory_space<hbm>>
      %dma_wait3A_183 = arith.constant 0 : i32
      %dma_wait3A_184 = tpu.memref_slice %arg11[%mul3A_175, %dma_wait3A_183] : memref<12552x128xf32, #tpu.memory_space<vmem_shared>> -> memref<784x128xf32, #tpu.memory_space<vmem_shared>>
      tpu.wait_dma2 semaphore(%run_scoped3A : memref<!tpu.dma_semaphore, #tpu.memory_space<semaphore_mem>>) src(%dma_wait3A_184 : memref<784x128xf32, #tpu.memory_space<vmem_shared>>) dst(%dma_wait3A_182 : memref<784x128xf32, #tpu.memory_space<hbm>>)
      tpu.yield
    }) : () -> ()
    return
  }
}

module attributes {stable_mosaic.version = 14 : i64} {
  func.func @body(%arg0: i32, %arg1: memref<256x128xf32, #tpu.memory_space<vmem>>, %arg2: memref<128x128xf32, #tpu.memory_space<vmem>>, %arg3: memref<1x128xf32, #tpu.memory_space<vmem>>, %arg4: memref<256x128xf32, #tpu.memory_space<vmem>>) attributes {dimension_semantics = [#tpu.dimension_semantics<arbitrary>], iteration_bounds = array<i64: 196>, scalar_prefetch = 0 : i64, scratch_operands = 0 : i64, tpu.core_type = #tpu.core_type<tc>, window_params = [{transform_indices = @transform_0, window_bounds = array<i64: 256, 128>}, {pipeline_mode = #tpu.pipeline_mode<synchronous>, transform_indices = @transform_1, window_bounds = array<i64: 128, 128>}, {pipeline_mode = #tpu.pipeline_mode<synchronous>, transform_indices = @transform_2, window_bounds = array<i64: 1, 128>}, {transform_indices = @transform_3, window_bounds = array<i64: 256, 128>}]} {
    %get3A = arith.constant 0 : index
    %get3A_0 = arith.constant 0 : index
    %get3A_1 = vector.load %arg1[%get3A, %get3A_0] : memref<256x128xf32, #tpu.memory_space<vmem>>, vector<256x128xf32>
    %get3A_2 = arith.constant 0 : index
    %get3A_3 = arith.constant 0 : index
    %get3A_4 = vector.load %arg2[%get3A_2, %get3A_3] : memref<128x128xf32, #tpu.memory_space<vmem>>, vector<128x128xf32>
    %dot_general3A = arith.constant dense<0.000000e+00> : vector<256x128xf32>
    %dot_general3A_5 = tpu.matmul %get3A_1, %get3A_4, %dot_general3A {dimension_numbers = #tpu.dot_dimension_numbers<[1], [0], [0], [1], [0, 0, 1, 1], [], []>, transpose_lhs_hint = false} : vector<256x128xf32>, vector<128x128xf32>, vector<256x128xf32> -> vector<256x128xf32>
    %get3A_6 = arith.constant 0 : index
    %get3A_7 = arith.constant 0 : index
    %get3A_8 = vector.load %arg3[%get3A_6, %get3A_7] : memref<1x128xf32, #tpu.memory_space<vmem>>, vector<1x128xf32>
    %add3A = vector.broadcast %get3A_8 : vector<1x128xf32> to vector<256x128xf32>
    %add3A_9 = arith.addf %dot_general3A_5, %add3A : vector<256x128xf32>
    %swap3A = arith.constant 0 : index
    %swap3A_10 = arith.constant 0 : index
    %swap3A_11 = vector.load %arg4[%swap3A, %swap3A_10] : memref<256x128xf32, #tpu.memory_space<vmem>>, vector<256x128xf32>
    tpu.vector_store %arg4[%swap3A, %swap3A_10], %add3A_9 {strides = array<i32>} : memref<256x128xf32, #tpu.memory_space<vmem>>, vector<256x128xf32>,
    return
  }
  func.func @transform_0(%arg0: i32) -> (i32, i32) {
    %c0_i32 = arith.constant 0 : i32
    %c0_i32_0 = arith.constant 0 : i32
    return %arg0, %c0_i32 : i32, i32
  }
  func.func @transform_1(%arg0: i32) -> (i32, i32) {
    %c0_i32 = arith.constant 0 : i32
    %c0_i32_0 = arith.constant 0 : i32
    %c0_i32_1 = arith.constant 0 : i32
    return %c0_i32, %c0_i32_0 : i32, i32
  }
  func.func @transform_2(%arg0: i32) -> (i32, i32) {
    %c0_i32 = arith.constant 0 : i32
    %c0_i32_0 = arith.constant 0 : i32
    %c0_i32_1 = arith.constant 0 : i32
    return %c0_i32, %c0_i32_0 : i32, i32
  }
  func.func @transform_3(%arg0: i32) -> (i32, i32) {
    %c0_i32 = arith.constant 0 : i32
    %c0_i32_0 = arith.constant 0 : i32
    return %arg0, %c0_i32 : i32, i32
  }
}

module attributes {stable_mosaic.version = 14 : i64} {
  func.func @body(%arg0: i32, %arg1: memref<512x128xf32, #tpu.memory_space<vmem>>, %arg2: memref<512x128xf32, #tpu.memory_space<vmem>>, %arg3: memref<512x128xf32, #tpu.memory_space<vmem>>, %arg4: memref<1x128xf32, #tpu.memory_space<vmem>>, %arg5: memref<512x128xf32, #tpu.memory_space<vmem>>) attributes {dimension_semantics = [#tpu.dimension_semantics<arbitrary>], iteration_bounds = array<i64: 98>, scalar_prefetch = 0 : i64, scratch_operands = 0 : i64, tpu.core_type = #tpu.core_type<tc>, window_params = [{transform_indices = @transform_0, window_bounds = array<i64: 512, 128>}, {transform_indices = @transform_1, window_bounds = array<i64: 512, 128>}, {transform_indices = @transform_2, window_bounds = array<i64: 512, 128>}, {pipeline_mode = #tpu.pipeline_mode<synchronous>, transform_indices = @transform_3, window_bounds = array<i64: 1, 128>}, {transform_indices = @transform_4, window_bounds = array<i64: 512, 128>}]} {
    %get3A = arith.constant 0 : index
    %get3A_0 = arith.constant 0 : index
    %get3A_1 = vector.load %arg1[%get3A, %get3A_0] : memref<512x128xf32, #tpu.memory_space<vmem>>, vector<512x128xf32>
    %max3A = arith.constant 0.000000e+00 : f32
    %max3A_2 = vector.broadcast %max3A : f32 to vector<512x128xf32>
    %max3A_3 = arith.maximumf %get3A_1, %max3A_2 : vector<512x128xf32>
    %get3A_4 = arith.constant 0 : index
    %get3A_5 = arith.constant 0 : index
    %get3A_6 = vector.load %arg2[%get3A_4, %get3A_5] : memref<512x128xf32, #tpu.memory_space<vmem>>, vector<512x128xf32>
    %add3A = arith.addf %max3A_3, %get3A_6 : vector<512x128xf32>
    %max3A_7 = arith.constant 0.000000e+00 : f32
    %max3A_8 = vector.broadcast %max3A_7 : f32 to vector<512x128xf32>
    %max3A_9 = arith.maximumf %add3A, %max3A_8 : vector<512x128xf32>
    %get3A_10 = arith.constant 0 : index
    %get3A_11 = arith.constant 0 : index
    %get3A_12 = vector.load %arg3[%get3A_10, %get3A_11] : memref<512x128xf32, #tpu.memory_space<vmem>>, vector<512x128xf32>
    %add3A_13 = arith.addf %max3A_9, %get3A_12 : vector<512x128xf32>
    %max3A_14 = arith.constant 0.000000e+00 : f32
    %max3A_15 = vector.broadcast %max3A_14 : f32 to vector<512x128xf32>
    %max3A_16 = arith.maximumf %add3A_13, %max3A_15 : vector<512x128xf32>
    %get3A_17 = arith.constant 0 : index
    %get3A_18 = arith.constant 0 : index
    %get3A_19 = vector.load %arg4[%get3A_17, %get3A_18] : memref<1x128xf32, #tpu.memory_space<vmem>>, vector<1x128xf32>
    %add3A_20 = vector.broadcast %get3A_19 : vector<1x128xf32> to vector<512x128xf32>
    %add3A_21 = arith.addf %max3A_16, %add3A_20 : vector<512x128xf32>
    %swap3A = arith.constant 0 : index
    %swap3A_22 = arith.constant 0 : index
    %swap3A_23 = vector.load %arg5[%swap3A, %swap3A_22] : memref<512x128xf32, #tpu.memory_space<vmem>>, vector<512x128xf32>
    tpu.vector_store %arg5[%swap3A, %swap3A_22], %add3A_21 {strides = array<i32>} : memref<512x128xf32, #tpu.memory_space<vmem>>, vector<512x128xf32>,
    return
  }
  func.func @transform_0(%arg0: i32) -> (i32, i32) {
    %c0_i32 = arith.constant 0 : i32
    %c0_i32_0 = arith.constant 0 : i32
    return %arg0, %c0_i32 : i32, i32
  }
  func.func @transform_1(%arg0: i32) -> (i32, i32) {
    %c0_i32 = arith.constant 0 : i32
    %c0_i32_0 = arith.constant 0 : i32
    return %arg0, %c0_i32 : i32, i32
  }
  func.func @transform_2(%arg0: i32) -> (i32, i32) {
    %c0_i32 = arith.constant 0 : i32
    %c0_i32_0 = arith.constant 0 : i32
    return %arg0, %c0_i32 : i32, i32
  }
  func.func @transform_3(%arg0: i32) -> (i32, i32) {
    %c0_i32 = arith.constant 0 : i32
    %c0_i32_0 = arith.constant 0 : i32
    %c0_i32_1 = arith.constant 0 : i32
    return %c0_i32, %c0_i32_0 : i32, i32
  }
  func.func @transform_4(%arg0: i32) -> (i32, i32) {
    %c0_i32 = arith.constant 0 : i32
    %c0_i32_0 = arith.constant 0 : i32
    return %arg0, %c0_i32 : i32, i32
  }
}

</mosaic_0001>

<sc_bundles>
// kernel: kernel.12.cloned.1.call-start
scs
__scs_entry_jumppad:
0x0: {  	(pc) =	sbr.rel $0x88, $3  }
0x1: {  	(tag) =	ssettag $0x0;
	lr =	simm.s32 $0x1  }
0x2: {  	[smem:$0x3F96] =	sst lr;
	_ =	strace $0xD0000000  }
0x3: {  	_ = 	snop  }
0x4: {  	_ = 	snop  }
0x5: {  	_ = 	snop  }
0x6: {  	_ = 	snop  }
0x7: {  	_ = 	snop  }
__scs_overlays_trampoline_lowered:
0x8: {  	[smem:$0x3FA5] =	sst s0  }
0x9: {  	[smem:$0x3FA6] =	sst s1  }
0xa: {  	[smem:$0x3FA7] =	sst s2  }
0xb: {  	[smem:$0x3FA8] =	sst s3  }
0xc: {  	[smem:$0x3FA9] =	sst s4  }
0xd: {  	[smem:$0x3FAA] =	sst s5  }
0xe: {  	[smem:$0x3FAB] =	sst s6  }
0xf: {  	[smem:$0x3FAC] =	sst s7  }
0x10: {  	[smem:$0x3FAD] =	sst s8  }
0x11: {  	[smem:$0x3FAE] =	sst s9;
	s0 =	simm.s32 @!p0 $0x0  }
0x12: {  	s1 =	sld [smem:$0x3F94];
	s0 =	simm.s32 @p0 $0x1  }
0x13: {  	[smem:$0x3FAF] =	sst s0;
	s0 =	simm.s32 @!p1 $0x0  }
0x14: {  	s2 =	sld [smem:$0x3F93];
	s0 =	simm.s32 @p1 $0x1  }
0x15: {  	[smem:$0x3FB0] =	sst s0;
	s0 =	simm.s32 @!p2 $0x0  }
0x16: {  	s3 =	sld [smem:$0x3FDB];
	s0 =	simm.s32 @p2 $0x1  }
0x17: {  	s4 =	simm.s32 $0x1BF5;
	[smem:$0x3FB2] =	sst s0  }
0x18: {  	s0 =	sld [smem:$0x3F95];
	_ =	swait.ge [sflag:s4], $0x0  }
0x19: {  	s7 =	sld [smem:$0x3F96]  }
0x1a: {  	s8 =	sadd.s32 $0xFFFFE003, lr  }
0x1b: {  	s9 =	sadd.s32 $0xFFFFFEF7, lr;
	s5 =	simm.s32 $0xFFFFFFFF;
	p2 =	slt.u32 s8, $0xFFFFF086  }
0x1c: {  	p1 =	slt.u32 s9, $0xF7A;
	s5 =	simm.s32 @!p2 $0x0  }
0x1d: {  	s5 =	simm.s32 @p1 $0x1;
	p0 =	seq.s32 s7, s2  }
0x1e: {  	s7 =	smul.u32 @!p0 $0xF7A, s2;
	p2 =	seq.s32 @!p0 s5, $0x0  }
0x1f: {  	s9 =	smul.u32 $0xF7A, s1;
	s8 =	simm.s32 @!p0 $0x1BF5;
	p2 =	por !p2, p0  }
0x20: {  	[sflag:s8] =	ssyncset.s32 @!p0 $0xFFFFF086;
	s6 =	sadd.s32 @!p0 s3, s7;
	s7 =	simm.s32 @!p0 $0x108  }
0x21: {  	s3 =	sadd.s32 s3, s9;
	s6 =	sadd.s32 @!p0 $0x88, s6;
	s7 =	simm.s32 @p2 $0x1082  }
0x22: {  	[simem:s7], [sflag:s8] =	dma.local @!p0 [hbm:s6], $0xF7A  }
0x23: {  	s9 =	sor.u32 $0xD0000000, s2;
	s6 =	simm.s32 $0x108;
	_ =	swait.ge @!p0 [sflag:s8], $0x0  }
0x24: {  	s3 =	sadd.s32 $0x88, s3;
	s6 =	simm.s32 @!p1 $0x1082;
	[sflag:s4] =	ssyncset.s32 $0xFFFFF086  }
0x25: {  	[simem:s6], [sflag:s4] =	dma.local [hbm:s3], $0xF7A  }
0x26: {  	[smem:$0x3F96] =	sst s1;
	(tag) =	ssettag s2;
	_ =	strace s9  }
0x27: {  	s1 =	sld [smem:$0x3FA6]  }
0x28: {  	s2 =	sld [smem:$0x3FA7]  }
0x29: {  	s4 =	sld [smem:$0x3FA9]  }
0x2a: {  	p0 =	seq.s32 s5, $0x0;
	s5 =	sld [smem:$0x3FAA]  }
0x2b: {  	s6 =	sld [smem:$0x3FAB]  }
0x2c: {  	s7 =	sld [smem:$0x3FAC]  }
0x2d: {  	s3 =	simm.s32 $0x108;
	s8 =	sld [smem:$0x3FAD]  }
0x2e: {  	s3 =	simm.s32 @!p0 $0x1082;
	s9 =	sld [smem:$0x3FAE]  }
0x2f: {  	lr =	sadd.s32 s0, s3;
	s0 =	sld [smem:$0x3FA5]  }
0x30: {  	s3 =	sld [smem:$0x3FA8]  }
0x31: {  	[smem:$0x3FB1] =	sst s10  }
0x32: {  	s10 =	sld [smem:$0x3FAF];
	_ =	sdelay $0x3  }
0x33: {  	p0 =	seq.s32 s10, $0x1;
	s10 =	sld [smem:$0x3FB1];
	_ =	sdelay $0x3  }
0x34: {  	[smem:$0x3FB1] =	sst s10  }
0x35: {  	s10 =	sld [smem:$0x3FB0];
	_ =	sdelay $0x3  }
0x36: {  	p1 =	seq.s32 s10, $0x1;
	s10 =	sld [smem:$0x3FB1];
	_ =	sdelay $0x3  }
0x37: {  	[smem:$0x3FB1] =	sst s10  }
0x38: {  	s10 =	sld [smem:$0x3FB2]  }
0x39: {  	_ = 	snop;
	(pc) =	sbr.ind lr, $3  }
0x3a: {  	_ = 	snop  }
0x3b: {  	_ = 	snop  }
0x3c: {  	p2 =	seq.s32 s10, $0x1;
	s10 =	sld [smem:$0x3FB1]  }
0x3d: {  	_ =	shalt  }
0x3e: {  	_ =	shalt  }
0x3f: {  	_ =	shalt  }
0x40: {  	_ =	shalt  }
0x41: {  	_ =	shalt  }
0x42: {  	_ =	shalt  }
0x43: {  	_ =	shalt  }
0x44: {  	_ =	shalt  }
0x45: {  	_ =	shalt  }
0x46: {  	_ =	shalt  }
0x47: {  	_ =	shalt  }
0x48: {  	_ =	shalt  }
0x49: {  	_ =	shalt  }
0x4a: {  	_ =	shalt  }
0x4b: {  	_ =	shalt  }
0x4c: {  	_ =	shalt  }
0x4d: {  	_ =	shalt  }
0x4e: {  	_ =	shalt  }
0x4f: {  	_ =	shalt  }
0x50: {  	_ =	shalt  }
0x51: {  	_ =	shalt  }
0x52: {  	_ =	shalt  }
0x53: {  	_ =	shalt  }
0x54: {  	_ =	shalt  }
0x55: {  	_ =	shalt  }
0x56: {  	_ =	shalt  }
0x57: {  	_ =	shalt  }
0x58: {  	_ =	shalt  }
0x59: {  	_ =	shalt  }
0x5a: {  	_ =	shalt  }
0x5b: {  	_ =	shalt  }
0x5c: {  	_ =	shalt  }
0x5d: {  	_ =	shalt  }
0x5e: {  	_ =	shalt  }
0x5f: {  	_ =	shalt  }
0x60: {  	_ =	shalt  }
0x61: {  	_ =	shalt  }
0x62: {  	_ =	shalt  }
0x63: {  	_ =	shalt  }
0x64: {  	_ =	shalt  }
0x65: {  	_ =	shalt  }
0x66: {  	_ =	shalt  }
0x67: {  	_ =	shalt  }
0x68: {  	_ =	shalt  }
0x69: {  	_ =	shalt  }
0x6a: {  	_ =	shalt  }
0x6b: {  	_ =	shalt  }
0x6c: {  	_ =	shalt  }
0x6d: {  	_ =	shalt  }
0x6e: {  	_ =	shalt  }
0x6f: {  	_ =	shalt  }
0x70: {  	_ =	shalt  }
0x71: {  	_ =	shalt  }
0x72: {  	_ =	shalt  }
0x73: {  	_ =	shalt  }
0x74: {  	_ =	shalt  }
0x75: {  	_ =	shalt  }
0x76: {  	_ =	shalt  }
0x77: {  	_ =	shalt  }
0x78: {  	_ =	shalt  }
0x79: {  	_ =	shalt  }
0x7a: {  	_ =	shalt  }
0x7b: {  	_ =	shalt  }
0x7c: {  	_ =	shalt  }
0x7d: {  	_ =	shalt  }
0x7e: {  	_ =	shalt  }
0x7f: {  	_ =	shalt  }
0x80: {  	_ =	shalt  }
0x81: {  	_ =	shalt  }
0x82: {  	_ =	shalt  }
0x83: {  	_ =	shalt  }
0x84: {  	_ =	shalt  }
0x85: {  	_ =	shalt  }
0x86: {  	_ =	shalt  }
0x87: {  	_ =	shalt  }
.Lfunc_end0:
.L_simem_size_0:
called_computation.1_lowered:
.L_overlay_start_0:
0x88: {  	s2 =	sld [smem:$0x3FD9]  }
0x89: {  	s3 =	sld [smem:$0x3FFE];
	_ =	sdelay $0x1  }
0x8a: {  	s1 =	srdreg.scid  }
0x8b: {  	s0 =	sand.u32 $0x1, s1  }
0x8c: {  	s16 =	sshll.u32 s0, $0xA;
	s2 =	sadd.s32 s3, s2  }
0x8d: {  	s2 =	sadd.s32 s2, s16  }
0x8e: {  	[smem:$0x3FBD] =	sst s2  }
0x8f: {  	_ = 	snop  }
0x90: {  	(tm) =	ssettm $0x1  }
0x91: {  	s17 =	sld [smem:$0x3FFB];
	_ =	sdelay $0x3  }
0x92: {  	_ =	strace s17  }
0x93: {  	s2 =	sld [smem:$0x3FFC];
	_ =	sdelay $0x3  }
0x94: {  	_ =	strace s2  }
0x95: {  	s2 =	sld [smem:$0x3FFD];
	_ =	sdelay $0x3  }
0x96: {  	_ =	strace s2  }
0x97: {  	_ =	strace $0x8FFFFFFF  }
0x98: {  	s18 =	sld [smem:$0x3FDB];
	_ =	sdelay $0x1  }
0x99: {  	s19 =	simm.s32 $_scs_section_size  }
0x9a: {  	s4 =	simm.s32 $_size__tile_overlayer_lowered;
	s5 =	simm.s32 $_tile_overlayer_lowered  }
0x9b: {  	s22 =	simm.s32 $0x1BFF;
	s21 =	sshll.u32 s5, $0x1;
	s2 =	sadd.s32 s19, s18  }
0x9c: {  	s6 =	simm.s32 $0x0;
	s20 =	sshll.u32 s4, $0x1;
	s4 =	sadd.s32 s21, s2  }
0x9d: {  	[timem:s6], [sflag:s22] =	dma.local [hbm:s4], s20  }
0x9e: {  	_ =	swait.ge [sflag:s22], s20  }
0x9f: {  	s3 =	ssub.s32 $0x0, s20;
	[sflag:s22] =	ssyncset.done $0x0  }
0xa0: {  	[sflag:s22] =	ssyncadd.s32 s3;
	_ =	sdelay $0x1  }
0xa1: {  	s23 =	simm.s32 $0x1B8B  }
0xa2: {  	_ =	swait.ge [sflag:s23], $0x1  }
0xa3: {  	[sflag:s23] =	ssyncset.done $0x0  }
0xa4: {  	s25 =	simm.s32 $0x1B8E;
	s24 =	sld [smem:$0x3FFE];
	[sflag:s23] =	ssyncadd.s32 $0xFFFFFFFF  }
0xa5: {  	s26 =	simm.s32 $execute0_lowered;
	[smem:$0x3FD2] =	sst s25  }
0xa6: {  	s4 =	sshll.u32 s26, $0x1;
	_ =	strace $0x80000046;
	[dreg:$0x1] =	wrdreg $0xFFFFFFFF  }
0xa7: {  	s28 =	simm.s32 $_size_execute0_lowered;
	s2 =	sadd.s32 s2, s4;
	[dreg:$0x0] =	wrdreg $0x0  }
0xa8: {  	s4 =	sshll.u32 s28, $0x1;
	[dreg:$0x2] =	wrdreg s2  }
0xa9: {  	[dreg:$0x3] =	wrdreg s4  }
0xaa: {  	[dreg:$0x4] =	wrdreg $0xC0  }
0xab: {  	_ =	task [dreg:s6], $0x5FFFF  }
0xac: {  	[dreg:$0x1] =	wrdreg $0xFFFFFFFF  }
0xad: {  	[dreg:$0x0] =	wrdreg $0x60  }
0xae: {  	[dreg:$0x2] =	wrdreg s24  }
0xaf: {  	[dreg:$0x3] =	wrdreg $0x5E000  }
0xb0: {  	[dreg:$0x4] =	wrdreg $0xA  }
0xb1: {  	_ =	task.clear_ibuf [dreg:s6], $0x5FFFF;
	_ =	strace $0x90000046  }
0xb2: {  	s29 =	simm.s32 $0xA;
	_ =	strace $0x80000048  }
0xb3: {  	_ =	swait.ge [sflag:s29], $0x1  }
0xb4: {  	[sflag:s29] =	ssyncadd.s32 $0xFFFFFFFF  }
0xb5: {  	_ =	strace $0x90000048  }
0xb6: {  	_ =	sfence  }
0xb7: {  	s30 =	sld [smem:$0x0];
	_ =	sdelay $0x2  }
0xb8: {  	s31 =	sshll.u32 s1, $0xD;
	s1 =	sshrl.u32 s1, $0x2  }
0xb9: {  	s3 =	sand.u32 $0x4000, s31;
	s1 =	sadd.s32 s1, s30  }
0xba: {  	s0 =	sor.u32 s3, s0;
	s1 =	sshll.u32 s1, $0x11  }
0xbb: {  	s0 =	sor.u32 s1, s0  }
0xbc: {  	s0 =	sadd.s32 $0x8F2B, s0  }
0xbd: {  	[sflag:s0] =	ssyncadd.remote.s32 $0x1  }
0xbe: {  	_ =	sfence.sel $0xFFFF  }
0xbf: {  	[dreg:$0x0] =	wrdreg $0xFFFFFFFF;
	(pc) =	sbr.abs _section_cstart, $3  }
0xc0: {  	[dreg:$0x1] =	wrdreg $0xFFFFFFFF  }
0xc1: {  	_ =	task.clear_ibuf [dreg:s6], $0x2FFFF;
	_ =	strace $0x9FFFFFFF  }
0xc2: {  	(tm) =	ssettm $0x7FFFFFFF  }
0xc3: {  	_ =	shalt  }
tec
execute0_lowered:
.L_overlay_start_1:
0x0: {  	(tag) =	ssettag $0x1  }
0x1: {  	s0 =	rddreg [dreg:$0x0]  }
0x2: {  	s1 =	rddreg [dreg:$0x1]  }
0x3: {  	s2 =	simm.s32 $0x0;
	s3 =	srdreg.scid;
	s11 =	stileid.u32  }
0x4: {  	s19 =	simm.s32 $0x1E00;
	s20 =	simm.s32 $0x2;
	s21 =	simm.s32 $0x700  }
0x5: {  	s22 =	simm.s32 $0xE00;
	s23 =	simm.s32 $0x1600;
	s24 =	simm.s32 $0x80  }
0x6: {  	s25 =	simm.s32 $0x1;
	[smem:$0x7FF] =	sst s2;
	s9 =	smul.u32 $0x310, s11  }
0x7: {  	s4 =	sadd.s32 $0xD0600, s0;
	s3 =	sand.u32 $0x1, s3;
	s7 =	smul.u32 $0x3100, s11  }
0x8: {  	s5 =	sadd.s32 $0xC4200, s0;
	s6 =	sadd.s32 $0xCA400, s0;
	s11 =	smul.u32 $0x62000, s11  }
0x9: {  	s0 =	sadd.s32 $0x194600, s0;
	s8 =	smul.u32 $0x6200, s3;
	s3 =	ssub.s32 $0x2, s3  }
0xa: {  	v3 =	vlaneseq.u32;
	_ =	strace $0x80000047;
	s10 =	sshrl.u32 s3, $0x1;
	s29 =	sshrl.u32 s11, $0x2  }
0xb: {  	v4 =	vimm.f32 $0.0e+00;
	v5 =	vimm.s32 $0x0;
	v14 =	vimm.s32 $0x3100;
	s3 =	ssub.s32 s3, s10;
	s28 =	sadd.s32 $0x3100, s8;
	s12 =	sadd.s32 s9, s8  }
0xc: {  	v6 =	vor.u32 $0x10, v3;
	v7 =	vor.u32 $0x20, v3;
	v0 =	vmov s8;
	s8 =	sadd.s32 $0x6200, s8;
	s9 =	sadd.s32 s9, s28;
	s30 =	sshll.u32 s12, $0x4  }
.Ltmp0:
0xd: {  	v8 =	vor.u32 $0x30, v3;
	v9 =	vor.u32 $0x40, v3;
	v2 =	vmov s8;
	s8 =	sadd.s32 s29, s1;
	s11 =	smax.u32 s3, $0x1;
	(pc) =	sbr.rel .LBB2_1-.Ltmp0, $4  }
0xe: {  	v10 =	vor.u32 $0x50, v3;
	v11 =	vor.u32 $0x60, v3;
	v12 =	vor.u32 $0x70, v3;
	s9 =	sshll.u32 s9, $0x4;
	s31 =	sadd.s32 s0, s30;
	s12 =	sadd.s32 $0x3100, s8  }
0xf: {  	v13 =	vadd.s32 $0x1, v3;
	v15 =	vadd.s32 $0x11, v3;
	v16 =	vadd.s32 $0x21, v3;
	s13 =	sadd.s32 $0x6200, s8;
	s14 =	sadd.s32 $0x9300, s8;
	s15 =	sadd.s32 $0xC400, s8  }
0x10: {  	v17 =	vadd.s32 $0x31, v3;
	v18 =	vadd.s32 $0x41, v3;
	v19 =	vadd.s32 $0x51, v3;
	s16 =	sadd.s32 $0xF500, s8;
	[dreg:$0x3] =	wrdreg s31;
	s0 =	sadd.s32 s0, s9  }
0x11: {  	v20 =	vadd.s32 $0x61, v3;
	v21 =	vadd.s32 $0x71, v3;
	v1 =	vmov s28;
	s17 =	sadd.s32 $0x12600, s8;
	s18 =	sadd.s32 $0x15700, s8;
	[dreg:$0x4] =	wrdreg s0  }
.LBB2_21:
0x12: {  	v22 =	vmov s31  }
0x13: {  	vm0 =	vlt.u32 v22, v13;
	_ =	sdelay $0x1  }
0x14: {  	vm1 =	vlt.u32 v22, v15;
	_ =	sdelay $0x1  }
0x15: {  	vm2 =	vlt.u32 v22, v16;
	_ =	sdelay $0x1  }
0x16: {  	vm3 =	vlt.u32 v22, v17;
	[tilespmem:v3+s22+$0x0] =	vst.idx.msk vm0, v5  }
0x17: {  	[tilespmem:v3+s23+$0x0] =	vst.idx.msk vm0, v14  }
0x18: {  	vm12 =	vlt.u32 v22, v18;
	[tilespmem:v6+s22+$0x0] =	vst.idx.msk vm1, v5  }
0x19: {  	[tilespmem:v6+s23+$0x0] =	vst.idx.msk vm1, v14  }
0x1a: {  	vm13 =	vlt.u32 v22, v19;
	[tilespmem:v7+s22+$0x0] =	vst.idx.msk vm2, v5  }
0x1b: {  	[tilespmem:v7+s23+$0x0] =	vst.idx.msk vm2, v14  }
0x1c: {  	vm14 =	vlt.u32 v22, v20;
	[tilespmem:v8+s22+$0x0] =	vst.idx.msk vm3, v5  }
0x1d: {  	[tilespmem:v8+s23+$0x0] =	vst.idx.msk vm3, v14  }
0x1e: {  	vm15 =	vlt.u32 v22, v21;
	[tilespmem:v9+s22+$0x0] =	vst.idx.msk vm12, v5  }
0x1f: {  	[tilespmem:v9+s23+$0x0] =	vst.idx.msk vm12, v14  }
0x20: {  	[tilespmem:v10+s22+$0x0] =	vst.idx.msk vm13, v5  }
0x21: {  	[tilespmem:v10+s23+$0x0] =	vst.idx.msk vm13, v14  }
0x22: {  	[tilespmem:v11+s22+$0x0] =	vst.idx.msk vm14, v5  }
0x23: {  	[tilespmem:v11+s23+$0x0] =	vst.idx.msk vm14, v14  }
0x24: {  	p0 =	seq.s32 s31, $0x0;
	[tilespmem:v12+s22+$0x0] =	vst.idx.msk vm15, v5  }
0x25: {  	s0 =	simm.s32 @!p0 $0x80;
	s3 =	simm.s32 @!p0 $0xE00;
	s9 =	simm.s32 @!p0 $0x1E00;
	[tilespmem:v12+s23+$0x0] =	vst.idx.msk vm15, v14  }
0x26: {  	[tilespmem:s9], [sflag:$0x1] =	stream.indirect.gather @!p0 [hbm4b:s4+s0], $0x80, s3, s0, $0xb8;
	[tilespmem:$0x1E640] =	vst v63  }
0x27: {  	s3 =	simm.s32 @!p0 $0x1  }
0x28: {  	_ =	swait.ge @!p0 [sflag:s3], $0x4000  }
0x29: {  	[sflag:s3] =	ssyncset.done @!p0 $0x0  }
0x2a: {  	[sflag:s3] =	ssyncadd.s32 @!p0 $0xFFFFC000;
	s3 =	simm.s32 @!p0 $0x1600  }
0x2b: {  	[spmem:s1] =	stream.indirect.scatter.add.f32 @!p0 [tilespmem:s9], [sflag:$0x2], $0x80, s3, s0, $0xb8;
	[tilespmem:$0x1E640] =	vst v63  }
0x2c: {  	s0 =	simm.s32 @!p0 $0x2  }
0x2d: {  	_ =	swait.ge @!p0 [sflag:s0], $0x4000  }
0x2e: {  	[sflag:s0] =	ssyncset.done @!p0 $0x0  }
0x2f: {  	s2 =	sadd.s32 $0x1, s2;
	[sflag:s0] =	ssyncadd.s32 @!p0 $0xFFFFC000  }
0x30: {  	p0 =	sne.s32 s2, s11;
	[bflag:$0x0] =	sbarrier.arrive $0xFFFF  }
.Ltmp1:
0x31: {  	s31 =	rddreg [dreg:$0x4];
	(pc) =	sbr.rel @!p0 .LBB2_22-.Ltmp1, $4  }
0x32: {  	[hbm:s31], [sflag:s26] =	dma.local [spmem:s28], $0x3100  }
0x33: {  	_ =	swait.ge [sflag:s20], $0x3100  }
0x34: {  	[sflag:s20] =	ssyncset.done $0x0  }
0x35: {  	[sflag:s20] =	ssyncadd.s32 $0xFFFFCF00  }
.LBB2_1:
0x36: {  	s0 =	simm.s32 $0x0;
	s3 =	simm.s32 $0x200  }
.LBB2_2:
0x37: {  	p0 =	sne.s32 s3, $0xFE00;
	[tilespmem:s0+$0x1E70] =	vst v4  }
0x38: {  	[tilespmem:s0+$0x1E00] =	vst v4  }
0x39: {  	[tilespmem:s0+$0x1E10] =	vst v4  }
.Ltmp2:
0x3a: {  	[tilespmem:s0+$0x1E20] =	vst v4;
	(pc) =	sbr.rel @p0 .LBB2_2-.Ltmp2, $4  }
0x3b: {  	[tilespmem:s0+$0x1E30] =	vst v4  }
0x3c: {  	[tilespmem:s0+$0x1E40] =	vst v4  }
0x3d: {  	[tilespmem:s0+$0x1E50] =	vst v4  }
0x3e: {  	[tilespmem:s0+$0x1E60] =	vst v4;
	s0 =	sshra.s32 s3, $0x2;
	s3 =	sadd.s32 $0x200, s3  }
0x3f: {  	[tilespmem:s0+$0x1E70] =	vst v4  }
0x40: {  	[tilespmem:s0+$0x1E00] =	vst v4  }
0x41: {  	[tilespmem:s0+$0x1E10] =	vst v4  }
0x42: {  	[tilespmem:s0+$0x1E20] =	vst v4  }
0x43: {  	[tilespmem:s0+$0x1E30] =	vst v4  }
0x44: {  	[tilespmem:s0+$0x1E40] =	vst v4  }
0x45: {  	[tilespmem:s0+$0x1E50] =	vst v4  }
0x46: {  	[tilespmem:s0+$0x1E60] =	vst v4  }
0x47: {  	[spmem:s8] =	stream.linear.scatter [tilespmem:s19], [sflag:$0x2], $0x3100, $0x38;
	[tilespmem:$0x1E640] =	vst v63  }
0x48: {  	_ =	swait.ge [sflag:s20], $0x3100  }
0x49: {  	[sflag:s20] =	ssyncset.done $0x0  }
0x4a: {  	[sflag:s20] =	ssyncadd.s32 $0xFFFFCF00  }
0x4b: {  	[spmem:s12] =	stream.linear.scatter [tilespmem:s19], [sflag:$0x2], $0x3100, $0x38;
	[tilespmem:$0x1E640] =	vst v63  }
0x4c: {  	_ =	swait.ge [sflag:s20], $0x3100  }
0x4d: {  	[sflag:s20] =	ssyncset.done $0x0  }
0x4e: {  	[sflag:s20] =	ssyncadd.s32 $0xFFFFCF00  }
0x4f: {  	[spmem:s13] =	stream.linear.scatter [tilespmem:s19], [sflag:$0x2], $0x3100, $0x38;
	[tilespmem:$0x1E640] =	vst v63  }
0x50: {  	_ =	swait.ge [sflag:s20], $0x3100  }
0x51: {  	[sflag:s20] =	ssyncset.done $0x0  }
0x52: {  	[sflag:s20] =	ssyncadd.s32 $0xFFFFCF00  }
0x53: {  	[spmem:s14] =	stream.linear.scatter [tilespmem:s19], [sflag:$0x2], $0x3100, $0x38;
	[tilespmem:$0x1E640] =	vst v63  }
0x54: {  	_ =	swait.ge [sflag:s20], $0x3100  }
0x55: {  	[sflag:s20] =	ssyncset.done $0x0  }
0x56: {  	[sflag:s20] =	ssyncadd.s32 $0xFFFFCF00  }
0x57: {  	[spmem:s15] =	stream.linear.scatter [tilespmem:s19], [sflag:$0x2], $0x3100, $0x38;
	[tilespmem:$0x1E640] =	vst v63  }
0x58: {  	_ =	swait.ge [sflag:s20], $0x3100  }
0x59: {  	[sflag:s20] =	ssyncset.done $0x0  }
0x5a: {  	[sflag:s20] =	ssyncadd.s32 $0xFFFFCF00  }
0x5b: {  	[spmem:s16] =	stream.linear.scatter [tilespmem:s19], [sflag:$0x2], $0x3100, $0x38;
	[tilespmem:$0x1E640] =	vst v63  }
0x5c: {  	_ =	swait.ge [sflag:s20], $0x3100  }
0x5d: {  	[sflag:s20] =	ssyncset.done $0x0  }
0x5e: {  	[sflag:s20] =	ssyncadd.s32 $0xFFFFCF00  }
0x5f: {  	[spmem:s17] =	stream.linear.scatter [tilespmem:s19], [sflag:$0x2], $0x3100, $0x38;
	[tilespmem:$0x1E640] =	vst v63  }
0x60: {  	_ =	swait.ge [sflag:s20], $0x3100  }
0x61: {  	[sflag:s20] =	ssyncset.done $0x0  }
0x62: {  	[sflag:s20] =	ssyncadd.s32 $0xFFFFCF00  }
0x63: {  	[spmem:s18] =	stream.linear.scatter [tilespmem:s19], [sflag:$0x2], $0x3100, $0x38;
	[tilespmem:$0x1E640] =	vst v63  }
.Ltmp3:
0x64: {  	_ =	swait.ge [sflag:s20], $0x3100;
	(pc) =	sbr.rel .LBB2_4-.Ltmp3, $4  }
0x65: {  	[sflag:s20] =	ssyncset.done $0x0  }
0x66: {  	[sflag:s20] =	ssyncadd.s32 $0xFFFFCF00  }
0x67: {  	[bflag:$0x0] =	sbarrier.arrive $0xFFFF  }
0x68: {  	s26 =	simm.s32 $0x0;
	s29 =	simm.s32 $0x0;
	s28 =	simm.s32 $0x0  }
.LBB2_9:
0x69: {  	[sflag:s20] =	ssyncadd.s32 $0xFFFFC000  }
.LBB2_10:
0x6a: {  	s0 =	sshll.u32 s0, $0x7  }
0x6b: {  	v22 =	vor.u32 s0, v3;
	_ =	sdelay $0x4  }
0x6c: {  	v23 =	vld.idx.msk [tilespmem:v22+s22+$0x0], $0xffff  }
0x6d: {  	v22 =	vld.idx.msk [tilespmem:v22+s23+$0x0], $0xffff  }
0x6e: {  	v24 =	vor.u32 s0, v6;
	_ =	sdelay $0x2  }
0x6f: {  	[tilespmem:$0xE00] =	vst v23  }
0x70: {  	[tilespmem:$0x1600] =	vst v22  }
0x71: {  	v22 =	vld.idx.msk [tilespmem:v24+s22+$0x0], $0xffff  }
0x72: {  	v23 =	vld.idx.msk [tilespmem:v24+s23+$0x0], $0xffff  }
0x73: {  	v58 =	vor.u32 s0, v7;
	_ =	sdelay $0x2  }
0x74: {  	[tilespmem:$0xE10] =	vst v22  }
0x75: {  	[tilespmem:$0x1610] =	vst v23  }
0x76: {  	v22 =	vld.idx.msk [tilespmem:v58+s22+$0x0], $0xffff  }
0x77: {  	v23 =	vld.idx.msk [tilespmem:v58+s23+$0x0], $0xffff  }
0x78: {  	v59 =	vor.u32 s0, v8;
	_ =	sdelay $0x2  }
0x79: {  	[tilespmem:$0xE20] =	vst v22  }
0x7a: {  	[tilespmem:$0x1620] =	vst v23  }
0x7b: {  	v22 =	vld.idx.msk [tilespmem:v59+s22+$0x0], $0xffff  }
0x7c: {  	v23 =	vld.idx.msk [tilespmem:v59+s23+$0x0], $0xffff  }
0x7d: {  	v60 =	vor.u32 s0, v9;
	_ =	sdelay $0x2  }
0x7e: {  	[tilespmem:$0xE30] =	vst v22  }
0x7f: {  	[tilespmem:$0x1630] =	vst v23  }
0x80: {  	v22 =	vld.idx.msk [tilespmem:v60+s22+$0x0], $0xffff  }
0x81: {  	v23 =	vld.idx.msk [tilespmem:v60+s23+$0x0], $0xffff  }
0x82: {  	v61 =	vor.u32 s0, v10;
	_ =	sdelay $0x2  }
0x83: {  	[tilespmem:$0xE40] =	vst v22  }
0x84: {  	[tilespmem:$0x1640] =	vst v23  }
0x85: {  	v22 =	vld.idx.msk [tilespmem:v61+s22+$0x0], $0xffff  }
0x86: {  	v23 =	vld.idx.msk [tilespmem:v61+s23+$0x0], $0xffff  }
0x87: {  	v62 =	vor.u32 s0, v11;
	_ =	sdelay $0x2  }
0x88: {  	[tilespmem:$0xE50] =	vst v22  }
0x89: {  	[tilespmem:$0x1650] =	vst v23  }
0x8a: {  	v22 =	vld.idx.msk [tilespmem:v62+s22+$0x0], $0xffff  }
0x8b: {  	v23 =	vld.idx.msk [tilespmem:v62+s23+$0x0], $0xffff  }
0x8c: {  	v63 =	vor.u32 s0, v12;
	_ =	sdelay $0x2  }
0x8d: {  	[tilespmem:$0xE60] =	vst v22  }
0x8e: {  	[tilespmem:$0x1660] =	vst v23  }
0x8f: {  	s28 =	sadd.s32 $0x1, s28;
	v22 =	vld.idx.msk [tilespmem:v63+s22+$0x0], $0xffff  }
0x90: {  	p0 =	sne.s32 s28, $0x7;
	v23 =	vld.idx.msk [tilespmem:v63+s23+$0x0], $0xffff  }
.Ltmp4:
0x91: {  	_ = 	snop;
	(pc) =	sbr.rel @!p0 .LBB2_11-.Ltmp4, $3  }
0x92: {  	_ =	sdelay $0x1  }
0x93: {  	[tilespmem:$0xE70] =	vst v22  }
0x94: {  	s29 =	sand.u32 $0x7F, s29;
	[tilespmem:$0x1670] =	vst v23  }
.LBB2_4:
0x95: {  	s0 =	smul.u32 $0x700, s28;
	_ =	sdelay $0x1  }
0x96: {  	s0 =	sadd.s32 s7, s0  }
0x97: {  	s0 =	sshrl.u32 s0, $0x3  }
0x98: {  	s3 =	sadd.s32 s6, s0  }
0x99: {  	[tilespmem:s26], [sflag:$0x2] =	stream.linear.gather [hbm4b:s3+s26], $0x700, $0x38;
	[tilespmem:$0x1E640] =	vst v63  }
0x9a: {  	_ =	swait.ge [sflag:s20], $0x700  }
0x9b: {  	[sflag:s20] =	ssyncset.done $0x0  }
0x9c: {  	s0 =	sadd.s32 s5, s0;
	[sflag:s20] =	ssyncadd.s32 $0xFFFFF900  }
0x9d: {  	[tilespmem:s21], [sflag:$0x2] =	stream.linear.gather [hbm4b:s0+s26], $0x700, $0x38;
	[tilespmem:$0x1E640] =	vst v63  }
0x9e: {  	_ =	swait.ge [sflag:s20], $0x700  }
0x9f: {  	[sflag:s20] =	ssyncset.done $0x0  }
0xa0: {  	s31 =	simm.s32 $0x0;
	[sflag:s20] =	ssyncadd.s32 $0xFFFFF900  }
0xa1: {  	v22 =	vld [tilespmem:s31+$0x0];
	_ =	sdelay $0x4  }
0xa2: {  	vm0 =	vge.s32 v22, v0;
	vm1 =	vlt.s32 v22, v1  }
0xa3: {  	vm0 =	vmand vm0, vm1  }
0xa4: {  	v23 =	vsel vm0, $0x1, v5  }
0xa5: {  	(xrf0) =	vadd.scan.msk.s32 $0xffff, v23;
	_ =	sdelay $0x2  }
0xa6: {  	v23 =	vmov s29  }
0xa7: {  	v23 =	vadd.s32 $0xFFFFFFFF, v23  }
0xa8: {  	v23 =	vbroadcast v23, $0x0  }
0xa9: {  	v24, _, _ =	vpop (xrf0)  }
0xaa: {  	v25 =	vld [tilespmem:s31+$0x700];
	v23 =	vadd.s32 v24, v23;
	(v2sf) =	vpush v24, $0xF;
	_ =	sdelay $0x4  }
0xab: {  	v22 =	vsub.s32 v22, v0;
	[tilespmem:v23+s22+$0x0] =	vst.idx.msk vm0, v25  }
0xac: {  	s30 =	simm.s32 $0x10;
	s0 =	simm.s32 $0x80;
	[tilespmem:v23+s23+$0x0] =	vst.idx.msk vm0, v22  }
.LBB2_5:
0xad: {  	p0 =	sne.s32 s0, $0x1BC0;
	v22 =	vld [tilespmem:s30+$0x0];
	_ =	sdelay $0x4  }
0xae: {  	vm0 =	vge.s32 v22, v0;
	vm1 =	vlt.s32 v22, v1;
	v22 =	vsub.s32 v22, v0  }
0xaf: {  	vm0 =	vmand vm0, vm1  }
0xb0: {  	v23 =	vsel vm0, $0x1, v5  }
0xb1: {  	(xrf0) =	vadd.scan.msk.s32 $0xffff, v23;
	s3 =	spop (v2sf)  }
0xb2: {  	s29 =	sadd.s32 s29, s3  }
0xb3: {  	v23 =	vmov s29  }
0xb4: {  	v23 =	vadd.s32 $0xFFFFFFFF, v23  }
0xb5: {  	v23 =	vbroadcast v23, $0x0;
	_ =	sdelay $0x1  }
0xb6: {  	v24, _, _ =	vpop (xrf0)  }
0xb7: {  	v25 =	vld [tilespmem:s30+$0x700];
	v23 =	vadd.s32 v24, v23;
	(v2sf) =	vpush v24, $0xF;
	_ =	sdelay $0x1  }
.Ltmp5:
0xb8: {  	(pc) =	sbr.rel @p0 .LBB2_5-.Ltmp5, $3  }
0xb9: {  	_ =	sdelay $0x1  }
0xba: {  	[tilespmem:v23+s22+$0x0] =	vst.idx.msk vm0, v25  }
0xbb: {  	s30 =	sshra.s32 s0, $0x2;
	s0 =	sadd.s32 $0x40, s0;
	[tilespmem:v23+s23+$0x0] =	vst.idx.msk vm0, v22  }
0xbc: {  	v22 =	vld [tilespmem:s30+$0x0];
	_ =	sdelay $0x4  }
0xbd: {  	vm0 =	vge.s32 v22, v0;
	vm1 =	vlt.s32 v22, v1  }
0xbe: {  	vm0 =	vmand vm0, vm1  }
0xbf: {  	v23 =	vsel vm0, $0x1, v5  }
0xc0: {  	(xrf0) =	vadd.scan.msk.s32 $0xffff, v23;
	_ =	sdelay $0x5  }
0xc1: {  	v23, _, _ =	vpop (xrf0)  }
0xc2: {  	(v2sf) =	vpush v23, $0xF;
	_ =	sdelay $0xa  }
0xc3: {  	s0 =	spop (v2sf)  }
0xc4: {  	s0 =	sadd.s32 s29, s0  }
0xc5: {  	v24 =	vmov s0  }
0xc6: {  	v24 =	vadd.s32 $0xFFFFFFFF, v24  }
0xc7: {  	v24 =	vbroadcast v24, $0x0;
	s3 =	spop (v2sf)  }
0xc8: {  	s29 =	sadd.s32 s0, s3  }
0xc9: {  	v25 =	vld [tilespmem:s30+$0x700];
	v23 =	vadd.s32 v23, v24;
	s0 =	sshrl.u32 s29, $0x7  }
0xca: {  	p0 =	seq.s32 s0, $0x0  }
.Ltmp6:
0xcb: {  	_ = 	snop;
	(pc) =	sbr.rel @p0 .LBB2_10-.Ltmp6, $3  }
0xcc: {  	_ =	sdelay $0x1  }
0xcd: {  	v22 =	vsub.s32 v22, v0;
	[tilespmem:v23+s22+$0x0] =	vst.idx.msk vm0, v25  }
0xce: {  	[tilespmem:v23+s23+$0x0] =	vst.idx.msk vm0, v22  }
0xcf: {  	s3 =	simm.s32 $0xE00  }
0xd0: {  	[tilespmem:s19], [sflag:$0x1] =	stream.indirect.gather [hbm4b:s4+s24], $0x80, s3, s24, $0xb8;
	[tilespmem:$0x1E640] =	vst v63  }
0xd1: {  	p0 =	sne.s32 s0, $0x1;
	_ =	swait.ge [sflag:s25], $0x4000  }
.Ltmp7:
0xd2: {  	[sflag:s25] =	ssyncset.done $0x0;
	(pc) =	sbr.rel @!p0 .LBB2_9-.Ltmp7, $4  }
0xd3: {  	s30 =	simm.s32 $0x1600;
	[sflag:s25] =	ssyncadd.s32 $0xFFFFC000  }
0xd4: {  	[spmem:s1] =	stream.indirect.scatter.add.f32 [tilespmem:s19], [sflag:$0x2], $0x80, s30, s24, $0xb8;
	[tilespmem:$0x1E640] =	vst v63  }
0xd5: {  	_ =	swait.ge [sflag:s20], $0x4000  }
0xd6: {  	s9 =	sadd.s32 $0xFFFFFFFF, s0;
	[sflag:s20] =	ssyncset.done $0x0  }
.LBB2_8:
0xd7: {  	[sflag:s20] =	ssyncadd.s32 $0xFFFFC000;
	s3 =	sadd.s32 $0x80, s3;
	s30 =	sadd.s32 $0x80, s30  }
0xd8: {  	[tilespmem:s19], [sflag:$0x1] =	stream.indirect.gather [hbm4b:s4+s24], $0x80, s3, s24, $0xb8;
	[tilespmem:$0x1E640] =	vst v63  }
0xd9: {  	p0 =	sne.s32 s9, $0x1;
	s9 =	sadd.s32 $0xFFFFFFFF, s9;
	_ =	swait.ge [sflag:s25], $0x4000  }
.Ltmp8:
0xda: {  	[sflag:s25] =	ssyncset.done $0x0;
	(pc) =	sbr.rel @p0 .LBB2_8-.Ltmp8, $4  }
0xdb: {  	[sflag:s25] =	ssyncadd.s32 $0xFFFFC000  }
0xdc: {  	[spmem:s1] =	stream.indirect.scatter.add.f32 [tilespmem:s19], [sflag:$0x2], $0x80, s30, s24, $0xb8;
	[tilespmem:$0x1E640] =	vst v63  }
0xdd: {  	_ =	swait.ge [sflag:s20], $0x4000  }
0xde: {  	[sflag:s20] =	ssyncset.done $0x0  }
.Ltmp9:
0xdf: {  	_ = 	snop;
	(pc) =	sbr.rel .LBB2_9-.Ltmp9, $1  }
0xe0: {  	_ =	sdelay $0x3  }
.LBB2_11:
0xe1: {  	v22 =	vmov s29  }
0xe2: {  	vm0 =	vlt.u32 v22, v13;
	_ =	sdelay $0x1  }
0xe3: {  	vm1 =	vlt.u32 v22, v15;
	_ =	sdelay $0x1  }
0xe4: {  	vm2 =	vlt.u32 v22, v16;
	_ =	sdelay $0x1  }
0xe5: {  	vm3 =	vlt.u32 v22, v17;
	[tilespmem:v3+s22+$0x0] =	vst.idx.msk vm0, v5  }
0xe6: {  	[tilespmem:v3+s23+$0x0] =	vst.idx.msk vm0, v14  }
0xe7: {  	vm12 =	vlt.u32 v22, v18;
	[tilespmem:v6+s22+$0x0] =	vst.idx.msk vm1, v5  }
0xe8: {  	[tilespmem:v6+s23+$0x0] =	vst.idx.msk vm1, v14  }
0xe9: {  	vm13 =	vlt.u32 v22, v19;
	[tilespmem:v7+s22+$0x0] =	vst.idx.msk vm2, v5  }
0xea: {  	[tilespmem:v7+s23+$0x0] =	vst.idx.msk vm2, v14  }
0xeb: {  	vm14 =	vlt.u32 v22, v20;
	[tilespmem:v8+s22+$0x0] =	vst.idx.msk vm3, v5  }
0xec: {  	[tilespmem:v8+s23+$0x0] =	vst.idx.msk vm3, v14  }
0xed: {  	vm15 =	vlt.u32 v22, v21;
	[tilespmem:v9+s22+$0x0] =	vst.idx.msk vm12, v5  }
0xee: {  	[tilespmem:v9+s23+$0x0] =	vst.idx.msk vm12, v14  }
0xef: {  	[tilespmem:v10+s22+$0x0] =	vst.idx.msk vm13, v5  }
0xf0: {  	[tilespmem:v10+s23+$0x0] =	vst.idx.msk vm13, v14  }
0xf1: {  	[tilespmem:v11+s22+$0x0] =	vst.idx.msk vm14, v5  }
0xf2: {  	[tilespmem:v11+s23+$0x0] =	vst.idx.msk vm14, v14  }
0xf3: {  	p0 =	seq.s32 s29, $0x0;
	[tilespmem:v12+s22+$0x0] =	vst.idx.msk vm15, v5  }
0xf4: {  	s0 =	simm.s32 @!p0 $0x80;
	s3 =	simm.s32 @!p0 $0xE00;
	s9 =	simm.s32 @!p0 $0x1E00;
	[tilespmem:v12+s23+$0x0] =	vst.idx.msk vm15, v14  }
0xf5: {  	[tilespmem:s9], [sflag:$0x1] =	stream.indirect.gather @!p0 [hbm4b:s4+s0], $0x80, s3, s0, $0xb8;
	[tilespmem:$0x1E640] =	vst v63  }
0xf6: {  	s3 =	simm.s32 @!p0 $0x1  }
0xf7: {  	_ =	swait.ge @!p0 [sflag:s3], $0x4000  }
0xf8: {  	[sflag:s3] =	ssyncset.done @!p0 $0x0  }
0xf9: {  	[sflag:s3] =	ssyncadd.s32 @!p0 $0xFFFFC000;
	s3 =	simm.s32 @!p0 $0x1600  }
0xfa: {  	[spmem:s1] =	stream.indirect.scatter.add.f32 @!p0 [tilespmem:s9], [sflag:$0x2], $0x80, s3, s0, $0xb8;
	[tilespmem:$0x1E640] =	vst v63  }
0xfb: {  	s0 =	simm.s32 @!p0 $0x2  }
0xfc: {  	_ =	swait.ge @!p0 [sflag:s0], $0x4000  }
0xfd: {  	[sflag:s0] =	ssyncset.done @!p0 $0x0  }
0xfe: {  	s30 =	stileid.u32;
	[sflag:s0] =	ssyncadd.s32 @!p0 $0xFFFFC000  }
0xff: {  	s0 =	sshll.u32 s30, $0x6;
	[bflag:$0x0] =	sbarrier.arrive $0xFFFF  }
0x100: {  	s28 =	sshrl.u32 s8, $0x3;
	s26 =	sor.u32 $0x1C02, s0;
	s31 =	rddreg [dreg:$0x3]  }
0x101: {  	[hbm:s31], [sflag:s26] =	dma.local [spmem:s28], $0x3100  }
0x102: {  	_ =	swait.ge [sflag:s20], $0x3100  }
0x103: {  	[sflag:s20] =	ssyncset.done $0x0  }
0x104: {  	s3 =	simm.s32 $0x200;
	s0 =	simm.s32 $0x0;
	[sflag:s20] =	ssyncadd.s32 $0xFFFFCF00  }
.LBB2_12:
0x105: {  	p0 =	sne.s32 s3, $0xFE00;
	[tilespmem:s0+$0x1E70] =	vst v4  }
0x106: {  	[tilespmem:s0+$0x1E00] =	vst v4  }
0x107: {  	[tilespmem:s0+$0x1E10] =	vst v4  }
.Ltmp10:
0x108: {  	[tilespmem:s0+$0x1E20] =	vst v4;
	(pc) =	sbr.rel @p0 .LBB2_12-.Ltmp10, $4  }
0x109: {  	[tilespmem:s0+$0x1E30] =	vst v4  }
0x10a: {  	[tilespmem:s0+$0x1E40] =	vst v4  }
0x10b: {  	[tilespmem:s0+$0x1E50] =	vst v4  }
0x10c: {  	[tilespmem:s0+$0x1E60] =	vst v4;
	s0 =	sshra.s32 s3, $0x2;
	s3 =	sadd.s32 $0x200, s3  }
0x10d: {  	[tilespmem:s0+$0x1E70] =	vst v4  }
0x10e: {  	[tilespmem:s0+$0x1E00] =	vst v4  }
0x10f: {  	[tilespmem:s0+$0x1E10] =	vst v4  }
0x110: {  	[tilespmem:s0+$0x1E20] =	vst v4  }
0x111: {  	[tilespmem:s0+$0x1E30] =	vst v4  }
0x112: {  	[tilespmem:s0+$0x1E40] =	vst v4  }
0x113: {  	[tilespmem:s0+$0x1E50] =	vst v4  }
0x114: {  	[tilespmem:s0+$0x1E60] =	vst v4  }
0x115: {  	[spmem:s8] =	stream.linear.scatter [tilespmem:s19], [sflag:$0x2], $0x3100, $0x38;
	[tilespmem:$0x1E640] =	vst v63  }
0x116: {  	_ =	swait.ge [sflag:s20], $0x3100  }
0x117: {  	[sflag:s20] =	ssyncset.done $0x0  }
0x118: {  	[sflag:s20] =	ssyncadd.s32 $0xFFFFCF00  }
0x119: {  	[spmem:s12] =	stream.linear.scatter [tilespmem:s19], [sflag:$0x2], $0x3100, $0x38;
	[tilespmem:$0x1E640] =	vst v63  }
0x11a: {  	_ =	swait.ge [sflag:s20], $0x3100  }
0x11b: {  	[sflag:s20] =	ssyncset.done $0x0  }
0x11c: {  	[sflag:s20] =	ssyncadd.s32 $0xFFFFCF00  }
0x11d: {  	[spmem:s13] =	stream.linear.scatter [tilespmem:s19], [sflag:$0x2], $0x3100, $0x38;
	[tilespmem:$0x1E640] =	vst v63  }
0x11e: {  	_ =	swait.ge [sflag:s20], $0x3100  }
0x11f: {  	[sflag:s20] =	ssyncset.done $0x0  }
0x120: {  	[sflag:s20] =	ssyncadd.s32 $0xFFFFCF00  }
0x121: {  	[spmem:s14] =	stream.linear.scatter [tilespmem:s19], [sflag:$0x2], $0x3100, $0x38;
	[tilespmem:$0x1E640] =	vst v63  }
0x122: {  	_ =	swait.ge [sflag:s20], $0x3100  }
0x123: {  	[sflag:s20] =	ssyncset.done $0x0  }
0x124: {  	[sflag:s20] =	ssyncadd.s32 $0xFFFFCF00  }
0x125: {  	[spmem:s15] =	stream.linear.scatter [tilespmem:s19], [sflag:$0x2], $0x3100, $0x38;
	[tilespmem:$0x1E640] =	vst v63  }
0x126: {  	_ =	swait.ge [sflag:s20], $0x3100  }
0x127: {  	[sflag:s20] =	ssyncset.done $0x0  }
0x128: {  	[sflag:s20] =	ssyncadd.s32 $0xFFFFCF00  }
0x129: {  	[spmem:s16] =	stream.linear.scatter [tilespmem:s19], [sflag:$0x2], $0x3100, $0x38;
	[tilespmem:$0x1E640] =	vst v63  }
0x12a: {  	_ =	swait.ge [sflag:s20], $0x3100  }
0x12b: {  	[sflag:s20] =	ssyncset.done $0x0  }
0x12c: {  	[sflag:s20] =	ssyncadd.s32 $0xFFFFCF00  }
0x12d: {  	[spmem:s17] =	stream.linear.scatter [tilespmem:s19], [sflag:$0x2], $0x3100, $0x38;
	[tilespmem:$0x1E640] =	vst v63  }
0x12e: {  	_ =	swait.ge [sflag:s20], $0x3100  }
0x12f: {  	[sflag:s20] =	ssyncset.done $0x0  }
0x130: {  	[sflag:s20] =	ssyncadd.s32 $0xFFFFCF00  }
0x131: {  	[spmem:s18] =	stream.linear.scatter [tilespmem:s19], [sflag:$0x2], $0x3100, $0x38;
	[tilespmem:$0x1E640] =	vst v63  }
.Ltmp11:
0x132: {  	_ =	swait.ge [sflag:s20], $0x3100;
	(pc) =	sbr.rel .LBB2_14-.Ltmp11, $4  }
0x133: {  	[sflag:s20] =	ssyncset.done $0x0  }
0x134: {  	[sflag:s20] =	ssyncadd.s32 $0xFFFFCF00  }
0x135: {  	[bflag:$0x0] =	sbarrier.arrive $0xFFFF  }
0x136: {  	s29 =	simm.s32 $0x0;
	s31 =	simm.s32 $0x0;
	s30 =	simm.s32 $0x0  }
.LBB2_19:
0x137: {  	[sflag:s20] =	ssyncadd.s32 $0xFFFFC000  }
.LBB2_20:
0x138: {  	s0 =	sshll.u32 s0, $0x7  }
0x139: {  	v22 =	vor.u32 s0, v3;
	_ =	sdelay $0x4  }
0x13a: {  	v23 =	vld.idx.msk [tilespmem:v22+s22+$0x0], $0xffff  }
0x13b: {  	v22 =	vld.idx.msk [tilespmem:v22+s23+$0x0], $0xffff  }
0x13c: {  	v24 =	vor.u32 s0, v6;
	_ =	sdelay $0x2  }
0x13d: {  	[tilespmem:$0xE00] =	vst v23  }
0x13e: {  	[tilespmem:$0x1600] =	vst v22  }
0x13f: {  	v22 =	vld.idx.msk [tilespmem:v24+s22+$0x0], $0xffff  }
0x140: {  	v23 =	vld.idx.msk [tilespmem:v24+s23+$0x0], $0xffff  }
0x141: {  	v58 =	vor.u32 s0, v7;
	_ =	sdelay $0x2  }
0x142: {  	[tilespmem:$0xE10] =	vst v22  }
0x143: {  	[tilespmem:$0x1610] =	vst v23  }
0x144: {  	v22 =	vld.idx.msk [tilespmem:v58+s22+$0x0], $0xffff  }
0x145: {  	v23 =	vld.idx.msk [tilespmem:v58+s23+$0x0], $0xffff  }
0x146: {  	v59 =	vor.u32 s0, v8;
	_ =	sdelay $0x2  }
0x147: {  	[tilespmem:$0xE20] =	vst v22  }
0x148: {  	[tilespmem:$0x1620] =	vst v23  }
0x149: {  	v22 =	vld.idx.msk [tilespmem:v59+s22+$0x0], $0xffff  }
0x14a: {  	v23 =	vld.idx.msk [tilespmem:v59+s23+$0x0], $0xffff  }
0x14b: {  	v60 =	vor.u32 s0, v9;
	_ =	sdelay $0x2  }
0x14c: {  	[tilespmem:$0xE30] =	vst v22  }
0x14d: {  	[tilespmem:$0x1630] =	vst v23  }
0x14e: {  	v22 =	vld.idx.msk [tilespmem:v60+s22+$0x0], $0xffff  }
0x14f: {  	v23 =	vld.idx.msk [tilespmem:v60+s23+$0x0], $0xffff  }
0x150: {  	v61 =	vor.u32 s0, v10;
	_ =	sdelay $0x2  }
0x151: {  	[tilespmem:$0xE40] =	vst v22  }
0x152: {  	[tilespmem:$0x1640] =	vst v23  }
0x153: {  	v22 =	vld.idx.msk [tilespmem:v61+s22+$0x0], $0xffff  }
0x154: {  	v23 =	vld.idx.msk [tilespmem:v61+s23+$0x0], $0xffff  }
0x155: {  	v62 =	vor.u32 s0, v11;
	_ =	sdelay $0x2  }
0x156: {  	[tilespmem:$0xE50] =	vst v22  }
0x157: {  	[tilespmem:$0x1650] =	vst v23  }
0x158: {  	v22 =	vld.idx.msk [tilespmem:v62+s22+$0x0], $0xffff  }
0x159: {  	v23 =	vld.idx.msk [tilespmem:v62+s23+$0x0], $0xffff  }
0x15a: {  	v63 =	vor.u32 s0, v12;
	_ =	sdelay $0x2  }
0x15b: {  	[tilespmem:$0xE60] =	vst v22  }
0x15c: {  	[tilespmem:$0x1660] =	vst v23  }
0x15d: {  	s30 =	sadd.s32 $0x1, s30;
	v22 =	vld.idx.msk [tilespmem:v63+s22+$0x0], $0xffff  }
0x15e: {  	p0 =	sne.s32 s30, $0x7;
	v23 =	vld.idx.msk [tilespmem:v63+s23+$0x0], $0xffff  }
.Ltmp12:
0x15f: {  	_ = 	snop;
	(pc) =	sbr.rel @!p0 .LBB2_21-.Ltmp12, $3  }
0x160: {  	_ =	sdelay $0x1  }
0x161: {  	[tilespmem:$0xE70] =	vst v22  }
0x162: {  	s31 =	sand.u32 $0x7F, s31;
	[tilespmem:$0x1670] =	vst v23  }
.LBB2_14:
0x163: {  	s0 =	smul.u32 $0x700, s30;
	_ =	sdelay $0x1  }
0x164: {  	s0 =	sadd.s32 s7, s0  }
0x165: {  	s0 =	sshrl.u32 s0, $0x3  }
0x166: {  	s3 =	sadd.s32 s6, s0  }
0x167: {  	[tilespmem:s29], [sflag:$0x2] =	stream.linear.gather [hbm4b:s3+s29], $0x700, $0x38;
	[tilespmem:$0x1E640] =	vst v63  }
0x168: {  	_ =	swait.ge [sflag:s20], $0x700  }
0x169: {  	[sflag:s20] =	ssyncset.done $0x0  }
0x16a: {  	s0 =	sadd.s32 s5, s0;
	[sflag:s20] =	ssyncadd.s32 $0xFFFFF900  }
0x16b: {  	[tilespmem:s21], [sflag:$0x2] =	stream.linear.gather [hbm4b:s0+s29], $0x700, $0x38;
	[tilespmem:$0x1E640] =	vst v63  }
0x16c: {  	_ =	swait.ge [sflag:s20], $0x700  }
0x16d: {  	[sflag:s20] =	ssyncset.done $0x0  }
0x16e: {  	s10 =	simm.s32 $0x0;
	[sflag:s20] =	ssyncadd.s32 $0xFFFFF900  }
0x16f: {  	v22 =	vld [tilespmem:s10+$0x0];
	_ =	sdelay $0x4  }
0x170: {  	vm0 =	vge.s32 v22, v1;
	vm1 =	vlt.s32 v22, v2  }
0x171: {  	vm0 =	vmand vm0, vm1  }
0x172: {  	v23 =	vsel vm0, $0x1, v5  }
0x173: {  	(xrf0) =	vadd.scan.msk.s32 $0xffff, v23;
	_ =	sdelay $0x2  }
0x174: {  	v23 =	vmov s31  }
0x175: {  	v23 =	vadd.s32 $0xFFFFFFFF, v23  }
0x176: {  	v23 =	vbroadcast v23, $0x0  }
0x177: {  	v24, _, _ =	vpop (xrf0)  }
0x178: {  	v25 =	vld [tilespmem:s10+$0x700];
	v23 =	vadd.s32 v24, v23;
	(v2sf) =	vpush v24, $0xF;
	_ =	sdelay $0x4  }
0x179: {  	v22 =	vsub.s32 v22, v1;
	[tilespmem:v23+s22+$0x0] =	vst.idx.msk vm0, v25  }
0x17a: {  	s3 =	simm.s32 $0x80;
	s0 =	simm.s32 $0x10;
	[tilespmem:v23+s23+$0x0] =	vst.idx.msk vm0, v22  }
.LBB2_15:
0x17b: {  	p0 =	sne.s32 s3, $0x1BC0;
	v22 =	vld [tilespmem:s0+$0x0];
	_ =	sdelay $0x4  }
0x17c: {  	vm0 =	vge.s32 v22, v1;
	vm1 =	vlt.s32 v22, v2;
	v22 =	vsub.s32 v22, v1  }
0x17d: {  	vm0 =	vmand vm0, vm1  }
0x17e: {  	v23 =	vsel vm0, $0x1, v5  }
0x17f: {  	(xrf0) =	vadd.scan.msk.s32 $0xffff, v23;
	s9 =	spop (v2sf)  }
0x180: {  	s31 =	sadd.s32 s31, s9  }
0x181: {  	v23 =	vmov s31  }
0x182: {  	v23 =	vadd.s32 $0xFFFFFFFF, v23  }
0x183: {  	v23 =	vbroadcast v23, $0x0;
	_ =	sdelay $0x1  }
0x184: {  	v24, _, _ =	vpop (xrf0)  }
0x185: {  	v25 =	vld [tilespmem:s0+$0x700];
	v23 =	vadd.s32 v24, v23;
	(v2sf) =	vpush v24, $0xF;
	_ =	sdelay $0x1  }
.Ltmp13:
0x186: {  	(pc) =	sbr.rel @p0 .LBB2_15-.Ltmp13, $3  }
0x187: {  	_ =	sdelay $0x1  }
0x188: {  	[tilespmem:v23+s22+$0x0] =	vst.idx.msk vm0, v25  }
0x189: {  	s0 =	sshra.s32 s3, $0x2;
	s3 =	sadd.s32 $0x40, s3;
	[tilespmem:v23+s23+$0x0] =	vst.idx.msk vm0, v22  }
0x18a: {  	v22 =	vld [tilespmem:s0+$0x0];
	_ =	sdelay $0x4  }
0x18b: {  	vm0 =	vge.s32 v22, v1;
	vm1 =	vlt.s32 v22, v2  }
0x18c: {  	vm0 =	vmand vm0, vm1  }
0x18d: {  	v23 =	vsel vm0, $0x1, v5  }
0x18e: {  	(xrf0) =	vadd.scan.msk.s32 $0xffff, v23;
	_ =	sdelay $0x5  }
0x18f: {  	v23, _, _ =	vpop (xrf0)  }
0x190: {  	(v2sf) =	vpush v23, $0xF;
	_ =	sdelay $0xa  }
0x191: {  	s3 =	spop (v2sf)  }
0x192: {  	s3 =	sadd.s32 s31, s3  }
0x193: {  	v24 =	vmov s3  }
0x194: {  	v24 =	vadd.s32 $0xFFFFFFFF, v24  }
0x195: {  	v24 =	vbroadcast v24, $0x0;
	s10 =	spop (v2sf)  }
0x196: {  	s31 =	sadd.s32 s3, s10  }
0x197: {  	v25 =	vld [tilespmem:s0+$0x700];
	v23 =	vadd.s32 v23, v24;
	s0 =	sshrl.u32 s31, $0x7  }
0x198: {  	p0 =	seq.s32 s0, $0x0  }
.Ltmp14:
0x199: {  	_ = 	snop;
	(pc) =	sbr.rel @p0 .LBB2_20-.Ltmp14, $3  }
0x19a: {  	_ =	sdelay $0x1  }
0x19b: {  	v22 =	vsub.s32 v22, v1;
	[tilespmem:v23+s22+$0x0] =	vst.idx.msk vm0, v25  }
0x19c: {  	[tilespmem:v23+s23+$0x0] =	vst.idx.msk vm0, v22  }
0x19d: {  	s3 =	simm.s32 $0xE00  }
0x19e: {  	[tilespmem:s19], [sflag:$0x1] =	stream.indirect.gather [hbm4b:s4+s24], $0x80, s3, s24, $0xb8;
	[tilespmem:$0x1E640] =	vst v63  }
0x19f: {  	p0 =	sne.s32 s0, $0x1;
	_ =	swait.ge [sflag:s25], $0x4000  }
.Ltmp15:
0x1a0: {  	[sflag:s25] =	ssyncset.done $0x0;
	(pc) =	sbr.rel @!p0 .LBB2_19-.Ltmp15, $4  }
0x1a1: {  	s9 =	simm.s32 $0x1600;
	[sflag:s25] =	ssyncadd.s32 $0xFFFFC000  }
0x1a2: {  	[spmem:s1] =	stream.indirect.scatter.add.f32 [tilespmem:s19], [sflag:$0x2], $0x80, s9, s24, $0xb8;
	[tilespmem:$0x1E640] =	vst v63  }
0x1a3: {  	_ =	swait.ge [sflag:s20], $0x4000  }
0x1a4: {  	s10 =	sadd.s32 $0xFFFFFFFF, s0;
	[sflag:s20] =	ssyncset.done $0x0  }
.LBB2_18:
0x1a5: {  	[sflag:s20] =	ssyncadd.s32 $0xFFFFC000;
	s3 =	sadd.s32 $0x80, s3;
	s9 =	sadd.s32 $0x80, s9  }
0x1a6: {  	[tilespmem:s19], [sflag:$0x1] =	stream.indirect.gather [hbm4b:s4+s24], $0x80, s3, s24, $0xb8;
	[tilespmem:$0x1E640] =	vst v63  }
0x1a7: {  	p0 =	sne.s32 s10, $0x1;
	s10 =	sadd.s32 $0xFFFFFFFF, s10;
	_ =	swait.ge [sflag:s25], $0x4000  }
.Ltmp16:
0x1a8: {  	[sflag:s25] =	ssyncset.done $0x0;
	(pc) =	sbr.rel @p0 .LBB2_18-.Ltmp16, $4  }
0x1a9: {  	[sflag:s25] =	ssyncadd.s32 $0xFFFFC000  }
0x1aa: {  	[spmem:s1] =	stream.indirect.scatter.add.f32 [tilespmem:s19], [sflag:$0x2], $0x80, s9, s24, $0xb8;
	[tilespmem:$0x1E640] =	vst v63  }
0x1ab: {  	_ =	swait.ge [sflag:s20], $0x4000  }
0x1ac: {  	[sflag:s20] =	ssyncset.done $0x0  }
.Ltmp17:
0x1ad: {  	_ = 	snop;
	(pc) =	sbr.rel .LBB2_19-.Ltmp17, $1  }
0x1ae: {  	_ =	sdelay $0x3  }
.LBB2_22:
0x1af: {  	_ =	sfence.sel $0x180000  }
0x1b0: {  	[bflag:$0x0] =	sbarrier.arrive $0xFFFF  }
0x1b1: {  	_ =	strace $0x90000047  }
0x1b2: {  	s0 =	stileid.u32;
	[bflag:$0x2] =	sbarrier.arrive $0xFFFF  }
0x1b3: {  	p0 =	sne.s32 s0, $0x0;
	s0 =	rddreg [dreg:$0x2]  }
0x1b4: {  	s0 =	sadd.s32 @!p0 $0x100000, s0  }
0x1b5: {  	[sflag:s0] =	ssyncadd.tile.s32 @!p0 $0x1;
	_ =	shalt  }
.Lfunc_end2:
_tile_overlayer_lowered:
.L_overlay_start_2:
0x1b6: {  	(tag) =	ssettag $0x2  }
0x1b7: {  	s0 =	rddreg [dreg:$0x0];
	s2 =	stileid.u32  }
0x1b8: {  	s1 =	rddreg [dreg:$0x1];
	p0 =	sne.s32 s2, $0x0  }
0x1b9: {  	s3 =	rddreg [dreg:$0x2];
	[bflag:$0x3] =	sbarrier.arrive $0xFFFF;
	s2 =	simm.s32 @!p0 $0x1C02  }
0x1ba: {  	[timem:s3], [sflag:s2] =	dma.local @!p0 [hbm:s0], s1  }
0x1bb: {  	s0 =	simm.s32 @!p0 $0x2  }
0x1bc: {  	_ =	swait.ge @!p0 [sflag:s0], s1  }
0x1bd: {  	s1 =	ssub.s32 @!p0 $0x0, s1;
	[sflag:s0] =	ssyncset.done @!p0 $0x0  }
0x1be: {  	[sflag:s0] =	ssyncadd.s32 @!p0 s1  }
0x1bf: {  	[bflag:$0x3] =	sbarrier.arrive $0xFFFF  }
0x1c0: {  	_ =	shalt  }

// kernel: kernel.15.cloned.1.call-start
scs
__scs_entry_jumppad:
0x0: {  	(pc) =	sbr.rel $0x88, $3  }
0x1: {  	(tag) =	ssettag $0x0;
	lr =	simm.s32 $0x1  }
0x2: {  	[smem:$0x3F96] =	sst lr;
	_ =	strace $0xD0000000  }
0x3: {  	_ = 	snop  }
0x4: {  	_ = 	snop  }
0x5: {  	_ = 	snop  }
0x6: {  	_ = 	snop  }
0x7: {  	_ = 	snop  }
__scs_overlays_trampoline_lowered:
0x8: {  	[smem:$0x3FA5] =	sst s0  }
0x9: {  	[smem:$0x3FA6] =	sst s1  }
0xa: {  	[smem:$0x3FA7] =	sst s2  }
0xb: {  	[smem:$0x3FA8] =	sst s3  }
0xc: {  	[smem:$0x3FA9] =	sst s4  }
0xd: {  	[smem:$0x3FAA] =	sst s5  }
0xe: {  	[smem:$0x3FAB] =	sst s6  }
0xf: {  	[smem:$0x3FAC] =	sst s7  }
0x10: {  	[smem:$0x3FAD] =	sst s8  }
0x11: {  	[smem:$0x3FAE] =	sst s9;
	s0 =	simm.s32 @!p0 $0x0  }
0x12: {  	s1 =	sld [smem:$0x3F94];
	s0 =	simm.s32 @p0 $0x1  }
0x13: {  	[smem:$0x3FAF] =	sst s0;
	s0 =	simm.s32 @!p1 $0x0  }
0x14: {  	s2 =	sld [smem:$0x3F93];
	s0 =	simm.s32 @p1 $0x1  }
0x15: {  	[smem:$0x3FB0] =	sst s0;
	s0 =	simm.s32 @!p2 $0x0  }
0x16: {  	s3 =	sld [smem:$0x3FDB];
	s0 =	simm.s32 @p2 $0x1  }
0x17: {  	s4 =	simm.s32 $0x1BF5;
	[smem:$0x3FB2] =	sst s0  }
0x18: {  	s0 =	sld [smem:$0x3F95];
	_ =	swait.ge [sflag:s4], $0x0  }
0x19: {  	s7 =	sld [smem:$0x3F96]  }
0x1a: {  	s8 =	sadd.s32 $0xFFFFE003, lr  }
0x1b: {  	s9 =	sadd.s32 $0xFFFFFEF7, lr;
	s5 =	simm.s32 $0xFFFFFFFF;
	p2 =	slt.u32 s8, $0xFFFFF086  }
0x1c: {  	p1 =	slt.u32 s9, $0xF7A;
	s5 =	simm.s32 @!p2 $0x0  }
0x1d: {  	s5 =	simm.s32 @p1 $0x1;
	p0 =	seq.s32 s7, s2  }
0x1e: {  	s7 =	smul.u32 @!p0 $0xF7A, s2;
	p2 =	seq.s32 @!p0 s5, $0x0  }
0x1f: {  	s9 =	smul.u32 $0xF7A, s1;
	s8 =	simm.s32 @!p0 $0x1BF5;
	p2 =	por !p2, p0  }
0x20: {  	[sflag:s8] =	ssyncset.s32 @!p0 $0xFFFFF086;
	s6 =	sadd.s32 @!p0 s3, s7;
	s7 =	simm.s32 @!p0 $0x108  }
0x21: {  	s3 =	sadd.s32 s3, s9;
	s6 =	sadd.s32 @!p0 $0x88, s6;
	s7 =	simm.s32 @p2 $0x1082  }
0x22: {  	[simem:s7], [sflag:s8] =	dma.local @!p0 [hbm:s6], $0xF7A  }
0x23: {  	s9 =	sor.u32 $0xD0000000, s2;
	s6 =	simm.s32 $0x108;
	_ =	swait.ge @!p0 [sflag:s8], $0x0  }
0x24: {  	s3 =	sadd.s32 $0x88, s3;
	s6 =	simm.s32 @!p1 $0x1082;
	[sflag:s4] =	ssyncset.s32 $0xFFFFF086  }
0x25: {  	[simem:s6], [sflag:s4] =	dma.local [hbm:s3], $0xF7A  }
0x26: {  	[smem:$0x3F96] =	sst s1;
	(tag) =	ssettag s2;
	_ =	strace s9  }
0x27: {  	s1 =	sld [smem:$0x3FA6]  }
0x28: {  	s2 =	sld [smem:$0x3FA7]  }
0x29: {  	s4 =	sld [smem:$0x3FA9]  }
0x2a: {  	p0 =	seq.s32 s5, $0x0;
	s5 =	sld [smem:$0x3FAA]  }
0x2b: {  	s6 =	sld [smem:$0x3FAB]  }
0x2c: {  	s7 =	sld [smem:$0x3FAC]  }
0x2d: {  	s3 =	simm.s32 $0x108;
	s8 =	sld [smem:$0x3FAD]  }
0x2e: {  	s3 =	simm.s32 @!p0 $0x1082;
	s9 =	sld [smem:$0x3FAE]  }
0x2f: {  	lr =	sadd.s32 s0, s3;
	s0 =	sld [smem:$0x3FA5]  }
0x30: {  	s3 =	sld [smem:$0x3FA8]  }
0x31: {  	[smem:$0x3FB1] =	sst s10  }
0x32: {  	s10 =	sld [smem:$0x3FAF];
	_ =	sdelay $0x3  }
0x33: {  	p0 =	seq.s32 s10, $0x1;
	s10 =	sld [smem:$0x3FB1];
	_ =	sdelay $0x3  }
0x34: {  	[smem:$0x3FB1] =	sst s10  }
0x35: {  	s10 =	sld [smem:$0x3FB0];
	_ =	sdelay $0x3  }
0x36: {  	p1 =	seq.s32 s10, $0x1;
	s10 =	sld [smem:$0x3FB1];
	_ =	sdelay $0x3  }
0x37: {  	[smem:$0x3FB1] =	sst s10  }
0x38: {  	s10 =	sld [smem:$0x3FB2]  }
0x39: {  	_ = 	snop;
	(pc) =	sbr.ind lr, $3  }
0x3a: {  	_ = 	snop  }
0x3b: {  	_ = 	snop  }
0x3c: {  	p2 =	seq.s32 s10, $0x1;
	s10 =	sld [smem:$0x3FB1]  }
0x3d: {  	_ =	shalt  }
0x3e: {  	_ =	shalt  }
0x3f: {  	_ =	shalt  }
0x40: {  	_ =	shalt  }
0x41: {  	_ =	shalt  }
0x42: {  	_ =	shalt  }
0x43: {  	_ =	shalt  }
0x44: {  	_ =	shalt  }
0x45: {  	_ =	shalt  }
0x46: {  	_ =	shalt  }
0x47: {  	_ =	shalt  }
0x48: {  	_ =	shalt  }
0x49: {  	_ =	shalt  }
0x4a: {  	_ =	shalt  }
0x4b: {  	_ =	shalt  }
0x4c: {  	_ =	shalt  }
0x4d: {  	_ =	shalt  }
0x4e: {  	_ =	shalt  }
0x4f: {  	_ =	shalt  }
0x50: {  	_ =	shalt  }
0x51: {  	_ =	shalt  }
0x52: {  	_ =	shalt  }
0x53: {  	_ =	shalt  }
0x54: {  	_ =	shalt  }
0x55: {  	_ =	shalt  }
0x56: {  	_ =	shalt  }
0x57: {  	_ =	shalt  }
0x58: {  	_ =	shalt  }
0x59: {  	_ =	shalt  }
0x5a: {  	_ =	shalt  }
0x5b: {  	_ =	shalt  }
0x5c: {  	_ =	shalt  }
0x5d: {  	_ =	shalt  }
0x5e: {  	_ =	shalt  }
0x5f: {  	_ =	shalt  }
0x60: {  	_ =	shalt  }
0x61: {  	_ =	shalt  }
0x62: {  	_ =	shalt  }
0x63: {  	_ =	shalt  }
0x64: {  	_ =	shalt  }
0x65: {  	_ =	shalt  }
0x66: {  	_ =	shalt  }
0x67: {  	_ =	shalt  }
0x68: {  	_ =	shalt  }
0x69: {  	_ =	shalt  }
0x6a: {  	_ =	shalt  }
0x6b: {  	_ =	shalt  }
0x6c: {  	_ =	shalt  }
0x6d: {  	_ =	shalt  }
0x6e: {  	_ =	shalt  }
0x6f: {  	_ =	shalt  }
0x70: {  	_ =	shalt  }
0x71: {  	_ =	shalt  }
0x72: {  	_ =	shalt  }
0x73: {  	_ =	shalt  }
0x74: {  	_ =	shalt  }
0x75: {  	_ =	shalt  }
0x76: {  	_ =	shalt  }
0x77: {  	_ =	shalt  }
0x78: {  	_ =	shalt  }
0x79: {  	_ =	shalt  }
0x7a: {  	_ =	shalt  }
0x7b: {  	_ =	shalt  }
0x7c: {  	_ =	shalt  }
0x7d: {  	_ =	shalt  }
0x7e: {  	_ =	shalt  }
0x7f: {  	_ =	shalt  }
0x80: {  	_ =	shalt  }
0x81: {  	_ =	shalt  }
0x82: {  	_ =	shalt  }
0x83: {  	_ =	shalt  }
0x84: {  	_ =	shalt  }
0x85: {  	_ =	shalt  }
0x86: {  	_ =	shalt  }
0x87: {  	_ =	shalt  }
.Lfunc_end0:
.L_simem_size_0:
called_computation.2_lowered:
.L_overlay_start_0:
0x88: {  	s2 =	sld [smem:$0x3FD9]  }
0x89: {  	s3 =	sld [smem:$0x3FFE];
	_ =	sdelay $0x1  }
0x8a: {  	s1 =	srdreg.scid  }
0x8b: {  	s0 =	sand.u32 $0x1, s1  }
0x8c: {  	s17 =	sshll.u32 s0, $0xA;
	s2 =	sadd.s32 s3, s2  }
0x8d: {  	s2 =	sadd.s32 s2, s17  }
0x8e: {  	[smem:$0x3FBD] =	sst s2  }
0x8f: {  	_ = 	snop  }
0x90: {  	(tm) =	ssettm $0x1  }
0x91: {  	s18 =	sld [smem:$0x3FFB];
	_ =	sdelay $0x3  }
0x92: {  	_ =	strace s18  }
0x93: {  	s2 =	sld [smem:$0x3FFC];
	_ =	sdelay $0x3  }
0x94: {  	_ =	strace s2  }
0x95: {  	s2 =	sld [smem:$0x3FFD];
	_ =	sdelay $0x3  }
0x96: {  	_ =	strace s2  }
0x97: {  	_ =	strace $0x8FFFFFFF  }
0x98: {  	s19 =	sld [smem:$0x3FDB];
	_ =	sdelay $0x1  }
0x99: {  	s20 =	simm.s32 $_scs_section_size  }
0x9a: {  	s4 =	simm.s32 $_size__tile_overlayer_lowered;
	s5 =	simm.s32 $_tile_overlayer_lowered  }
0x9b: {  	s6 =	simm.s32 $0x1BFF;
	s21 =	sshll.u32 s5, $0x1;
	s3 =	sadd.s32 s20, s19  }
0x9c: {  	s22 =	simm.s32 $0x0;
	s4 =	sshll.u32 s4, $0x1;
	s5 =	sadd.s32 s21, s3  }
0x9d: {  	[timem:s22], [sflag:s6] =	dma.local [hbm:s5], s4  }
0x9e: {  	_ =	swait.ge [sflag:s6], s4  }
0x9f: {  	s4 =	ssub.s32 $0x0, s4;
	[sflag:s6] =	ssyncset.done $0x0  }
0xa0: {  	[sflag:s6] =	ssyncadd.s32 s4;
	_ =	sdelay $0x1  }
0xa1: {  	s23 =	simm.s32 $0x1B8B  }
0xa2: {  	_ =	swait.ge [sflag:s23], $0x1  }
0xa3: {  	[sflag:s23] =	ssyncset.done $0x0  }
0xa4: {  	[sflag:s23] =	ssyncadd.s32 $0xFFFFFFFF  }
0xa5: {  	s4 =	sld [smem:$0x0]  }
0xa6: {  	s5 =	sand.u32 $0xFFFFFFFE, s1  }
0xa7: {  	p0 =	sne.s32 s1, s5  }
0xa8: {  	s5 =	sshll.u32 @p0 s5, $0xE  }
0xa9: {  	s5 =	sadd.s32 @p0 $0x11B8D, s5;
	s6 =	sshll.u32 @p0 s4, $0x11  }
0xaa: {  	s5 =	sor.u32 @p0 s6, s5  }
0xab: {  	[sflag:s5] =	ssyncadd.remote.s32 @p0 $0x1;
	_ =	sdelay $0x1  }
0xac: {  	s5 =	simm.s32 @p0 $0x1B8D  }
0xad: {  	_ =	swait.eq @p0 [sflag:s5], $0x1  }
0xae: {  	[sflag:s5] =	ssyncadd.s32 @p0 $0xFFFFFFFF  }
0xaf: {  	s6 =	sshll.u32 @!p0 s1, $0xE  }
0xb0: {  	s6 =	sor.u32 @!p0 $0x4000, s6;
	s5 =	simm.s32 @!p0 $0x1B8D  }
0xb1: {  	s4 =	sshll.u32 @!p0 s4, $0x11;
	s6 =	sadd.s32 @!p0 $0x11B8D, s6;
	_ =	swait.eq @!p0 [sflag:s5], $0x1  }
0xb2: {  	s4 =	sor.u32 @!p0 s4, s6;
	[sflag:s5] =	ssyncadd.s32 @!p0 $0xFFFFFFFF  }
0xb3: {  	s25 =	simm.s32 $0x1B8E;
	s24 =	sld [smem:$0x3FFE];
	[sflag:s4] =	ssyncadd.remote.s32 @!p0 $0x1  }
0xb4: {  	s26 =	simm.s32 $execute0_lowered;
	[smem:$0x3FD2] =	sst s25  }
0xb5: {  	s5 =	sshll.u32 s26, $0x1;
	_ =	strace $0x80000049;
	[dreg:$0x1] =	wrdreg $0xFFFFFFFF  }
0xb6: {  	s28 =	simm.s32 $_size_execute0_lowered;
	s3 =	sadd.s32 s3, s5;
	[dreg:$0x0] =	wrdreg $0x0  }
0xb7: {  	s5 =	sshll.u32 s28, $0x1;
	[dreg:$0x2] =	wrdreg s3  }
0xb8: {  	[dreg:$0x3] =	wrdreg s5  }
0xb9: {  	[dreg:$0x4] =	wrdreg $0xC0  }
0xba: {  	_ =	task [dreg:s22], $0x5FFFF  }
0xbb: {  	[dreg:$0x1] =	wrdreg $0xFFFFFFFF  }
0xbc: {  	[dreg:$0x0] =	wrdreg $0x60  }
0xbd: {  	[dreg:$0x2] =	wrdreg s24  }
0xbe: {  	[dreg:$0x3] =	wrdreg $0x5E000  }
0xbf: {  	[dreg:$0x4] =	wrdreg $0xB  }
0xc0: {  	_ =	task.clear_ibuf [dreg:s22], $0x5FFFF;
	_ =	strace $0x90000049  }
0xc1: {  	s29 =	simm.s32 $0xB;
	_ =	strace $0x8000004B  }
0xc2: {  	_ =	swait.ge [sflag:s29], $0x1  }
0xc3: {  	[sflag:s29] =	ssyncadd.s32 $0xFFFFFFFF  }
0xc4: {  	_ =	strace $0x9000004B  }
0xc5: {  	_ =	sfence  }
0xc6: {  	s30 =	sld [smem:$0x0];
	_ =	sdelay $0x2  }
0xc7: {  	s31 =	sshll.u32 s1, $0xD;
	s1 =	sshrl.u32 s1, $0x2  }
0xc8: {  	s4 =	sand.u32 $0x4000, s31;
	s1 =	sadd.s32 s1, s30  }
0xc9: {  	s0 =	sor.u32 s4, s0;
	s1 =	sshll.u32 s1, $0x11  }
0xca: {  	s0 =	sor.u32 s1, s0  }
0xcb: {  	s0 =	sadd.s32 $0x8F2B, s0  }
0xcc: {  	[sflag:s0] =	ssyncadd.remote.s32 $0x1  }
0xcd: {  	_ =	sfence.sel $0xFFFF  }
0xce: {  	[dreg:$0x0] =	wrdreg $0xFFFFFFFF;
	(pc) =	sbr.abs _section_cstart, $3  }
0xcf: {  	[dreg:$0x1] =	wrdreg $0xFFFFFFFF  }
0xd0: {  	_ =	task.clear_ibuf [dreg:s22], $0x2FFFF;
	_ =	strace $0x9FFFFFFF  }
0xd1: {  	(tm) =	ssettm $0x7FFFFFFF  }
tec
execute0_lowered:
.L_overlay_start_1:
0x0: {  	(tag) =	ssettag $0x1  }
0x1: {  	s0 =	rddreg [dreg:$0x0]  }
0x2: {  	s1 =	rddreg [dreg:$0x1]  }
0x3: {  	s2 =	simm.s32 $0x0;
	s3 =	srdreg.scid;
	s11 =	stileid.u32  }
0x4: {  	s19 =	simm.s32 $0x1E00;
	s20 =	simm.s32 $0x2;
	s21 =	simm.s32 $0x700  }
0x5: {  	s22 =	simm.s32 $0xE00;
	s23 =	simm.s32 $0x1600;
	s24 =	simm.s32 $0x80  }
0x6: {  	s25 =	simm.s32 $0x1;
	s4 =	sadd.s32 $0x264A00, s0;
	s9 =	smul.u32 $0x310, s11  }
0x7: {  	[smem:$0x7FF] =	sst s2;
	s5 =	sadd.s32 $0x258600, s0;
	s7 =	smul.u32 $0x3100, s11  }
0x8: {  	s3 =	sand.u32 $0x1, s3;
	s6 =	sadd.s32 $0x25E800, s0;
	s11 =	smul.u32 $0x62000, s11  }
0x9: {  	s0 =	sadd.s32 $0x328A00, s0;
	s8 =	smul.u32 $0x6200, s3;
	s3 =	ssub.s32 $0x2, s3  }
0xa: {  	v3 =	vlaneseq.u32;
	_ =	strace $0x8000004A;
	s10 =	sshrl.u32 s3, $0x1;
	s29 =	sshrl.u32 s11, $0x2  }
0xb: {  	v4 =	vimm.f32 $0.0e+00;
	v5 =	vimm.s32 $0x0;
	v14 =	vimm.s32 $0x3100;
	s3 =	ssub.s32 s3, s10;
	s28 =	sadd.s32 $0x3100, s8;
	s12 =	sadd.s32 s9, s8  }
0xc: {  	v6 =	vor.u32 $0x10, v3;
	v7 =	vor.u32 $0x20, v3;
	v0 =	vmov s8;
	s8 =	sadd.s32 $0x6200, s8;
	s9 =	sadd.s32 s9, s28;
	s30 =	sshll.u32 s12, $0x4  }
.Ltmp0:
0xd: {  	v8 =	vor.u32 $0x30, v3;
	v9 =	vor.u32 $0x40, v3;
	v2 =	vmov s8;
	s8 =	sadd.s32 s29, s1;
	s11 =	smax.u32 s3, $0x1;
	(pc) =	sbr.rel .LBB2_1-.Ltmp0, $4  }
0xe: {  	v10 =	vor.u32 $0x50, v3;
	v11 =	vor.u32 $0x60, v3;
	v12 =	vor.u32 $0x70, v3;
	s9 =	sshll.u32 s9, $0x4;
	s31 =	sadd.s32 s0, s30;
	s12 =	sadd.s32 $0x3100, s8  }
0xf: {  	v13 =	vadd.s32 $0x1, v3;
	v15 =	vadd.s32 $0x11, v3;
	v16 =	vadd.s32 $0x21, v3;
	s13 =	sadd.s32 $0x6200, s8;
	s14 =	sadd.s32 $0x9300, s8;
	s15 =	sadd.s32 $0xC400, s8  }
0x10: {  	v17 =	vadd.s32 $0x31, v3;
	v18 =	vadd.s32 $0x41, v3;
	v19 =	vadd.s32 $0x51, v3;
	s16 =	sadd.s32 $0xF500, s8;
	[dreg:$0x3] =	wrdreg s31;
	s0 =	sadd.s32 s0, s9  }
0x11: {  	v20 =	vadd.s32 $0x61, v3;
	v21 =	vadd.s32 $0x71, v3;
	v1 =	vmov s28;
	s17 =	sadd.s32 $0x12600, s8;
	s18 =	sadd.s32 $0x15700, s8;
	[dreg:$0x4] =	wrdreg s0  }
.LBB2_21:
0x12: {  	v22 =	vmov s31  }
0x13: {  	vm0 =	vlt.u32 v22, v13;
	_ =	sdelay $0x1  }
0x14: {  	vm1 =	vlt.u32 v22, v15;
	_ =	sdelay $0x1  }
0x15: {  	vm2 =	vlt.u32 v22, v16;
	_ =	sdelay $0x1  }
0x16: {  	vm3 =	vlt.u32 v22, v17;
	[tilespmem:v3+s22+$0x0] =	vst.idx.msk vm0, v5  }
0x17: {  	[tilespmem:v3+s23+$0x0] =	vst.idx.msk vm0, v14  }
0x18: {  	vm12 =	vlt.u32 v22, v18;
	[tilespmem:v6+s22+$0x0] =	vst.idx.msk vm1, v5  }
0x19: {  	[tilespmem:v6+s23+$0x0] =	vst.idx.msk vm1, v14  }
0x1a: {  	vm13 =	vlt.u32 v22, v19;
	[tilespmem:v7+s22+$0x0] =	vst.idx.msk vm2, v5  }
0x1b: {  	[tilespmem:v7+s23+$0x0] =	vst.idx.msk vm2, v14  }
0x1c: {  	vm14 =	vlt.u32 v22, v20;
	[tilespmem:v8+s22+$0x0] =	vst.idx.msk vm3, v5  }
0x1d: {  	[tilespmem:v8+s23+$0x0] =	vst.idx.msk vm3, v14  }
0x1e: {  	vm15 =	vlt.u32 v22, v21;
	[tilespmem:v9+s22+$0x0] =	vst.idx.msk vm12, v5  }
0x1f: {  	[tilespmem:v9+s23+$0x0] =	vst.idx.msk vm12, v14  }
0x20: {  	[tilespmem:v10+s22+$0x0] =	vst.idx.msk vm13, v5  }
0x21: {  	[tilespmem:v10+s23+$0x0] =	vst.idx.msk vm13, v14  }
0x22: {  	[tilespmem:v11+s22+$0x0] =	vst.idx.msk vm14, v5  }
0x23: {  	[tilespmem:v11+s23+$0x0] =	vst.idx.msk vm14, v14  }
0x24: {  	p0 =	seq.s32 s31, $0x0;
	[tilespmem:v12+s22+$0x0] =	vst.idx.msk vm15, v5  }
0x25: {  	s0 =	simm.s32 @!p0 $0x80;
	s3 =	simm.s32 @!p0 $0xE00;
	s9 =	simm.s32 @!p0 $0x1E00;
	[tilespmem:v12+s23+$0x0] =	vst.idx.msk vm15, v14  }
0x26: {  	[tilespmem:s9], [sflag:$0x1] =	stream.indirect.gather @!p0 [hbm4b:s4+s0], $0x80, s3, s0, $0xb8;
	[tilespmem:$0x1E640] =	vst v63  }
0x27: {  	s3 =	simm.s32 @!p0 $0x1  }
0x28: {  	_ =	swait.ge @!p0 [sflag:s3], $0x4000  }
0x29: {  	[sflag:s3] =	ssyncset.done @!p0 $0x0  }
0x2a: {  	[sflag:s3] =	ssyncadd.s32 @!p0 $0xFFFFC000;
	s3 =	simm.s32 @!p0 $0x1600  }
0x2b: {  	[spmem:s1] =	stream.indirect.scatter.add.f32 @!p0 [tilespmem:s9], [sflag:$0x2], $0x80, s3, s0, $0xb8;
	[tilespmem:$0x1E640] =	vst v63  }
0x2c: {  	s0 =	simm.s32 @!p0 $0x2  }
0x2d: {  	_ =	swait.ge @!p0 [sflag:s0], $0x4000  }
0x2e: {  	[sflag:s0] =	ssyncset.done @!p0 $0x0  }
0x2f: {  	s2 =	sadd.s32 $0x1, s2;
	[sflag:s0] =	ssyncadd.s32 @!p0 $0xFFFFC000  }
0x30: {  	p0 =	sne.s32 s2, s11;
	[bflag:$0x0] =	sbarrier.arrive $0xFFFF  }
.Ltmp1:
0x31: {  	s31 =	rddreg [dreg:$0x4];
	(pc) =	sbr.rel @!p0 .LBB2_22-.Ltmp1, $4  }
0x32: {  	[hbm:s31], [sflag:s26] =	dma.local [spmem:s28], $0x3100  }
0x33: {  	_ =	swait.ge [sflag:s20], $0x3100  }
0x34: {  	[sflag:s20] =	ssyncset.done $0x0  }
0x35: {  	[sflag:s20] =	ssyncadd.s32 $0xFFFFCF00  }
.LBB2_1:
0x36: {  	s0 =	simm.s32 $0x0;
	s3 =	simm.s32 $0x200  }
.LBB2_2:
0x37: {  	p0 =	sne.s32 s3, $0xFE00;
	[tilespmem:s0+$0x1E70] =	vst v4  }
0x38: {  	[tilespmem:s0+$0x1E00] =	vst v4  }
0x39: {  	[tilespmem:s0+$0x1E10] =	vst v4  }
.Ltmp2:
0x3a: {  	[tilespmem:s0+$0x1E20] =	vst v4;
	(pc) =	sbr.rel @p0 .LBB2_2-.Ltmp2, $4  }
0x3b: {  	[tilespmem:s0+$0x1E30] =	vst v4  }
0x3c: {  	[tilespmem:s0+$0x1E40] =	vst v4  }
0x3d: {  	[tilespmem:s0+$0x1E50] =	vst v4  }
0x3e: {  	[tilespmem:s0+$0x1E60] =	vst v4;
	s0 =	sshra.s32 s3, $0x2;
	s3 =	sadd.s32 $0x200, s3  }
0x3f: {  	[tilespmem:s0+$0x1E70] =	vst v4  }
0x40: {  	[tilespmem:s0+$0x1E00] =	vst v4  }
0x41: {  	[tilespmem:s0+$0x1E10] =	vst v4  }
0x42: {  	[tilespmem:s0+$0x1E20] =	vst v4  }
0x43: {  	[tilespmem:s0+$0x1E30] =	vst v4  }
0x44: {  	[tilespmem:s0+$0x1E40] =	vst v4  }
0x45: {  	[tilespmem:s0+$0x1E50] =	vst v4  }
0x46: {  	[tilespmem:s0+$0x1E60] =	vst v4  }
0x47: {  	[spmem:s8] =	stream.linear.scatter [tilespmem:s19], [sflag:$0x2], $0x3100, $0x38;
	[tilespmem:$0x1E640] =	vst v63  }
0x48: {  	_ =	swait.ge [sflag:s20], $0x3100  }
0x49: {  	[sflag:s20] =	ssyncset.done $0x0  }
0x4a: {  	[sflag:s20] =	ssyncadd.s32 $0xFFFFCF00  }
0x4b: {  	[spmem:s12] =	stream.linear.scatter [tilespmem:s19], [sflag:$0x2], $0x3100, $0x38;
	[tilespmem:$0x1E640] =	vst v63  }
0x4c: {  	_ =	swait.ge [sflag:s20], $0x3100  }
0x4d: {  	[sflag:s20] =	ssyncset.done $0x0  }
0x4e: {  	[sflag:s20] =	ssyncadd.s32 $0xFFFFCF00  }
0x4f: {  	[spmem:s13] =	stream.linear.scatter [tilespmem:s19], [sflag:$0x2], $0x3100, $0x38;
	[tilespmem:$0x1E640] =	vst v63  }
0x50: {  	_ =	swait.ge [sflag:s20], $0x3100  }
0x51: {  	[sflag:s20] =	ssyncset.done $0x0  }
0x52: {  	[sflag:s20] =	ssyncadd.s32 $0xFFFFCF00  }
0x53: {  	[spmem:s14] =	stream.linear.scatter [tilespmem:s19], [sflag:$0x2], $0x3100, $0x38;
	[tilespmem:$0x1E640] =	vst v63  }
0x54: {  	_ =	swait.ge [sflag:s20], $0x3100  }
0x55: {  	[sflag:s20] =	ssyncset.done $0x0  }
0x56: {  	[sflag:s20] =	ssyncadd.s32 $0xFFFFCF00  }
0x57: {  	[spmem:s15] =	stream.linear.scatter [tilespmem:s19], [sflag:$0x2], $0x3100, $0x38;
	[tilespmem:$0x1E640] =	vst v63  }
0x58: {  	_ =	swait.ge [sflag:s20], $0x3100  }
0x59: {  	[sflag:s20] =	ssyncset.done $0x0  }
0x5a: {  	[sflag:s20] =	ssyncadd.s32 $0xFFFFCF00  }
0x5b: {  	[spmem:s16] =	stream.linear.scatter [tilespmem:s19], [sflag:$0x2], $0x3100, $0x38;
	[tilespmem:$0x1E640] =	vst v63  }
0x5c: {  	_ =	swait.ge [sflag:s20], $0x3100  }
0x5d: {  	[sflag:s20] =	ssyncset.done $0x0  }
0x5e: {  	[sflag:s20] =	ssyncadd.s32 $0xFFFFCF00  }
0x5f: {  	[spmem:s17] =	stream.linear.scatter [tilespmem:s19], [sflag:$0x2], $0x3100, $0x38;
	[tilespmem:$0x1E640] =	vst v63  }
0x60: {  	_ =	swait.ge [sflag:s20], $0x3100  }
0x61: {  	[sflag:s20] =	ssyncset.done $0x0  }
0x62: {  	[sflag:s20] =	ssyncadd.s32 $0xFFFFCF00  }
0x63: {  	[spmem:s18] =	stream.linear.scatter [tilespmem:s19], [sflag:$0x2], $0x3100, $0x38;
	[tilespmem:$0x1E640] =	vst v63  }
.Ltmp3:
0x64: {  	_ =	swait.ge [sflag:s20], $0x3100;
	(pc) =	sbr.rel .LBB2_4-.Ltmp3, $4  }
0x65: {  	[sflag:s20] =	ssyncset.done $0x0  }
0x66: {  	[sflag:s20] =	ssyncadd.s32 $0xFFFFCF00  }
0x67: {  	[bflag:$0x0] =	sbarrier.arrive $0xFFFF  }
0x68: {  	s26 =	simm.s32 $0x0;
	s29 =	simm.s32 $0x0;
	s28 =	simm.s32 $0x0  }
.LBB2_9:
0x69: {  	[sflag:s20] =	ssyncadd.s32 $0xFFFFC000  }
.LBB2_10:
0x6a: {  	s0 =	sshll.u32 s0, $0x7  }
0x6b: {  	v22 =	vor.u32 s0, v3;
	_ =	sdelay $0x4  }
0x6c: {  	v23 =	vld.idx.msk [tilespmem:v22+s22+$0x0], $0xffff  }
0x6d: {  	v22 =	vld.idx.msk [tilespmem:v22+s23+$0x0], $0xffff  }
0x6e: {  	v24 =	vor.u32 s0, v6;
	_ =	sdelay $0x2  }
0x6f: {  	[tilespmem:$0xE00] =	vst v23  }
0x70: {  	[tilespmem:$0x1600] =	vst v22  }
0x71: {  	v22 =	vld.idx.msk [tilespmem:v24+s22+$0x0], $0xffff  }
0x72: {  	v23 =	vld.idx.msk [tilespmem:v24+s23+$0x0], $0xffff  }
0x73: {  	v58 =	vor.u32 s0, v7;
	_ =	sdelay $0x2  }
0x74: {  	[tilespmem:$0xE10] =	vst v22  }
0x75: {  	[tilespmem:$0x1610] =	vst v23  }
0x76: {  	v22 =	vld.idx.msk [tilespmem:v58+s22+$0x0], $0xffff  }
0x77: {  	v23 =	vld.idx.msk [tilespmem:v58+s23+$0x0], $0xffff  }
0x78: {  	v59 =	vor.u32 s0, v8;
	_ =	sdelay $0x2  }
0x79: {  	[tilespmem:$0xE20] =	vst v22  }
0x7a: {  	[tilespmem:$0x1620] =	vst v23  }
0x7b: {  	v22 =	vld.idx.msk [tilespmem:v59+s22+$0x0], $0xffff  }
0x7c: {  	v23 =	vld.idx.msk [tilespmem:v59+s23+$0x0], $0xffff  }
0x7d: {  	v60 =	vor.u32 s0, v9;
	_ =	sdelay $0x2  }
0x7e: {  	[tilespmem:$0xE30] =	vst v22  }
0x7f: {  	[tilespmem:$0x1630] =	vst v23  }
0x80: {  	v22 =	vld.idx.msk [tilespmem:v60+s22+$0x0], $0xffff  }
0x81: {  	v23 =	vld.idx.msk [tilespmem:v60+s23+$0x0], $0xffff  }
0x82: {  	v61 =	vor.u32 s0, v10;
	_ =	sdelay $0x2  }
0x83: {  	[tilespmem:$0xE40] =	vst v22  }
0x84: {  	[tilespmem:$0x1640] =	vst v23  }
0x85: {  	v22 =	vld.idx.msk [tilespmem:v61+s22+$0x0], $0xffff  }
0x86: {  	v23 =	vld.idx.msk [tilespmem:v61+s23+$0x0], $0xffff  }
0x87: {  	v62 =	vor.u32 s0, v11;
	_ =	sdelay $0x2  }
0x88: {  	[tilespmem:$0xE50] =	vst v22  }
0x89: {  	[tilespmem:$0x1650] =	vst v23  }
0x8a: {  	v22 =	vld.idx.msk [tilespmem:v62+s22+$0x0], $0xffff  }
0x8b: {  	v23 =	vld.idx.msk [tilespmem:v62+s23+$0x0], $0xffff  }
0x8c: {  	v63 =	vor.u32 s0, v12;
	_ =	sdelay $0x2  }
0x8d: {  	[tilespmem:$0xE60] =	vst v22  }
0x8e: {  	[tilespmem:$0x1660] =	vst v23  }
0x8f: {  	s28 =	sadd.s32 $0x1, s28;
	v22 =	vld.idx.msk [tilespmem:v63+s22+$0x0], $0xffff  }
0x90: {  	p0 =	sne.s32 s28, $0x7;
	v23 =	vld.idx.msk [tilespmem:v63+s23+$0x0], $0xffff  }
.Ltmp4:
0x91: {  	_ = 	snop;
	(pc) =	sbr.rel @!p0 .LBB2_11-.Ltmp4, $3  }
0x92: {  	_ =	sdelay $0x1  }
0x93: {  	[tilespmem:$0xE70] =	vst v22  }
0x94: {  	s29 =	sand.u32 $0x7F, s29;
	[tilespmem:$0x1670] =	vst v23  }
.LBB2_4:
0x95: {  	s0 =	smul.u32 $0x700, s28;
	_ =	sdelay $0x1  }
0x96: {  	s0 =	sadd.s32 s7, s0  }
0x97: {  	s0 =	sshrl.u32 s0, $0x3  }
0x98: {  	s3 =	sadd.s32 s6, s0  }
0x99: {  	[tilespmem:s26], [sflag:$0x2] =	stream.linear.gather [hbm4b:s3+s26], $0x700, $0x38;
	[tilespmem:$0x1E640] =	vst v63  }
0x9a: {  	_ =	swait.ge [sflag:s20], $0x700  }
0x9b: {  	[sflag:s20] =	ssyncset.done $0x0  }
0x9c: {  	s0 =	sadd.s32 s5, s0;
	[sflag:s20] =	ssyncadd.s32 $0xFFFFF900  }
0x9d: {  	[tilespmem:s21], [sflag:$0x2] =	stream.linear.gather [hbm4b:s0+s26], $0x700, $0x38;
	[tilespmem:$0x1E640] =	vst v63  }
0x9e: {  	_ =	swait.ge [sflag:s20], $0x700  }
0x9f: {  	[sflag:s20] =	ssyncset.done $0x0  }
0xa0: {  	s31 =	simm.s32 $0x0;
	[sflag:s20] =	ssyncadd.s32 $0xFFFFF900  }
0xa1: {  	v22 =	vld [tilespmem:s31+$0x0];
	_ =	sdelay $0x4  }
0xa2: {  	vm0 =	vge.s32 v22, v0;
	vm1 =	vlt.s32 v22, v1  }
0xa3: {  	vm0 =	vmand vm0, vm1  }
0xa4: {  	v23 =	vsel vm0, $0x1, v5  }
0xa5: {  	(xrf0) =	vadd.scan.msk.s32 $0xffff, v23;
	_ =	sdelay $0x2  }
0xa6: {  	v23 =	vmov s29  }
0xa7: {  	v23 =	vadd.s32 $0xFFFFFFFF, v23  }
0xa8: {  	v23 =	vbroadcast v23, $0x0  }
0xa9: {  	v24, _, _ =	vpop (xrf0)  }
0xaa: {  	v25 =	vld [tilespmem:s31+$0x700];
	v23 =	vadd.s32 v24, v23;
	(v2sf) =	vpush v24, $0xF;
	_ =	sdelay $0x4  }
0xab: {  	v22 =	vsub.s32 v22, v0;
	[tilespmem:v23+s22+$0x0] =	vst.idx.msk vm0, v25  }
0xac: {  	s30 =	simm.s32 $0x10;
	s0 =	simm.s32 $0x80;
	[tilespmem:v23+s23+$0x0] =	vst.idx.msk vm0, v22  }
.LBB2_5:
0xad: {  	p0 =	sne.s32 s0, $0x1BC0;
	v22 =	vld [tilespmem:s30+$0x0];
	_ =	sdelay $0x4  }
0xae: {  	vm0 =	vge.s32 v22, v0;
	vm1 =	vlt.s32 v22, v1;
	v22 =	vsub.s32 v22, v0  }
0xaf: {  	vm0 =	vmand vm0, vm1  }
0xb0: {  	v23 =	vsel vm0, $0x1, v5  }
0xb1: {  	(xrf0) =	vadd.scan.msk.s32 $0xffff, v23;
	s3 =	spop (v2sf)  }
0xb2: {  	s29 =	sadd.s32 s29, s3  }
0xb3: {  	v23 =	vmov s29  }
0xb4: {  	v23 =	vadd.s32 $0xFFFFFFFF, v23  }
0xb5: {  	v23 =	vbroadcast v23, $0x0;
	_ =	sdelay $0x1  }
0xb6: {  	v24, _, _ =	vpop (xrf0)  }
0xb7: {  	v25 =	vld [tilespmem:s30+$0x700];
	v23 =	vadd.s32 v24, v23;
	(v2sf) =	vpush v24, $0xF;
	_ =	sdelay $0x1  }
.Ltmp5:
0xb8: {  	(pc) =	sbr.rel @p0 .LBB2_5-.Ltmp5, $3  }
0xb9: {  	_ =	sdelay $0x1  }
0xba: {  	[tilespmem:v23+s22+$0x0] =	vst.idx.msk vm0, v25  }
0xbb: {  	s30 =	sshra.s32 s0, $0x2;
	s0 =	sadd.s32 $0x40, s0;
	[tilespmem:v23+s23+$0x0] =	vst.idx.msk vm0, v22  }
0xbc: {  	v22 =	vld [tilespmem:s30+$0x0];
	_ =	sdelay $0x4  }
0xbd: {  	vm0 =	vge.s32 v22, v0;
	vm1 =	vlt.s32 v22, v1  }
0xbe: {  	vm0 =	vmand vm0, vm1  }
0xbf: {  	v23 =	vsel vm0, $0x1, v5  }
0xc0: {  	(xrf0) =	vadd.scan.msk.s32 $0xffff, v23;
	_ =	sdelay $0x5  }
0xc1: {  	v23, _, _ =	vpop (xrf0)  }
0xc2: {  	(v2sf) =	vpush v23, $0xF;
	_ =	sdelay $0xa  }
0xc3: {  	s0 =	spop (v2sf)  }
0xc4: {  	s0 =	sadd.s32 s29, s0  }
0xc5: {  	v24 =	vmov s0  }
0xc6: {  	v24 =	vadd.s32 $0xFFFFFFFF, v24  }
0xc7: {  	v24 =	vbroadcast v24, $0x0;
	s3 =	spop (v2sf)  }
0xc8: {  	s29 =	sadd.s32 s0, s3  }
0xc9: {  	v25 =	vld [tilespmem:s30+$0x700];
	v23 =	vadd.s32 v23, v24;
	s0 =	sshrl.u32 s29, $0x7  }
0xca: {  	p0 =	seq.s32 s0, $0x0  }
.Ltmp6:
0xcb: {  	_ = 	snop;
	(pc) =	sbr.rel @p0 .LBB2_10-.Ltmp6, $3  }
0xcc: {  	_ =	sdelay $0x1  }
0xcd: {  	v22 =	vsub.s32 v22, v0;
	[tilespmem:v23+s22+$0x0] =	vst.idx.msk vm0, v25  }
0xce: {  	[tilespmem:v23+s23+$0x0] =	vst.idx.msk vm0, v22  }
0xcf: {  	s3 =	simm.s32 $0xE00  }
0xd0: {  	[tilespmem:s19], [sflag:$0x1] =	stream.indirect.gather [hbm4b:s4+s24], $0x80, s3, s24, $0xb8;
	[tilespmem:$0x1E640] =	vst v63  }
0xd1: {  	p0 =	sne.s32 s0, $0x1;
	_ =	swait.ge [sflag:s25], $0x4000  }
.Ltmp7:
0xd2: {  	[sflag:s25] =	ssyncset.done $0x0;
	(pc) =	sbr.rel @!p0 .LBB2_9-.Ltmp7, $4  }
0xd3: {  	s30 =	simm.s32 $0x1600;
	[sflag:s25] =	ssyncadd.s32 $0xFFFFC000  }
0xd4: {  	[spmem:s1] =	stream.indirect.scatter.add.f32 [tilespmem:s19], [sflag:$0x2], $0x80, s30, s24, $0xb8;
	[tilespmem:$0x1E640] =	vst v63  }
0xd5: {  	_ =	swait.ge [sflag:s20], $0x4000  }
0xd6: {  	s9 =	sadd.s32 $0xFFFFFFFF, s0;
	[sflag:s20] =	ssyncset.done $0x0  }
.LBB2_8:
0xd7: {  	[sflag:s20] =	ssyncadd.s32 $0xFFFFC000;
	s3 =	sadd.s32 $0x80, s3;
	s30 =	sadd.s32 $0x80, s30  }
0xd8: {  	[tilespmem:s19], [sflag:$0x1] =	stream.indirect.gather [hbm4b:s4+s24], $0x80, s3, s24, $0xb8;
	[tilespmem:$0x1E640] =	vst v63  }
0xd9: {  	p0 =	sne.s32 s9, $0x1;
	s9 =	sadd.s32 $0xFFFFFFFF, s9;
	_ =	swait.ge [sflag:s25], $0x4000  }
.Ltmp8:
0xda: {  	[sflag:s25] =	ssyncset.done $0x0;
	(pc) =	sbr.rel @p0 .LBB2_8-.Ltmp8, $4  }
0xdb: {  	[sflag:s25] =	ssyncadd.s32 $0xFFFFC000  }
0xdc: {  	[spmem:s1] =	stream.indirect.scatter.add.f32 [tilespmem:s19], [sflag:$0x2], $0x80, s30, s24, $0xb8;
	[tilespmem:$0x1E640] =	vst v63  }
0xdd: {  	_ =	swait.ge [sflag:s20], $0x4000  }
0xde: {  	[sflag:s20] =	ssyncset.done $0x0  }
.Ltmp9:
0xdf: {  	_ = 	snop;
	(pc) =	sbr.rel .LBB2_9-.Ltmp9, $1  }
0xe0: {  	_ =	sdelay $0x3  }
.LBB2_11:
0xe1: {  	v22 =	vmov s29  }
0xe2: {  	vm0 =	vlt.u32 v22, v13;
	_ =	sdelay $0x1  }
0xe3: {  	vm1 =	vlt.u32 v22, v15;
	_ =	sdelay $0x1  }
0xe4: {  	vm2 =	vlt.u32 v22, v16;
	_ =	sdelay $0x1  }
0xe5: {  	vm3 =	vlt.u32 v22, v17;
	[tilespmem:v3+s22+$0x0] =	vst.idx.msk vm0, v5  }
0xe6: {  	[tilespmem:v3+s23+$0x0] =	vst.idx.msk vm0, v14  }
0xe7: {  	vm12 =	vlt.u32 v22, v18;
	[tilespmem:v6+s22+$0x0] =	vst.idx.msk vm1, v5  }
0xe8: {  	[tilespmem:v6+s23+$0x0] =	vst.idx.msk vm1, v14  }
0xe9: {  	vm13 =	vlt.u32 v22, v19;
	[tilespmem:v7+s22+$0x0] =	vst.idx.msk vm2, v5  }
0xea: {  	[tilespmem:v7+s23+$0x0] =	vst.idx.msk vm2, v14  }
0xeb: {  	vm14 =	vlt.u32 v22, v20;
	[tilespmem:v8+s22+$0x0] =	vst.idx.msk vm3, v5  }
0xec: {  	[tilespmem:v8+s23+$0x0] =	vst.idx.msk vm3, v14  }
0xed: {  	vm15 =	vlt.u32 v22, v21;
	[tilespmem:v9+s22+$0x0] =	vst.idx.msk vm12, v5  }
0xee: {  	[tilespmem:v9+s23+$0x0] =	vst.idx.msk vm12, v14  }
0xef: {  	[tilespmem:v10+s22+$0x0] =	vst.idx.msk vm13, v5  }
0xf0: {  	[tilespmem:v10+s23+$0x0] =	vst.idx.msk vm13, v14  }
0xf1: {  	[tilespmem:v11+s22+$0x0] =	vst.idx.msk vm14, v5  }
0xf2: {  	[tilespmem:v11+s23+$0x0] =	vst.idx.msk vm14, v14  }
0xf3: {  	p0 =	seq.s32 s29, $0x0;
	[tilespmem:v12+s22+$0x0] =	vst.idx.msk vm15, v5  }
0xf4: {  	s0 =	simm.s32 @!p0 $0x80;
	s3 =	simm.s32 @!p0 $0xE00;
	s9 =	simm.s32 @!p0 $0x1E00;
	[tilespmem:v12+s23+$0x0] =	vst.idx.msk vm15, v14  }
0xf5: {  	[tilespmem:s9], [sflag:$0x1] =	stream.indirect.gather @!p0 [hbm4b:s4+s0], $0x80, s3, s0, $0xb8;
	[tilespmem:$0x1E640] =	vst v63  }
0xf6: {  	s3 =	simm.s32 @!p0 $0x1  }
0xf7: {  	_ =	swait.ge @!p0 [sflag:s3], $0x4000  }
0xf8: {  	[sflag:s3] =	ssyncset.done @!p0 $0x0  }
0xf9: {  	[sflag:s3] =	ssyncadd.s32 @!p0 $0xFFFFC000;
	s3 =	simm.s32 @!p0 $0x1600  }
0xfa: {  	[spmem:s1] =	stream.indirect.scatter.add.f32 @!p0 [tilespmem:s9], [sflag:$0x2], $0x80, s3, s0, $0xb8;
	[tilespmem:$0x1E640] =	vst v63  }
0xfb: {  	s0 =	simm.s32 @!p0 $0x2  }
0xfc: {  	_ =	swait.ge @!p0 [sflag:s0], $0x4000  }
0xfd: {  	[sflag:s0] =	ssyncset.done @!p0 $0x0  }
0xfe: {  	s30 =	stileid.u32;
	[sflag:s0] =	ssyncadd.s32 @!p0 $0xFFFFC000  }
0xff: {  	s0 =	sshll.u32 s30, $0x6;
	[bflag:$0x0] =	sbarrier.arrive $0xFFFF  }
0x100: {  	s28 =	sshrl.u32 s8, $0x3;
	s26 =	sor.u32 $0x1C02, s0;
	s31 =	rddreg [dreg:$0x3]  }
0x101: {  	[hbm:s31], [sflag:s26] =	dma.local [spmem:s28], $0x3100  }
0x102: {  	_ =	swait.ge [sflag:s20], $0x3100  }
0x103: {  	[sflag:s20] =	ssyncset.done $0x0  }
0x104: {  	s3 =	simm.s32 $0x200;
	s0 =	simm.s32 $0x0;
	[sflag:s20] =	ssyncadd.s32 $0xFFFFCF00  }
.LBB2_12:
0x105: {  	p0 =	sne.s32 s3, $0xFE00;
	[tilespmem:s0+$0x1E70] =	vst v4  }
0x106: {  	[tilespmem:s0+$0x1E00] =	vst v4  }
0x107: {  	[tilespmem:s0+$0x1E10] =	vst v4  }
.Ltmp10:
0x108: {  	[tilespmem:s0+$0x1E20] =	vst v4;
	(pc) =	sbr.rel @p0 .LBB2_12-.Ltmp10, $4  }
0x109: {  	[tilespmem:s0+$0x1E30] =	vst v4  }
0x10a: {  	[tilespmem:s0+$0x1E40] =	vst v4  }
0x10b: {  	[tilespmem:s0+$0x1E50] =	vst v4  }
0x10c: {  	[tilespmem:s0+$0x1E60] =	vst v4;
	s0 =	sshra.s32 s3, $0x2;
	s3 =	sadd.s32 $0x200, s3  }
0x10d: {  	[tilespmem:s0+$0x1E70] =	vst v4  }
0x10e: {  	[tilespmem:s0+$0x1E00] =	vst v4  }
0x10f: {  	[tilespmem:s0+$0x1E10] =	vst v4  }
0x110: {  	[tilespmem:s0+$0x1E20] =	vst v4  }
0x111: {  	[tilespmem:s0+$0x1E30] =	vst v4  }
0x112: {  	[tilespmem:s0+$0x1E40] =	vst v4  }
0x113: {  	[tilespmem:s0+$0x1E50] =	vst v4  }
0x114: {  	[tilespmem:s0+$0x1E60] =	vst v4  }
0x115: {  	[spmem:s8] =	stream.linear.scatter [tilespmem:s19], [sflag:$0x2], $0x3100, $0x38;
	[tilespmem:$0x1E640] =	vst v63  }
0x116: {  	_ =	swait.ge [sflag:s20], $0x3100  }
0x117: {  	[sflag:s20] =	ssyncset.done $0x0  }
0x118: {  	[sflag:s20] =	ssyncadd.s32 $0xFFFFCF00  }
0x119: {  	[spmem:s12] =	stream.linear.scatter [tilespmem:s19], [sflag:$0x2], $0x3100, $0x38;
	[tilespmem:$0x1E640] =	vst v63  }
0x11a: {  	_ =	swait.ge [sflag:s20], $0x3100  }
0x11b: {  	[sflag:s20] =	ssyncset.done $0x0  }
0x11c: {  	[sflag:s20] =	ssyncadd.s32 $0xFFFFCF00  }
0x11d: {  	[spmem:s13] =	stream.linear.scatter [tilespmem:s19], [sflag:$0x2], $0x3100, $0x38;
	[tilespmem:$0x1E640] =	vst v63  }
0x11e: {  	_ =	swait.ge [sflag:s20], $0x3100  }
0x11f: {  	[sflag:s20] =	ssyncset.done $0x0  }
0x120: {  	[sflag:s20] =	ssyncadd.s32 $0xFFFFCF00  }
0x121: {  	[spmem:s14] =	stream.linear.scatter [tilespmem:s19], [sflag:$0x2], $0x3100, $0x38;
	[tilespmem:$0x1E640] =	vst v63  }
0x122: {  	_ =	swait.ge [sflag:s20], $0x3100  }
0x123: {  	[sflag:s20] =	ssyncset.done $0x0  }
0x124: {  	[sflag:s20] =	ssyncadd.s32 $0xFFFFCF00  }
0x125: {  	[spmem:s15] =	stream.linear.scatter [tilespmem:s19], [sflag:$0x2], $0x3100, $0x38;
	[tilespmem:$0x1E640] =	vst v63  }
0x126: {  	_ =	swait.ge [sflag:s20], $0x3100  }
0x127: {  	[sflag:s20] =	ssyncset.done $0x0  }
0x128: {  	[sflag:s20] =	ssyncadd.s32 $0xFFFFCF00  }
0x129: {  	[spmem:s16] =	stream.linear.scatter [tilespmem:s19], [sflag:$0x2], $0x3100, $0x38;
	[tilespmem:$0x1E640] =	vst v63  }
0x12a: {  	_ =	swait.ge [sflag:s20], $0x3100  }
0x12b: {  	[sflag:s20] =	ssyncset.done $0x0  }
0x12c: {  	[sflag:s20] =	ssyncadd.s32 $0xFFFFCF00  }
0x12d: {  	[spmem:s17] =	stream.linear.scatter [tilespmem:s19], [sflag:$0x2], $0x3100, $0x38;
	[tilespmem:$0x1E640] =	vst v63  }
0x12e: {  	_ =	swait.ge [sflag:s20], $0x3100  }
0x12f: {  	[sflag:s20] =	ssyncset.done $0x0  }
0x130: {  	[sflag:s20] =	ssyncadd.s32 $0xFFFFCF00  }
0x131: {  	[spmem:s18] =	stream.linear.scatter [tilespmem:s19], [sflag:$0x2], $0x3100, $0x38;
	[tilespmem:$0x1E640] =	vst v63  }
.Ltmp11:
0x132: {  	_ =	swait.ge [sflag:s20], $0x3100;
	(pc) =	sbr.rel .LBB2_14-.Ltmp11, $4  }
0x133: {  	[sflag:s20] =	ssyncset.done $0x0  }
0x134: {  	[sflag:s20] =	ssyncadd.s32 $0xFFFFCF00  }
0x135: {  	[bflag:$0x0] =	sbarrier.arrive $0xFFFF  }
0x136: {  	s29 =	simm.s32 $0x0;
	s31 =	simm.s32 $0x0;
	s30 =	simm.s32 $0x0  }
.LBB2_19:
0x137: {  	[sflag:s20] =	ssyncadd.s32 $0xFFFFC000  }
.LBB2_20:
0x138: {  	s0 =	sshll.u32 s0, $0x7  }
0x139: {  	v22 =	vor.u32 s0, v3;
	_ =	sdelay $0x4  }
0x13a: {  	v23 =	vld.idx.msk [tilespmem:v22+s22+$0x0], $0xffff  }
0x13b: {  	v22 =	vld.idx.msk [tilespmem:v22+s23+$0x0], $0xffff  }
0x13c: {  	v24 =	vor.u32 s0, v6;
	_ =	sdelay $0x2  }
0x13d: {  	[tilespmem:$0xE00] =	vst v23  }
0x13e: {  	[tilespmem:$0x1600] =	vst v22  }
0x13f: {  	v22 =	vld.idx.msk [tilespmem:v24+s22+$0x0], $0xffff  }
0x140: {  	v23 =	vld.idx.msk [tilespmem:v24+s23+$0x0], $0xffff  }
0x141: {  	v58 =	vor.u32 s0, v7;
	_ =	sdelay $0x2  }
0x142: {  	[tilespmem:$0xE10] =	vst v22  }
0x143: {  	[tilespmem:$0x1610] =	vst v23  }
0x144: {  	v22 =	vld.idx.msk [tilespmem:v58+s22+$0x0], $0xffff  }
0x145: {  	v23 =	vld.idx.msk [tilespmem:v58+s23+$0x0], $0xffff  }
0x146: {  	v59 =	vor.u32 s0, v8;
	_ =	sdelay $0x2  }
0x147: {  	[tilespmem:$0xE20] =	vst v22  }
0x148: {  	[tilespmem:$0x1620] =	vst v23  }
0x149: {  	v22 =	vld.idx.msk [tilespmem:v59+s22+$0x0], $0xffff  }
0x14a: {  	v23 =	vld.idx.msk [tilespmem:v59+s23+$0x0], $0xffff  }
0x14b: {  	v60 =	vor.u32 s0, v9;
	_ =	sdelay $0x2  }
0x14c: {  	[tilespmem:$0xE30] =	vst v22  }
0x14d: {  	[tilespmem:$0x1630] =	vst v23  }
0x14e: {  	v22 =	vld.idx.msk [tilespmem:v60+s22+$0x0], $0xffff  }
0x14f: {  	v23 =	vld.idx.msk [tilespmem:v60+s23+$0x0], $0xffff  }
0x150: {  	v61 =	vor.u32 s0, v10;
	_ =	sdelay $0x2  }
0x151: {  	[tilespmem:$0xE40] =	vst v22  }
0x152: {  	[tilespmem:$0x1640] =	vst v23  }
0x153: {  	v22 =	vld.idx.msk [tilespmem:v61+s22+$0x0], $0xffff  }
0x154: {  	v23 =	vld.idx.msk [tilespmem:v61+s23+$0x0], $0xffff  }
0x155: {  	v62 =	vor.u32 s0, v11;
	_ =	sdelay $0x2  }
0x156: {  	[tilespmem:$0xE50] =	vst v22  }
0x157: {  	[tilespmem:$0x1650] =	vst v23  }
0x158: {  	v22 =	vld.idx.msk [tilespmem:v62+s22+$0x0], $0xffff  }
0x159: {  	v23 =	vld.idx.msk [tilespmem:v62+s23+$0x0], $0xffff  }
0x15a: {  	v63 =	vor.u32 s0, v12;
	_ =	sdelay $0x2  }
0x15b: {  	[tilespmem:$0xE60] =	vst v22  }
0x15c: {  	[tilespmem:$0x1660] =	vst v23  }
0x15d: {  	s30 =	sadd.s32 $0x1, s30;
	v22 =	vld.idx.msk [tilespmem:v63+s22+$0x0], $0xffff  }
0x15e: {  	p0 =	sne.s32 s30, $0x7;
	v23 =	vld.idx.msk [tilespmem:v63+s23+$0x0], $0xffff  }
.Ltmp12:
0x15f: {  	_ = 	snop;
	(pc) =	sbr.rel @!p0 .LBB2_21-.Ltmp12, $3  }
0x160: {  	_ =	sdelay $0x1  }
0x161: {  	[tilespmem:$0xE70] =	vst v22  }
0x162: {  	s31 =	sand.u32 $0x7F, s31;
	[tilespmem:$0x1670] =	vst v23  }
.LBB2_14:
0x163: {  	s0 =	smul.u32 $0x700, s30;
	_ =	sdelay $0x1  }
0x164: {  	s0 =	sadd.s32 s7, s0  }
0x165: {  	s0 =	sshrl.u32 s0, $0x3  }
0x166: {  	s3 =	sadd.s32 s6, s0  }
0x167: {  	[tilespmem:s29], [sflag:$0x2] =	stream.linear.gather [hbm4b:s3+s29], $0x700, $0x38;
	[tilespmem:$0x1E640] =	vst v63  }
0x168: {  	_ =	swait.ge [sflag:s20], $0x700  }
0x169: {  	[sflag:s20] =	ssyncset.done $0x0  }
0x16a: {  	s0 =	sadd.s32 s5, s0;
	[sflag:s20] =	ssyncadd.s32 $0xFFFFF900  }
0x16b: {  	[tilespmem:s21], [sflag:$0x2] =	stream.linear.gather [hbm4b:s0+s29], $0x700, $0x38;
	[tilespmem:$0x1E640] =	vst v63  }
0x16c: {  	_ =	swait.ge [sflag:s20], $0x700  }
0x16d: {  	[sflag:s20] =	ssyncset.done $0x0  }
0x16e: {  	s10 =	simm.s32 $0x0;
	[sflag:s20] =	ssyncadd.s32 $0xFFFFF900  }
0x16f: {  	v22 =	vld [tilespmem:s10+$0x0];
	_ =	sdelay $0x4  }
0x170: {  	vm0 =	vge.s32 v22, v1;
	vm1 =	vlt.s32 v22, v2  }
0x171: {  	vm0 =	vmand vm0, vm1  }
0x172: {  	v23 =	vsel vm0, $0x1, v5  }
0x173: {  	(xrf0) =	vadd.scan.msk.s32 $0xffff, v23;
	_ =	sdelay $0x2  }
0x174: {  	v23 =	vmov s31  }
0x175: {  	v23 =	vadd.s32 $0xFFFFFFFF, v23  }
0x176: {  	v23 =	vbroadcast v23, $0x0  }
0x177: {  	v24, _, _ =	vpop (xrf0)  }
0x178: {  	v25 =	vld [tilespmem:s10+$0x700];
	v23 =	vadd.s32 v24, v23;
	(v2sf) =	vpush v24, $0xF;
	_ =	sdelay $0x4  }
0x179: {  	v22 =	vsub.s32 v22, v1;
	[tilespmem:v23+s22+$0x0] =	vst.idx.msk vm0, v25  }
0x17a: {  	s3 =	simm.s32 $0x80;
	s0 =	simm.s32 $0x10;
	[tilespmem:v23+s23+$0x0] =	vst.idx.msk vm0, v22  }
.LBB2_15:
0x17b: {  	p0 =	sne.s32 s3, $0x1BC0;
	v22 =	vld [tilespmem:s0+$0x0];
	_ =	sdelay $0x4  }
0x17c: {  	vm0 =	vge.s32 v22, v1;
	vm1 =	vlt.s32 v22, v2;
	v22 =	vsub.s32 v22, v1  }
0x17d: {  	vm0 =	vmand vm0, vm1  }
0x17e: {  	v23 =	vsel vm0, $0x1, v5  }
0x17f: {  	(xrf0) =	vadd.scan.msk.s32 $0xffff, v23;
	s9 =	spop (v2sf)  }
0x180: {  	s31 =	sadd.s32 s31, s9  }
0x181: {  	v23 =	vmov s31  }
0x182: {  	v23 =	vadd.s32 $0xFFFFFFFF, v23  }
0x183: {  	v23 =	vbroadcast v23, $0x0;
	_ =	sdelay $0x1  }
0x184: {  	v24, _, _ =	vpop (xrf0)  }
0x185: {  	v25 =	vld [tilespmem:s0+$0x700];
	v23 =	vadd.s32 v24, v23;
	(v2sf) =	vpush v24, $0xF;
	_ =	sdelay $0x1  }
.Ltmp13:
0x186: {  	(pc) =	sbr.rel @p0 .LBB2_15-.Ltmp13, $3  }
0x187: {  	_ =	sdelay $0x1  }
0x188: {  	[tilespmem:v23+s22+$0x0] =	vst.idx.msk vm0, v25  }
0x189: {  	s0 =	sshra.s32 s3, $0x2;
	s3 =	sadd.s32 $0x40, s3;
	[tilespmem:v23+s23+$0x0] =	vst.idx.msk vm0, v22  }
0x18a: {  	v22 =	vld [tilespmem:s0+$0x0];
	_ =	sdelay $0x4  }
0x18b: {  	vm0 =	vge.s32 v22, v1;
	vm1 =	vlt.s32 v22, v2  }
0x18c: {  	vm0 =	vmand vm0, vm1  }
0x18d: {  	v23 =	vsel vm0, $0x1, v5  }
0x18e: {  	(xrf0) =	vadd.scan.msk.s32 $0xffff, v23;
	_ =	sdelay $0x5  }
0x18f: {  	v23, _, _ =	vpop (xrf0)  }
0x190: {  	(v2sf) =	vpush v23, $0xF;
	_ =	sdelay $0xa  }
0x191: {  	s3 =	spop (v2sf)  }
0x192: {  	s3 =	sadd.s32 s31, s3  }
0x193: {  	v24 =	vmov s3  }
0x194: {  	v24 =	vadd.s32 $0xFFFFFFFF, v24  }
0x195: {  	v24 =	vbroadcast v24, $0x0;
	s10 =	spop (v2sf)  }
0x196: {  	s31 =	sadd.s32 s3, s10  }
0x197: {  	v25 =	vld [tilespmem:s0+$0x700];
	v23 =	vadd.s32 v23, v24;
	s0 =	sshrl.u32 s31, $0x7  }
0x198: {  	p0 =	seq.s32 s0, $0x0  }
.Ltmp14:
0x199: {  	_ = 	snop;
	(pc) =	sbr.rel @p0 .LBB2_20-.Ltmp14, $3  }
0x19a: {  	_ =	sdelay $0x1  }
0x19b: {  	v22 =	vsub.s32 v22, v1;
	[tilespmem:v23+s22+$0x0] =	vst.idx.msk vm0, v25  }
0x19c: {  	[tilespmem:v23+s23+$0x0] =	vst.idx.msk vm0, v22  }
0x19d: {  	s3 =	simm.s32 $0xE00  }
0x19e: {  	[tilespmem:s19], [sflag:$0x1] =	stream.indirect.gather [hbm4b:s4+s24], $0x80, s3, s24, $0xb8;
	[tilespmem:$0x1E640] =	vst v63  }
0x19f: {  	p0 =	sne.s32 s0, $0x1;
	_ =	swait.ge [sflag:s25], $0x4000  }
.Ltmp15:
0x1a0: {  	[sflag:s25] =	ssyncset.done $0x0;
	(pc) =	sbr.rel @!p0 .LBB2_19-.Ltmp15, $4  }
0x1a1: {  	s9 =	simm.s32 $0x1600;
	[sflag:s25] =	ssyncadd.s32 $0xFFFFC000  }
0x1a2: {  	[spmem:s1] =	stream.indirect.scatter.add.f32 [tilespmem:s19], [sflag:$0x2], $0x80, s9, s24, $0xb8;
	[tilespmem:$0x1E640] =	vst v63  }
0x1a3: {  	_ =	swait.ge [sflag:s20], $0x4000  }
0x1a4: {  	s10 =	sadd.s32 $0xFFFFFFFF, s0;
	[sflag:s20] =	ssyncset.done $0x0  }
.LBB2_18:
0x1a5: {  	[sflag:s20] =	ssyncadd.s32 $0xFFFFC000;
	s3 =	sadd.s32 $0x80, s3;
	s9 =	sadd.s32 $0x80, s9  }
0x1a6: {  	[tilespmem:s19], [sflag:$0x1] =	stream.indirect.gather [hbm4b:s4+s24], $0x80, s3, s24, $0xb8;
	[tilespmem:$0x1E640] =	vst v63  }
0x1a7: {  	p0 =	sne.s32 s10, $0x1;
	s10 =	sadd.s32 $0xFFFFFFFF, s10;
	_ =	swait.ge [sflag:s25], $0x4000  }
.Ltmp16:
0x1a8: {  	[sflag:s25] =	ssyncset.done $0x0;
	(pc) =	sbr.rel @p0 .LBB2_18-.Ltmp16, $4  }
0x1a9: {  	[sflag:s25] =	ssyncadd.s32 $0xFFFFC000  }
0x1aa: {  	[spmem:s1] =	stream.indirect.scatter.add.f32 [tilespmem:s19], [sflag:$0x2], $0x80, s9, s24, $0xb8;
	[tilespmem:$0x1E640] =	vst v63  }
0x1ab: {  	_ =	swait.ge [sflag:s20], $0x4000  }
0x1ac: {  	[sflag:s20] =	ssyncset.done $0x0  }
.Ltmp17:
0x1ad: {  	_ = 	snop;
	(pc) =	sbr.rel .LBB2_19-.Ltmp17, $1  }
0x1ae: {  	_ =	sdelay $0x3  }
.LBB2_22:
0x1af: {  	_ =	sfence.sel $0x180000  }
0x1b0: {  	[bflag:$0x0] =	sbarrier.arrive $0xFFFF  }
0x1b1: {  	_ =	strace $0x9000004A  }
0x1b2: {  	s0 =	stileid.u32;
	[bflag:$0x2] =	sbarrier.arrive $0xFFFF  }
0x1b3: {  	p0 =	sne.s32 s0, $0x0;
	s0 =	rddreg [dreg:$0x2]  }
0x1b4: {  	s0 =	sadd.s32 @!p0 $0x100000, s0  }
0x1b5: {  	[sflag:s0] =	ssyncadd.tile.s32 @!p0 $0x1;
	_ =	shalt  }
.Lfunc_end2:
_tile_overlayer_lowered:
.L_overlay_start_2:
0x1b6: {  	(tag) =	ssettag $0x2  }
0x1b7: {  	s0 =	rddreg [dreg:$0x0];
	s2 =	stileid.u32  }
0x1b8: {  	s1 =	rddreg [dreg:$0x1];
	p0 =	sne.s32 s2, $0x0  }
0x1b9: {  	s3 =	rddreg [dreg:$0x2];
	[bflag:$0x3] =	sbarrier.arrive $0xFFFF;
	s2 =	simm.s32 @!p0 $0x1C02  }
0x1ba: {  	[timem:s3], [sflag:s2] =	dma.local @!p0 [hbm:s0], s1  }
0x1bb: {  	s0 =	simm.s32 @!p0 $0x2  }
0x1bc: {  	_ =	swait.ge @!p0 [sflag:s0], s1  }
0x1bd: {  	s1 =	ssub.s32 @!p0 $0x0, s1;
	[sflag:s0] =	ssyncset.done @!p0 $0x0  }
0x1be: {  	[sflag:s0] =	ssyncadd.s32 @!p0 s1  }
0x1bf: {  	[bflag:$0x3] =	sbarrier.arrive $0xFFFF  }
0x1c0: {  	_ =	shalt  }

// kernel: kernel.9.cloned.1.call-start
scs
__scs_entry_jumppad:
0x0: {  	(pc) =	sbr.rel $0x88, $3  }
0x1: {  	(tag) =	ssettag $0x0;
	lr =	simm.s32 $0x1  }
0x2: {  	[smem:$0x3F96] =	sst lr;
	_ =	strace $0xD0000000  }
0x3: {  	_ = 	snop  }
0x4: {  	_ = 	snop  }
0x5: {  	_ = 	snop  }
0x6: {  	_ = 	snop  }
0x7: {  	_ = 	snop  }
__scs_overlays_trampoline_lowered:
0x8: {  	[smem:$0x3FA5] =	sst s0  }
0x9: {  	[smem:$0x3FA6] =	sst s1  }
0xa: {  	[smem:$0x3FA7] =	sst s2  }
0xb: {  	[smem:$0x3FA8] =	sst s3  }
0xc: {  	[smem:$0x3FA9] =	sst s4  }
0xd: {  	[smem:$0x3FAA] =	sst s5  }
0xe: {  	[smem:$0x3FAB] =	sst s6  }
0xf: {  	[smem:$0x3FAC] =	sst s7  }
0x10: {  	[smem:$0x3FAD] =	sst s8  }
0x11: {  	[smem:$0x3FAE] =	sst s9;
	s0 =	simm.s32 @!p0 $0x0  }
0x12: {  	s1 =	sld [smem:$0x3F94];
	s0 =	simm.s32 @p0 $0x1  }
0x13: {  	[smem:$0x3FAF] =	sst s0;
	s0 =	simm.s32 @!p1 $0x0  }
0x14: {  	s2 =	sld [smem:$0x3F93];
	s0 =	simm.s32 @p1 $0x1  }
0x15: {  	[smem:$0x3FB0] =	sst s0;
	s0 =	simm.s32 @!p2 $0x0  }
0x16: {  	s3 =	sld [smem:$0x3FDB];
	s0 =	simm.s32 @p2 $0x1  }
0x17: {  	s4 =	simm.s32 $0x1BF5;
	[smem:$0x3FB2] =	sst s0  }
0x18: {  	s0 =	sld [smem:$0x3F95];
	_ =	swait.ge [sflag:s4], $0x0  }
0x19: {  	s7 =	sld [smem:$0x3F96]  }
0x1a: {  	s8 =	sadd.s32 $0xFFFFE003, lr  }
0x1b: {  	s9 =	sadd.s32 $0xFFFFFEF7, lr;
	s5 =	simm.s32 $0xFFFFFFFF;
	p2 =	slt.u32 s8, $0xFFFFF086  }
0x1c: {  	p1 =	slt.u32 s9, $0xF7A;
	s5 =	simm.s32 @!p2 $0x0  }
0x1d: {  	s5 =	simm.s32 @p1 $0x1;
	p0 =	seq.s32 s7, s2  }
0x1e: {  	s7 =	smul.u32 @!p0 $0xF7A, s2;
	p2 =	seq.s32 @!p0 s5, $0x0  }
0x1f: {  	s9 =	smul.u32 $0xF7A, s1;
	s8 =	simm.s32 @!p0 $0x1BF5;
	p2 =	por !p2, p0  }
0x20: {  	[sflag:s8] =	ssyncset.s32 @!p0 $0xFFFFF086;
	s6 =	sadd.s32 @!p0 s3, s7;
	s7 =	simm.s32 @!p0 $0x108  }
0x21: {  	s3 =	sadd.s32 s3, s9;
	s6 =	sadd.s32 @!p0 $0x88, s6;
	s7 =	simm.s32 @p2 $0x1082  }
0x22: {  	[simem:s7], [sflag:s8] =	dma.local @!p0 [hbm:s6], $0xF7A  }
0x23: {  	s9 =	sor.u32 $0xD0000000, s2;
	s6 =	simm.s32 $0x108;
	_ =	swait.ge @!p0 [sflag:s8], $0x0  }
0x24: {  	s3 =	sadd.s32 $0x88, s3;
	s6 =	simm.s32 @!p1 $0x1082;
	[sflag:s4] =	ssyncset.s32 $0xFFFFF086  }
0x25: {  	[simem:s6], [sflag:s4] =	dma.local [hbm:s3], $0xF7A  }
0x26: {  	[smem:$0x3F96] =	sst s1;
	(tag) =	ssettag s2;
	_ =	strace s9  }
0x27: {  	s1 =	sld [smem:$0x3FA6]  }
0x28: {  	s2 =	sld [smem:$0x3FA7]  }
0x29: {  	s4 =	sld [smem:$0x3FA9]  }
0x2a: {  	p0 =	seq.s32 s5, $0x0;
	s5 =	sld [smem:$0x3FAA]  }
0x2b: {  	s6 =	sld [smem:$0x3FAB]  }
0x2c: {  	s7 =	sld [smem:$0x3FAC]  }
0x2d: {  	s3 =	simm.s32 $0x108;
	s8 =	sld [smem:$0x3FAD]  }
0x2e: {  	s3 =	simm.s32 @!p0 $0x1082;
	s9 =	sld [smem:$0x3FAE]  }
0x2f: {  	lr =	sadd.s32 s0, s3;
	s0 =	sld [smem:$0x3FA5]  }
0x30: {  	s3 =	sld [smem:$0x3FA8]  }
0x31: {  	[smem:$0x3FB1] =	sst s10  }
0x32: {  	s10 =	sld [smem:$0x3FAF];
	_ =	sdelay $0x3  }
0x33: {  	p0 =	seq.s32 s10, $0x1;
	s10 =	sld [smem:$0x3FB1];
	_ =	sdelay $0x3  }
0x34: {  	[smem:$0x3FB1] =	sst s10  }
0x35: {  	s10 =	sld [smem:$0x3FB0];
	_ =	sdelay $0x3  }
0x36: {  	p1 =	seq.s32 s10, $0x1;
	s10 =	sld [smem:$0x3FB1];
	_ =	sdelay $0x3  }
0x37: {  	[smem:$0x3FB1] =	sst s10  }
0x38: {  	s10 =	sld [smem:$0x3FB2]  }
0x39: {  	_ = 	snop;
	(pc) =	sbr.ind lr, $3  }
0x3a: {  	_ = 	snop  }
0x3b: {  	_ = 	snop  }
0x3c: {  	p2 =	seq.s32 s10, $0x1;
	s10 =	sld [smem:$0x3FB1]  }
0x3d: {  	_ =	shalt  }
0x3e: {  	_ =	shalt  }
0x3f: {  	_ =	shalt  }
0x40: {  	_ =	shalt  }
0x41: {  	_ =	shalt  }
0x42: {  	_ =	shalt  }
0x43: {  	_ =	shalt  }
0x44: {  	_ =	shalt  }
0x45: {  	_ =	shalt  }
0x46: {  	_ =	shalt  }
0x47: {  	_ =	shalt  }
0x48: {  	_ =	shalt  }
0x49: {  	_ =	shalt  }
0x4a: {  	_ =	shalt  }
0x4b: {  	_ =	shalt  }
0x4c: {  	_ =	shalt  }
0x4d: {  	_ =	shalt  }
0x4e: {  	_ =	shalt  }
0x4f: {  	_ =	shalt  }
0x50: {  	_ =	shalt  }
0x51: {  	_ =	shalt  }
0x52: {  	_ =	shalt  }
0x53: {  	_ =	shalt  }
0x54: {  	_ =	shalt  }
0x55: {  	_ =	shalt  }
0x56: {  	_ =	shalt  }
0x57: {  	_ =	shalt  }
0x58: {  	_ =	shalt  }
0x59: {  	_ =	shalt  }
0x5a: {  	_ =	shalt  }
0x5b: {  	_ =	shalt  }
0x5c: {  	_ =	shalt  }
0x5d: {  	_ =	shalt  }
0x5e: {  	_ =	shalt  }
0x5f: {  	_ =	shalt  }
0x60: {  	_ =	shalt  }
0x61: {  	_ =	shalt  }
0x62: {  	_ =	shalt  }
0x63: {  	_ =	shalt  }
0x64: {  	_ =	shalt  }
0x65: {  	_ =	shalt  }
0x66: {  	_ =	shalt  }
0x67: {  	_ =	shalt  }
0x68: {  	_ =	shalt  }
0x69: {  	_ =	shalt  }
0x6a: {  	_ =	shalt  }
0x6b: {  	_ =	shalt  }
0x6c: {  	_ =	shalt  }
0x6d: {  	_ =	shalt  }
0x6e: {  	_ =	shalt  }
0x6f: {  	_ =	shalt  }
0x70: {  	_ =	shalt  }
0x71: {  	_ =	shalt  }
0x72: {  	_ =	shalt  }
0x73: {  	_ =	shalt  }
0x74: {  	_ =	shalt  }
0x75: {  	_ =	shalt  }
0x76: {  	_ =	shalt  }
0x77: {  	_ =	shalt  }
0x78: {  	_ =	shalt  }
0x79: {  	_ =	shalt  }
0x7a: {  	_ =	shalt  }
0x7b: {  	_ =	shalt  }
0x7c: {  	_ =	shalt  }
0x7d: {  	_ =	shalt  }
0x7e: {  	_ =	shalt  }
0x7f: {  	_ =	shalt  }
0x80: {  	_ =	shalt  }
0x81: {  	_ =	shalt  }
0x82: {  	_ =	shalt  }
0x83: {  	_ =	shalt  }
0x84: {  	_ =	shalt  }
0x85: {  	_ =	shalt  }
0x86: {  	_ =	shalt  }
0x87: {  	_ =	shalt  }
.Lfunc_end0:
.L_simem_size_0:
called_computation_lowered:
.L_overlay_start_0:
0x88: {  	s2 =	sld [smem:$0x3FD9]  }
0x89: {  	s3 =	sld [smem:$0x3FFE];
	_ =	sdelay $0x1  }
0x8a: {  	s1 =	srdreg.scid  }
0x8b: {  	s0 =	sand.u32 $0x1, s1  }
0x8c: {  	s17 =	sshll.u32 s0, $0xA;
	s2 =	sadd.s32 s3, s2  }
0x8d: {  	s2 =	sadd.s32 s2, s17  }
0x8e: {  	[smem:$0x3FBD] =	sst s2  }
0x8f: {  	_ = 	snop  }
0x90: {  	s18 =	sld [smem:$0x3FD0];
	(tm) =	ssettm $0x1  }
0x91: {  	s19 =	sld [smem:$0x3FFB];
	_ =	sdelay $0x3  }
0x92: {  	_ =	strace s19  }
0x93: {  	s2 =	sld [smem:$0x3FFC];
	_ =	sdelay $0x3  }
0x94: {  	_ =	strace s2  }
0x95: {  	s2 =	sld [smem:$0x3FFD];
	_ =	sdelay $0x3  }
0x96: {  	_ =	strace s2  }
0x97: {  	_ =	strace $0x8FFFFFFF  }
0x98: {  	s20 =	sld [smem:$0x3FDB];
	_ =	sdelay $0x1  }
0x99: {  	s4 =	simm.s32 $_scs_section_size  }
0x9a: {  	s5 =	simm.s32 $_size__tile_overlayer_lowered;
	s6 =	simm.s32 $_tile_overlayer_lowered  }
0x9b: {  	s7 =	simm.s32 $0x1BFF;
	s21 =	sshll.u32 s6, $0x1;
	s4 =	sadd.s32 s4, s20  }
0x9c: {  	s22 =	simm.s32 $0x0;
	s5 =	sshll.u32 s5, $0x1;
	s6 =	sadd.s32 s21, s4  }
0x9d: {  	[timem:s22], [sflag:s7] =	dma.local [hbm:s6], s5  }
0x9e: {  	_ =	swait.ge [sflag:s7], s5  }
0x9f: {  	s5 =	ssub.s32 $0x0, s5;
	[sflag:s7] =	ssyncset.done $0x0  }
0xa0: {  	[sflag:s7] =	ssyncadd.s32 s5;
	_ =	sdelay $0x1  }
0xa1: {  	s23 =	simm.s32 $0x1B8B  }
0xa2: {  	_ =	swait.ge [sflag:s23], $0x1  }
0xa3: {  	[sflag:s23] =	ssyncset.done $0x0  }
0xa4: {  	[sflag:s23] =	ssyncadd.s32 $0xFFFFFFFF  }
0xa5: {  	s5 =	sld [smem:$0x0]  }
0xa6: {  	s6 =	sand.u32 $0xFFFFFFFE, s1  }
0xa7: {  	p0 =	sne.s32 s1, s6  }
0xa8: {  	s6 =	sshll.u32 @p0 s6, $0xE  }
0xa9: {  	s6 =	sadd.s32 @p0 $0x11B8D, s6;
	s7 =	sshll.u32 @p0 s5, $0x11  }
0xaa: {  	s6 =	sor.u32 @p0 s7, s6  }
0xab: {  	[sflag:s6] =	ssyncadd.remote.s32 @p0 $0x1;
	_ =	sdelay $0x1  }
0xac: {  	s6 =	simm.s32 @p0 $0x1B8D  }
0xad: {  	_ =	swait.eq @p0 [sflag:s6], $0x1  }
0xae: {  	[sflag:s6] =	ssyncadd.s32 @p0 $0xFFFFFFFF  }
0xaf: {  	s7 =	sshll.u32 @!p0 s1, $0xE  }
0xb0: {  	s7 =	sor.u32 @!p0 $0x4000, s7;
	s6 =	simm.s32 @!p0 $0x1B8D  }
0xb1: {  	s5 =	sshll.u32 @!p0 s5, $0x11;
	s7 =	sadd.s32 @!p0 $0x11B8D, s7;
	_ =	swait.eq @!p0 [sflag:s6], $0x1  }
0xb2: {  	s5 =	sor.u32 @!p0 s5, s7;
	[sflag:s6] =	ssyncadd.s32 @!p0 $0xFFFFFFFF  }
0xb3: {  	s25 =	simm.s32 $0x1B8E;
	s24 =	sld [smem:$0x3FFE];
	[sflag:s5] =	ssyncadd.remote.s32 @!p0 $0x1  }
0xb4: {  	s26 =	simm.s32 $execute0_lowered;
	[smem:$0x3FD2] =	sst s25  }
0xb5: {  	s6 =	sshll.u32 s26, $0x1;
	_ =	strace $0x8000004C;
	[dreg:$0x1] =	wrdreg $0xFFFFFFFF  }
0xb6: {  	s28 =	simm.s32 $_size_execute0_lowered;
	s4 =	sadd.s32 s4, s6;
	[dreg:$0x0] =	wrdreg $0x0  }
0xb7: {  	s6 =	sshll.u32 s28, $0x1;
	[dreg:$0x2] =	wrdreg s4  }
0xb8: {  	[dreg:$0x3] =	wrdreg s6  }
0xb9: {  	[dreg:$0x4] =	wrdreg $0xC0  }
0xba: {  	_ =	task [dreg:s22], $0x5FFFF  }
0xbb: {  	[dreg:$0x1] =	wrdreg $0xFFFFFFFF  }
0xbc: {  	[dreg:$0x0] =	wrdreg $0x60  }
0xbd: {  	[dreg:$0x2] =	wrdreg s24  }
0xbe: {  	[dreg:$0x3] =	wrdreg s18  }
0xbf: {  	[dreg:$0x4] =	wrdreg $0x5E000  }
0xc0: {  	[dreg:$0x5] =	wrdreg $0x9  }
0xc1: {  	_ =	task.clear_ibuf [dreg:s22], $0x6FFFF;
	_ =	strace $0x9000004C  }
0xc2: {  	s29 =	simm.s32 $0x9;
	_ =	strace $0x8000004E  }
0xc3: {  	_ =	swait.ge [sflag:s29], $0x1  }
0xc4: {  	[sflag:s29] =	ssyncadd.s32 $0xFFFFFFFF  }
0xc5: {  	_ =	strace $0x9000004E  }
0xc6: {  	_ =	sfence  }
0xc7: {  	s30 =	sld [smem:$0x0];
	_ =	sdelay $0x2  }
0xc8: {  	s31 =	sshll.u32 s1, $0xD;
	s1 =	sshrl.u32 s1, $0x2  }
0xc9: {  	s4 =	sand.u32 $0x4000, s31;
	s1 =	sadd.s32 s1, s30  }
0xca: {  	s0 =	sor.u32 s4, s0;
	s1 =	sshll.u32 s1, $0x11  }
0xcb: {  	s0 =	sor.u32 s1, s0  }
0xcc: {  	s0 =	sadd.s32 $0x8F2B, s0  }
0xcd: {  	[sflag:s0] =	ssyncadd.remote.s32 $0x1  }
0xce: {  	_ =	sfence.sel $0xFFFF  }
0xcf: {  	[dreg:$0x0] =	wrdreg $0xFFFFFFFF;
	(pc) =	sbr.abs _section_cstart, $3  }
0xd0: {  	[dreg:$0x1] =	wrdreg $0xFFFFFFFF  }
0xd1: {  	_ =	task.clear_ibuf [dreg:s22], $0x2FFFF;
	_ =	strace $0x9FFFFFFF  }
0xd2: {  	(tm) =	ssettm $0x7FFFFFFF  }
0xd3: {  	_ =	shalt  }
tec
execute0_lowered:
.L_overlay_start_1:
0x0: {  	(tag) =	ssettag $0x1  }
0x1: {  	s0 =	rddreg [dreg:$0x0]  }
0x2: {  	s1 =	rddreg [dreg:$0x1]  }
0x3: {  	s2 =	rddreg [dreg:$0x2];
	s3 =	simm.s32 $0x0;
	s4 =	srdreg.scid  }
0x4: {  	s11 =	stileid.u32;
	s19 =	simm.s32 $0x1E00;
	s20 =	simm.s32 $0x2  }
0x5: {  	s21 =	simm.s32 $0x700;
	s22 =	simm.s32 $0xE00;
	s23 =	simm.s32 $0x1600  }
0x6: {  	s24 =	simm.s32 $0x80;
	s25 =	simm.s32 $0x1;
	s9 =	smul.u32 $0x310, s11  }
0x7: {  	[smem:$0x7FF] =	sst s3;
	s5 =	sadd.s32 $0x3F2C00, s0;
	s7 =	smul.u32 $0x3100, s11  }
0x8: {  	s4 =	sand.u32 $0x1, s4;
	s6 =	sadd.s32 $0x3ECA00, s0;
	s11 =	smul.u32 $0x62000, s11  }
0x9: {  	s0 =	sadd.s32 $0x200, s0;
	s8 =	smul.u32 $0x6200, s4;
	s4 =	ssub.s32 $0x2, s4  }
0xa: {  	v3 =	vlaneseq.u32;
	_ =	strace $0x8000004D;
	s10 =	sshrl.u32 s4, $0x1;
	s29 =	sshrl.u32 s11, $0x2  }
0xb: {  	v4 =	vimm.f32 $0.0e+00;
	v5 =	vimm.s32 $0x0;
	v14 =	vimm.s32 $0x3100;
	s4 =	ssub.s32 s4, s10;
	s28 =	sadd.s32 $0x3100, s8;
	s12 =	sadd.s32 s9, s8  }
0xc: {  	v6 =	vor.u32 $0x10, v3;
	v7 =	vor.u32 $0x20, v3;
	v0 =	vmov s8;
	s8 =	sadd.s32 $0x6200, s8;
	s9 =	sadd.s32 s9, s28;
	s30 =	sshll.u32 s12, $0x4  }
.Ltmp0:
0xd: {  	v8 =	vor.u32 $0x30, v3;
	v9 =	vor.u32 $0x40, v3;
	v2 =	vmov s8;
	s8 =	sadd.s32 s29, s2;
	s11 =	smax.u32 s4, $0x1;
	(pc) =	sbr.rel .LBB2_1-.Ltmp0, $4  }
0xe: {  	v10 =	vor.u32 $0x50, v3;
	v11 =	vor.u32 $0x60, v3;
	v12 =	vor.u32 $0x70, v3;
	s9 =	sshll.u32 s9, $0x4;
	s31 =	sadd.s32 s0, s30;
	s12 =	sadd.s32 $0x3100, s8  }
0xf: {  	v13 =	vadd.s32 $0x1, v3;
	v15 =	vadd.s32 $0x11, v3;
	v16 =	vadd.s32 $0x21, v3;
	s13 =	sadd.s32 $0x6200, s8;
	s14 =	sadd.s32 $0x9300, s8;
	s15 =	sadd.s32 $0xC400, s8  }
0x10: {  	v17 =	vadd.s32 $0x31, v3;
	v18 =	vadd.s32 $0x41, v3;
	v19 =	vadd.s32 $0x51, v3;
	s16 =	sadd.s32 $0xF500, s8;
	[dreg:$0x4] =	wrdreg s31;
	s0 =	sadd.s32 s0, s9  }
0x11: {  	v20 =	vadd.s32 $0x61, v3;
	v21 =	vadd.s32 $0x71, v3;
	v1 =	vmov s28;
	s17 =	sadd.s32 $0x12600, s8;
	s18 =	sadd.s32 $0x15700, s8;
	[dreg:$0x5] =	wrdreg s0  }
.LBB2_21:
0x12: {  	v22 =	vmov s31  }
0x13: {  	vm0 =	vlt.u32 v22, v13;
	_ =	sdelay $0x1  }
0x14: {  	vm1 =	vlt.u32 v22, v15;
	_ =	sdelay $0x1  }
0x15: {  	vm2 =	vlt.u32 v22, v16;
	_ =	sdelay $0x1  }
0x16: {  	vm3 =	vlt.u32 v22, v17;
	[tilespmem:v3+s22+$0x0] =	vst.idx.msk vm0, v5  }
0x17: {  	[tilespmem:v3+s23+$0x0] =	vst.idx.msk vm0, v14  }
0x18: {  	vm12 =	vlt.u32 v22, v18;
	[tilespmem:v6+s22+$0x0] =	vst.idx.msk vm1, v5  }
0x19: {  	[tilespmem:v6+s23+$0x0] =	vst.idx.msk vm1, v14  }
0x1a: {  	vm13 =	vlt.u32 v22, v19;
	[tilespmem:v7+s22+$0x0] =	vst.idx.msk vm2, v5  }
0x1b: {  	[tilespmem:v7+s23+$0x0] =	vst.idx.msk vm2, v14  }
0x1c: {  	vm14 =	vlt.u32 v22, v20;
	[tilespmem:v8+s22+$0x0] =	vst.idx.msk vm3, v5  }
0x1d: {  	[tilespmem:v8+s23+$0x0] =	vst.idx.msk vm3, v14  }
0x1e: {  	vm15 =	vlt.u32 v22, v21;
	[tilespmem:v9+s22+$0x0] =	vst.idx.msk vm12, v5  }
0x1f: {  	[tilespmem:v9+s23+$0x0] =	vst.idx.msk vm12, v14  }
0x20: {  	[tilespmem:v10+s22+$0x0] =	vst.idx.msk vm13, v5  }
0x21: {  	[tilespmem:v10+s23+$0x0] =	vst.idx.msk vm13, v14  }
0x22: {  	[tilespmem:v11+s22+$0x0] =	vst.idx.msk vm14, v5  }
0x23: {  	[tilespmem:v11+s23+$0x0] =	vst.idx.msk vm14, v14  }
0x24: {  	p0 =	seq.s32 s31, $0x0;
	[tilespmem:v12+s22+$0x0] =	vst.idx.msk vm15, v5  }
0x25: {  	s0 =	simm.s32 @!p0 $0x80;
	s4 =	simm.s32 @!p0 $0xE00;
	s9 =	simm.s32 @!p0 $0x1E00;
	[tilespmem:v12+s23+$0x0] =	vst.idx.msk vm15, v14  }
0x26: {  	[tilespmem:s9], [sflag:$0x1] =	stream.indirect.gather @!p0 [hbm4b:s5+s0], $0x80, s4, s0, $0xb8;
	[tilespmem:$0x1E640] =	vst v63  }
0x27: {  	s4 =	simm.s32 @!p0 $0x1  }
0x28: {  	_ =	swait.ge @!p0 [sflag:s4], $0x4000  }
0x29: {  	[sflag:s4] =	ssyncset.done @!p0 $0x0  }
0x2a: {  	[sflag:s4] =	ssyncadd.s32 @!p0 $0xFFFFC000;
	s4 =	simm.s32 @!p0 $0x1600  }
0x2b: {  	[spmem:s2] =	stream.indirect.scatter.add.f32 @!p0 [tilespmem:s9], [sflag:$0x2], $0x80, s4, s0, $0xb8;
	[tilespmem:$0x1E640] =	vst v63  }
0x2c: {  	s0 =	simm.s32 @!p0 $0x2  }
0x2d: {  	_ =	swait.ge @!p0 [sflag:s0], $0x4000  }
0x2e: {  	[sflag:s0] =	ssyncset.done @!p0 $0x0  }
0x2f: {  	s3 =	sadd.s32 $0x1, s3;
	[sflag:s0] =	ssyncadd.s32 @!p0 $0xFFFFC000  }
0x30: {  	p0 =	sne.s32 s3, s11;
	[bflag:$0x0] =	sbarrier.arrive $0xFFFF  }
.Ltmp1:
0x31: {  	s31 =	rddreg [dreg:$0x5];
	(pc) =	sbr.rel @!p0 .LBB2_22-.Ltmp1, $4  }
0x32: {  	[hbm:s31], [sflag:s26] =	dma.local [spmem:s28], $0x3100  }
0x33: {  	_ =	swait.ge [sflag:s20], $0x3100  }
0x34: {  	[sflag:s20] =	ssyncset.done $0x0  }
0x35: {  	[sflag:s20] =	ssyncadd.s32 $0xFFFFCF00  }
.LBB2_1:
0x36: {  	s0 =	simm.s32 $0x0;
	s4 =	simm.s32 $0x200  }
.LBB2_2:
0x37: {  	p0 =	sne.s32 s4, $0xFE00;
	[tilespmem:s0+$0x1E70] =	vst v4  }
0x38: {  	[tilespmem:s0+$0x1E00] =	vst v4  }
0x39: {  	[tilespmem:s0+$0x1E10] =	vst v4  }
.Ltmp2:
0x3a: {  	[tilespmem:s0+$0x1E20] =	vst v4;
	(pc) =	sbr.rel @p0 .LBB2_2-.Ltmp2, $4  }
0x3b: {  	[tilespmem:s0+$0x1E30] =	vst v4  }
0x3c: {  	[tilespmem:s0+$0x1E40] =	vst v4  }
0x3d: {  	[tilespmem:s0+$0x1E50] =	vst v4  }
0x3e: {  	[tilespmem:s0+$0x1E60] =	vst v4;
	s0 =	sshra.s32 s4, $0x2;
	s4 =	sadd.s32 $0x200, s4  }
0x3f: {  	[tilespmem:s0+$0x1E70] =	vst v4  }
0x40: {  	[tilespmem:s0+$0x1E00] =	vst v4  }
0x41: {  	[tilespmem:s0+$0x1E10] =	vst v4  }
0x42: {  	[tilespmem:s0+$0x1E20] =	vst v4  }
0x43: {  	[tilespmem:s0+$0x1E30] =	vst v4  }
0x44: {  	[tilespmem:s0+$0x1E40] =	vst v4  }
0x45: {  	[tilespmem:s0+$0x1E50] =	vst v4  }
0x46: {  	[tilespmem:s0+$0x1E60] =	vst v4  }
0x47: {  	[spmem:s8] =	stream.linear.scatter [tilespmem:s19], [sflag:$0x2], $0x3100, $0x38;
	[tilespmem:$0x1E640] =	vst v63  }
0x48: {  	_ =	swait.ge [sflag:s20], $0x3100  }
0x49: {  	[sflag:s20] =	ssyncset.done $0x0  }
0x4a: {  	[sflag:s20] =	ssyncadd.s32 $0xFFFFCF00  }
0x4b: {  	[spmem:s12] =	stream.linear.scatter [tilespmem:s19], [sflag:$0x2], $0x3100, $0x38;
	[tilespmem:$0x1E640] =	vst v63  }
0x4c: {  	_ =	swait.ge [sflag:s20], $0x3100  }
0x4d: {  	[sflag:s20] =	ssyncset.done $0x0  }
0x4e: {  	[sflag:s20] =	ssyncadd.s32 $0xFFFFCF00  }
0x4f: {  	[spmem:s13] =	stream.linear.scatter [tilespmem:s19], [sflag:$0x2], $0x3100, $0x38;
	[tilespmem:$0x1E640] =	vst v63  }
0x50: {  	_ =	swait.ge [sflag:s20], $0x3100  }
0x51: {  	[sflag:s20] =	ssyncset.done $0x0  }
0x52: {  	[sflag:s20] =	ssyncadd.s32 $0xFFFFCF00  }
0x53: {  	[spmem:s14] =	stream.linear.scatter [tilespmem:s19], [sflag:$0x2], $0x3100, $0x38;
	[tilespmem:$0x1E640] =	vst v63  }
0x54: {  	_ =	swait.ge [sflag:s20], $0x3100  }
0x55: {  	[sflag:s20] =	ssyncset.done $0x0  }
0x56: {  	[sflag:s20] =	ssyncadd.s32 $0xFFFFCF00  }
0x57: {  	[spmem:s15] =	stream.linear.scatter [tilespmem:s19], [sflag:$0x2], $0x3100, $0x38;
	[tilespmem:$0x1E640] =	vst v63  }
0x58: {  	_ =	swait.ge [sflag:s20], $0x3100  }
0x59: {  	[sflag:s20] =	ssyncset.done $0x0  }
0x5a: {  	[sflag:s20] =	ssyncadd.s32 $0xFFFFCF00  }
0x5b: {  	[spmem:s16] =	stream.linear.scatter [tilespmem:s19], [sflag:$0x2], $0x3100, $0x38;
	[tilespmem:$0x1E640] =	vst v63  }
0x5c: {  	_ =	swait.ge [sflag:s20], $0x3100  }
0x5d: {  	[sflag:s20] =	ssyncset.done $0x0  }
0x5e: {  	[sflag:s20] =	ssyncadd.s32 $0xFFFFCF00  }
0x5f: {  	[spmem:s17] =	stream.linear.scatter [tilespmem:s19], [sflag:$0x2], $0x3100, $0x38;
	[tilespmem:$0x1E640] =	vst v63  }
0x60: {  	_ =	swait.ge [sflag:s20], $0x3100  }
0x61: {  	[sflag:s20] =	ssyncset.done $0x0  }
0x62: {  	[sflag:s20] =	ssyncadd.s32 $0xFFFFCF00  }
0x63: {  	[spmem:s18] =	stream.linear.scatter [tilespmem:s19], [sflag:$0x2], $0x3100, $0x38;
	[tilespmem:$0x1E640] =	vst v63  }
.Ltmp3:
0x64: {  	_ =	swait.ge [sflag:s20], $0x3100;
	(pc) =	sbr.rel .LBB2_4-.Ltmp3, $4  }
0x65: {  	[sflag:s20] =	ssyncset.done $0x0  }
0x66: {  	[sflag:s20] =	ssyncadd.s32 $0xFFFFCF00  }
0x67: {  	[bflag:$0x0] =	sbarrier.arrive $0xFFFF  }
0x68: {  	s26 =	simm.s32 $0x0;
	s29 =	simm.s32 $0x0;
	s28 =	simm.s32 $0x0  }
.LBB2_9:
0x69: {  	[sflag:s20] =	ssyncadd.s32 $0xFFFFC000  }
.LBB2_10:
0x6a: {  	s0 =	sshll.u32 s0, $0x7  }
0x6b: {  	v22 =	vor.u32 s0, v3;
	_ =	sdelay $0x4  }
0x6c: {  	v23 =	vld.idx.msk [tilespmem:v22+s22+$0x0], $0xffff  }
0x6d: {  	v22 =	vld.idx.msk [tilespmem:v22+s23+$0x0], $0xffff  }
0x6e: {  	v24 =	vor.u32 s0, v6;
	_ =	sdelay $0x2  }
0x6f: {  	[tilespmem:$0xE00] =	vst v23  }
0x70: {  	[tilespmem:$0x1600] =	vst v22  }
0x71: {  	v22 =	vld.idx.msk [tilespmem:v24+s22+$0x0], $0xffff  }
0x72: {  	v23 =	vld.idx.msk [tilespmem:v24+s23+$0x0], $0xffff  }
0x73: {  	v58 =	vor.u32 s0, v7;
	_ =	sdelay $0x2  }
0x74: {  	[tilespmem:$0xE10] =	vst v22  }
0x75: {  	[tilespmem:$0x1610] =	vst v23  }
0x76: {  	v22 =	vld.idx.msk [tilespmem:v58+s22+$0x0], $0xffff  }
0x77: {  	v23 =	vld.idx.msk [tilespmem:v58+s23+$0x0], $0xffff  }
0x78: {  	v59 =	vor.u32 s0, v8;
	_ =	sdelay $0x2  }
0x79: {  	[tilespmem:$0xE20] =	vst v22  }
0x7a: {  	[tilespmem:$0x1620] =	vst v23  }
0x7b: {  	v22 =	vld.idx.msk [tilespmem:v59+s22+$0x0], $0xffff  }
0x7c: {  	v23 =	vld.idx.msk [tilespmem:v59+s23+$0x0], $0xffff  }
0x7d: {  	v60 =	vor.u32 s0, v9;
	_ =	sdelay $0x2  }
0x7e: {  	[tilespmem:$0xE30] =	vst v22  }
0x7f: {  	[tilespmem:$0x1630] =	vst v23  }
0x80: {  	v22 =	vld.idx.msk [tilespmem:v60+s22+$0x0], $0xffff  }
0x81: {  	v23 =	vld.idx.msk [tilespmem:v60+s23+$0x0], $0xffff  }
0x82: {  	v61 =	vor.u32 s0, v10;
	_ =	sdelay $0x2  }
0x83: {  	[tilespmem:$0xE40] =	vst v22  }
0x84: {  	[tilespmem:$0x1640] =	vst v23  }
0x85: {  	v22 =	vld.idx.msk [tilespmem:v61+s22+$0x0], $0xffff  }
0x86: {  	v23 =	vld.idx.msk [tilespmem:v61+s23+$0x0], $0xffff  }
0x87: {  	v62 =	vor.u32 s0, v11;
	_ =	sdelay $0x2  }
0x88: {  	[tilespmem:$0xE50] =	vst v22  }
0x89: {  	[tilespmem:$0x1650] =	vst v23  }
0x8a: {  	v22 =	vld.idx.msk [tilespmem:v62+s22+$0x0], $0xffff  }
0x8b: {  	v23 =	vld.idx.msk [tilespmem:v62+s23+$0x0], $0xffff  }
0x8c: {  	v63 =	vor.u32 s0, v12;
	_ =	sdelay $0x2  }
0x8d: {  	[tilespmem:$0xE60] =	vst v22  }
0x8e: {  	[tilespmem:$0x1660] =	vst v23  }
0x8f: {  	s28 =	sadd.s32 $0x1, s28;
	v22 =	vld.idx.msk [tilespmem:v63+s22+$0x0], $0xffff  }
0x90: {  	p0 =	sne.s32 s28, $0x7;
	v23 =	vld.idx.msk [tilespmem:v63+s23+$0x0], $0xffff  }
.Ltmp4:
0x91: {  	_ = 	snop;
	(pc) =	sbr.rel @!p0 .LBB2_11-.Ltmp4, $3  }
0x92: {  	_ =	sdelay $0x1  }
0x93: {  	[tilespmem:$0xE70] =	vst v22  }
0x94: {  	s29 =	sand.u32 $0x7F, s29;
	[tilespmem:$0x1670] =	vst v23  }
.LBB2_4:
0x95: {  	s0 =	smul.u32 $0x700, s28;
	_ =	sdelay $0x1  }
0x96: {  	s0 =	sadd.s32 s7, s0  }
0x97: {  	s0 =	sshrl.u32 s0, $0x3  }
0x98: {  	s4 =	sadd.s32 s6, s0  }
0x99: {  	[tilespmem:s26], [sflag:$0x2] =	stream.linear.gather [hbm4b:s4+s26], $0x700, $0x38;
	[tilespmem:$0x1E640] =	vst v63  }
0x9a: {  	_ =	swait.ge [sflag:s20], $0x700  }
0x9b: {  	[sflag:s20] =	ssyncset.done $0x0  }
0x9c: {  	s0 =	sadd.s32 s1, s0;
	[sflag:s20] =	ssyncadd.s32 $0xFFFFF900  }
0x9d: {  	[tilespmem:s21], [sflag:$0x2] =	stream.linear.gather [hbm4b:s0+s26], $0x700, $0x38;
	[tilespmem:$0x1E640] =	vst v63  }
0x9e: {  	_ =	swait.ge [sflag:s20], $0x700  }
0x9f: {  	[sflag:s20] =	ssyncset.done $0x0  }
0xa0: {  	s31 =	simm.s32 $0x0;
	[sflag:s20] =	ssyncadd.s32 $0xFFFFF900  }
0xa1: {  	v22 =	vld [tilespmem:s31+$0x0];
	_ =	sdelay $0x4  }
0xa2: {  	vm0 =	vge.s32 v22, v0;
	vm1 =	vlt.s32 v22, v1  }
0xa3: {  	vm0 =	vmand vm0, vm1  }
0xa4: {  	v23 =	vsel vm0, $0x1, v5  }
0xa5: {  	(xrf0) =	vadd.scan.msk.s32 $0xffff, v23;
	_ =	sdelay $0x2  }
0xa6: {  	v23 =	vmov s29  }
0xa7: {  	v23 =	vadd.s32 $0xFFFFFFFF, v23  }
0xa8: {  	v23 =	vbroadcast v23, $0x0  }
0xa9: {  	v24, _, _ =	vpop (xrf0)  }
0xaa: {  	v25 =	vld [tilespmem:s31+$0x700];
	v23 =	vadd.s32 v24, v23;
	(v2sf) =	vpush v24, $0xF;
	_ =	sdelay $0x4  }
0xab: {  	v22 =	vsub.s32 v22, v0;
	[tilespmem:v23+s22+$0x0] =	vst.idx.msk vm0, v25  }
0xac: {  	s30 =	simm.s32 $0x10;
	s0 =	simm.s32 $0x80;
	[tilespmem:v23+s23+$0x0] =	vst.idx.msk vm0, v22  }
.LBB2_5:
0xad: {  	p0 =	sne.s32 s0, $0x1BC0;
	v22 =	vld [tilespmem:s30+$0x0];
	_ =	sdelay $0x4  }
0xae: {  	vm0 =	vge.s32 v22, v0;
	vm1 =	vlt.s32 v22, v1;
	v22 =	vsub.s32 v22, v0  }
0xaf: {  	vm0 =	vmand vm0, vm1  }
0xb0: {  	v23 =	vsel vm0, $0x1, v5  }
0xb1: {  	(xrf0) =	vadd.scan.msk.s32 $0xffff, v23;
	s4 =	spop (v2sf)  }
0xb2: {  	s29 =	sadd.s32 s29, s4  }
0xb3: {  	v23 =	vmov s29  }
0xb4: {  	v23 =	vadd.s32 $0xFFFFFFFF, v23  }
0xb5: {  	v23 =	vbroadcast v23, $0x0;
	_ =	sdelay $0x1  }
0xb6: {  	v24, _, _ =	vpop (xrf0)  }
0xb7: {  	v25 =	vld [tilespmem:s30+$0x700];
	v23 =	vadd.s32 v24, v23;
	(v2sf) =	vpush v24, $0xF;
	_ =	sdelay $0x1  }
.Ltmp5:
0xb8: {  	(pc) =	sbr.rel @p0 .LBB2_5-.Ltmp5, $3  }
0xb9: {  	_ =	sdelay $0x1  }
0xba: {  	[tilespmem:v23+s22+$0x0] =	vst.idx.msk vm0, v25  }
0xbb: {  	s30 =	sshra.s32 s0, $0x2;
	s0 =	sadd.s32 $0x40, s0;
	[tilespmem:v23+s23+$0x0] =	vst.idx.msk vm0, v22  }
0xbc: {  	v22 =	vld [tilespmem:s30+$0x0];
	_ =	sdelay $0x4  }
0xbd: {  	vm0 =	vge.s32 v22, v0;
	vm1 =	vlt.s32 v22, v1  }
0xbe: {  	vm0 =	vmand vm0, vm1  }
0xbf: {  	v23 =	vsel vm0, $0x1, v5  }
0xc0: {  	(xrf0) =	vadd.scan.msk.s32 $0xffff, v23;
	_ =	sdelay $0x5  }
0xc1: {  	v23, _, _ =	vpop (xrf0)  }
0xc2: {  	(v2sf) =	vpush v23, $0xF;
	_ =	sdelay $0xa  }
0xc3: {  	s0 =	spop (v2sf)  }
0xc4: {  	s0 =	sadd.s32 s29, s0  }
0xc5: {  	v24 =	vmov s0  }
0xc6: {  	v24 =	vadd.s32 $0xFFFFFFFF, v24  }
0xc7: {  	v24 =	vbroadcast v24, $0x0;
	s4 =	spop (v2sf)  }
0xc8: {  	s29 =	sadd.s32 s0, s4  }
0xc9: {  	v25 =	vld [tilespmem:s30+$0x700];
	v23 =	vadd.s32 v23, v24;
	s0 =	sshrl.u32 s29, $0x7  }
0xca: {  	p0 =	seq.s32 s0, $0x0  }
.Ltmp6:
0xcb: {  	_ = 	snop;
	(pc) =	sbr.rel @p0 .LBB2_10-.Ltmp6, $3  }
0xcc: {  	_ =	sdelay $0x1  }
0xcd: {  	v22 =	vsub.s32 v22, v0;
	[tilespmem:v23+s22+$0x0] =	vst.idx.msk vm0, v25  }
0xce: {  	[tilespmem:v23+s23+$0x0] =	vst.idx.msk vm0, v22  }
0xcf: {  	s4 =	simm.s32 $0xE00  }
0xd0: {  	[tilespmem:s19], [sflag:$0x1] =	stream.indirect.gather [hbm4b:s5+s24], $0x80, s4, s24, $0xb8;
	[tilespmem:$0x1E640] =	vst v63  }
0xd1: {  	p0 =	sne.s32 s0, $0x1;
	_ =	swait.ge [sflag:s25], $0x4000  }
.Ltmp7:
0xd2: {  	[sflag:s25] =	ssyncset.done $0x0;
	(pc) =	sbr.rel @!p0 .LBB2_9-.Ltmp7, $4  }
0xd3: {  	s30 =	simm.s32 $0x1600;
	[sflag:s25] =	ssyncadd.s32 $0xFFFFC000  }
0xd4: {  	[spmem:s2] =	stream.indirect.scatter.add.f32 [tilespmem:s19], [sflag:$0x2], $0x80, s30, s24, $0xb8;
	[tilespmem:$0x1E640] =	vst v63  }
0xd5: {  	_ =	swait.ge [sflag:s20], $0x4000  }
0xd6: {  	s9 =	sadd.s32 $0xFFFFFFFF, s0;
	[sflag:s20] =	ssyncset.done $0x0  }
.LBB2_8:
0xd7: {  	[sflag:s20] =	ssyncadd.s32 $0xFFFFC000;
	s4 =	sadd.s32 $0x80, s4;
	s30 =	sadd.s32 $0x80, s30  }
0xd8: {  	[tilespmem:s19], [sflag:$0x1] =	stream.indirect.gather [hbm4b:s5+s24], $0x80, s4, s24, $0xb8;
	[tilespmem:$0x1E640] =	vst v63  }
0xd9: {  	p0 =	sne.s32 s9, $0x1;
	s9 =	sadd.s32 $0xFFFFFFFF, s9;
	_ =	swait.ge [sflag:s25], $0x4000  }
.Ltmp8:
0xda: {  	[sflag:s25] =	ssyncset.done $0x0;
	(pc) =	sbr.rel @p0 .LBB2_8-.Ltmp8, $4  }
0xdb: {  	[sflag:s25] =	ssyncadd.s32 $0xFFFFC000  }
0xdc: {  	[spmem:s2] =	stream.indirect.scatter.add.f32 [tilespmem:s19], [sflag:$0x2], $0x80, s30, s24, $0xb8;
	[tilespmem:$0x1E640] =	vst v63  }
0xdd: {  	_ =	swait.ge [sflag:s20], $0x4000  }
0xde: {  	[sflag:s20] =	ssyncset.done $0x0  }
.Ltmp9:
0xdf: {  	_ = 	snop;
	(pc) =	sbr.rel .LBB2_9-.Ltmp9, $1  }
0xe0: {  	_ =	sdelay $0x3  }
.LBB2_11:
0xe1: {  	v22 =	vmov s29  }
0xe2: {  	vm0 =	vlt.u32 v22, v13;
	_ =	sdelay $0x1  }
0xe3: {  	vm1 =	vlt.u32 v22, v15;
	_ =	sdelay $0x1  }
0xe4: {  	vm2 =	vlt.u32 v22, v16;
	_ =	sdelay $0x1  }
0xe5: {  	vm3 =	vlt.u32 v22, v17;
	[tilespmem:v3+s22+$0x0] =	vst.idx.msk vm0, v5  }
0xe6: {  	[tilespmem:v3+s23+$0x0] =	vst.idx.msk vm0, v14  }
0xe7: {  	vm12 =	vlt.u32 v22, v18;
	[tilespmem:v6+s22+$0x0] =	vst.idx.msk vm1, v5  }
0xe8: {  	[tilespmem:v6+s23+$0x0] =	vst.idx.msk vm1, v14  }
0xe9: {  	vm13 =	vlt.u32 v22, v19;
	[tilespmem:v7+s22+$0x0] =	vst.idx.msk vm2, v5  }
0xea: {  	[tilespmem:v7+s23+$0x0] =	vst.idx.msk vm2, v14  }
0xeb: {  	vm14 =	vlt.u32 v22, v20;
	[tilespmem:v8+s22+$0x0] =	vst.idx.msk vm3, v5  }
0xec: {  	[tilespmem:v8+s23+$0x0] =	vst.idx.msk vm3, v14  }
0xed: {  	vm15 =	vlt.u32 v22, v21;
	[tilespmem:v9+s22+$0x0] =	vst.idx.msk vm12, v5  }
0xee: {  	[tilespmem:v9+s23+$0x0] =	vst.idx.msk vm12, v14  }
0xef: {  	[tilespmem:v10+s22+$0x0] =	vst.idx.msk vm13, v5  }
0xf0: {  	[tilespmem:v10+s23+$0x0] =	vst.idx.msk vm13, v14  }
0xf1: {  	[tilespmem:v11+s22+$0x0] =	vst.idx.msk vm14, v5  }
0xf2: {  	[tilespmem:v11+s23+$0x0] =	vst.idx.msk vm14, v14  }
0xf3: {  	p0 =	seq.s32 s29, $0x0;
	[tilespmem:v12+s22+$0x0] =	vst.idx.msk vm15, v5  }
0xf4: {  	s0 =	simm.s32 @!p0 $0x80;
	s4 =	simm.s32 @!p0 $0xE00;
	s9 =	simm.s32 @!p0 $0x1E00;
	[tilespmem:v12+s23+$0x0] =	vst.idx.msk vm15, v14  }
0xf5: {  	[tilespmem:s9], [sflag:$0x1] =	stream.indirect.gather @!p0 [hbm4b:s5+s0], $0x80, s4, s0, $0xb8;
	[tilespmem:$0x1E640] =	vst v63  }
0xf6: {  	s4 =	simm.s32 @!p0 $0x1  }
0xf7: {  	_ =	swait.ge @!p0 [sflag:s4], $0x4000  }
0xf8: {  	[sflag:s4] =	ssyncset.done @!p0 $0x0  }
0xf9: {  	[sflag:s4] =	ssyncadd.s32 @!p0 $0xFFFFC000;
	s4 =	simm.s32 @!p0 $0x1600  }
0xfa: {  	[spmem:s2] =	stream.indirect.scatter.add.f32 @!p0 [tilespmem:s9], [sflag:$0x2], $0x80, s4, s0, $0xb8;
	[tilespmem:$0x1E640] =	vst v63  }
0xfb: {  	s0 =	simm.s32 @!p0 $0x2  }
0xfc: {  	_ =	swait.ge @!p0 [sflag:s0], $0x4000  }
0xfd: {  	[sflag:s0] =	ssyncset.done @!p0 $0x0  }
0xfe: {  	s30 =	stileid.u32;
	[sflag:s0] =	ssyncadd.s32 @!p0 $0xFFFFC000  }
0xff: {  	s0 =	sshll.u32 s30, $0x6;
	[bflag:$0x0] =	sbarrier.arrive $0xFFFF  }
0x100: {  	s28 =	sshrl.u32 s8, $0x3;
	s26 =	sor.u32 $0x1C02, s0;
	s31 =	rddreg [dreg:$0x4]  }
0x101: {  	[hbm:s31], [sflag:s26] =	dma.local [spmem:s28], $0x3100  }
0x102: {  	_ =	swait.ge [sflag:s20], $0x3100  }
0x103: {  	[sflag:s20] =	ssyncset.done $0x0  }
0x104: {  	s4 =	simm.s32 $0x200;
	s0 =	simm.s32 $0x0;
	[sflag:s20] =	ssyncadd.s32 $0xFFFFCF00  }
.LBB2_12:
0x105: {  	p0 =	sne.s32 s4, $0xFE00;
	[tilespmem:s0+$0x1E70] =	vst v4  }
0x106: {  	[tilespmem:s0+$0x1E00] =	vst v4  }
0x107: {  	[tilespmem:s0+$0x1E10] =	vst v4  }
.Ltmp10:
0x108: {  	[tilespmem:s0+$0x1E20] =	vst v4;
	(pc) =	sbr.rel @p0 .LBB2_12-.Ltmp10, $4  }
0x109: {  	[tilespmem:s0+$0x1E30] =	vst v4  }
0x10a: {  	[tilespmem:s0+$0x1E40] =	vst v4  }
0x10b: {  	[tilespmem:s0+$0x1E50] =	vst v4  }
0x10c: {  	[tilespmem:s0+$0x1E60] =	vst v4;
	s0 =	sshra.s32 s4, $0x2;
	s4 =	sadd.s32 $0x200, s4  }
0x10d: {  	[tilespmem:s0+$0x1E70] =	vst v4  }
0x10e: {  	[tilespmem:s0+$0x1E00] =	vst v4  }
0x10f: {  	[tilespmem:s0+$0x1E10] =	vst v4  }
0x110: {  	[tilespmem:s0+$0x1E20] =	vst v4  }
0x111: {  	[tilespmem:s0+$0x1E30] =	vst v4  }
0x112: {  	[tilespmem:s0+$0x1E40] =	vst v4  }
0x113: {  	[tilespmem:s0+$0x1E50] =	vst v4  }
0x114: {  	[tilespmem:s0+$0x1E60] =	vst v4  }
0x115: {  	[spmem:s8] =	stream.linear.scatter [tilespmem:s19], [sflag:$0x2], $0x3100, $0x38;
	[tilespmem:$0x1E640] =	vst v63  }
0x116: {  	_ =	swait.ge [sflag:s20], $0x3100  }
0x117: {  	[sflag:s20] =	ssyncset.done $0x0  }
0x118: {  	[sflag:s20] =	ssyncadd.s32 $0xFFFFCF00  }
0x119: {  	[spmem:s12] =	stream.linear.scatter [tilespmem:s19], [sflag:$0x2], $0x3100, $0x38;
	[tilespmem:$0x1E640] =	vst v63  }
0x11a: {  	_ =	swait.ge [sflag:s20], $0x3100  }
0x11b: {  	[sflag:s20] =	ssyncset.done $0x0  }
0x11c: {  	[sflag:s20] =	ssyncadd.s32 $0xFFFFCF00  }
0x11d: {  	[spmem:s13] =	stream.linear.scatter [tilespmem:s19], [sflag:$0x2], $0x3100, $0x38;
	[tilespmem:$0x1E640] =	vst v63  }
0x11e: {  	_ =	swait.ge [sflag:s20], $0x3100  }
0x11f: {  	[sflag:s20] =	ssyncset.done $0x0  }
0x120: {  	[sflag:s20] =	ssyncadd.s32 $0xFFFFCF00  }
0x121: {  	[spmem:s14] =	stream.linear.scatter [tilespmem:s19], [sflag:$0x2], $0x3100, $0x38;
	[tilespmem:$0x1E640] =	vst v63  }
0x122: {  	_ =	swait.ge [sflag:s20], $0x3100  }
0x123: {  	[sflag:s20] =	ssyncset.done $0x0  }
0x124: {  	[sflag:s20] =	ssyncadd.s32 $0xFFFFCF00  }
0x125: {  	[spmem:s15] =	stream.linear.scatter [tilespmem:s19], [sflag:$0x2], $0x3100, $0x38;
	[tilespmem:$0x1E640] =	vst v63  }
0x126: {  	_ =	swait.ge [sflag:s20], $0x3100  }
0x127: {  	[sflag:s20] =	ssyncset.done $0x0  }
0x128: {  	[sflag:s20] =	ssyncadd.s32 $0xFFFFCF00  }
0x129: {  	[spmem:s16] =	stream.linear.scatter [tilespmem:s19], [sflag:$0x2], $0x3100, $0x38;
	[tilespmem:$0x1E640] =	vst v63  }
0x12a: {  	_ =	swait.ge [sflag:s20], $0x3100  }
0x12b: {  	[sflag:s20] =	ssyncset.done $0x0  }
0x12c: {  	[sflag:s20] =	ssyncadd.s32 $0xFFFFCF00  }
0x12d: {  	[spmem:s17] =	stream.linear.scatter [tilespmem:s19], [sflag:$0x2], $0x3100, $0x38;
	[tilespmem:$0x1E640] =	vst v63  }
0x12e: {  	_ =	swait.ge [sflag:s20], $0x3100  }
0x12f: {  	[sflag:s20] =	ssyncset.done $0x0  }
0x130: {  	[sflag:s20] =	ssyncadd.s32 $0xFFFFCF00  }
0x131: {  	[spmem:s18] =	stream.linear.scatter [tilespmem:s19], [sflag:$0x2], $0x3100, $0x38;
	[tilespmem:$0x1E640] =	vst v63  }
.Ltmp11:
0x132: {  	_ =	swait.ge [sflag:s20], $0x3100;
	(pc) =	sbr.rel .LBB2_14-.Ltmp11, $4  }
0x133: {  	[sflag:s20] =	ssyncset.done $0x0  }
0x134: {  	[sflag:s20] =	ssyncadd.s32 $0xFFFFCF00  }
0x135: {  	[bflag:$0x0] =	sbarrier.arrive $0xFFFF  }
0x136: {  	s29 =	simm.s32 $0x0;
	s31 =	simm.s32 $0x0;
	s30 =	simm.s32 $0x0  }
.LBB2_19:
0x137: {  	[sflag:s20] =	ssyncadd.s32 $0xFFFFC000  }
.LBB2_20:
0x138: {  	s0 =	sshll.u32 s0, $0x7  }
0x139: {  	v22 =	vor.u32 s0, v3;
	_ =	sdelay $0x4  }
0x13a: {  	v23 =	vld.idx.msk [tilespmem:v22+s22+$0x0], $0xffff  }
0x13b: {  	v22 =	vld.idx.msk [tilespmem:v22+s23+$0x0], $0xffff  }
0x13c: {  	v24 =	vor.u32 s0, v6;
	_ =	sdelay $0x2  }
0x13d: {  	[tilespmem:$0xE00] =	vst v23  }
0x13e: {  	[tilespmem:$0x1600] =	vst v22  }
0x13f: {  	v22 =	vld.idx.msk [tilespmem:v24+s22+$0x0], $0xffff  }
0x140: {  	v23 =	vld.idx.msk [tilespmem:v24+s23+$0x0], $0xffff  }
0x141: {  	v58 =	vor.u32 s0, v7;
	_ =	sdelay $0x2  }
0x142: {  	[tilespmem:$0xE10] =	vst v22  }
0x143: {  	[tilespmem:$0x1610] =	vst v23  }
0x144: {  	v22 =	vld.idx.msk [tilespmem:v58+s22+$0x0], $0xffff  }
0x145: {  	v23 =	vld.idx.msk [tilespmem:v58+s23+$0x0], $0xffff  }
0x146: {  	v59 =	vor.u32 s0, v8;
	_ =	sdelay $0x2  }
0x147: {  	[tilespmem:$0xE20] =	vst v22  }
0x148: {  	[tilespmem:$0x1620] =	vst v23  }
0x149: {  	v22 =	vld.idx.msk [tilespmem:v59+s22+$0x0], $0xffff  }
0x14a: {  	v23 =	vld.idx.msk [tilespmem:v59+s23+$0x0], $0xffff  }
0x14b: {  	v60 =	vor.u32 s0, v9;
	_ =	sdelay $0x2  }
0x14c: {  	[tilespmem:$0xE30] =	vst v22  }
0x14d: {  	[tilespmem:$0x1630] =	vst v23  }
0x14e: {  	v22 =	vld.idx.msk [tilespmem:v60+s22+$0x0], $0xffff  }
0x14f: {  	v23 =	vld.idx.msk [tilespmem:v60+s23+$0x0], $0xffff  }
0x150: {  	v61 =	vor.u32 s0, v10;
	_ =	sdelay $0x2  }
0x151: {  	[tilespmem:$0xE40] =	vst v22  }
0x152: {  	[tilespmem:$0x1640] =	vst v23  }
0x153: {  	v22 =	vld.idx.msk [tilespmem:v61+s22+$0x0], $0xffff  }
0x154: {  	v23 =	vld.idx.msk [tilespmem:v61+s23+$0x0], $0xffff  }
0x155: {  	v62 =	vor.u32 s0, v11;
	_ =	sdelay $0x2  }
0x156: {  	[tilespmem:$0xE50] =	vst v22  }
0x157: {  	[tilespmem:$0x1650] =	vst v23  }
0x158: {  	v22 =	vld.idx.msk [tilespmem:v62+s22+$0x0], $0xffff  }
0x159: {  	v23 =	vld.idx.msk [tilespmem:v62+s23+$0x0], $0xffff  }
0x15a: {  	v63 =	vor.u32 s0, v12;
	_ =	sdelay $0x2  }
0x15b: {  	[tilespmem:$0xE60] =	vst v22  }
0x15c: {  	[tilespmem:$0x1660] =	vst v23  }
0x15d: {  	s30 =	sadd.s32 $0x1, s30;
	v22 =	vld.idx.msk [tilespmem:v63+s22+$0x0], $0xffff  }
0x15e: {  	p0 =	sne.s32 s30, $0x7;
	v23 =	vld.idx.msk [tilespmem:v63+s23+$0x0], $0xffff  }
.Ltmp12:
0x15f: {  	_ = 	snop;
	(pc) =	sbr.rel @!p0 .LBB2_21-.Ltmp12, $3  }
0x160: {  	_ =	sdelay $0x1  }
0x161: {  	[tilespmem:$0xE70] =	vst v22  }
0x162: {  	s31 =	sand.u32 $0x7F, s31;
	[tilespmem:$0x1670] =	vst v23  }
.LBB2_14:
0x163: {  	s0 =	smul.u32 $0x700, s30;
	_ =	sdelay $0x1  }
0x164: {  	s0 =	sadd.s32 s7, s0  }
0x165: {  	s0 =	sshrl.u32 s0, $0x3  }
0x166: {  	s4 =	sadd.s32 s6, s0  }
0x167: {  	[tilespmem:s29], [sflag:$0x2] =	stream.linear.gather [hbm4b:s4+s29], $0x700, $0x38;
	[tilespmem:$0x1E640] =	vst v63  }
0x168: {  	_ =	swait.ge [sflag:s20], $0x700  }
0x169: {  	[sflag:s20] =	ssyncset.done $0x0  }
0x16a: {  	s0 =	sadd.s32 s1, s0;
	[sflag:s20] =	ssyncadd.s32 $0xFFFFF900  }
0x16b: {  	[tilespmem:s21], [sflag:$0x2] =	stream.linear.gather [hbm4b:s0+s29], $0x700, $0x38;
	[tilespmem:$0x1E640] =	vst v63  }
0x16c: {  	_ =	swait.ge [sflag:s20], $0x700  }
0x16d: {  	[sflag:s20] =	ssyncset.done $0x0  }
0x16e: {  	s10 =	simm.s32 $0x0;
	[sflag:s20] =	ssyncadd.s32 $0xFFFFF900  }
0x16f: {  	v22 =	vld [tilespmem:s10+$0x0];
	_ =	sdelay $0x4  }
0x170: {  	vm0 =	vge.s32 v22, v1;
	vm1 =	vlt.s32 v22, v2  }
0x171: {  	vm0 =	vmand vm0, vm1  }
0x172: {  	v23 =	vsel vm0, $0x1, v5  }
0x173: {  	(xrf0) =	vadd.scan.msk.s32 $0xffff, v23;
	_ =	sdelay $0x2  }
0x174: {  	v23 =	vmov s31  }
0x175: {  	v23 =	vadd.s32 $0xFFFFFFFF, v23  }
0x176: {  	v23 =	vbroadcast v23, $0x0  }
0x177: {  	v24, _, _ =	vpop (xrf0)  }
0x178: {  	v25 =	vld [tilespmem:s10+$0x700];
	v23 =	vadd.s32 v24, v23;
	(v2sf) =	vpush v24, $0xF;
	_ =	sdelay $0x4  }
0x179: {  	v22 =	vsub.s32 v22, v1;
	[tilespmem:v23+s22+$0x0] =	vst.idx.msk vm0, v25  }
0x17a: {  	s4 =	simm.s32 $0x80;
	s0 =	simm.s32 $0x10;
	[tilespmem:v23+s23+$0x0] =	vst.idx.msk vm0, v22  }
.LBB2_15:
0x17b: {  	p0 =	sne.s32 s4, $0x1BC0;
	v22 =	vld [tilespmem:s0+$0x0];
	_ =	sdelay $0x4  }
0x17c: {  	vm0 =	vge.s32 v22, v1;
	vm1 =	vlt.s32 v22, v2;
	v22 =	vsub.s32 v22, v1  }
0x17d: {  	vm0 =	vmand vm0, vm1  }
0x17e: {  	v23 =	vsel vm0, $0x1, v5  }
0x17f: {  	(xrf0) =	vadd.scan.msk.s32 $0xffff, v23;
	s9 =	spop (v2sf)  }
0x180: {  	s31 =	sadd.s32 s31, s9  }
0x181: {  	v23 =	vmov s31  }
0x182: {  	v23 =	vadd.s32 $0xFFFFFFFF, v23  }
0x183: {  	v23 =	vbroadcast v23, $0x0;
	_ =	sdelay $0x1  }
0x184: {  	v24, _, _ =	vpop (xrf0)  }
0x185: {  	v25 =	vld [tilespmem:s0+$0x700];
	v23 =	vadd.s32 v24, v23;
	(v2sf) =	vpush v24, $0xF;
	_ =	sdelay $0x1  }
.Ltmp13:
0x186: {  	(pc) =	sbr.rel @p0 .LBB2_15-.Ltmp13, $3  }
0x187: {  	_ =	sdelay $0x1  }
0x188: {  	[tilespmem:v23+s22+$0x0] =	vst.idx.msk vm0, v25  }
0x189: {  	s0 =	sshra.s32 s4, $0x2;
	s4 =	sadd.s32 $0x40, s4;
	[tilespmem:v23+s23+$0x0] =	vst.idx.msk vm0, v22  }
0x18a: {  	v22 =	vld [tilespmem:s0+$0x0];
	_ =	sdelay $0x4  }
0x18b: {  	vm0 =	vge.s32 v22, v1;
	vm1 =	vlt.s32 v22, v2  }
0x18c: {  	vm0 =	vmand vm0, vm1  }
0x18d: {  	v23 =	vsel vm0, $0x1, v5  }
0x18e: {  	(xrf0) =	vadd.scan.msk.s32 $0xffff, v23;
	_ =	sdelay $0x5  }
0x18f: {  	v23, _, _ =	vpop (xrf0)  }
0x190: {  	(v2sf) =	vpush v23, $0xF;
	_ =	sdelay $0xa  }
0x191: {  	s4 =	spop (v2sf)  }
0x192: {  	s4 =	sadd.s32 s31, s4  }
0x193: {  	v24 =	vmov s4  }
0x194: {  	v24 =	vadd.s32 $0xFFFFFFFF, v24  }
0x195: {  	v24 =	vbroadcast v24, $0x0;
	s10 =	spop (v2sf)  }
0x196: {  	s31 =	sadd.s32 s4, s10  }
0x197: {  	v25 =	vld [tilespmem:s0+$0x700];
	v23 =	vadd.s32 v23, v24;
	s0 =	sshrl.u32 s31, $0x7  }
0x198: {  	p0 =	seq.s32 s0, $0x0  }
.Ltmp14:
0x199: {  	_ = 	snop;
	(pc) =	sbr.rel @p0 .LBB2_20-.Ltmp14, $3  }
0x19a: {  	_ =	sdelay $0x1  }
0x19b: {  	v22 =	vsub.s32 v22, v1;
	[tilespmem:v23+s22+$0x0] =	vst.idx.msk vm0, v25  }
0x19c: {  	[tilespmem:v23+s23+$0x0] =	vst.idx.msk vm0, v22  }
0x19d: {  	s4 =	simm.s32 $0xE00  }
0x19e: {  	[tilespmem:s19], [sflag:$0x1] =	stream.indirect.gather [hbm4b:s5+s24], $0x80, s4, s24, $0xb8;
	[tilespmem:$0x1E640] =	vst v63  }
0x19f: {  	p0 =	sne.s32 s0, $0x1;
	_ =	swait.ge [sflag:s25], $0x4000  }
.Ltmp15:
0x1a0: {  	[sflag:s25] =	ssyncset.done $0x0;
	(pc) =	sbr.rel @!p0 .LBB2_19-.Ltmp15, $4  }
0x1a1: {  	s9 =	simm.s32 $0x1600;
	[sflag:s25] =	ssyncadd.s32 $0xFFFFC000  }
0x1a2: {  	[spmem:s2] =	stream.indirect.scatter.add.f32 [tilespmem:s19], [sflag:$0x2], $0x80, s9, s24, $0xb8;
	[tilespmem:$0x1E640] =	vst v63  }
0x1a3: {  	_ =	swait.ge [sflag:s20], $0x4000  }
0x1a4: {  	s10 =	sadd.s32 $0xFFFFFFFF, s0;
	[sflag:s20] =	ssyncset.done $0x0  }
.LBB2_18:
0x1a5: {  	[sflag:s20] =	ssyncadd.s32 $0xFFFFC000;
	s4 =	sadd.s32 $0x80, s4;
	s9 =	sadd.s32 $0x80, s9  }
0x1a6: {  	[tilespmem:s19], [sflag:$0x1] =	stream.indirect.gather [hbm4b:s5+s24], $0x80, s4, s24, $0xb8;
	[tilespmem:$0x1E640] =	vst v63  }
0x1a7: {  	p0 =	sne.s32 s10, $0x1;
	s10 =	sadd.s32 $0xFFFFFFFF, s10;
	_ =	swait.ge [sflag:s25], $0x4000  }
.Ltmp16:
0x1a8: {  	[sflag:s25] =	ssyncset.done $0x0;
	(pc) =	sbr.rel @p0 .LBB2_18-.Ltmp16, $4  }
0x1a9: {  	[sflag:s25] =	ssyncadd.s32 $0xFFFFC000  }
0x1aa: {  	[spmem:s2] =	stream.indirect.scatter.add.f32 [tilespmem:s19], [sflag:$0x2], $0x80, s9, s24, $0xb8;
	[tilespmem:$0x1E640] =	vst v63  }
0x1ab: {  	_ =	swait.ge [sflag:s20], $0x4000  }
0x1ac: {  	[sflag:s20] =	ssyncset.done $0x0  }
.Ltmp17:
0x1ad: {  	_ = 	snop;
	(pc) =	sbr.rel .LBB2_19-.Ltmp17, $1  }
0x1ae: {  	_ =	sdelay $0x3  }
.LBB2_22:
0x1af: {  	_ =	sfence.sel $0x180000  }
0x1b0: {  	[bflag:$0x0] =	sbarrier.arrive $0xFFFF  }
0x1b1: {  	_ =	strace $0x9000004D  }
0x1b2: {  	s0 =	stileid.u32;
	[bflag:$0x2] =	sbarrier.arrive $0xFFFF  }
0x1b3: {  	p0 =	sne.s32 s0, $0x0;
	s0 =	rddreg [dreg:$0x3]  }
0x1b4: {  	s0 =	sadd.s32 @!p0 $0x100000, s0  }
0x1b5: {  	[sflag:s0] =	ssyncadd.tile.s32 @!p0 $0x1;
	_ =	shalt  }
.Lfunc_end2:
_tile_overlayer_lowered:
.L_overlay_start_2:
0x1b6: {  	(tag) =	ssettag $0x2  }
0x1b7: {  	s0 =	rddreg [dreg:$0x0];
	s2 =	stileid.u32  }
0x1b8: {  	s1 =	rddreg [dreg:$0x1];
	p0 =	sne.s32 s2, $0x0  }
0x1b9: {  	s3 =	rddreg [dreg:$0x2];
	[bflag:$0x3] =	sbarrier.arrive $0xFFFF;
	s2 =	simm.s32 @!p0 $0x1C02  }
0x1ba: {  	[timem:s3], [sflag:s2] =	dma.local @!p0 [hbm:s0], s1  }
0x1bb: {  	s0 =	simm.s32 @!p0 $0x2  }
0x1bc: {  	_ =	swait.ge @!p0 [sflag:s0], s1  }
0x1bd: {  	s1 =	ssub.s32 @!p0 $0x0, s1;
	[sflag:s0] =	ssyncset.done @!p0 $0x0  }
0x1be: {  	[sflag:s0] =	ssyncadd.s32 @!p0 s1  }
0x1bf: {  	[bflag:$0x3] =	sbarrier.arrive $0xFFFF  }
0x1c0: {  	_ =	shalt  }

</sc_bundles>
